<compile_context>
chip_gen: v7x
topology: tpu7x:2x2x1
jax: 0.10.2.dev20260603
libtpu: 0.0.44.dev20260713+nightly
codegen_flags: <defaults>
</compile_context>

<pallas_src>
import functools

import jax
import jax.numpy as jnp
from jax import lax
from jax.experimental import pallas as pl
from jax.experimental.pallas import tpu as pltpu
from jax.experimental.pallas import tpu_sc as plsc

D = 128
BLK = 128
NW = 32
NSUB = 16


def _prep_body(beta_ref, h_ref, w_ref, z_ref, zh_ref):
    z = lax.dot_general(h_ref[...], w_ref[...], (((1,), (1,)), ((), ())),
                        preferred_element_type=jnp.float32)
    z_ref[...] = z
    nrm = jnp.sqrt(jnp.sum(z * z, axis=1, keepdims=True))
    scale = jnp.sqrt(beta_ref[0, 0]) / jnp.maximum(nrm, 1e-6)
    zh_ref[...] = (z * scale).astype(jnp.bfloat16)


def _prep(h, W, beta):
    n = h.shape[0]
    rb = 1000
    grid = n // rb
    return pl.pallas_call(
        _prep_body,
        grid=(grid,),
        in_specs=[
            pl.BlockSpec((1, 1), lambda i: (0, 0)),
            pl.BlockSpec((rb, D), lambda i: (i, 0)),
            pl.BlockSpec((D, D), lambda i: (0, 0)),
        ],
        out_specs=[
            pl.BlockSpec((rb, D), lambda i: (i, 0)),
            pl.BlockSpec((rb, D), lambda i: (i, 0)),
        ],
        out_shape=[
            jax.ShapeDtypeStruct((n, D), jnp.float32),
            jax.ShapeDtypeStruct((n, D), jnp.bfloat16),
        ],
    )(beta.reshape(1, 1), h, W)


def _gram_body(a_ref, b_ref, o_ref):
    o_ref[...] = lax.dot_general(a_ref[...], b_ref[...],
                                 (((1,), (1,)), ((), ())),
                                 preferred_element_type=jnp.float32)


JB = 16


def _gram_body3(a_ref, b_ref, o_ref):
    for k in range(JB):
        o_ref[k, ...] = lax.dot_general(
            a_ref[...], b_ref[pl.ds(k * D, D), :],
            (((1,), (1,)), ((), ())),
            preferred_element_type=jnp.float32)


def _gram(zh):
    n = zh.shape[0]
    bm = 1000
    ncb = pl.cdiv(n, JB * D)
    return pl.pallas_call(
        _gram_body3,
        grid=(n // bm, ncb),
        in_specs=[
            pl.BlockSpec((bm, D), lambda i, j: (i, 0)),
            pl.BlockSpec((JB * D, D), lambda i, j: (j, 0)),
        ],
        out_specs=pl.BlockSpec((JB, bm, D), lambda i, j: (j, i, 0)),
        out_shape=jax.ShapeDtypeStruct((ncb * JB, n, D), jnp.float32),
    )(zh, zh)


def _make_k1(e, n, npad):
    nblk = e // BLK
    iters = pl.cdiv(nblk, NW)
    sl = npad // NSUB
    mesh = plsc.VectorSubcoreMesh(core_axis_name="c", subcore_axis_name="s", num_cores=2, num_subcores=16)

    @functools.partial(
        pl.kernel,
        mesh=mesh,
        compiler_params=pltpu.CompilerParams(needs_layout_passes=False),
        out_type=(
            jax.ShapeDtypeStruct((e,), jnp.float32),
            jax.ShapeDtypeStruct((npad,), jnp.float32),
            jax.ShapeDtypeStruct((npad,), jnp.float32),
        ),
        scratch_types=[
            pltpu.VMEM((BLK,), jnp.int32),
            pltpu.VMEM((BLK,), jnp.int32),
            pltpu.VMEM((BLK,), jnp.int32),
            pltpu.VMEM((BLK,), jnp.int32),
            pltpu.VMEM((BLK,), jnp.int32),
            pltpu.VMEM((BLK,), jnp.int32),
            pltpu.VMEM((BLK, D), jnp.float32),
            pltpu.VMEM((BLK, D), jnp.float32),
            pltpu.VMEM((BLK,), jnp.float32),
            pltpu.VMEM((sl,), jnp.float32),
            pltpu.VMEM_SHARED((npad,), jnp.float32),
            pltpu.SemaphoreType.DMA,
            pltpu.SemaphoreType.DMA,
        ],
    )
    def k1(g2_hbm, ei_hbm, w_hbm, s0_hbm, s1_hbm,
           src_a, src_b, dst_a, dst_b, row_a, row_b, gst_a, gst_b,
           w_v, sbuf_v, s_sh, sem_a, sem_b):
        cid = lax.axis_index("c")
        sid = lax.axis_index("s")
        wid = cid * NSUB + sid
        srcs = [src_a, src_b]
        dsts = [dst_a, dst_b]
        rows_ = [row_a, row_b]
        gsts = [gst_a, gst_b]
        sems = [sem_a, sem_b]

        zero16 = jnp.zeros((16,), jnp.float32)
        def zbody(i, c):
            sbuf_v[pl.ds(i * 16, 16)] = zero16
            return c
        lax.fori_loop(0, sl // 16, zbody, 0)
        pltpu.sync_copy(sbuf_v, s_sh.at[pl.ds(sid * sl, sl)])
        plsc.subcore_barrier()

        nconst = jnp.full((16,), n, jnp.int32)
        seven = jnp.full((16,), 7, jnp.int32)
        mask7 = jnp.full((16,), D - 1, jnp.int32)

        def issue(bq, q):
            baseq = bq * BLK
            pltpu.sync_copy(ei_hbm.at[0, pl.ds(baseq, BLK)], srcs[q])
            pltpu.sync_copy(ei_hbm.at[1, pl.ds(baseq, BLK)], dsts[q])
            for g in range(BLK // 16):
                ix = pl.ds(g * 16, 16)
                dv = dsts[q][ix]
                rows_[q][ix] = lax.shift_right_logical(dv, seven) * nconst \
                    + srcs[q][ix]
            pltpu.async_copy(g2_hbm.at[rows_[q]], gsts[q], sems[q])

        issue(wid, 0)

        def body2(i2, c):
            for sub in range(2):
                p = sub
                q = 1 - sub
                b = wid + (i2 * 2 + sub) * NW
                bn = b + NW

                @pl.when(bn < nblk)
                def _():
                    issue(bn, q)

                @pl.when(b < nblk)
                def _():
                    base = b * BLK
                    pltpu.make_async_copy(
                        g2_hbm.at[rows_[p]], gsts[p], sems[p]).wait()
                    for g in range(BLK // 16):
                        ix = pl.ds(g * 16, 16)
                        rr = lax.iota(jnp.int32, 16) + g * 16
                        cm = lax.bitwise_and(dsts[p][ix], mask7)
                        val = plsc.load_gather(gsts[p], [rr, cm])
                        w_v[ix] = jnp.exp(val)
                    pltpu.sync_copy(w_v, w_hbm.at[pl.ds(base, BLK)])
                    pltpu.sync_copy(w_v, s_sh.at[dsts[p]], add=True)
            return c

        lax.fori_loop(0, (iters + 1) // 2, body2, 0)
        plsc.subcore_barrier()

        pltpu.sync_copy(s_sh.at[pl.ds(sid * sl, sl)], sbuf_v)

        @pl.when(cid == 0)
        def _():
            pltpu.sync_copy(sbuf_v, s0_hbm.at[pl.ds(sid * sl, sl)])

        @pl.when(cid == 1)
        def _():
            pltpu.sync_copy(sbuf_v, s1_hbm.at[pl.ds(sid * sl, sl)])

    return k1


def _sum_s_body(a_ref, b_ref, o_ref):
    o_ref[...] = a_ref[...] + b_ref[...]


def _sum_s(s0, s1):
    npad = s0.shape[0]
    return pl.pallas_call(
        _sum_s_body,
        out_shape=jax.ShapeDtypeStruct((npad,), jnp.float32),
    )(s0, s1)


def _make_k2(e, npad):
    nblk = e // BLK
    iters = pl.cdiv(nblk, NW)
    sl = npad // NSUB
    rows_per_copy = 128
    mesh = plsc.VectorSubcoreMesh(core_axis_name="c", subcore_axis_name="s", num_cores=2, num_subcores=16)

    @functools.partial(
        pl.kernel,
        mesh=mesh,
        compiler_params=pltpu.CompilerParams(needs_layout_passes=False),
        out_type=(
            jax.ShapeDtypeStruct((npad, D), jnp.float32),
            jax.ShapeDtypeStruct((npad, D), jnp.float32),
        ),
        scratch_types=[
            pltpu.VMEM((BLK,), jnp.int32),
            pltpu.VMEM((BLK,), jnp.int32),
            pltpu.VMEM((BLK,), jnp.int32),
            pltpu.VMEM((BLK,), jnp.int32),
            pltpu.VMEM((BLK,), jnp.float32),
            pltpu.VMEM((BLK,), jnp.float32),
            pltpu.VMEM((BLK,), jnp.float32),
            pltpu.VMEM((BLK,), jnp.float32),
            pltpu.VMEM((BLK, D), jnp.float32),
            pltpu.VMEM((BLK, D), jnp.float32),
            pltpu.VMEM((BLK,), jnp.float32),
            pltpu.VMEM_SHARED((npad, D), jnp.float32),
            pltpu.SemaphoreType.DMA,
            pltpu.SemaphoreType.DMA,
            pltpu.SemaphoreType.DMA,
            pltpu.SemaphoreType.DMA,
            pltpu.SemaphoreType.DMA,
            pltpu.SemaphoreType.DMA,
        ],
    )
    def k2(z_hbm, ei_hbm, w_hbm, s_hbm,
           out0_hbm, out1_hbm,
           src_a, src_b, dst_a, dst_b, w_a, w_b, sg_a, sg_b, zr_a, zr_b,
           al_v, out_sh, sem_a, sem_b, semg_a, semg_b, semsc_a, semsc_b):
        cid = lax.axis_index("c")
        sid = lax.axis_index("s")
        wid = cid * NSUB + sid
        srcs = [src_a, src_b]
        dsts = [dst_a, dst_b]
        ws = [w_a, w_b]
        sgs = [sg_a, sg_b]
        zrs = [zr_a, zr_b]
        sems = [sem_a, sem_b]
        semgs = [semg_a, semg_b]
        semscs = [semsc_a, semsc_b]

        zero16 = jnp.zeros((16,), jnp.float32)
        def zbody(i, c):
            r = i // 8
            cchunk = i % 8
            zr_a[r, pl.ds(cchunk * 16, 16)] = zero16
            return c
        lax.fori_loop(0, rows_per_copy * 8, zbody, 0)
        for j in range(sl // rows_per_copy):
            pltpu.sync_copy(
                zr_a, out_sh.at[pl.ds(sid * sl + j * rows_per_copy,
                                      rows_per_copy)])
        plsc.subcore_barrier()

        def issue(bq, q):
            baseq = bq * BLK
            pltpu.sync_copy(ei_hbm.at[0, pl.ds(baseq, BLK)], srcs[q])
            pltpu.sync_copy(ei_hbm.at[1, pl.ds(baseq, BLK)], dsts[q])
            pltpu.sync_copy(w_hbm.at[pl.ds(baseq, BLK)], ws[q])
            pltpu.async_copy(s_hbm.at[dsts[q]], sgs[q], semgs[q])
            pltpu.async_copy(z_hbm.at[srcs[q]], zrs[q], sems[q])

        def drain_scatter(q):
            pltpu.make_async_copy(zrs[q], out_sh.at[dsts[q]], semscs[q]).wait()

        def compute(p):
            pltpu.make_async_copy(s_hbm.at[dsts[p]], sgs[p], semgs[p]).wait()
            pltpu.make_async_copy(z_hbm.at[srcs[p]], zrs[p], sems[p]).wait()
            for g in range(BLK // 16):
                ix = pl.ds(g * 16, 16)
                al_v[ix] = ws[p][ix] / sgs[p][ix]

            def ebody(t, c2):
                for u in range(2):
                    ei = t * 2 + u
                    ab = plsc.load_gather(
                        al_v, [jnp.full((16,), ei, jnp.int32)])
                    for cchunk in range(8):
                        ix = pl.ds(cchunk * 16, 16)
                        zrs[p][ei, ix] = zrs[p][ei, ix] * ab
                return c2

            lax.fori_loop(0, BLK // 2, ebody, 0)
            pltpu.async_copy(zrs[p], out_sh.at[dsts[p]], semscs[p], add=True)

        issue(wid, 0)
        b1 = wid + NW

        @pl.when(b1 < nblk)
        def _():
            issue(b1, 1)
        compute(0)

        @pl.when(b1 < nblk)
        def _():
            b2 = b1 + NW

            @pl.when(b2 < nblk)
            def _():
                drain_scatter(0)
                issue(b2, 0)
            compute(1)

        def body2(i2, c):
            for sub in range(2):
                p = sub
                q = 1 - sub
                b = wid + (2 + i2 * 2 + sub) * NW
                bn = b + NW

                @pl.when(b < nblk)
                def _():
                    @pl.when(bn < nblk)
                    def _():
                        drain_scatter(q)
                        issue(bn, q)
                    compute(p)
            return c

        lax.fori_loop(0, (iters - 1) // 2, body2, 0)
        for q in range(2):
            drain_scatter(q)
        plsc.subcore_barrier()

        for j in range(sl // rows_per_copy):
            r0 = sid * sl + j * rows_per_copy
            pltpu.sync_copy(out_sh.at[pl.ds(r0, rows_per_copy)], zr_a)

            @pl.when(cid == 0)
            def _():
                pltpu.sync_copy(zr_a, out0_hbm.at[pl.ds(r0, rows_per_copy)])

            @pl.when(cid == 1)
            def _():
                pltpu.sync_copy(zr_a, out1_hbm.at[pl.ds(r0, rows_per_copy)])

    return k2


def _add_body(a_ref, b_ref, o_ref):
    o_ref[...] = a_ref[...] + b_ref[...]


def _final_add(a, b, n):
    rb = 2000
    grid = n // rb
    return pl.pallas_call(
        _add_body,
        grid=(grid,),
        in_specs=[
            pl.BlockSpec((rb, D), lambda i: (i, 0)),
            pl.BlockSpec((rb, D), lambda i: (i, 0)),
        ],
        out_specs=pl.BlockSpec((rb, D), lambda i: (i, 0)),
        out_shape=jax.ShapeDtypeStruct((n, D), jnp.float32),
    )(a, b)


def kernel(h, edge_index, W, beta):
    n = h.shape[0]
    e = edge_index.shape[1]
    npad = ((n + 2047) // 2048) * 2048

    z, zh = _prep(h, W, beta)
    g2 = _gram(zh)
    g2 = g2.reshape(g2.shape[0] * n, D)
    w, s0, s1 = _make_k1(e, n, npad)(g2, edge_index)
    s = _sum_s(s0, s1)
    out0, out1 = _make_k2(e, npad)(z, edge_index, w, s)
    return _final_add(out0, out1, n)

# --- scband reference (transcript-rebuilt; emitter-appended) ---
"""Pipeline reference for scband-rbfnn-34660386078866 (READ-ONLY COPY).

The authoritative reference and input builder live on the scoring server;
editing this copy changes nothing except your own understanding.
"""

import jax, jax.numpy as jnp
import numpy as np

N = 10000
E = 320000
D = 128

def setup_inputs(seed: int = 0) -> dict:
    key = jax.random.key(seed)
    k1, k2, k3, k4 = jax.random.split(key, 4)
    h = jax.random.normal(k1, (N, D), dtype=jnp.float32)
    edge_index = jax.random.randint(k2, (2, E), 0, N, dtype=jnp.int32)
    # xavier_uniform for fc.weight [out_dim, in_dim]
    limit = float(np.sqrt(6.0 / (D + D)))
    W = jax.random.uniform(k3, (D, D), minval=-limit, maxval=limit, dtype=jnp.float32)
    beta = jax.random.uniform(k4, (1,), minval=0.0, maxval=1.0, dtype=jnp.float32)
    return {"h": h, "edge_index": edge_index, "W": W, "beta": beta}

def reference(h, edge_index, W, beta):
    # dropout omitted (eval mode / identity)
    z = h @ W.T
    src = edge_index[0]
    dst = edge_index[1]
    zs = jnp.take(z, src, axis=0)
    zd = jnp.take(z, dst, axis=0)
    dot = jnp.sum(zs * zd, axis=-1)
    denom = jnp.maximum(jnp.linalg.norm(zs, axis=-1) * jnp.linalg.norm(zd, axis=-1), 1e-8)
    cos = dot / denom
    e = -beta[0] * (1.0 - cos)
    # segment softmax over incoming edges per destination node
    emax = jax.ops.segment_max(e, dst, num_segments=N)
    e_exp = jnp.exp(e - jnp.take(emax, dst, axis=0))
    esum = jax.ops.segment_sum(e_exp, dst, num_segments=N)
    alpha = e_exp / jnp.take(esum, dst, axis=0)
    out = jax.ops.segment_sum(alpha[:, None] * zs, dst, num_segments=N)
    return out

if __name__ == "__main__":
    import jax
    _d = setup_inputs()
    print(jax.jit(kernel)(*tuple(_d.values())))

</pallas_src>

<mosaic_0001>
#map = affine_map<(d0, d1) -> (0, 0)>
#map1 = affine_map<(d0, d1) -> (0)>
module attributes {stable_mosaic.version = 14 : i64} {
  func.func @k1(%arg0: i32, %arg1: i32, %arg2: memref<800000x128xf32, #tpu.memory_space<hbm>>, %arg3: memref<2x320000xi32, #tpu.memory_space<hbm>>, %arg4: memref<320000xf32, #tpu.memory_space<hbm>>, %arg5: memref<10240xf32, #tpu.memory_space<hbm>>, %arg6: memref<10240xf32, #tpu.memory_space<hbm>>, %arg7: memref<128xi32, #tpu.memory_space<vmem>>, %arg8: memref<128xi32, #tpu.memory_space<vmem>>, %arg9: memref<128xi32, #tpu.memory_space<vmem>>, %arg10: memref<128xi32, #tpu.memory_space<vmem>>, %arg11: memref<128xi32, #tpu.memory_space<vmem>>, %arg12: memref<128xi32, #tpu.memory_space<vmem>>, %arg13: memref<128x128xf32, #tpu.memory_space<vmem>>, %arg14: memref<128x128xf32, #tpu.memory_space<vmem>>, %arg15: memref<128xf32, #tpu.memory_space<vmem>>, %arg16: memref<640xf32, #tpu.memory_space<vmem>>, %arg17: memref<10240xf32, #tpu.memory_space<vmem_shared>>, %arg18: memref<!tpu.dma_semaphore, #tpu.memory_space<semaphore_mem>>, %arg19: memref<!tpu.dma_semaphore, #tpu.memory_space<semaphore_mem>>) attributes {dimension_semantics = [#tpu.dimension_semantics<core_parallel>, #tpu.dimension_semantics<subcore_parallel>], iteration_bounds = array<i64: 2, 16>, scalar_prefetch = 0 : i64, scratch_operands = 13 : i64, tpu.core_type = #tpu.core_type<sc_vector_subcore>, window_params = [{transform_indices = #map}, {transform_indices = #map}, {transform_indices = #map1}, {transform_indices = #map1}, {transform_indices = #map1}]} {
    %mul3A = arith.constant 16 : i32
    %mul3A_0 = arith.muli %arg0, %mul3A : i32
    %add3A = arith.addi %mul3A_0, %arg1 : i32
    %broadcast_in_dim3A = arith.constant 0.000000e+00 : f32
    %broadcast_in_dim3A_1 = vector.broadcast %broadcast_in_dim3A : f32 to vector<16xf32>
    %scan3A = arith.constant 0 : i32
    %scan3A_2 = arith.constant 0 : i32
    %scan3A_3 = arith.constant 40 : i32
    %scan3A_4 = arith.addi %scan3A_2, %scan3A_3 : i32
    %scan3A_5 = arith.constant 1 : i32
    scf.for %scan3A_105 = %scan3A_2 to %scan3A_4 step %scan3A_5  : i32 {
      %mul3A_106 = arith.constant 16 : i32
      %mul3A_107 = arith.muli %scan3A_105, %mul3A_106 : i32
      %swap3A_108 = arith.index_cast %mul3A_107 : i32 to index
      %swap3A_109 = tpu.vector_load %arg16[%swap3A_108] {strides = array<i32>} : memref<640xf32, #tpu.memory_space<vmem>>, vector<16xf32>,
      tpu.vector_store %arg16[%swap3A_108], %broadcast_in_dim3A_1 {strides = array<i32>} : memref<640xf32, #tpu.memory_space<vmem>>, vector<16xf32>,
    }
    %scan3A_6 = arith.constant 40 : i32
    %mul3A_7 = arith.constant 640 : i32
    %mul3A_8 = arith.muli %arg1, %mul3A_7 : i32
    "tpu.region"() ({
      %run_scoped3A_105 = tpu.sem_alloc : memref<!tpu.dma_semaphore, #tpu.memory_space<semaphore_mem>>
      %dma_start3A_106 = tpu.memref_slice %arg17[%mul3A_8] : memref<10240xf32, #tpu.memory_space<vmem_shared>> -> memref<640xf32, #tpu.memory_space<vmem_shared>>
      %dma_start3A_107 = tpu.memref_slice %arg17[%mul3A_8] : memref<10240xf32, #tpu.memory_space<vmem_shared>> -> memref<640xf32, #tpu.memory_space<vmem_shared>>
      tpu.enqueue_dma source(%arg16 : memref<640xf32, #tpu.memory_space<vmem>>) target(%dma_start3A_107 : memref<640xf32, #tpu.memory_space<vmem_shared>>) target_semaphore(%run_scoped3A_105 : memref<!tpu.dma_semaphore, #tpu.memory_space<semaphore_mem>>)
      %dma_wait3A = tpu.memref_slice %arg17[%mul3A_8] : memref<10240xf32, #tpu.memory_space<vmem_shared>> -> memref<640xf32, #tpu.memory_space<vmem_shared>>
      %dma_wait3A_108 = tpu.memref_slice %arg17[%mul3A_8] : memref<10240xf32, #tpu.memory_space<vmem_shared>> -> memref<640xf32, #tpu.memory_space<vmem_shared>>
      tpu.wait_dma2 semaphore(%run_scoped3A_105 : memref<!tpu.dma_semaphore, #tpu.memory_space<semaphore_mem>>) src(%arg16 : memref<640xf32, #tpu.memory_space<vmem>>) dst(%dma_wait3A_108 : memref<640xf32, #tpu.memory_space<vmem_shared>>)
      tpu.yield
    }) : () -> ()
    %barrier3A = arith.constant 0 : index
    tpu.barrier barrier_id(%barrier3A)
    %broadcast_in_dim3A_9 = arith.constant 10000 : i32
    %broadcast_in_dim3A_10 = vector.broadcast %broadcast_in_dim3A_9 : i32 to vector<16xi32>
    %broadcast_in_dim3A_11 = arith.constant 7 : i32
    %broadcast_in_dim3A_12 = vector.broadcast %broadcast_in_dim3A_11 : i32 to vector<16xi32>
    %broadcast_in_dim3A_13 = arith.constant 127 : i32
    %broadcast_in_dim3A_14 = vector.broadcast %broadcast_in_dim3A_13 : i32 to vector<16xi32>
    %mul3A_15 = arith.constant 128 : i32
    %mul3A_16 = arith.muli %add3A, %mul3A_15 : i32
    %run_scoped3A = arith.constant 0 : i32
    "tpu.region"() ({
      %run_scoped3A_105 = tpu.sem_alloc : memref<!tpu.dma_semaphore, #tpu.memory_space<semaphore_mem>>
      %dma_start3A_106 = tpu.memref_slice %arg3[%run_scoped3A, %mul3A_16] : memref<2x320000xi32, #tpu.memory_space<hbm>> -> memref<1x128xi32, #tpu.memory_space<hbm>>
      %dma_start3A_107 = tpu.memref_squeeze %dma_start3A_106 : memref<1x128xi32, #tpu.memory_space<hbm>> -> memref<128xi32, #tpu.memory_space<hbm>>
      %dma_start3A_108 = tpu.memref_slice %arg3[%run_scoped3A, %mul3A_16] : memref<2x320000xi32, #tpu.memory_space<hbm>> -> memref<1x128xi32, #tpu.memory_space<hbm>>
      %dma_start3A_109 = tpu.memref_squeeze %dma_start3A_108 : memref<1x128xi32, #tpu.memory_space<hbm>> -> memref<128xi32, #tpu.memory_space<hbm>>
      tpu.enqueue_dma source(%dma_start3A_109 : memref<128xi32, #tpu.memory_space<hbm>>) target(%arg7 : memref<128xi32, #tpu.memory_space<vmem>>) target_semaphore(%run_scoped3A_105 : memref<!tpu.dma_semaphore, #tpu.memory_space<semaphore_mem>>)
      %dma_wait3A = tpu.memref_slice %arg3[%run_scoped3A, %mul3A_16] : memref<2x320000xi32, #tpu.memory_space<hbm>> -> memref<1x128xi32, #tpu.memory_space<hbm>>
      %dma_wait3A_110 = tpu.memref_squeeze %dma_wait3A : memref<1x128xi32, #tpu.memory_space<hbm>> -> memref<128xi32, #tpu.memory_space<hbm>>
      %dma_wait3A_111 = tpu.memref_slice %arg3[%run_scoped3A, %mul3A_16] : memref<2x320000xi32, #tpu.memory_space<hbm>> -> memref<1x128xi32, #tpu.memory_space<hbm>>
      %dma_wait3A_112 = tpu.memref_squeeze %dma_wait3A_111 : memref<1x128xi32, #tpu.memory_space<hbm>> -> memref<128xi32, #tpu.memory_space<hbm>>
      tpu.wait_dma2 semaphore(%run_scoped3A_105 : memref<!tpu.dma_semaphore, #tpu.memory_space<semaphore_mem>>) src(%dma_wait3A_112 : memref<128xi32, #tpu.memory_space<hbm>>) dst(%arg7 : memref<128xi32, #tpu.memory_space<vmem>>)
      tpu.yield
    }) : () -> ()
    %run_scoped3A_17 = arith.constant 1 : i32
    "tpu.region"() ({
      %run_scoped3A_105 = tpu.sem_alloc : memref<!tpu.dma_semaphore, #tpu.memory_space<semaphore_mem>>
      %dma_start3A_106 = tpu.memref_slice %arg3[%run_scoped3A_17, %mul3A_16] : memref<2x320000xi32, #tpu.memory_space<hbm>> -> memref<1x128xi32, #tpu.memory_space<hbm>>
      %dma_start3A_107 = tpu.memref_squeeze %dma_start3A_106 : memref<1x128xi32, #tpu.memory_space<hbm>> -> memref<128xi32, #tpu.memory_space<hbm>>
      %dma_start3A_108 = tpu.memref_slice %arg3[%run_scoped3A_17, %mul3A_16] : memref<2x320000xi32, #tpu.memory_space<hbm>> -> memref<1x128xi32, #tpu.memory_space<hbm>>
      %dma_start3A_109 = tpu.memref_squeeze %dma_start3A_108 : memref<1x128xi32, #tpu.memory_space<hbm>> -> memref<128xi32, #tpu.memory_space<hbm>>
      tpu.enqueue_dma source(%dma_start3A_109 : memref<128xi32, #tpu.memory_space<hbm>>) target(%arg9 : memref<128xi32, #tpu.memory_space<vmem>>) target_semaphore(%run_scoped3A_105 : memref<!tpu.dma_semaphore, #tpu.memory_space<semaphore_mem>>)
      %dma_wait3A = tpu.memref_slice %arg3[%run_scoped3A_17, %mul3A_16] : memref<2x320000xi32, #tpu.memory_space<hbm>> -> memref<1x128xi32, #tpu.memory_space<hbm>>
      %dma_wait3A_110 = tpu.memref_squeeze %dma_wait3A : memref<1x128xi32, #tpu.memory_space<hbm>> -> memref<128xi32, #tpu.memory_space<hbm>>
      %dma_wait3A_111 = tpu.memref_slice %arg3[%run_scoped3A_17, %mul3A_16] : memref<2x320000xi32, #tpu.memory_space<hbm>> -> memref<1x128xi32, #tpu.memory_space<hbm>>
      %dma_wait3A_112 = tpu.memref_squeeze %dma_wait3A_111 : memref<1x128xi32, #tpu.memory_space<hbm>> -> memref<128xi32, #tpu.memory_space<hbm>>
      tpu.wait_dma2 semaphore(%run_scoped3A_105 : memref<!tpu.dma_semaphore, #tpu.memory_space<semaphore_mem>>) src(%dma_wait3A_112 : memref<128xi32, #tpu.memory_space<hbm>>) dst(%arg9 : memref<128xi32, #tpu.memory_space<vmem>>)
      tpu.yield
    }) : () -> ()
    %get3A = arith.constant 0 : index
    %get3A_18 = tpu.vector_load %arg9[%get3A] {strides = array<i32>} : memref<128xi32, #tpu.memory_space<vmem>>, vector<16xi32>,
    %shift_right_logical3A = arith.shrui %get3A_18, %broadcast_in_dim3A_12 : vector<16xi32>
    %mul3A_19 = arith.muli %shift_right_logical3A, %broadcast_in_dim3A_10 : vector<16xi32>
    %get3A_20 = arith.constant 0 : index
    %get3A_21 = tpu.vector_load %arg7[%get3A_20] {strides = array<i32>} : memref<128xi32, #tpu.memory_space<vmem>>, vector<16xi32>,
    %add3A_22 = arith.addi %mul3A_19, %get3A_21 : vector<16xi32>
    %swap3A = arith.constant 0 : index
    %swap3A_23 = tpu.vector_load %arg11[%swap3A] {strides = array<i32>} : memref<128xi32, #tpu.memory_space<vmem>>, vector<16xi32>,
    tpu.vector_store %arg11[%swap3A], %add3A_22 {strides = array<i32>} : memref<128xi32, #tpu.memory_space<vmem>>, vector<16xi32>,
    %get3A_24 = arith.constant 16 : index
    %get3A_25 = tpu.vector_load %arg9[%get3A_24] {strides = array<i32>} : memref<128xi32, #tpu.memory_space<vmem>>, vector<16xi32>,
    %shift_right_logical3A_26 = arith.shrui %get3A_25, %broadcast_in_dim3A_12 : vector<16xi32>
    %mul3A_27 = arith.muli %shift_right_logical3A_26, %broadcast_in_dim3A_10 : vector<16xi32>
    %get3A_28 = arith.constant 16 : index
    %get3A_29 = tpu.vector_load %arg7[%get3A_28] {strides = array<i32>} : memref<128xi32, #tpu.memory_space<vmem>>, vector<16xi32>,
    %add3A_30 = arith.addi %mul3A_27, %get3A_29 : vector<16xi32>
    %swap3A_31 = arith.constant 16 : index
    %swap3A_32 = tpu.vector_load %arg11[%swap3A_31] {strides = array<i32>} : memref<128xi32, #tpu.memory_space<vmem>>, vector<16xi32>,
    tpu.vector_store %arg11[%swap3A_31], %add3A_30 {strides = array<i32>} : memref<128xi32, #tpu.memory_space<vmem>>, vector<16xi32>,
    %get3A_33 = arith.constant 32 : index
    %get3A_34 = tpu.vector_load %arg9[%get3A_33] {strides = array<i32>} : memref<128xi32, #tpu.memory_space<vmem>>, vector<16xi32>,
    %shift_right_logical3A_35 = arith.shrui %get3A_34, %broadcast_in_dim3A_12 : vector<16xi32>
    %mul3A_36 = arith.muli %shift_right_logical3A_35, %broadcast_in_dim3A_10 : vector<16xi32>
    %get3A_37 = arith.constant 32 : index
    %get3A_38 = tpu.vector_load %arg7[%get3A_37] {strides = array<i32>} : memref<128xi32, #tpu.memory_space<vmem>>, vector<16xi32>,
    %add3A_39 = arith.addi %mul3A_36, %get3A_38 : vector<16xi32>
    %swap3A_40 = arith.constant 32 : index
    %swap3A_41 = tpu.vector_load %arg11[%swap3A_40] {strides = array<i32>} : memref<128xi32, #tpu.memory_space<vmem>>, vector<16xi32>,
    tpu.vector_store %arg11[%swap3A_40], %add3A_39 {strides = array<i32>} : memref<128xi32, #tpu.memory_space<vmem>>, vector<16xi32>,
    %get3A_42 = arith.constant 48 : index
    %get3A_43 = tpu.vector_load %arg9[%get3A_42] {strides = array<i32>} : memref<128xi32, #tpu.memory_space<vmem>>, vector<16xi32>,
    %shift_right_logical3A_44 = arith.shrui %get3A_43, %broadcast_in_dim3A_12 : vector<16xi32>
    %mul3A_45 = arith.muli %shift_right_logical3A_44, %broadcast_in_dim3A_10 : vector<16xi32>
    %get3A_46 = arith.constant 48 : index
    %get3A_47 = tpu.vector_load %arg7[%get3A_46] {strides = array<i32>} : memref<128xi32, #tpu.memory_space<vmem>>, vector<16xi32>,
    %add3A_48 = arith.addi %mul3A_45, %get3A_47 : vector<16xi32>
    %swap3A_49 = arith.constant 48 : index
    %swap3A_50 = tpu.vector_load %arg11[%swap3A_49] {strides = array<i32>} : memref<128xi32, #tpu.memory_space<vmem>>, vector<16xi32>,
    tpu.vector_store %arg11[%swap3A_49], %add3A_48 {strides = array<i32>} : memref<128xi32, #tpu.memory_space<vmem>>, vector<16xi32>,
    %get3A_51 = arith.constant 64 : index
    %get3A_52 = tpu.vector_load %arg9[%get3A_51] {strides = array<i32>} : memref<128xi32, #tpu.memory_space<vmem>>, vector<16xi32>,
    %shift_right_logical3A_53 = arith.shrui %get3A_52, %broadcast_in_dim3A_12 : vector<16xi32>
    %mul3A_54 = arith.muli %shift_right_logical3A_53, %broadcast_in_dim3A_10 : vector<16xi32>
    %get3A_55 = arith.constant 64 : index
    %get3A_56 = tpu.vector_load %arg7[%get3A_55] {strides = array<i32>} : memref<128xi32, #tpu.memory_space<vmem>>, vector<16xi32>,
    %add3A_57 = arith.addi %mul3A_54, %get3A_56 : vector<16xi32>
    %swap3A_58 = arith.constant 64 : index
    %swap3A_59 = tpu.vector_load %arg11[%swap3A_58] {strides = array<i32>} : memref<128xi32, #tpu.memory_space<vmem>>, vector<16xi32>,
    tpu.vector_store %arg11[%swap3A_58], %add3A_57 {strides = array<i32>} : memref<128xi32, #tpu.memory_space<vmem>>, vector<16xi32>,
    %get3A_60 = arith.constant 80 : index
    %get3A_61 = tpu.vector_load %arg9[%get3A_60] {strides = array<i32>} : memref<128xi32, #tpu.memory_space<vmem>>, vector<16xi32>,
    %shift_right_logical3A_62 = arith.shrui %get3A_61, %broadcast_in_dim3A_12 : vector<16xi32>
    %mul3A_63 = arith.muli %shift_right_logical3A_62, %broadcast_in_dim3A_10 : vector<16xi32>
    %get3A_64 = arith.constant 80 : index
    %get3A_65 = tpu.vector_load %arg7[%get3A_64] {strides = array<i32>} : memref<128xi32, #tpu.memory_space<vmem>>, vector<16xi32>,
    %add3A_66 = arith.addi %mul3A_63, %get3A_65 : vector<16xi32>
    %swap3A_67 = arith.constant 80 : index
    %swap3A_68 = tpu.vector_load %arg11[%swap3A_67] {strides = array<i32>} : memref<128xi32, #tpu.memory_space<vmem>>, vector<16xi32>,
    tpu.vector_store %arg11[%swap3A_67], %add3A_66 {strides = array<i32>} : memref<128xi32, #tpu.memory_space<vmem>>, vector<16xi32>,
    %get3A_69 = arith.constant 96 : index
    %get3A_70 = tpu.vector_load %arg9[%get3A_69] {strides = array<i32>} : memref<128xi32, #tpu.memory_space<vmem>>, vector<16xi32>,
    %shift_right_logical3A_71 = arith.shrui %get3A_70, %broadcast_in_dim3A_12 : vector<16xi32>
    %mul3A_72 = arith.muli %shift_right_logical3A_71, %broadcast_in_dim3A_10 : vector<16xi32>
    %get3A_73 = arith.constant 96 : index
    %get3A_74 = tpu.vector_load %arg7[%get3A_73] {strides = array<i32>} : memref<128xi32, #tpu.memory_space<vmem>>, vector<16xi32>,
    %add3A_75 = arith.addi %mul3A_72, %get3A_74 : vector<16xi32>
    %swap3A_76 = arith.constant 96 : index
    %swap3A_77 = tpu.vector_load %arg11[%swap3A_76] {strides = array<i32>} : memref<128xi32, #tpu.memory_space<vmem>>, vector<16xi32>,
    tpu.vector_store %arg11[%swap3A_76], %add3A_75 {strides = array<i32>} : memref<128xi32, #tpu.memory_space<vmem>>, vector<16xi32>,
    %get3A_78 = arith.constant 112 : index
    %get3A_79 = tpu.vector_load %arg9[%get3A_78] {strides = array<i32>} : memref<128xi32, #tpu.memory_space<vmem>>, vector<16xi32>,
    %shift_right_logical3A_80 = arith.shrui %get3A_79, %broadcast_in_dim3A_12 : vector<16xi32>
    %mul3A_81 = arith.muli %shift_right_logical3A_80, %broadcast_in_dim3A_10 : vector<16xi32>
    %get3A_82 = arith.constant 112 : index
    %get3A_83 = tpu.vector_load %arg7[%get3A_82] {strides = array<i32>} : memref<128xi32, #tpu.memory_space<vmem>>, vector<16xi32>,
    %add3A_84 = arith.addi %mul3A_81, %get3A_83 : vector<16xi32>
    %swap3A_85 = arith.constant 112 : index
    %swap3A_86 = tpu.vector_load %arg11[%swap3A_85] {strides = array<i32>} : memref<128xi32, #tpu.memory_space<vmem>>, vector<16xi32>,
    tpu.vector_store %arg11[%swap3A_85], %add3A_84 {strides = array<i32>} : memref<128xi32, #tpu.memory_space<vmem>>, vector<16xi32>,
    %dma_start3A = arith.constant 0 : i32
    %dma_start3A_87 = arith.constant 0 : i32
    %dma_start3A_88 = tpu.memref_slice %arg2[%dma_start3A, %dma_start3A_87] : memref<800000x128xf32, #tpu.memory_space<hbm>> -> memref<800000x128xf32, #tpu.memory_space<hbm>>
    tpu.enqueue_indirect_dma source(%dma_start3A_88 : memref<800000x128xf32, #tpu.memory_space<hbm>>) target(%arg13 : memref<128x128xf32, #tpu.memory_space<vmem>>) offsets(%arg11 : memref<128xi32, #tpu.memory_space<vmem>>) semaphore(%arg18 : memref<!tpu.dma_semaphore, #tpu.memory_space<semaphore_mem>>)
    %scan3A_89 = arith.constant 0 : i32
    %scan3A_90 = arith.constant 0 : i32
    %scan3A_91 = arith.constant 40 : i32
    %scan3A_92 = arith.addi %scan3A_90, %scan3A_91 : i32
    %scan3A_93 = arith.constant 1 : i32
    scf.for %scan3A_105 = %scan3A_90 to %scan3A_92 step %scan3A_93  : i32 {
      %mul3A_106 = arith.constant 2 : i32
      %mul3A_107 = arith.muli %scan3A_105, %mul3A_106 : i32
      %add3A_108 = arith.constant 0 : i32
      %add3A_109 = arith.addi %mul3A_107, %add3A_108 : i32
      %mul3A_110 = arith.constant 32 : i32
      %mul3A_111 = arith.muli %add3A_109, %mul3A_110 : i32
      %add3A_112 = arith.addi %add3A, %mul3A_111 : i32
      %add3A_113 = arith.constant 32 : i32
      %add3A_114 = arith.addi %add3A_112, %add3A_113 : i32
      %lt3A = arith.constant 2500 : i32
      %lt3A_115 = arith.cmpi slt, %add3A_114, %lt3A : i32
      %convert_element_type3A_116 = arith.extui %lt3A_115 : i1 to i32
      %cond3A_117 = arith.constant 0 : i32
      %cond3A_118 = arith.cmpi ne, %convert_element_type3A_116, %cond3A_117 : i32
      scf.if %cond3A_118 {
        %mul3A_143 = arith.constant 128 : i32
        %mul3A_144 = arith.muli %add3A_114, %mul3A_143 : i32
        %run_scoped3A_145 = arith.constant 0 : i32
        "tpu.region"() ({
          %run_scoped3A_222 = tpu.sem_alloc : memref<!tpu.dma_semaphore, #tpu.memory_space<semaphore_mem>>
          %dma_start3A_223 = tpu.memref_slice %arg3[%run_scoped3A_145, %mul3A_144] : memref<2x320000xi32, #tpu.memory_space<hbm>> -> memref<1x128xi32, #tpu.memory_space<hbm>>
          %dma_start3A_224 = tpu.memref_squeeze %dma_start3A_223 : memref<1x128xi32, #tpu.memory_space<hbm>> -> memref<128xi32, #tpu.memory_space<hbm>>
          %dma_start3A_225 = tpu.memref_slice %arg3[%run_scoped3A_145, %mul3A_144] : memref<2x320000xi32, #tpu.memory_space<hbm>> -> memref<1x128xi32, #tpu.memory_space<hbm>>
          %dma_start3A_226 = tpu.memref_squeeze %dma_start3A_225 : memref<1x128xi32, #tpu.memory_space<hbm>> -> memref<128xi32, #tpu.memory_space<hbm>>
          tpu.enqueue_dma source(%dma_start3A_226 : memref<128xi32, #tpu.memory_space<hbm>>) target(%arg8 : memref<128xi32, #tpu.memory_space<vmem>>) target_semaphore(%run_scoped3A_222 : memref<!tpu.dma_semaphore, #tpu.memory_space<semaphore_mem>>)
          %dma_wait3A = tpu.memref_slice %arg3[%run_scoped3A_145, %mul3A_144] : memref<2x320000xi32, #tpu.memory_space<hbm>> -> memref<1x128xi32, #tpu.memory_space<hbm>>
          %dma_wait3A_227 = tpu.memref_squeeze %dma_wait3A : memref<1x128xi32, #tpu.memory_space<hbm>> -> memref<128xi32, #tpu.memory_space<hbm>>
          %dma_wait3A_228 = tpu.memref_slice %arg3[%run_scoped3A_145, %mul3A_144] : memref<2x320000xi32, #tpu.memory_space<hbm>> -> memref<1x128xi32, #tpu.memory_space<hbm>>
          %dma_wait3A_229 = tpu.memref_squeeze %dma_wait3A_228 : memref<1x128xi32, #tpu.memory_space<hbm>> -> memref<128xi32, #tpu.memory_space<hbm>>
          tpu.wait_dma2 semaphore(%run_scoped3A_222 : memref<!tpu.dma_semaphore, #tpu.memory_space<semaphore_mem>>) src(%dma_wait3A_229 : memref<128xi32, #tpu.memory_space<hbm>>) dst(%arg8 : memref<128xi32, #tpu.memory_space<vmem>>)
          tpu.yield
        }) : () -> ()
        %run_scoped3A_146 = arith.constant 1 : i32
        "tpu.region"() ({
          %run_scoped3A_222 = tpu.sem_alloc : memref<!tpu.dma_semaphore, #tpu.memory_space<semaphore_mem>>
          %dma_start3A_223 = tpu.memref_slice %arg3[%run_scoped3A_146, %mul3A_144] : memref<2x320000xi32, #tpu.memory_space<hbm>> -> memref<1x128xi32, #tpu.memory_space<hbm>>
          %dma_start3A_224 = tpu.memref_squeeze %dma_start3A_223 : memref<1x128xi32, #tpu.memory_space<hbm>> -> memref<128xi32, #tpu.memory_space<hbm>>
          %dma_start3A_225 = tpu.memref_slice %arg3[%run_scoped3A_146, %mul3A_144] : memref<2x320000xi32, #tpu.memory_space<hbm>> -> memref<1x128xi32, #tpu.memory_space<hbm>>
          %dma_start3A_226 = tpu.memref_squeeze %dma_start3A_225 : memref<1x128xi32, #tpu.memory_space<hbm>> -> memref<128xi32, #tpu.memory_space<hbm>>
          tpu.enqueue_dma source(%dma_start3A_226 : memref<128xi32, #tpu.memory_space<hbm>>) target(%arg10 : memref<128xi32, #tpu.memory_space<vmem>>) target_semaphore(%run_scoped3A_222 : memref<!tpu.dma_semaphore, #tpu.memory_space<semaphore_mem>>)
          %dma_wait3A = tpu.memref_slice %arg3[%run_scoped3A_146, %mul3A_144] : memref<2x320000xi32, #tpu.memory_space<hbm>> -> memref<1x128xi32, #tpu.memory_space<hbm>>
          %dma_wait3A_227 = tpu.memref_squeeze %dma_wait3A : memref<1x128xi32, #tpu.memory_space<hbm>> -> memref<128xi32, #tpu.memory_space<hbm>>
          %dma_wait3A_228 = tpu.memref_slice %arg3[%run_scoped3A_146, %mul3A_144] : memref<2x320000xi32, #tpu.memory_space<hbm>> -> memref<1x128xi32, #tpu.memory_space<hbm>>
          %dma_wait3A_229 = tpu.memref_squeeze %dma_wait3A_228 : memref<1x128xi32, #tpu.memory_space<hbm>> -> memref<128xi32, #tpu.memory_space<hbm>>
          tpu.wait_dma2 semaphore(%run_scoped3A_222 : memref<!tpu.dma_semaphore, #tpu.memory_space<semaphore_mem>>) src(%dma_wait3A_229 : memref<128xi32, #tpu.memory_space<hbm>>) dst(%arg10 : memref<128xi32, #tpu.memory_space<vmem>>)
          tpu.yield
        }) : () -> ()
        %get3A_147 = arith.constant 0 : index
        %get3A_148 = tpu.vector_load %arg10[%get3A_147] {strides = array<i32>} : memref<128xi32, #tpu.memory_space<vmem>>, vector<16xi32>,
        %shift_right_logical3A_149 = arith.shrui %get3A_148, %broadcast_in_dim3A_12 : vector<16xi32>
        %mul3A_150 = arith.muli %shift_right_logical3A_149, %broadcast_in_dim3A_10 : vector<16xi32>
        %get3A_151 = arith.constant 0 : index
        %get3A_152 = tpu.vector_load %arg8[%get3A_151] {strides = array<i32>} : memref<128xi32, #tpu.memory_space<vmem>>, vector<16xi32>,
        %add3A_153 = arith.addi %mul3A_150, %get3A_152 : vector<16xi32>
        %swap3A_154 = arith.constant 0 : index
        %swap3A_155 = tpu.vector_load %arg12[%swap3A_154] {strides = array<i32>} : memref<128xi32, #tpu.memory_space<vmem>>, vector<16xi32>,
        tpu.vector_store %arg12[%swap3A_154], %add3A_153 {strides = array<i32>} : memref<128xi32, #tpu.memory_space<vmem>>, vector<16xi32>,
        %get3A_156 = arith.constant 16 : index
        %get3A_157 = tpu.vector_load %arg10[%get3A_156] {strides = array<i32>} : memref<128xi32, #tpu.memory_space<vmem>>, vector<16xi32>,
        %shift_right_logical3A_158 = arith.shrui %get3A_157, %broadcast_in_dim3A_12 : vector<16xi32>
        %mul3A_159 = arith.muli %shift_right_logical3A_158, %broadcast_in_dim3A_10 : vector<16xi32>
        %get3A_160 = arith.constant 16 : index
        %get3A_161 = tpu.vector_load %arg8[%get3A_160] {strides = array<i32>} : memref<128xi32, #tpu.memory_space<vmem>>, vector<16xi32>,
        %add3A_162 = arith.addi %mul3A_159, %get3A_161 : vector<16xi32>
        %swap3A_163 = arith.constant 16 : index
        %swap3A_164 = tpu.vector_load %arg12[%swap3A_163] {strides = array<i32>} : memref<128xi32, #tpu.memory_space<vmem>>, vector<16xi32>,
        tpu.vector_store %arg12[%swap3A_163], %add3A_162 {strides = array<i32>} : memref<128xi32, #tpu.memory_space<vmem>>, vector<16xi32>,
        %get3A_165 = arith.constant 32 : index
        %get3A_166 = tpu.vector_load %arg10[%get3A_165] {strides = array<i32>} : memref<128xi32, #tpu.memory_space<vmem>>, vector<16xi32>,
        %shift_right_logical3A_167 = arith.shrui %get3A_166, %broadcast_in_dim3A_12 : vector<16xi32>
        %mul3A_168 = arith.muli %shift_right_logical3A_167, %broadcast_in_dim3A_10 : vector<16xi32>
        %get3A_169 = arith.constant 32 : index
        %get3A_170 = tpu.vector_load %arg8[%get3A_169] {strides = array<i32>} : memref<128xi32, #tpu.memory_space<vmem>>, vector<16xi32>,
        %add3A_171 = arith.addi %mul3A_168, %get3A_170 : vector<16xi32>
        %swap3A_172 = arith.constant 32 : index
        %swap3A_173 = tpu.vector_load %arg12[%swap3A_172] {strides = array<i32>} : memref<128xi32, #tpu.memory_space<vmem>>, vector<16xi32>,
        tpu.vector_store %arg12[%swap3A_172], %add3A_171 {strides = array<i32>} : memref<128xi32, #tpu.memory_space<vmem>>, vector<16xi32>,
        %get3A_174 = arith.constant 48 : index
        %get3A_175 = tpu.vector_load %arg10[%get3A_174] {strides = array<i32>} : memref<128xi32, #tpu.memory_space<vmem>>, vector<16xi32>,
        %shift_right_logical3A_176 = arith.shrui %get3A_175, %broadcast_in_dim3A_12 : vector<16xi32>
        %mul3A_177 = arith.muli %shift_right_logical3A_176, %broadcast_in_dim3A_10 : vector<16xi32>
        %get3A_178 = arith.constant 48 : index
        %get3A_179 = tpu.vector_load %arg8[%get3A_178] {strides = array<i32>} : memref<128xi32, #tpu.memory_space<vmem>>, vector<16xi32>,
        %add3A_180 = arith.addi %mul3A_177, %get3A_179 : vector<16xi32>
        %swap3A_181 = arith.constant 48 : index
        %swap3A_182 = tpu.vector_load %arg12[%swap3A_181] {strides = array<i32>} : memref<128xi32, #tpu.memory_space<vmem>>, vector<16xi32>,
        tpu.vector_store %arg12[%swap3A_181], %add3A_180 {strides = array<i32>} : memref<128xi32, #tpu.memory_space<vmem>>, vector<16xi32>,
        %get3A_183 = arith.constant 64 : index
        %get3A_184 = tpu.vector_load %arg10[%get3A_183] {strides = array<i32>} : memref<128xi32, #tpu.memory_space<vmem>>, vector<16xi32>,
        %shift_right_logical3A_185 = arith.shrui %get3A_184, %broadcast_in_dim3A_12 : vector<16xi32>
        %mul3A_186 = arith.muli %shift_right_logical3A_185, %broadcast_in_dim3A_10 : vector<16xi32>
        %get3A_187 = arith.constant 64 : index
        %get3A_188 = tpu.vector_load %arg8[%get3A_187] {strides = array<i32>} : memref<128xi32, #tpu.memory_space<vmem>>, vector<16xi32>,
        %add3A_189 = arith.addi %mul3A_186, %get3A_188 : vector<16xi32>
        %swap3A_190 = arith.constant 64 : index
        %swap3A_191 = tpu.vector_load %arg12[%swap3A_190] {strides = array<i32>} : memref<128xi32, #tpu.memory_space<vmem>>, vector<16xi32>,
        tpu.vector_store %arg12[%swap3A_190], %add3A_189 {strides = array<i32>} : memref<128xi32, #tpu.memory_space<vmem>>, vector<16xi32>,
        %get3A_192 = arith.constant 80 : index
        %get3A_193 = tpu.vector_load %arg10[%get3A_192] {strides = array<i32>} : memref<128xi32, #tpu.memory_space<vmem>>, vector<16xi32>,
        %shift_right_logical3A_194 = arith.shrui %get3A_193, %broadcast_in_dim3A_12 : vector<16xi32>
        %mul3A_195 = arith.muli %shift_right_logical3A_194, %broadcast_in_dim3A_10 : vector<16xi32>
        %get3A_196 = arith.constant 80 : index
        %get3A_197 = tpu.vector_load %arg8[%get3A_196] {strides = array<i32>} : memref<128xi32, #tpu.memory_space<vmem>>, vector<16xi32>,
        %add3A_198 = arith.addi %mul3A_195, %get3A_197 : vector<16xi32>
        %swap3A_199 = arith.constant 80 : index
        %swap3A_200 = tpu.vector_load %arg12[%swap3A_199] {strides = array<i32>} : memref<128xi32, #tpu.memory_space<vmem>>, vector<16xi32>,
        tpu.vector_store %arg12[%swap3A_199], %add3A_198 {strides = array<i32>} : memref<128xi32, #tpu.memory_space<vmem>>, vector<16xi32>,
        %get3A_201 = arith.constant 96 : index
        %get3A_202 = tpu.vector_load %arg10[%get3A_201] {strides = array<i32>} : memref<128xi32, #tpu.memory_space<vmem>>, vector<16xi32>,
        %shift_right_logical3A_203 = arith.shrui %get3A_202, %broadcast_in_dim3A_12 : vector<16xi32>
        %mul3A_204 = arith.muli %shift_right_logical3A_203, %broadcast_in_dim3A_10 : vector<16xi32>
        %get3A_205 = arith.constant 96 : index
        %get3A_206 = tpu.vector_load %arg8[%get3A_205] {strides = array<i32>} : memref<128xi32, #tpu.memory_space<vmem>>, vector<16xi32>,
        %add3A_207 = arith.addi %mul3A_204, %get3A_206 : vector<16xi32>
        %swap3A_208 = arith.constant 96 : index
        %swap3A_209 = tpu.vector_load %arg12[%swap3A_208] {strides = array<i32>} : memref<128xi32, #tpu.memory_space<vmem>>, vector<16xi32>,
        tpu.vector_store %arg12[%swap3A_208], %add3A_207 {strides = array<i32>} : memref<128xi32, #tpu.memory_space<vmem>>, vector<16xi32>,
        %get3A_210 = arith.constant 112 : index
        %get3A_211 = tpu.vector_load %arg10[%get3A_210] {strides = array<i32>} : memref<128xi32, #tpu.memory_space<vmem>>, vector<16xi32>,
        %shift_right_logical3A_212 = arith.shrui %get3A_211, %broadcast_in_dim3A_12 : vector<16xi32>
        %mul3A_213 = arith.muli %shift_right_logical3A_212, %broadcast_in_dim3A_10 : vector<16xi32>
        %get3A_214 = arith.constant 112 : index
        %get3A_215 = tpu.vector_load %arg8[%get3A_214] {strides = array<i32>} : memref<128xi32, #tpu.memory_space<vmem>>, vector<16xi32>,
        %add3A_216 = arith.addi %mul3A_213, %get3A_215 : vector<16xi32>
        %swap3A_217 = arith.constant 112 : index
        %swap3A_218 = tpu.vector_load %arg12[%swap3A_217] {strides = array<i32>} : memref<128xi32, #tpu.memory_space<vmem>>, vector<16xi32>,
        tpu.vector_store %arg12[%swap3A_217], %add3A_216 {strides = array<i32>} : memref<128xi32, #tpu.memory_space<vmem>>, vector<16xi32>,
        %dma_start3A_219 = arith.constant 0 : i32
        %dma_start3A_220 = arith.constant 0 : i32
        %dma_start3A_221 = tpu.memref_slice %arg2[%dma_start3A_219, %dma_start3A_220] : memref<800000x128xf32, #tpu.memory_space<hbm>> -> memref<800000x128xf32, #tpu.memory_space<hbm>>
        tpu.enqueue_indirect_dma source(%dma_start3A_221 : memref<800000x128xf32, #tpu.memory_space<hbm>>) target(%arg14 : memref<128x128xf32, #tpu.memory_space<vmem>>) offsets(%arg12 : memref<128xi32, #tpu.memory_space<vmem>>) semaphore(%arg19 : memref<!tpu.dma_semaphore, #tpu.memory_space<semaphore_mem>>)
      } else {
      }
      %lt3A_119 = arith.constant 2500 : i32
      %lt3A_120 = arith.cmpi slt, %add3A_112, %lt3A_119 : i32
      %convert_element_type3A_121 = arith.extui %lt3A_120 : i1 to i32
      %cond3A_122 = arith.constant 0 : i32
      %cond3A_123 = arith.cmpi ne, %convert_element_type3A_121, %cond3A_122 : i32
      scf.if %cond3A_123 {
        %mul3A_143 = arith.constant 128 : i32
        %mul3A_144 = arith.muli %add3A_112, %mul3A_143 : i32
        %dma_wait3A = arith.constant 0 : i32
        %dma_wait3A_145 = arith.constant 0 : i32
        %dma_wait3A_146 = tpu.memref_slice %arg2[%dma_wait3A, %dma_wait3A_145] : memref<800000x128xf32, #tpu.memory_space<hbm>> -> memref<800000x128xf32, #tpu.memory_space<hbm>>
        tpu.wait_indirect_dma semaphore(%arg18 : memref<!tpu.dma_semaphore, #tpu.memory_space<semaphore_mem>>) src(%dma_wait3A_146 : memref<800000x128xf32, #tpu.memory_space<hbm>>) dst(%arg13 : memref<128x128xf32, #tpu.memory_space<vmem>>)
        %iota3A = tpu.iota {dimensions = array<i32: 0>} : vector<16xi32>
        %add3A_147 = arith.constant 0 : i32
        %add3A_148 = vector.broadcast %add3A_147 : i32 to vector<16xi32>
        %add3A_149 = arith.addi %iota3A, %add3A_148 : vector<16xi32>
        %get3A_150 = arith.constant 0 : index
        %get3A_151 = tpu.vector_load %arg9[%get3A_150] {strides = array<i32>} : memref<128xi32, #tpu.memory_space<vmem>>, vector<16xi32>,
        %and3A = arith.andi %get3A_151, %broadcast_in_dim3A_14 : vector<16xi32>
        %gather3A = tpu.vector_load_idx %arg13[%add3A_149, %and3A] : memref<128x128xf32, #tpu.memory_space<vmem>>[vector<16xi32>, vector<16xi32>], vector<16xf32>,
        %exp3A = math.exp %gather3A : vector<16xf32>
        %swap3A_152 = arith.constant 0 : index
        %swap3A_153 = tpu.vector_load %arg15[%swap3A_152] {strides = array<i32>} : memref<128xf32, #tpu.memory_space<vmem>>, vector<16xf32>,
        tpu.vector_store %arg15[%swap3A_152], %exp3A {strides = array<i32>} : memref<128xf32, #tpu.memory_space<vmem>>, vector<16xf32>,
        %iota3A_154 = tpu.iota {dimensions = array<i32: 0>} : vector<16xi32>
        %add3A_155 = arith.constant 16 : i32
        %add3A_156 = vector.broadcast %add3A_155 : i32 to vector<16xi32>
        %add3A_157 = arith.addi %iota3A_154, %add3A_156 : vector<16xi32>
        %get3A_158 = arith.constant 16 : index
        %get3A_159 = tpu.vector_load %arg9[%get3A_158] {strides = array<i32>} : memref<128xi32, #tpu.memory_space<vmem>>, vector<16xi32>,
        %and3A_160 = arith.andi %get3A_159, %broadcast_in_dim3A_14 : vector<16xi32>
        %gather3A_161 = tpu.vector_load_idx %arg13[%add3A_157, %and3A_160] : memref<128x128xf32, #tpu.memory_space<vmem>>[vector<16xi32>, vector<16xi32>], vector<16xf32>,
        %exp3A_162 = math.exp %gather3A_161 : vector<16xf32>
        %swap3A_163 = arith.constant 16 : index
        %swap3A_164 = tpu.vector_load %arg15[%swap3A_163] {strides = array<i32>} : memref<128xf32, #tpu.memory_space<vmem>>, vector<16xf32>,
        tpu.vector_store %arg15[%swap3A_163], %exp3A_162 {strides = array<i32>} : memref<128xf32, #tpu.memory_space<vmem>>, vector<16xf32>,
        %iota3A_165 = tpu.iota {dimensions = array<i32: 0>} : vector<16xi32>
        %add3A_166 = arith.constant 32 : i32
        %add3A_167 = vector.broadcast %add3A_166 : i32 to vector<16xi32>
        %add3A_168 = arith.addi %iota3A_165, %add3A_167 : vector<16xi32>
        %get3A_169 = arith.constant 32 : index
        %get3A_170 = tpu.vector_load %arg9[%get3A_169] {strides = array<i32>} : memref<128xi32, #tpu.memory_space<vmem>>, vector<16xi32>,
        %and3A_171 = arith.andi %get3A_170, %broadcast_in_dim3A_14 : vector<16xi32>
        %gather3A_172 = tpu.vector_load_idx %arg13[%add3A_168, %and3A_171] : memref<128x128xf32, #tpu.memory_space<vmem>>[vector<16xi32>, vector<16xi32>], vector<16xf32>,
        %exp3A_173 = math.exp %gather3A_172 : vector<16xf32>
        %swap3A_174 = arith.constant 32 : index
        %swap3A_175 = tpu.vector_load %arg15[%swap3A_174] {strides = array<i32>} : memref<128xf32, #tpu.memory_space<vmem>>, vector<16xf32>,
        tpu.vector_store %arg15[%swap3A_174], %exp3A_173 {strides = array<i32>} : memref<128xf32, #tpu.memory_space<vmem>>, vector<16xf32>,
        %iota3A_176 = tpu.iota {dimensions = array<i32: 0>} : vector<16xi32>
        %add3A_177 = arith.constant 48 : i32
        %add3A_178 = vector.broadcast %add3A_177 : i32 to vector<16xi32>
        %add3A_179 = arith.addi %iota3A_176, %add3A_178 : vector<16xi32>
        %get3A_180 = arith.constant 48 : index
        %get3A_181 = tpu.vector_load %arg9[%get3A_180] {strides = array<i32>} : memref<128xi32, #tpu.memory_space<vmem>>, vector<16xi32>,
        %and3A_182 = arith.andi %get3A_181, %broadcast_in_dim3A_14 : vector<16xi32>
        %gather3A_183 = tpu.vector_load_idx %arg13[%add3A_179, %and3A_182] : memref<128x128xf32, #tpu.memory_space<vmem>>[vector<16xi32>, vector<16xi32>], vector<16xf32>,
        %exp3A_184 = math.exp %gather3A_183 : vector<16xf32>
        %swap3A_185 = arith.constant 48 : index
        %swap3A_186 = tpu.vector_load %arg15[%swap3A_185] {strides = array<i32>} : memref<128xf32, #tpu.memory_space<vmem>>, vector<16xf32>,
        tpu.vector_store %arg15[%swap3A_185], %exp3A_184 {strides = array<i32>} : memref<128xf32, #tpu.memory_space<vmem>>, vector<16xf32>,
        %iota3A_187 = tpu.iota {dimensions = array<i32: 0>} : vector<16xi32>
        %add3A_188 = arith.constant 64 : i32
        %add3A_189 = vector.broadcast %add3A_188 : i32 to vector<16xi32>
        %add3A_190 = arith.addi %iota3A_187, %add3A_189 : vector<16xi32>
        %get3A_191 = arith.constant 64 : index
        %get3A_192 = tpu.vector_load %arg9[%get3A_191] {strides = array<i32>} : memref<128xi32, #tpu.memory_space<vmem>>, vector<16xi32>,
        %and3A_193 = arith.andi %get3A_192, %broadcast_in_dim3A_14 : vector<16xi32>
        %gather3A_194 = tpu.vector_load_idx %arg13[%add3A_190, %and3A_193] : memref<128x128xf32, #tpu.memory_space<vmem>>[vector<16xi32>, vector<16xi32>], vector<16xf32>,
        %exp3A_195 = math.exp %gather3A_194 : vector<16xf32>
        %swap3A_196 = arith.constant 64 : index
        %swap3A_197 = tpu.vector_load %arg15[%swap3A_196] {strides = array<i32>} : memref<128xf32, #tpu.memory_space<vmem>>, vector<16xf32>,
        tpu.vector_store %arg15[%swap3A_196], %exp3A_195 {strides = array<i32>} : memref<128xf32, #tpu.memory_space<vmem>>, vector<16xf32>,
        %iota3A_198 = tpu.iota {dimensions = array<i32: 0>} : vector<16xi32>
        %add3A_199 = arith.constant 80 : i32
        %add3A_200 = vector.broadcast %add3A_199 : i32 to vector<16xi32>
        %add3A_201 = arith.addi %iota3A_198, %add3A_200 : vector<16xi32>
        %get3A_202 = arith.constant 80 : index
        %get3A_203 = tpu.vector_load %arg9[%get3A_202] {strides = array<i32>} : memref<128xi32, #tpu.memory_space<vmem>>, vector<16xi32>,
        %and3A_204 = arith.andi %get3A_203, %broadcast_in_dim3A_14 : vector<16xi32>
        %gather3A_205 = tpu.vector_load_idx %arg13[%add3A_201, %and3A_204] : memref<128x128xf32, #tpu.memory_space<vmem>>[vector<16xi32>, vector<16xi32>], vector<16xf32>,
        %exp3A_206 = math.exp %gather3A_205 : vector<16xf32>
        %swap3A_207 = arith.constant 80 : index
        %swap3A_208 = tpu.vector_load %arg15[%swap3A_207] {strides = array<i32>} : memref<128xf32, #tpu.memory_space<vmem>>, vector<16xf32>,
        tpu.vector_store %arg15[%swap3A_207], %exp3A_206 {strides = array<i32>} : memref<128xf32, #tpu.memory_space<vmem>>, vector<16xf32>,
        %iota3A_209 = tpu.iota {dimensions = array<i32: 0>} : vector<16xi32>
        %add3A_210 = arith.constant 96 : i32
        %add3A_211 = vector.broadcast %add3A_210 : i32 to vector<16xi32>
        %add3A_212 = arith.addi %iota3A_209, %add3A_211 : vector<16xi32>
        %get3A_213 = arith.constant 96 : index
        %get3A_214 = tpu.vector_load %arg9[%get3A_213] {strides = array<i32>} : memref<128xi32, #tpu.memory_space<vmem>>, vector<16xi32>,
        %and3A_215 = arith.andi %get3A_214, %broadcast_in_dim3A_14 : vector<16xi32>
        %gather3A_216 = tpu.vector_load_idx %arg13[%add3A_212, %and3A_215] : memref<128x128xf32, #tpu.memory_space<vmem>>[vector<16xi32>, vector<16xi32>], vector<16xf32>,
        %exp3A_217 = math.exp %gather3A_216 : vector<16xf32>
        %swap3A_218 = arith.constant 96 : index
        %swap3A_219 = tpu.vector_load %arg15[%swap3A_218] {strides = array<i32>} : memref<128xf32, #tpu.memory_space<vmem>>, vector<16xf32>,
        tpu.vector_store %arg15[%swap3A_218], %exp3A_217 {strides = array<i32>} : memref<128xf32, #tpu.memory_space<vmem>>, vector<16xf32>,
        %iota3A_220 = tpu.iota {dimensions = array<i32: 0>} : vector<16xi32>
        %add3A_221 = arith.constant 112 : i32
        %add3A_222 = vector.broadcast %add3A_221 : i32 to vector<16xi32>
        %add3A_223 = arith.addi %iota3A_220, %add3A_222 : vector<16xi32>
        %get3A_224 = arith.constant 112 : index
        %get3A_225 = tpu.vector_load %arg9[%get3A_224] {strides = array<i32>} : memref<128xi32, #tpu.memory_space<vmem>>, vector<16xi32>,
        %and3A_226 = arith.andi %get3A_225, %broadcast_in_dim3A_14 : vector<16xi32>
        %gather3A_227 = tpu.vector_load_idx %arg13[%add3A_223, %and3A_226] : memref<128x128xf32, #tpu.memory_space<vmem>>[vector<16xi32>, vector<16xi32>], vector<16xf32>,
        %exp3A_228 = math.exp %gather3A_227 : vector<16xf32>
        %swap3A_229 = arith.constant 112 : index
        %swap3A_230 = tpu.vector_load %arg15[%swap3A_229] {strides = array<i32>} : memref<128xf32, #tpu.memory_space<vmem>>, vector<16xf32>,
        tpu.vector_store %arg15[%swap3A_229], %exp3A_228 {strides = array<i32>} : memref<128xf32, #tpu.memory_space<vmem>>, vector<16xf32>,
        "tpu.region"() ({
          %run_scoped3A_231 = tpu.sem_alloc : memref<!tpu.dma_semaphore, #tpu.memory_space<semaphore_mem>>
          %dma_start3A_232 = tpu.memref_slice %arg4[%mul3A_144] : memref<320000xf32, #tpu.memory_space<hbm>> -> memref<128xf32, #tpu.memory_space<hbm>>
          %dma_start3A_233 = tpu.memref_slice %arg4[%mul3A_144] : memref<320000xf32, #tpu.memory_space<hbm>> -> memref<128xf32, #tpu.memory_space<hbm>>
          tpu.enqueue_dma source(%arg15 : memref<128xf32, #tpu.memory_space<vmem>>) target(%dma_start3A_233 : memref<128xf32, #tpu.memory_space<hbm>>) target_semaphore(%run_scoped3A_231 : memref<!tpu.dma_semaphore, #tpu.memory_space<semaphore_mem>>)
          %dma_wait3A_234 = tpu.memref_slice %arg4[%mul3A_144] : memref<320000xf32, #tpu.memory_space<hbm>> -> memref<128xf32, #tpu.memory_space<hbm>>
          %dma_wait3A_235 = tpu.memref_slice %arg4[%mul3A_144] : memref<320000xf32, #tpu.memory_space<hbm>> -> memref<128xf32, #tpu.memory_space<hbm>>
          tpu.wait_dma2 semaphore(%run_scoped3A_231 : memref<!tpu.dma_semaphore, #tpu.memory_space<semaphore_mem>>) src(%arg15 : memref<128xf32, #tpu.memory_space<vmem>>) dst(%dma_wait3A_235 : memref<128xf32, #tpu.memory_space<hbm>>)
          tpu.yield
        }) : () -> ()
        "tpu.region"() ({
          %run_scoped3A_231 = tpu.sem_alloc : memref<!tpu.dma_semaphore, #tpu.memory_space<semaphore_mem>>
          %dma_start3A_232 = arith.constant 0 : i32
          %dma_start3A_233 = tpu.memref_slice %arg17[%dma_start3A_232] : memref<10240xf32, #tpu.memory_space<vmem_shared>> -> memref<10240xf32, #tpu.memory_space<vmem_shared>>
          tpu.enqueue_indirect_dma source(%arg15 : memref<128xf32, #tpu.memory_space<vmem>>) target(%dma_start3A_233 : memref<10240xf32, #tpu.memory_space<vmem_shared>>) offsets(%arg9 : memref<128xi32, #tpu.memory_space<vmem>>) semaphore(%run_scoped3A_231 : memref<!tpu.dma_semaphore, #tpu.memory_space<semaphore_mem>>) {add = true}
          %dma_wait3A_234 = arith.constant 0 : i32
          %dma_wait3A_235 = tpu.memref_slice %arg17[%dma_wait3A_234] : memref<10240xf32, #tpu.memory_space<vmem_shared>> -> memref<10240xf32, #tpu.memory_space<vmem_shared>>
          tpu.wait_indirect_dma semaphore(%run_scoped3A_231 : memref<!tpu.dma_semaphore, #tpu.memory_space<semaphore_mem>>) src(%arg15 : memref<128xf32, #tpu.memory_space<vmem>>) dst(%dma_wait3A_235 : memref<10240xf32, #tpu.memory_space<vmem_shared>>)
          tpu.yield
        }) : () -> ()
      } else {
      }
      %mul3A_124 = arith.constant 2 : i32
      %mul3A_125 = arith.muli %scan3A_105, %mul3A_124 : i32
      %add3A_126 = arith.constant 1 : i32
      %add3A_127 = arith.addi %mul3A_125, %add3A_126 : i32
      %mul3A_128 = arith.constant 32 : i32
      %mul3A_129 = arith.muli %add3A_127, %mul3A_128 : i32
      %add3A_130 = arith.addi %add3A, %mul3A_129 : i32
      %add3A_131 = arith.constant 32 : i32
      %add3A_132 = arith.addi %add3A_130, %add3A_131 : i32
      %lt3A_133 = arith.constant 2500 : i32
      %lt3A_134 = arith.cmpi slt, %add3A_132, %lt3A_133 : i32
      %convert_element_type3A_135 = arith.extui %lt3A_134 : i1 to i32
      %cond3A_136 = arith.constant 0 : i32
      %cond3A_137 = arith.cmpi ne, %convert_element_type3A_135, %cond3A_136 : i32
      scf.if %cond3A_137 {
        %mul3A_143 = arith.constant 128 : i32
        %mul3A_144 = arith.muli %add3A_132, %mul3A_143 : i32
        %run_scoped3A_145 = arith.constant 0 : i32
        "tpu.region"() ({
          %run_scoped3A_222 = tpu.sem_alloc : memref<!tpu.dma_semaphore, #tpu.memory_space<semaphore_mem>>
          %dma_start3A_223 = tpu.memref_slice %arg3[%run_scoped3A_145, %mul3A_144] : memref<2x320000xi32, #tpu.memory_space<hbm>> -> memref<1x128xi32, #tpu.memory_space<hbm>>
          %dma_start3A_224 = tpu.memref_squeeze %dma_start3A_223 : memref<1x128xi32, #tpu.memory_space<hbm>> -> memref<128xi32, #tpu.memory_space<hbm>>
          %dma_start3A_225 = tpu.memref_slice %arg3[%run_scoped3A_145, %mul3A_144] : memref<2x320000xi32, #tpu.memory_space<hbm>> -> memref<1x128xi32, #tpu.memory_space<hbm>>
          %dma_start3A_226 = tpu.memref_squeeze %dma_start3A_225 : memref<1x128xi32, #tpu.memory_space<hbm>> -> memref<128xi32, #tpu.memory_space<hbm>>
          tpu.enqueue_dma source(%dma_start3A_226 : memref<128xi32, #tpu.memory_space<hbm>>) target(%arg7 : memref<128xi32, #tpu.memory_space<vmem>>) target_semaphore(%run_scoped3A_222 : memref<!tpu.dma_semaphore, #tpu.memory_space<semaphore_mem>>)
          %dma_wait3A = tpu.memref_slice %arg3[%run_scoped3A_145, %mul3A_144] : memref<2x320000xi32, #tpu.memory_space<hbm>> -> memref<1x128xi32, #tpu.memory_space<hbm>>
          %dma_wait3A_227 = tpu.memref_squeeze %dma_wait3A : memref<1x128xi32, #tpu.memory_space<hbm>> -> memref<128xi32, #tpu.memory_space<hbm>>
          %dma_wait3A_228 = tpu.memref_slice %arg3[%run_scoped3A_145, %mul3A_144] : memref<2x320000xi32, #tpu.memory_space<hbm>> -> memref<1x128xi32, #tpu.memory_space<hbm>>
          %dma_wait3A_229 = tpu.memref_squeeze %dma_wait3A_228 : memref<1x128xi32, #tpu.memory_space<hbm>> -> memref<128xi32, #tpu.memory_space<hbm>>
          tpu.wait_dma2 semaphore(%run_scoped3A_222 : memref<!tpu.dma_semaphore, #tpu.memory_space<semaphore_mem>>) src(%dma_wait3A_229 : memref<128xi32, #tpu.memory_space<hbm>>) dst(%arg7 : memref<128xi32, #tpu.memory_space<vmem>>)
          tpu.yield
        }) : () -> ()
        %run_scoped3A_146 = arith.constant 1 : i32
        "tpu.region"() ({
          %run_scoped3A_222 = tpu.sem_alloc : memref<!tpu.dma_semaphore, #tpu.memory_space<semaphore_mem>>
          %dma_start3A_223 = tpu.memref_slice %arg3[%run_scoped3A_146, %mul3A_144] : memref<2x320000xi32, #tpu.memory_space<hbm>> -> memref<1x128xi32, #tpu.memory_space<hbm>>
          %dma_start3A_224 = tpu.memref_squeeze %dma_start3A_223 : memref<1x128xi32, #tpu.memory_space<hbm>> -> memref<128xi32, #tpu.memory_space<hbm>>
          %dma_start3A_225 = tpu.memref_slice %arg3[%run_scoped3A_146, %mul3A_144] : memref<2x320000xi32, #tpu.memory_space<hbm>> -> memref<1x128xi32, #tpu.memory_space<hbm>>
          %dma_start3A_226 = tpu.memref_squeeze %dma_start3A_225 : memref<1x128xi32, #tpu.memory_space<hbm>> -> memref<128xi32, #tpu.memory_space<hbm>>
          tpu.enqueue_dma source(%dma_start3A_226 : memref<128xi32, #tpu.memory_space<hbm>>) target(%arg9 : memref<128xi32, #tpu.memory_space<vmem>>) target_semaphore(%run_scoped3A_222 : memref<!tpu.dma_semaphore, #tpu.memory_space<semaphore_mem>>)
          %dma_wait3A = tpu.memref_slice %arg3[%run_scoped3A_146, %mul3A_144] : memref<2x320000xi32, #tpu.memory_space<hbm>> -> memref<1x128xi32, #tpu.memory_space<hbm>>
          %dma_wait3A_227 = tpu.memref_squeeze %dma_wait3A : memref<1x128xi32, #tpu.memory_space<hbm>> -> memref<128xi32, #tpu.memory_space<hbm>>
          %dma_wait3A_228 = tpu.memref_slice %arg3[%run_scoped3A_146, %mul3A_144] : memref<2x320000xi32, #tpu.memory_space<hbm>> -> memref<1x128xi32, #tpu.memory_space<hbm>>
          %dma_wait3A_229 = tpu.memref_squeeze %dma_wait3A_228 : memref<1x128xi32, #tpu.memory_space<hbm>> -> memref<128xi32, #tpu.memory_space<hbm>>
          tpu.wait_dma2 semaphore(%run_scoped3A_222 : memref<!tpu.dma_semaphore, #tpu.memory_space<semaphore_mem>>) src(%dma_wait3A_229 : memref<128xi32, #tpu.memory_space<hbm>>) dst(%arg9 : memref<128xi32, #tpu.memory_space<vmem>>)
          tpu.yield
        }) : () -> ()
        %get3A_147 = arith.constant 0 : index
        %get3A_148 = tpu.vector_load %arg9[%get3A_147] {strides = array<i32>} : memref<128xi32, #tpu.memory_space<vmem>>, vector<16xi32>,
        %shift_right_logical3A_149 = arith.shrui %get3A_148, %broadcast_in_dim3A_12 : vector<16xi32>
        %mul3A_150 = arith.muli %shift_right_logical3A_149, %broadcast_in_dim3A_10 : vector<16xi32>
        %get3A_151 = arith.constant 0 : index
        %get3A_152 = tpu.vector_load %arg7[%get3A_151] {strides = array<i32>} : memref<128xi32, #tpu.memory_space<vmem>>, vector<16xi32>,
        %add3A_153 = arith.addi %mul3A_150, %get3A_152 : vector<16xi32>
        %swap3A_154 = arith.constant 0 : index
        %swap3A_155 = tpu.vector_load %arg11[%swap3A_154] {strides = array<i32>} : memref<128xi32, #tpu.memory_space<vmem>>, vector<16xi32>,
        tpu.vector_store %arg11[%swap3A_154], %add3A_153 {strides = array<i32>} : memref<128xi32, #tpu.memory_space<vmem>>, vector<16xi32>,
        %get3A_156 = arith.constant 16 : index
        %get3A_157 = tpu.vector_load %arg9[%get3A_156] {strides = array<i32>} : memref<128xi32, #tpu.memory_space<vmem>>, vector<16xi32>,
        %shift_right_logical3A_158 = arith.shrui %get3A_157, %broadcast_in_dim3A_12 : vector<16xi32>
        %mul3A_159 = arith.muli %shift_right_logical3A_158, %broadcast_in_dim3A_10 : vector<16xi32>
        %get3A_160 = arith.constant 16 : index
        %get3A_161 = tpu.vector_load %arg7[%get3A_160] {strides = array<i32>} : memref<128xi32, #tpu.memory_space<vmem>>, vector<16xi32>,
        %add3A_162 = arith.addi %mul3A_159, %get3A_161 : vector<16xi32>
        %swap3A_163 = arith.constant 16 : index
        %swap3A_164 = tpu.vector_load %arg11[%swap3A_163] {strides = array<i32>} : memref<128xi32, #tpu.memory_space<vmem>>, vector<16xi32>,
        tpu.vector_store %arg11[%swap3A_163], %add3A_162 {strides = array<i32>} : memref<128xi32, #tpu.memory_space<vmem>>, vector<16xi32>,
        %get3A_165 = arith.constant 32 : index
        %get3A_166 = tpu.vector_load %arg9[%get3A_165] {strides = array<i32>} : memref<128xi32, #tpu.memory_space<vmem>>, vector<16xi32>,
        %shift_right_logical3A_167 = arith.shrui %get3A_166, %broadcast_in_dim3A_12 : vector<16xi32>
        %mul3A_168 = arith.muli %shift_right_logical3A_167, %broadcast_in_dim3A_10 : vector<16xi32>
        %get3A_169 = arith.constant 32 : index
        %get3A_170 = tpu.vector_load %arg7[%get3A_169] {strides = array<i32>} : memref<128xi32, #tpu.memory_space<vmem>>, vector<16xi32>,
        %add3A_171 = arith.addi %mul3A_168, %get3A_170 : vector<16xi32>
        %swap3A_172 = arith.constant 32 : index
        %swap3A_173 = tpu.vector_load %arg11[%swap3A_172] {strides = array<i32>} : memref<128xi32, #tpu.memory_space<vmem>>, vector<16xi32>,
        tpu.vector_store %arg11[%swap3A_172], %add3A_171 {strides = array<i32>} : memref<128xi32, #tpu.memory_space<vmem>>, vector<16xi32>,
        %get3A_174 = arith.constant 48 : index
        %get3A_175 = tpu.vector_load %arg9[%get3A_174] {strides = array<i32>} : memref<128xi32, #tpu.memory_space<vmem>>, vector<16xi32>,
        %shift_right_logical3A_176 = arith.shrui %get3A_175, %broadcast_in_dim3A_12 : vector<16xi32>
        %mul3A_177 = arith.muli %shift_right_logical3A_176, %broadcast_in_dim3A_10 : vector<16xi32>
        %get3A_178 = arith.constant 48 : index
        %get3A_179 = tpu.vector_load %arg7[%get3A_178] {strides = array<i32>} : memref<128xi32, #tpu.memory_space<vmem>>, vector<16xi32>,
        %add3A_180 = arith.addi %mul3A_177, %get3A_179 : vector<16xi32>
        %swap3A_181 = arith.constant 48 : index
        %swap3A_182 = tpu.vector_load %arg11[%swap3A_181] {strides = array<i32>} : memref<128xi32, #tpu.memory_space<vmem>>, vector<16xi32>,
        tpu.vector_store %arg11[%swap3A_181], %add3A_180 {strides = array<i32>} : memref<128xi32, #tpu.memory_space<vmem>>, vector<16xi32>,
        %get3A_183 = arith.constant 64 : index
        %get3A_184 = tpu.vector_load %arg9[%get3A_183] {strides = array<i32>} : memref<128xi32, #tpu.memory_space<vmem>>, vector<16xi32>,
        %shift_right_logical3A_185 = arith.shrui %get3A_184, %broadcast_in_dim3A_12 : vector<16xi32>
        %mul3A_186 = arith.muli %shift_right_logical3A_185, %broadcast_in_dim3A_10 : vector<16xi32>
        %get3A_187 = arith.constant 64 : index
        %get3A_188 = tpu.vector_load %arg7[%get3A_187] {strides = array<i32>} : memref<128xi32, #tpu.memory_space<vmem>>, vector<16xi32>,
        %add3A_189 = arith.addi %mul3A_186, %get3A_188 : vector<16xi32>
        %swap3A_190 = arith.constant 64 : index
        %swap3A_191 = tpu.vector_load %arg11[%swap3A_190] {strides = array<i32>} : memref<128xi32, #tpu.memory_space<vmem>>, vector<16xi32>,
        tpu.vector_store %arg11[%swap3A_190], %add3A_189 {strides = array<i32>} : memref<128xi32, #tpu.memory_space<vmem>>, vector<16xi32>,
        %get3A_192 = arith.constant 80 : index
        %get3A_193 = tpu.vector_load %arg9[%get3A_192] {strides = array<i32>} : memref<128xi32, #tpu.memory_space<vmem>>, vector<16xi32>,
        %shift_right_logical3A_194 = arith.shrui %get3A_193, %broadcast_in_dim3A_12 : vector<16xi32>
        %mul3A_195 = arith.muli %shift_right_logical3A_194, %broadcast_in_dim3A_10 : vector<16xi32>
        %get3A_196 = arith.constant 80 : index
        %get3A_197 = tpu.vector_load %arg7[%get3A_196] {strides = array<i32>} : memref<128xi32, #tpu.memory_space<vmem>>, vector<16xi32>,
        %add3A_198 = arith.addi %mul3A_195, %get3A_197 : vector<16xi32>
        %swap3A_199 = arith.constant 80 : index
        %swap3A_200 = tpu.vector_load %arg11[%swap3A_199] {strides = array<i32>} : memref<128xi32, #tpu.memory_space<vmem>>, vector<16xi32>,
        tpu.vector_store %arg11[%swap3A_199], %add3A_198 {strides = array<i32>} : memref<128xi32, #tpu.memory_space<vmem>>, vector<16xi32>,
        %get3A_201 = arith.constant 96 : index
        %get3A_202 = tpu.vector_load %arg9[%get3A_201] {strides = array<i32>} : memref<128xi32, #tpu.memory_space<vmem>>, vector<16xi32>,
        %shift_right_logical3A_203 = arith.shrui %get3A_202, %broadcast_in_dim3A_12 : vector<16xi32>
        %mul3A_204 = arith.muli %shift_right_logical3A_203, %broadcast_in_dim3A_10 : vector<16xi32>
        %get3A_205 = arith.constant 96 : index
        %get3A_206 = tpu.vector_load %arg7[%get3A_205] {strides = array<i32>} : memref<128xi32, #tpu.memory_space<vmem>>, vector<16xi32>,
        %add3A_207 = arith.addi %mul3A_204, %get3A_206 : vector<16xi32>
        %swap3A_208 = arith.constant 96 : index
        %swap3A_209 = tpu.vector_load %arg11[%swap3A_208] {strides = array<i32>} : memref<128xi32, #tpu.memory_space<vmem>>, vector<16xi32>,
        tpu.vector_store %arg11[%swap3A_208], %add3A_207 {strides = array<i32>} : memref<128xi32, #tpu.memory_space<vmem>>, vector<16xi32>,
        %get3A_210 = arith.constant 112 : index
        %get3A_211 = tpu.vector_load %arg9[%get3A_210] {strides = array<i32>} : memref<128xi32, #tpu.memory_space<vmem>>, vector<16xi32>,
        %shift_right_logical3A_212 = arith.shrui %get3A_211, %broadcast_in_dim3A_12 : vector<16xi32>
        %mul3A_213 = arith.muli %shift_right_logical3A_212, %broadcast_in_dim3A_10 : vector<16xi32>
        %get3A_214 = arith.constant 112 : index
        %get3A_215 = tpu.vector_load %arg7[%get3A_214] {strides = array<i32>} : memref<128xi32, #tpu.memory_space<vmem>>, vector<16xi32>,
        %add3A_216 = arith.addi %mul3A_213, %get3A_215 : vector<16xi32>
        %swap3A_217 = arith.constant 112 : index
        %swap3A_218 = tpu.vector_load %arg11[%swap3A_217] {strides = array<i32>} : memref<128xi32, #tpu.memory_space<vmem>>, vector<16xi32>,
        tpu.vector_store %arg11[%swap3A_217], %add3A_216 {strides = array<i32>} : memref<128xi32, #tpu.memory_space<vmem>>, vector<16xi32>,
        %dma_start3A_219 = arith.constant 0 : i32
        %dma_start3A_220 = arith.constant 0 : i32
        %dma_start3A_221 = tpu.memref_slice %arg2[%dma_start3A_219, %dma_start3A_220] : memref<800000x128xf32, #tpu.memory_space<hbm>> -> memref<800000x128xf32, #tpu.memory_space<hbm>>
        tpu.enqueue_indirect_dma source(%dma_start3A_221 : memref<800000x128xf32, #tpu.memory_space<hbm>>) target(%arg13 : memref<128x128xf32, #tpu.memory_space<vmem>>) offsets(%arg11 : memref<128xi32, #tpu.memory_space<vmem>>) semaphore(%arg18 : memref<!tpu.dma_semaphore, #tpu.memory_space<semaphore_mem>>)
      } else {
      }
      %lt3A_138 = arith.constant 2500 : i32
      %lt3A_139 = arith.cmpi slt, %add3A_130, %lt3A_138 : i32
      %convert_element_type3A_140 = arith.extui %lt3A_139 : i1 to i32
      %cond3A_141 = arith.constant 0 : i32
      %cond3A_142 = arith.cmpi ne, %convert_element_type3A_140, %cond3A_141 : i32
      scf.if %cond3A_142 {
        %mul3A_143 = arith.constant 128 : i32
        %mul3A_144 = arith.muli %add3A_130, %mul3A_143 : i32
        %dma_wait3A = arith.constant 0 : i32
        %dma_wait3A_145 = arith.constant 0 : i32
        %dma_wait3A_146 = tpu.memref_slice %arg2[%dma_wait3A, %dma_wait3A_145] : memref<800000x128xf32, #tpu.memory_space<hbm>> -> memref<800000x128xf32, #tpu.memory_space<hbm>>
        tpu.wait_indirect_dma semaphore(%arg19 : memref<!tpu.dma_semaphore, #tpu.memory_space<semaphore_mem>>) src(%dma_wait3A_146 : memref<800000x128xf32, #tpu.memory_space<hbm>>) dst(%arg14 : memref<128x128xf32, #tpu.memory_space<vmem>>)
        %iota3A = tpu.iota {dimensions = array<i32: 0>} : vector<16xi32>
        %add3A_147 = arith.constant 0 : i32
        %add3A_148 = vector.broadcast %add3A_147 : i32 to vector<16xi32>
        %add3A_149 = arith.addi %iota3A, %add3A_148 : vector<16xi32>
        %get3A_150 = arith.constant 0 : index
        %get3A_151 = tpu.vector_load %arg10[%get3A_150] {strides = array<i32>} : memref<128xi32, #tpu.memory_space<vmem>>, vector<16xi32>,
        %and3A = arith.andi %get3A_151, %broadcast_in_dim3A_14 : vector<16xi32>
        %gather3A = tpu.vector_load_idx %arg14[%add3A_149, %and3A] : memref<128x128xf32, #tpu.memory_space<vmem>>[vector<16xi32>, vector<16xi32>], vector<16xf32>,
        %exp3A = math.exp %gather3A : vector<16xf32>
        %swap3A_152 = arith.constant 0 : index
        %swap3A_153 = tpu.vector_load %arg15[%swap3A_152] {strides = array<i32>} : memref<128xf32, #tpu.memory_space<vmem>>, vector<16xf32>,
        tpu.vector_store %arg15[%swap3A_152], %exp3A {strides = array<i32>} : memref<128xf32, #tpu.memory_space<vmem>>, vector<16xf32>,
        %iota3A_154 = tpu.iota {dimensions = array<i32: 0>} : vector<16xi32>
        %add3A_155 = arith.constant 16 : i32
        %add3A_156 = vector.broadcast %add3A_155 : i32 to vector<16xi32>
        %add3A_157 = arith.addi %iota3A_154, %add3A_156 : vector<16xi32>
        %get3A_158 = arith.constant 16 : index
        %get3A_159 = tpu.vector_load %arg10[%get3A_158] {strides = array<i32>} : memref<128xi32, #tpu.memory_space<vmem>>, vector<16xi32>,
        %and3A_160 = arith.andi %get3A_159, %broadcast_in_dim3A_14 : vector<16xi32>
        %gather3A_161 = tpu.vector_load_idx %arg14[%add3A_157, %and3A_160] : memref<128x128xf32, #tpu.memory_space<vmem>>[vector<16xi32>, vector<16xi32>], vector<16xf32>,
        %exp3A_162 = math.exp %gather3A_161 : vector<16xf32>
        %swap3A_163 = arith.constant 16 : index
        %swap3A_164 = tpu.vector_load %arg15[%swap3A_163] {strides = array<i32>} : memref<128xf32, #tpu.memory_space<vmem>>, vector<16xf32>,
        tpu.vector_store %arg15[%swap3A_163], %exp3A_162 {strides = array<i32>} : memref<128xf32, #tpu.memory_space<vmem>>, vector<16xf32>,
        %iota3A_165 = tpu.iota {dimensions = array<i32: 0>} : vector<16xi32>
        %add3A_166 = arith.constant 32 : i32
        %add3A_167 = vector.broadcast %add3A_166 : i32 to vector<16xi32>
        %add3A_168 = arith.addi %iota3A_165, %add3A_167 : vector<16xi32>
        %get3A_169 = arith.constant 32 : index
        %get3A_170 = tpu.vector_load %arg10[%get3A_169] {strides = array<i32>} : memref<128xi32, #tpu.memory_space<vmem>>, vector<16xi32>,
        %and3A_171 = arith.andi %get3A_170, %broadcast_in_dim3A_14 : vector<16xi32>
        %gather3A_172 = tpu.vector_load_idx %arg14[%add3A_168, %and3A_171] : memref<128x128xf32, #tpu.memory_space<vmem>>[vector<16xi32>, vector<16xi32>], vector<16xf32>,
        %exp3A_173 = math.exp %gather3A_172 : vector<16xf32>
        %swap3A_174 = arith.constant 32 : index
        %swap3A_175 = tpu.vector_load %arg15[%swap3A_174] {strides = array<i32>} : memref<128xf32, #tpu.memory_space<vmem>>, vector<16xf32>,
        tpu.vector_store %arg15[%swap3A_174], %exp3A_173 {strides = array<i32>} : memref<128xf32, #tpu.memory_space<vmem>>, vector<16xf32>,
        %iota3A_176 = tpu.iota {dimensions = array<i32: 0>} : vector<16xi32>
        %add3A_177 = arith.constant 48 : i32
        %add3A_178 = vector.broadcast %add3A_177 : i32 to vector<16xi32>
        %add3A_179 = arith.addi %iota3A_176, %add3A_178 : vector<16xi32>
        %get3A_180 = arith.constant 48 : index
        %get3A_181 = tpu.vector_load %arg10[%get3A_180] {strides = array<i32>} : memref<128xi32, #tpu.memory_space<vmem>>, vector<16xi32>,
        %and3A_182 = arith.andi %get3A_181, %broadcast_in_dim3A_14 : vector<16xi32>
        %gather3A_183 = tpu.vector_load_idx %arg14[%add3A_179, %and3A_182] : memref<128x128xf32, #tpu.memory_space<vmem>>[vector<16xi32>, vector<16xi32>], vector<16xf32>,
        %exp3A_184 = math.exp %gather3A_183 : vector<16xf32>
        %swap3A_185 = arith.constant 48 : index
        %swap3A_186 = tpu.vector_load %arg15[%swap3A_185] {strides = array<i32>} : memref<128xf32, #tpu.memory_space<vmem>>, vector<16xf32>,
        tpu.vector_store %arg15[%swap3A_185], %exp3A_184 {strides = array<i32>} : memref<128xf32, #tpu.memory_space<vmem>>, vector<16xf32>,
        %iota3A_187 = tpu.iota {dimensions = array<i32: 0>} : vector<16xi32>
        %add3A_188 = arith.constant 64 : i32
        %add3A_189 = vector.broadcast %add3A_188 : i32 to vector<16xi32>
        %add3A_190 = arith.addi %iota3A_187, %add3A_189 : vector<16xi32>
        %get3A_191 = arith.constant 64 : index
        %get3A_192 = tpu.vector_load %arg10[%get3A_191] {strides = array<i32>} : memref<128xi32, #tpu.memory_space<vmem>>, vector<16xi32>,
        %and3A_193 = arith.andi %get3A_192, %broadcast_in_dim3A_14 : vector<16xi32>
        %gather3A_194 = tpu.vector_load_idx %arg14[%add3A_190, %and3A_193] : memref<128x128xf32, #tpu.memory_space<vmem>>[vector<16xi32>, vector<16xi32>], vector<16xf32>,
        %exp3A_195 = math.exp %gather3A_194 : vector<16xf32>
        %swap3A_196 = arith.constant 64 : index
        %swap3A_197 = tpu.vector_load %arg15[%swap3A_196] {strides = array<i32>} : memref<128xf32, #tpu.memory_space<vmem>>, vector<16xf32>,
        tpu.vector_store %arg15[%swap3A_196], %exp3A_195 {strides = array<i32>} : memref<128xf32, #tpu.memory_space<vmem>>, vector<16xf32>,
        %iota3A_198 = tpu.iota {dimensions = array<i32: 0>} : vector<16xi32>
        %add3A_199 = arith.constant 80 : i32
        %add3A_200 = vector.broadcast %add3A_199 : i32 to vector<16xi32>
        %add3A_201 = arith.addi %iota3A_198, %add3A_200 : vector<16xi32>
        %get3A_202 = arith.constant 80 : index
        %get3A_203 = tpu.vector_load %arg10[%get3A_202] {strides = array<i32>} : memref<128xi32, #tpu.memory_space<vmem>>, vector<16xi32>,
        %and3A_204 = arith.andi %get3A_203, %broadcast_in_dim3A_14 : vector<16xi32>
        %gather3A_205 = tpu.vector_load_idx %arg14[%add3A_201, %and3A_204] : memref<128x128xf32, #tpu.memory_space<vmem>>[vector<16xi32>, vector<16xi32>], vector<16xf32>,
        %exp3A_206 = math.exp %gather3A_205 : vector<16xf32>
        %swap3A_207 = arith.constant 80 : index
        %swap3A_208 = tpu.vector_load %arg15[%swap3A_207] {strides = array<i32>} : memref<128xf32, #tpu.memory_space<vmem>>, vector<16xf32>,
        tpu.vector_store %arg15[%swap3A_207], %exp3A_206 {strides = array<i32>} : memref<128xf32, #tpu.memory_space<vmem>>, vector<16xf32>,
        %iota3A_209 = tpu.iota {dimensions = array<i32: 0>} : vector<16xi32>
        %add3A_210 = arith.constant 96 : i32
        %add3A_211 = vector.broadcast %add3A_210 : i32 to vector<16xi32>
        %add3A_212 = arith.addi %iota3A_209, %add3A_211 : vector<16xi32>
        %get3A_213 = arith.constant 96 : index
        %get3A_214 = tpu.vector_load %arg10[%get3A_213] {strides = array<i32>} : memref<128xi32, #tpu.memory_space<vmem>>, vector<16xi32>,
        %and3A_215 = arith.andi %get3A_214, %broadcast_in_dim3A_14 : vector<16xi32>
        %gather3A_216 = tpu.vector_load_idx %arg14[%add3A_212, %and3A_215] : memref<128x128xf32, #tpu.memory_space<vmem>>[vector<16xi32>, vector<16xi32>], vector<16xf32>,
        %exp3A_217 = math.exp %gather3A_216 : vector<16xf32>
        %swap3A_218 = arith.constant 96 : index
        %swap3A_219 = tpu.vector_load %arg15[%swap3A_218] {strides = array<i32>} : memref<128xf32, #tpu.memory_space<vmem>>, vector<16xf32>,
        tpu.vector_store %arg15[%swap3A_218], %exp3A_217 {strides = array<i32>} : memref<128xf32, #tpu.memory_space<vmem>>, vector<16xf32>,
        %iota3A_220 = tpu.iota {dimensions = array<i32: 0>} : vector<16xi32>
        %add3A_221 = arith.constant 112 : i32
        %add3A_222 = vector.broadcast %add3A_221 : i32 to vector<16xi32>
        %add3A_223 = arith.addi %iota3A_220, %add3A_222 : vector<16xi32>
        %get3A_224 = arith.constant 112 : index
        %get3A_225 = tpu.vector_load %arg10[%get3A_224] {strides = array<i32>} : memref<128xi32, #tpu.memory_space<vmem>>, vector<16xi32>,
        %and3A_226 = arith.andi %get3A_225, %broadcast_in_dim3A_14 : vector<16xi32>
        %gather3A_227 = tpu.vector_load_idx %arg14[%add3A_223, %and3A_226] : memref<128x128xf32, #tpu.memory_space<vmem>>[vector<16xi32>, vector<16xi32>], vector<16xf32>,
        %exp3A_228 = math.exp %gather3A_227 : vector<16xf32>
        %swap3A_229 = arith.constant 112 : index
        %swap3A_230 = tpu.vector_load %arg15[%swap3A_229] {strides = array<i32>} : memref<128xf32, #tpu.memory_space<vmem>>, vector<16xf32>,
        tpu.vector_store %arg15[%swap3A_229], %exp3A_228 {strides = array<i32>} : memref<128xf32, #tpu.memory_space<vmem>>, vector<16xf32>,
        "tpu.region"() ({
          %run_scoped3A_231 = tpu.sem_alloc : memref<!tpu.dma_semaphore, #tpu.memory_space<semaphore_mem>>
          %dma_start3A_232 = tpu.memref_slice %arg4[%mul3A_144] : memref<320000xf32, #tpu.memory_space<hbm>> -> memref<128xf32, #tpu.memory_space<hbm>>
          %dma_start3A_233 = tpu.memref_slice %arg4[%mul3A_144] : memref<320000xf32, #tpu.memory_space<hbm>> -> memref<128xf32, #tpu.memory_space<hbm>>
          tpu.enqueue_dma source(%arg15 : memref<128xf32, #tpu.memory_space<vmem>>) target(%dma_start3A_233 : memref<128xf32, #tpu.memory_space<hbm>>) target_semaphore(%run_scoped3A_231 : memref<!tpu.dma_semaphore, #tpu.memory_space<semaphore_mem>>)
          %dma_wait3A_234 = tpu.memref_slice %arg4[%mul3A_144] : memref<320000xf32, #tpu.memory_space<hbm>> -> memref<128xf32, #tpu.memory_space<hbm>>
          %dma_wait3A_235 = tpu.memref_slice %arg4[%mul3A_144] : memref<320000xf32, #tpu.memory_space<hbm>> -> memref<128xf32, #tpu.memory_space<hbm>>
          tpu.wait_dma2 semaphore(%run_scoped3A_231 : memref<!tpu.dma_semaphore, #tpu.memory_space<semaphore_mem>>) src(%arg15 : memref<128xf32, #tpu.memory_space<vmem>>) dst(%dma_wait3A_235 : memref<128xf32, #tpu.memory_space<hbm>>)
          tpu.yield
        }) : () -> ()
        "tpu.region"() ({
          %run_scoped3A_231 = tpu.sem_alloc : memref<!tpu.dma_semaphore, #tpu.memory_space<semaphore_mem>>
          %dma_start3A_232 = arith.constant 0 : i32
          %dma_start3A_233 = tpu.memref_slice %arg17[%dma_start3A_232] : memref<10240xf32, #tpu.memory_space<vmem_shared>> -> memref<10240xf32, #tpu.memory_space<vmem_shared>>
          tpu.enqueue_indirect_dma source(%arg15 : memref<128xf32, #tpu.memory_space<vmem>>) target(%dma_start3A_233 : memref<10240xf32, #tpu.memory_space<vmem_shared>>) offsets(%arg10 : memref<128xi32, #tpu.memory_space<vmem>>) semaphore(%run_scoped3A_231 : memref<!tpu.dma_semaphore, #tpu.memory_space<semaphore_mem>>) {add = true}
          %dma_wait3A_234 = arith.constant 0 : i32
          %dma_wait3A_235 = tpu.memref_slice %arg17[%dma_wait3A_234] : memref<10240xf32, #tpu.memory_space<vmem_shared>> -> memref<10240xf32, #tpu.memory_space<vmem_shared>>
          tpu.wait_indirect_dma semaphore(%run_scoped3A_231 : memref<!tpu.dma_semaphore, #tpu.memory_space<semaphore_mem>>) src(%arg15 : memref<128xf32, #tpu.memory_space<vmem>>) dst(%dma_wait3A_235 : memref<10240xf32, #tpu.memory_space<vmem_shared>>)
          tpu.yield
        }) : () -> ()
      } else {
      }
    }
    %scan3A_94 = arith.constant 40 : i32
    %barrier3A_95 = arith.constant 0 : index
    tpu.barrier barrier_id(%barrier3A_95)
    %mul3A_96 = arith.constant 640 : i32
    %mul3A_97 = arith.muli %arg1, %mul3A_96 : i32
    "tpu.region"() ({
      %run_scoped3A_105 = tpu.sem_alloc : memref<!tpu.dma_semaphore, #tpu.memory_space<semaphore_mem>>
      %dma_start3A_106 = tpu.memref_slice %arg17[%mul3A_97] : memref<10240xf32, #tpu.memory_space<vmem_shared>> -> memref<640xf32, #tpu.memory_space<vmem_shared>>
      %dma_start3A_107 = tpu.memref_slice %arg17[%mul3A_97] : memref<10240xf32, #tpu.memory_space<vmem_shared>> -> memref<640xf32, #tpu.memory_space<vmem_shared>>
      tpu.enqueue_dma source(%dma_start3A_107 : memref<640xf32, #tpu.memory_space<vmem_shared>>) target(%arg16 : memref<640xf32, #tpu.memory_space<vmem>>) target_semaphore(%run_scoped3A_105 : memref<!tpu.dma_semaphore, #tpu.memory_space<semaphore_mem>>)
      %dma_wait3A = tpu.memref_slice %arg17[%mul3A_97] : memref<10240xf32, #tpu.memory_space<vmem_shared>> -> memref<640xf32, #tpu.memory_space<vmem_shared>>
      %dma_wait3A_108 = tpu.memref_slice %arg17[%mul3A_97] : memref<10240xf32, #tpu.memory_space<vmem_shared>> -> memref<640xf32, #tpu.memory_space<vmem_shared>>
      tpu.wait_dma2 semaphore(%run_scoped3A_105 : memref<!tpu.dma_semaphore, #tpu.memory_space<semaphore_mem>>) src(%dma_wait3A_108 : memref<640xf32, #tpu.memory_space<vmem_shared>>) dst(%arg16 : memref<640xf32, #tpu.memory_space<vmem>>)
      tpu.yield
    }) : () -> ()
    %eq3A = arith.constant 0 : i32
    %eq3A_98 = arith.cmpi eq, %arg0, %eq3A : i32
    %convert_element_type3A = arith.extui %eq3A_98 : i1 to i32
    %cond3A = arith.constant 0 : i32
    %cond3A_99 = arith.cmpi ne, %convert_element_type3A, %cond3A : i32
    scf.if %cond3A_99 {
      %mul3A_105 = arith.constant 640 : i32
      %mul3A_106 = arith.muli %arg1, %mul3A_105 : i32
      "tpu.region"() ({
        %run_scoped3A_107 = tpu.sem_alloc : memref<!tpu.dma_semaphore, #tpu.memory_space<semaphore_mem>>
        %dma_start3A_108 = tpu.memref_slice %arg5[%mul3A_106] : memref<10240xf32, #tpu.memory_space<hbm>> -> memref<640xf32, #tpu.memory_space<hbm>>
        %dma_start3A_109 = tpu.memref_slice %arg5[%mul3A_106] : memref<10240xf32, #tpu.memory_space<hbm>> -> memref<640xf32, #tpu.memory_space<hbm>>
        tpu.enqueue_dma source(%arg16 : memref<640xf32, #tpu.memory_space<vmem>>) target(%dma_start3A_109 : memref<640xf32, #tpu.memory_space<hbm>>) target_semaphore(%run_scoped3A_107 : memref<!tpu.dma_semaphore, #tpu.memory_space<semaphore_mem>>)
        %dma_wait3A = tpu.memref_slice %arg5[%mul3A_106] : memref<10240xf32, #tpu.memory_space<hbm>> -> memref<640xf32, #tpu.memory_space<hbm>>
        %dma_wait3A_110 = tpu.memref_slice %arg5[%mul3A_106] : memref<10240xf32, #tpu.memory_space<hbm>> -> memref<640xf32, #tpu.memory_space<hbm>>
        tpu.wait_dma2 semaphore(%run_scoped3A_107 : memref<!tpu.dma_semaphore, #tpu.memory_space<semaphore_mem>>) src(%arg16 : memref<640xf32, #tpu.memory_space<vmem>>) dst(%dma_wait3A_110 : memref<640xf32, #tpu.memory_space<hbm>>)
        tpu.yield
      }) : () -> ()
    } else {
    }
    %eq3A_100 = arith.constant 1 : i32
    %eq3A_101 = arith.cmpi eq, %arg0, %eq3A_100 : i32
    %convert_element_type3A_102 = arith.extui %eq3A_101 : i1 to i32
    %cond3A_103 = arith.constant 0 : i32
    %cond3A_104 = arith.cmpi ne, %convert_element_type3A_102, %cond3A_103 : i32
    scf.if %cond3A_104 {
      %mul3A_105 = arith.constant 640 : i32
      %mul3A_106 = arith.muli %arg1, %mul3A_105 : i32
      "tpu.region"() ({
        %run_scoped3A_107 = tpu.sem_alloc : memref<!tpu.dma_semaphore, #tpu.memory_space<semaphore_mem>>
        %dma_start3A_108 = tpu.memref_slice %arg6[%mul3A_106] : memref<10240xf32, #tpu.memory_space<hbm>> -> memref<640xf32, #tpu.memory_space<hbm>>
        %dma_start3A_109 = tpu.memref_slice %arg6[%mul3A_106] : memref<10240xf32, #tpu.memory_space<hbm>> -> memref<640xf32, #tpu.memory_space<hbm>>
        tpu.enqueue_dma source(%arg16 : memref<640xf32, #tpu.memory_space<vmem>>) target(%dma_start3A_109 : memref<640xf32, #tpu.memory_space<hbm>>) target_semaphore(%run_scoped3A_107 : memref<!tpu.dma_semaphore, #tpu.memory_space<semaphore_mem>>)
        %dma_wait3A = tpu.memref_slice %arg6[%mul3A_106] : memref<10240xf32, #tpu.memory_space<hbm>> -> memref<640xf32, #tpu.memory_space<hbm>>
        %dma_wait3A_110 = tpu.memref_slice %arg6[%mul3A_106] : memref<10240xf32, #tpu.memory_space<hbm>> -> memref<640xf32, #tpu.memory_space<hbm>>
        tpu.wait_dma2 semaphore(%run_scoped3A_107 : memref<!tpu.dma_semaphore, #tpu.memory_space<semaphore_mem>>) src(%arg16 : memref<640xf32, #tpu.memory_space<vmem>>) dst(%dma_wait3A_110 : memref<640xf32, #tpu.memory_space<hbm>>)
        tpu.yield
      }) : () -> ()
    } else {
    }
    return
  }
}

#map = affine_map<(d0, d1) -> (0, 0)>
#map1 = affine_map<(d0, d1) -> (0)>
module attributes {stable_mosaic.version = 14 : i64} {
  func.func @k2(%arg0: i32, %arg1: i32, %arg2: memref<10000x128xf32, #tpu.memory_space<hbm>>, %arg3: memref<2x320000xi32, #tpu.memory_space<hbm>>, %arg4: memref<320000xf32, #tpu.memory_space<hbm>>, %arg5: memref<10240xf32, #tpu.memory_space<hbm>>, %arg6: memref<10240x128xf32, #tpu.memory_space<hbm>>, %arg7: memref<10240x128xf32, #tpu.memory_space<hbm>>, %arg8: memref<128xi32, #tpu.memory_space<vmem>>, %arg9: memref<128xi32, #tpu.memory_space<vmem>>, %arg10: memref<128xi32, #tpu.memory_space<vmem>>, %arg11: memref<128xi32, #tpu.memory_space<vmem>>, %arg12: memref<128xf32, #tpu.memory_space<vmem>>, %arg13: memref<128xf32, #tpu.memory_space<vmem>>, %arg14: memref<128xf32, #tpu.memory_space<vmem>>, %arg15: memref<128xf32, #tpu.memory_space<vmem>>, %arg16: memref<128x128xf32, #tpu.memory_space<vmem>>, %arg17: memref<128x128xf32, #tpu.memory_space<vmem>>, %arg18: memref<128xf32, #tpu.memory_space<vmem>>, %arg19: memref<10240x128xf32, #tpu.memory_space<vmem_shared>>, %arg20: memref<!tpu.dma_semaphore, #tpu.memory_space<semaphore_mem>>, %arg21: memref<!tpu.dma_semaphore, #tpu.memory_space<semaphore_mem>>, %arg22: memref<!tpu.dma_semaphore, #tpu.memory_space<semaphore_mem>>, %arg23: memref<!tpu.dma_semaphore, #tpu.memory_space<semaphore_mem>>, %arg24: memref<!tpu.dma_semaphore, #tpu.memory_space<semaphore_mem>>, %arg25: memref<!tpu.dma_semaphore, #tpu.memory_space<semaphore_mem>>) attributes {dimension_semantics = [#tpu.dimension_semantics<core_parallel>, #tpu.dimension_semantics<subcore_parallel>], iteration_bounds = array<i64: 2, 16>, scalar_prefetch = 0 : i64, scratch_operands = 18 : i64, tpu.core_type = #tpu.core_type<sc_vector_subcore>, window_params = [{transform_indices = #map}, {transform_indices = #map}, {transform_indices = #map1}, {transform_indices = #map1}, {transform_indices = #map}, {transform_indices = #map}]} {
    %mul3A = arith.constant 16 : i32
    %mul3A_0 = arith.muli %arg0, %mul3A : i32
    %add3A = arith.addi %mul3A_0, %arg1 : i32
    %broadcast_in_dim3A = arith.constant 0.000000e+00 : f32
    %broadcast_in_dim3A_1 = vector.broadcast %broadcast_in_dim3A : f32 to vector<16xf32>
    %scan3A = arith.constant 0 : i32
    %scan3A_2 = arith.constant 0 : i32
    %scan3A_3 = arith.constant 1024 : i32
    %scan3A_4 = arith.addi %scan3A_2, %scan3A_3 : i32
    %scan3A_5 = arith.constant 1 : i32
    scf.for %scan3A_191 = %scan3A_2 to %scan3A_4 step %scan3A_5  : i32 {
      %jit3A = arith.constant 8 : i32
      %div3A_192 = arith.divsi %scan3A_191, %jit3A : i32
      %sign3A = arith.constant 0 : i32
      %sign3A_193 = arith.cmpi sgt, %scan3A_191, %sign3A : i32
      %sign3A_194 = arith.extui %sign3A_193 : i1 to i32
      %sign3A_195 = arith.constant 0 : i32
      %sign3A_196 = arith.cmpi slt, %scan3A_191, %sign3A_195 : i32
      %sign3A_197 = arith.extui %sign3A_196 : i1 to i32
      %sign3A_198 = arith.subi %sign3A_194, %sign3A_197 : i32
      %sign3A_199 = arith.constant 0 : i32
      %sign3A_200 = arith.cmpi sgt, %jit3A, %sign3A_199 : i32
      %sign3A_201 = arith.extui %sign3A_200 : i1 to i32
      %sign3A_202 = arith.constant 0 : i32
      %sign3A_203 = arith.cmpi slt, %jit3A, %sign3A_202 : i32
      %sign3A_204 = arith.extui %sign3A_203 : i1 to i32
      %sign3A_205 = arith.subi %sign3A_201, %sign3A_204 : i32
      %ne3A = arith.cmpi ne, %sign3A_198, %sign3A_205 : i32
      %rem3A = arith.remsi %scan3A_191, %jit3A : i32
      %ne3A_206 = arith.constant 0 : i32
      %ne3A_207 = arith.cmpi ne, %rem3A, %ne3A_206 : i32
      %and3A = arith.andi %ne3A, %ne3A_207 : i1
      %sub3A = arith.constant 1 : i32
      %sub3A_208 = arith.subi %div3A_192, %sub3A : i32
      %select_n3A = arith.select %and3A, %sub3A_208, %div3A_192 : i32
      %jit3A_209 = arith.constant 8 : i32
      %eq3A_210 = arith.constant 0 : i32
      %eq3A_211 = arith.cmpi eq, %jit3A_209, %eq3A_210 : i32
      %jit3A_212 = arith.constant 1 : i32
      %select_n3A_213 = arith.select %eq3A_211, %jit3A_212, %jit3A_209 : i32
      %rem3A_214 = arith.remsi %scan3A_191, %select_n3A_213 : i32
      %ne3A_215 = arith.constant 0 : i32
      %ne3A_216 = arith.cmpi ne, %rem3A_214, %ne3A_215 : i32
      %lt3A_217 = arith.constant 0 : i32
      %lt3A_218 = arith.cmpi slt, %rem3A_214, %lt3A_217 : i32
      %lt3A_219 = arith.constant 0 : i32
      %lt3A_220 = arith.cmpi slt, %select_n3A_213, %lt3A_219 : i32
      %ne3A_221 = arith.xori %lt3A_218, %lt3A_220 : i1
      %and3A_222 = arith.andi %ne3A_221, %ne3A_216 : i1
      %add3A_223 = arith.addi %rem3A_214, %select_n3A_213 : i32
      %select_n3A_224 = arith.select %and3A_222, %add3A_223, %rem3A_214 : i32
      %mul3A_225 = arith.constant 16 : i32
      %mul3A_226 = arith.muli %select_n3A_224, %mul3A_225 : i32
      %swap3A_227 = arith.index_cast %select_n3A : i32 to index
      %swap3A_228 = arith.index_cast %mul3A_226 : i32 to index
      %swap3A_229 = tpu.vector_load %arg16[%swap3A_227, %swap3A_228] {strides = array<i32>} : memref<128x128xf32, #tpu.memory_space<vmem>>, vector<16xf32>,
      tpu.vector_store %arg16[%swap3A_227, %swap3A_228], %broadcast_in_dim3A_1 {strides = array<i32>} : memref<128x128xf32, #tpu.memory_space<vmem>>, vector<16xf32>,
    }
    %scan3A_6 = arith.constant 1024 : i32
    %mul3A_7 = arith.constant 640 : i32
    %mul3A_8 = arith.muli %arg1, %mul3A_7 : i32
    %add3A_9 = arith.constant 0 : i32
    %add3A_10 = arith.addi %mul3A_8, %add3A_9 : i32
    "tpu.region"() ({
      %run_scoped3A_191 = tpu.sem_alloc : memref<!tpu.dma_semaphore, #tpu.memory_space<semaphore_mem>>
      %dma_start3A_192 = arith.constant 0 : i32
      %dma_start3A_193 = tpu.memref_slice %arg19[%add3A_10, %dma_start3A_192] : memref<10240x128xf32, #tpu.memory_space<vmem_shared>> -> memref<128x128xf32, #tpu.memory_space<vmem_shared>>
      %dma_start3A_194 = arith.constant 0 : i32
      %dma_start3A_195 = tpu.memref_slice %arg19[%add3A_10, %dma_start3A_194] : memref<10240x128xf32, #tpu.memory_space<vmem_shared>> -> memref<128x128xf32, #tpu.memory_space<vmem_shared>>
      tpu.enqueue_dma source(%arg16 : memref<128x128xf32, #tpu.memory_space<vmem>>) target(%dma_start3A_195 : memref<128x128xf32, #tpu.memory_space<vmem_shared>>) target_semaphore(%run_scoped3A_191 : memref<!tpu.dma_semaphore, #tpu.memory_space<semaphore_mem>>)
      %dma_wait3A_196 = arith.constant 0 : i32
      %dma_wait3A_197 = tpu.memref_slice %arg19[%add3A_10, %dma_wait3A_196] : memref<10240x128xf32, #tpu.memory_space<vmem_shared>> -> memref<128x128xf32, #tpu.memory_space<vmem_shared>>
      %dma_wait3A_198 = arith.constant 0 : i32
      %dma_wait3A_199 = tpu.memref_slice %arg19[%add3A_10, %dma_wait3A_198] : memref<10240x128xf32, #tpu.memory_space<vmem_shared>> -> memref<128x128xf32, #tpu.memory_space<vmem_shared>>
      tpu.wait_dma2 semaphore(%run_scoped3A_191 : memref<!tpu.dma_semaphore, #tpu.memory_space<semaphore_mem>>) src(%arg16 : memref<128x128xf32, #tpu.memory_space<vmem>>) dst(%dma_wait3A_199 : memref<128x128xf32, #tpu.memory_space<vmem_shared>>)
      tpu.yield
    }) : () -> ()
    %mul3A_11 = arith.constant 640 : i32
    %mul3A_12 = arith.muli %arg1, %mul3A_11 : i32
    %add3A_13 = arith.constant 128 : i32
    %add3A_14 = arith.addi %mul3A_12, %add3A_13 : i32
    "tpu.region"() ({
      %run_scoped3A_191 = tpu.sem_alloc : memref<!tpu.dma_semaphore, #tpu.memory_space<semaphore_mem>>
      %dma_start3A_192 = arith.constant 0 : i32
      %dma_start3A_193 = tpu.memref_slice %arg19[%add3A_14, %dma_start3A_192] : memref<10240x128xf32, #tpu.memory_space<vmem_shared>> -> memref<128x128xf32, #tpu.memory_space<vmem_shared>>
      %dma_start3A_194 = arith.constant 0 : i32
      %dma_start3A_195 = tpu.memref_slice %arg19[%add3A_14, %dma_start3A_194] : memref<10240x128xf32, #tpu.memory_space<vmem_shared>> -> memref<128x128xf32, #tpu.memory_space<vmem_shared>>
      tpu.enqueue_dma source(%arg16 : memref<128x128xf32, #tpu.memory_space<vmem>>) target(%dma_start3A_195 : memref<128x128xf32, #tpu.memory_space<vmem_shared>>) target_semaphore(%run_scoped3A_191 : memref<!tpu.dma_semaphore, #tpu.memory_space<semaphore_mem>>)
      %dma_wait3A_196 = arith.constant 0 : i32
      %dma_wait3A_197 = tpu.memref_slice %arg19[%add3A_14, %dma_wait3A_196] : memref<10240x128xf32, #tpu.memory_space<vmem_shared>> -> memref<128x128xf32, #tpu.memory_space<vmem_shared>>
      %dma_wait3A_198 = arith.constant 0 : i32
      %dma_wait3A_199 = tpu.memref_slice %arg19[%add3A_14, %dma_wait3A_198] : memref<10240x128xf32, #tpu.memory_space<vmem_shared>> -> memref<128x128xf32, #tpu.memory_space<vmem_shared>>
      tpu.wait_dma2 semaphore(%run_scoped3A_191 : memref<!tpu.dma_semaphore, #tpu.memory_space<semaphore_mem>>) src(%arg16 : memref<128x128xf32, #tpu.memory_space<vmem>>) dst(%dma_wait3A_199 : memref<128x128xf32, #tpu.memory_space<vmem_shared>>)
      tpu.yield
    }) : () -> ()
    %mul3A_15 = arith.constant 640 : i32
    %mul3A_16 = arith.muli %arg1, %mul3A_15 : i32
    %add3A_17 = arith.constant 256 : i32
    %add3A_18 = arith.addi %mul3A_16, %add3A_17 : i32
    "tpu.region"() ({
      %run_scoped3A_191 = tpu.sem_alloc : memref<!tpu.dma_semaphore, #tpu.memory_space<semaphore_mem>>
      %dma_start3A_192 = arith.constant 0 : i32
      %dma_start3A_193 = tpu.memref_slice %arg19[%add3A_18, %dma_start3A_192] : memref<10240x128xf32, #tpu.memory_space<vmem_shared>> -> memref<128x128xf32, #tpu.memory_space<vmem_shared>>
      %dma_start3A_194 = arith.constant 0 : i32
      %dma_start3A_195 = tpu.memref_slice %arg19[%add3A_18, %dma_start3A_194] : memref<10240x128xf32, #tpu.memory_space<vmem_shared>> -> memref<128x128xf32, #tpu.memory_space<vmem_shared>>
      tpu.enqueue_dma source(%arg16 : memref<128x128xf32, #tpu.memory_space<vmem>>) target(%dma_start3A_195 : memref<128x128xf32, #tpu.memory_space<vmem_shared>>) target_semaphore(%run_scoped3A_191 : memref<!tpu.dma_semaphore, #tpu.memory_space<semaphore_mem>>)
      %dma_wait3A_196 = arith.constant 0 : i32
      %dma_wait3A_197 = tpu.memref_slice %arg19[%add3A_18, %dma_wait3A_196] : memref<10240x128xf32, #tpu.memory_space<vmem_shared>> -> memref<128x128xf32, #tpu.memory_space<vmem_shared>>
      %dma_wait3A_198 = arith.constant 0 : i32
      %dma_wait3A_199 = tpu.memref_slice %arg19[%add3A_18, %dma_wait3A_198] : memref<10240x128xf32, #tpu.memory_space<vmem_shared>> -> memref<128x128xf32, #tpu.memory_space<vmem_shared>>
      tpu.wait_dma2 semaphore(%run_scoped3A_191 : memref<!tpu.dma_semaphore, #tpu.memory_space<semaphore_mem>>) src(%arg16 : memref<128x128xf32, #tpu.memory_space<vmem>>) dst(%dma_wait3A_199 : memref<128x128xf32, #tpu.memory_space<vmem_shared>>)
      tpu.yield
    }) : () -> ()
    %mul3A_19 = arith.constant 640 : i32
    %mul3A_20 = arith.muli %arg1, %mul3A_19 : i32
    %add3A_21 = arith.constant 384 : i32
    %add3A_22 = arith.addi %mul3A_20, %add3A_21 : i32
    "tpu.region"() ({
      %run_scoped3A_191 = tpu.sem_alloc : memref<!tpu.dma_semaphore, #tpu.memory_space<semaphore_mem>>
      %dma_start3A_192 = arith.constant 0 : i32
      %dma_start3A_193 = tpu.memref_slice %arg19[%add3A_22, %dma_start3A_192] : memref<10240x128xf32, #tpu.memory_space<vmem_shared>> -> memref<128x128xf32, #tpu.memory_space<vmem_shared>>
      %dma_start3A_194 = arith.constant 0 : i32
      %dma_start3A_195 = tpu.memref_slice %arg19[%add3A_22, %dma_start3A_194] : memref<10240x128xf32, #tpu.memory_space<vmem_shared>> -> memref<128x128xf32, #tpu.memory_space<vmem_shared>>
      tpu.enqueue_dma source(%arg16 : memref<128x128xf32, #tpu.memory_space<vmem>>) target(%dma_start3A_195 : memref<128x128xf32, #tpu.memory_space<vmem_shared>>) target_semaphore(%run_scoped3A_191 : memref<!tpu.dma_semaphore, #tpu.memory_space<semaphore_mem>>)
      %dma_wait3A_196 = arith.constant 0 : i32
      %dma_wait3A_197 = tpu.memref_slice %arg19[%add3A_22, %dma_wait3A_196] : memref<10240x128xf32, #tpu.memory_space<vmem_shared>> -> memref<128x128xf32, #tpu.memory_space<vmem_shared>>
      %dma_wait3A_198 = arith.constant 0 : i32
      %dma_wait3A_199 = tpu.memref_slice %arg19[%add3A_22, %dma_wait3A_198] : memref<10240x128xf32, #tpu.memory_space<vmem_shared>> -> memref<128x128xf32, #tpu.memory_space<vmem_shared>>
      tpu.wait_dma2 semaphore(%run_scoped3A_191 : memref<!tpu.dma_semaphore, #tpu.memory_space<semaphore_mem>>) src(%arg16 : memref<128x128xf32, #tpu.memory_space<vmem>>) dst(%dma_wait3A_199 : memref<128x128xf32, #tpu.memory_space<vmem_shared>>)
      tpu.yield
    }) : () -> ()
    %mul3A_23 = arith.constant 640 : i32
    %mul3A_24 = arith.muli %arg1, %mul3A_23 : i32
    %add3A_25 = arith.constant 512 : i32
    %add3A_26 = arith.addi %mul3A_24, %add3A_25 : i32
    "tpu.region"() ({
      %run_scoped3A_191 = tpu.sem_alloc : memref<!tpu.dma_semaphore, #tpu.memory_space<semaphore_mem>>
      %dma_start3A_192 = arith.constant 0 : i32
      %dma_start3A_193 = tpu.memref_slice %arg19[%add3A_26, %dma_start3A_192] : memref<10240x128xf32, #tpu.memory_space<vmem_shared>> -> memref<128x128xf32, #tpu.memory_space<vmem_shared>>
      %dma_start3A_194 = arith.constant 0 : i32
      %dma_start3A_195 = tpu.memref_slice %arg19[%add3A_26, %dma_start3A_194] : memref<10240x128xf32, #tpu.memory_space<vmem_shared>> -> memref<128x128xf32, #tpu.memory_space<vmem_shared>>
      tpu.enqueue_dma source(%arg16 : memref<128x128xf32, #tpu.memory_space<vmem>>) target(%dma_start3A_195 : memref<128x128xf32, #tpu.memory_space<vmem_shared>>) target_semaphore(%run_scoped3A_191 : memref<!tpu.dma_semaphore, #tpu.memory_space<semaphore_mem>>)
      %dma_wait3A_196 = arith.constant 0 : i32
      %dma_wait3A_197 = tpu.memref_slice %arg19[%add3A_26, %dma_wait3A_196] : memref<10240x128xf32, #tpu.memory_space<vmem_shared>> -> memref<128x128xf32, #tpu.memory_space<vmem_shared>>
      %dma_wait3A_198 = arith.constant 0 : i32
      %dma_wait3A_199 = tpu.memref_slice %arg19[%add3A_26, %dma_wait3A_198] : memref<10240x128xf32, #tpu.memory_space<vmem_shared>> -> memref<128x128xf32, #tpu.memory_space<vmem_shared>>
      tpu.wait_dma2 semaphore(%run_scoped3A_191 : memref<!tpu.dma_semaphore, #tpu.memory_space<semaphore_mem>>) src(%arg16 : memref<128x128xf32, #tpu.memory_space<vmem>>) dst(%dma_wait3A_199 : memref<128x128xf32, #tpu.memory_space<vmem_shared>>)
      tpu.yield
    }) : () -> ()
    %barrier3A = arith.constant 0 : index
    tpu.barrier barrier_id(%barrier3A)
    %mul3A_27 = arith.constant 128 : i32
    %mul3A_28 = arith.muli %add3A, %mul3A_27 : i32
    %run_scoped3A = arith.constant 0 : i32
    "tpu.region"() ({
      %run_scoped3A_191 = tpu.sem_alloc : memref<!tpu.dma_semaphore, #tpu.memory_space<semaphore_mem>>
      %dma_start3A_192 = tpu.memref_slice %arg3[%run_scoped3A, %mul3A_28] : memref<2x320000xi32, #tpu.memory_space<hbm>> -> memref<1x128xi32, #tpu.memory_space<hbm>>
      %dma_start3A_193 = tpu.memref_squeeze %dma_start3A_192 : memref<1x128xi32, #tpu.memory_space<hbm>> -> memref<128xi32, #tpu.memory_space<hbm>>
      %dma_start3A_194 = tpu.memref_slice %arg3[%run_scoped3A, %mul3A_28] : memref<2x320000xi32, #tpu.memory_space<hbm>> -> memref<1x128xi32, #tpu.memory_space<hbm>>
      %dma_start3A_195 = tpu.memref_squeeze %dma_start3A_194 : memref<1x128xi32, #tpu.memory_space<hbm>> -> memref<128xi32, #tpu.memory_space<hbm>>
      tpu.enqueue_dma source(%dma_start3A_195 : memref<128xi32, #tpu.memory_space<hbm>>) target(%arg8 : memref<128xi32, #tpu.memory_space<vmem>>) target_semaphore(%run_scoped3A_191 : memref<!tpu.dma_semaphore, #tpu.memory_space<semaphore_mem>>)
      %dma_wait3A_196 = tpu.memref_slice %arg3[%run_scoped3A, %mul3A_28] : memref<2x320000xi32, #tpu.memory_space<hbm>> -> memref<1x128xi32, #tpu.memory_space<hbm>>
      %dma_wait3A_197 = tpu.memref_squeeze %dma_wait3A_196 : memref<1x128xi32, #tpu.memory_space<hbm>> -> memref<128xi32, #tpu.memory_space<hbm>>
      %dma_wait3A_198 = tpu.memref_slice %arg3[%run_scoped3A, %mul3A_28] : memref<2x320000xi32, #tpu.memory_space<hbm>> -> memref<1x128xi32, #tpu.memory_space<hbm>>
      %dma_wait3A_199 = tpu.memref_squeeze %dma_wait3A_198 : memref<1x128xi32, #tpu.memory_space<hbm>> -> memref<128xi32, #tpu.memory_space<hbm>>
      tpu.wait_dma2 semaphore(%run_scoped3A_191 : memref<!tpu.dma_semaphore, #tpu.memory_space<semaphore_mem>>) src(%dma_wait3A_199 : memref<128xi32, #tpu.memory_space<hbm>>) dst(%arg8 : memref<128xi32, #tpu.memory_space<vmem>>)
      tpu.yield
    }) : () -> ()
    %run_scoped3A_29 = arith.constant 1 : i32
    "tpu.region"() ({
      %run_scoped3A_191 = tpu.sem_alloc : memref<!tpu.dma_semaphore, #tpu.memory_space<semaphore_mem>>
      %dma_start3A_192 = tpu.memref_slice %arg3[%run_scoped3A_29, %mul3A_28] : memref<2x320000xi32, #tpu.memory_space<hbm>> -> memref<1x128xi32, #tpu.memory_space<hbm>>
      %dma_start3A_193 = tpu.memref_squeeze %dma_start3A_192 : memref<1x128xi32, #tpu.memory_space<hbm>> -> memref<128xi32, #tpu.memory_space<hbm>>
      %dma_start3A_194 = tpu.memref_slice %arg3[%run_scoped3A_29, %mul3A_28] : memref<2x320000xi32, #tpu.memory_space<hbm>> -> memref<1x128xi32, #tpu.memory_space<hbm>>
      %dma_start3A_195 = tpu.memref_squeeze %dma_start3A_194 : memref<1x128xi32, #tpu.memory_space<hbm>> -> memref<128xi32, #tpu.memory_space<hbm>>
      tpu.enqueue_dma source(%dma_start3A_195 : memref<128xi32, #tpu.memory_space<hbm>>) target(%arg10 : memref<128xi32, #tpu.memory_space<vmem>>) target_semaphore(%run_scoped3A_191 : memref<!tpu.dma_semaphore, #tpu.memory_space<semaphore_mem>>)
      %dma_wait3A_196 = tpu.memref_slice %arg3[%run_scoped3A_29, %mul3A_28] : memref<2x320000xi32, #tpu.memory_space<hbm>> -> memref<1x128xi32, #tpu.memory_space<hbm>>
      %dma_wait3A_197 = tpu.memref_squeeze %dma_wait3A_196 : memref<1x128xi32, #tpu.memory_space<hbm>> -> memref<128xi32, #tpu.memory_space<hbm>>
      %dma_wait3A_198 = tpu.memref_slice %arg3[%run_scoped3A_29, %mul3A_28] : memref<2x320000xi32, #tpu.memory_space<hbm>> -> memref<1x128xi32, #tpu.memory_space<hbm>>
      %dma_wait3A_199 = tpu.memref_squeeze %dma_wait3A_198 : memref<1x128xi32, #tpu.memory_space<hbm>> -> memref<128xi32, #tpu.memory_space<hbm>>
      tpu.wait_dma2 semaphore(%run_scoped3A_191 : memref<!tpu.dma_semaphore, #tpu.memory_space<semaphore_mem>>) src(%dma_wait3A_199 : memref<128xi32, #tpu.memory_space<hbm>>) dst(%arg10 : memref<128xi32, #tpu.memory_space<vmem>>)
      tpu.yield
    }) : () -> ()
    "tpu.region"() ({
      %run_scoped3A_191 = tpu.sem_alloc : memref<!tpu.dma_semaphore, #tpu.memory_space<semaphore_mem>>
      %dma_start3A_192 = tpu.memref_slice %arg4[%mul3A_28] : memref<320000xf32, #tpu.memory_space<hbm>> -> memref<128xf32, #tpu.memory_space<hbm>>
      %dma_start3A_193 = tpu.memref_slice %arg4[%mul3A_28] : memref<320000xf32, #tpu.memory_space<hbm>> -> memref<128xf32, #tpu.memory_space<hbm>>
      tpu.enqueue_dma source(%dma_start3A_193 : memref<128xf32, #tpu.memory_space<hbm>>) target(%arg12 : memref<128xf32, #tpu.memory_space<vmem>>) target_semaphore(%run_scoped3A_191 : memref<!tpu.dma_semaphore, #tpu.memory_space<semaphore_mem>>)
      %dma_wait3A_194 = tpu.memref_slice %arg4[%mul3A_28] : memref<320000xf32, #tpu.memory_space<hbm>> -> memref<128xf32, #tpu.memory_space<hbm>>
      %dma_wait3A_195 = tpu.memref_slice %arg4[%mul3A_28] : memref<320000xf32, #tpu.memory_space<hbm>> -> memref<128xf32, #tpu.memory_space<hbm>>
      tpu.wait_dma2 semaphore(%run_scoped3A_191 : memref<!tpu.dma_semaphore, #tpu.memory_space<semaphore_mem>>) src(%dma_wait3A_195 : memref<128xf32, #tpu.memory_space<hbm>>) dst(%arg12 : memref<128xf32, #tpu.memory_space<vmem>>)
      tpu.yield
    }) : () -> ()
    %dma_start3A = arith.constant 0 : i32
    %dma_start3A_30 = tpu.memref_slice %arg5[%dma_start3A] : memref<10240xf32, #tpu.memory_space<hbm>> -> memref<10240xf32, #tpu.memory_space<hbm>>
    tpu.enqueue_indirect_dma source(%dma_start3A_30 : memref<10240xf32, #tpu.memory_space<hbm>>) target(%arg14 : memref<128xf32, #tpu.memory_space<vmem>>) offsets(%arg10 : memref<128xi32, #tpu.memory_space<vmem>>) semaphore(%arg22 : memref<!tpu.dma_semaphore, #tpu.memory_space<semaphore_mem>>)
    %dma_start3A_31 = arith.constant 0 : i32
    %dma_start3A_32 = arith.constant 0 : i32
    %dma_start3A_33 = tpu.memref_slice %arg2[%dma_start3A_31, %dma_start3A_32] : memref<10000x128xf32, #tpu.memory_space<hbm>> -> memref<10000x128xf32, #tpu.memory_space<hbm>>
    tpu.enqueue_indirect_dma source(%dma_start3A_33 : memref<10000x128xf32, #tpu.memory_space<hbm>>) target(%arg16 : memref<128x128xf32, #tpu.memory_space<vmem>>) offsets(%arg8 : memref<128xi32, #tpu.memory_space<vmem>>) semaphore(%arg20 : memref<!tpu.dma_semaphore, #tpu.memory_space<semaphore_mem>>)
    %add3A_34 = arith.constant 32 : i32
    %add3A_35 = arith.addi %add3A, %add3A_34 : i32
    %lt3A = arith.constant 2500 : i32
    %lt3A_36 = arith.cmpi slt, %add3A_35, %lt3A : i32
    %convert_element_type3A = arith.extui %lt3A_36 : i1 to i32
    %cond3A = arith.constant 0 : i32
    %cond3A_37 = arith.cmpi ne, %convert_element_type3A, %cond3A : i32
    scf.if %cond3A_37 {
      %mul3A_191 = arith.constant 128 : i32
      %mul3A_192 = arith.muli %add3A_35, %mul3A_191 : i32
      %run_scoped3A_193 = arith.constant 0 : i32
      "tpu.region"() ({
        %run_scoped3A_200 = tpu.sem_alloc : memref<!tpu.dma_semaphore, #tpu.memory_space<semaphore_mem>>
        %dma_start3A_201 = tpu.memref_slice %arg3[%run_scoped3A_193, %mul3A_192] : memref<2x320000xi32, #tpu.memory_space<hbm>> -> memref<1x128xi32, #tpu.memory_space<hbm>>
        %dma_start3A_202 = tpu.memref_squeeze %dma_start3A_201 : memref<1x128xi32, #tpu.memory_space<hbm>> -> memref<128xi32, #tpu.memory_space<hbm>>
        %dma_start3A_203 = tpu.memref_slice %arg3[%run_scoped3A_193, %mul3A_192] : memref<2x320000xi32, #tpu.memory_space<hbm>> -> memref<1x128xi32, #tpu.memory_space<hbm>>
        %dma_start3A_204 = tpu.memref_squeeze %dma_start3A_203 : memref<1x128xi32, #tpu.memory_space<hbm>> -> memref<128xi32, #tpu.memory_space<hbm>>
        tpu.enqueue_dma source(%dma_start3A_204 : memref<128xi32, #tpu.memory_space<hbm>>) target(%arg9 : memref<128xi32, #tpu.memory_space<vmem>>) target_semaphore(%run_scoped3A_200 : memref<!tpu.dma_semaphore, #tpu.memory_space<semaphore_mem>>)
        %dma_wait3A_205 = tpu.memref_slice %arg3[%run_scoped3A_193, %mul3A_192] : memref<2x320000xi32, #tpu.memory_space<hbm>> -> memref<1x128xi32, #tpu.memory_space<hbm>>
        %dma_wait3A_206 = tpu.memref_squeeze %dma_wait3A_205 : memref<1x128xi32, #tpu.memory_space<hbm>> -> memref<128xi32, #tpu.memory_space<hbm>>
        %dma_wait3A_207 = tpu.memref_slice %arg3[%run_scoped3A_193, %mul3A_192] : memref<2x320000xi32, #tpu.memory_space<hbm>> -> memref<1x128xi32, #tpu.memory_space<hbm>>
        %dma_wait3A_208 = tpu.memref_squeeze %dma_wait3A_207 : memref<1x128xi32, #tpu.memory_space<hbm>> -> memref<128xi32, #tpu.memory_space<hbm>>
        tpu.wait_dma2 semaphore(%run_scoped3A_200 : memref<!tpu.dma_semaphore, #tpu.memory_space<semaphore_mem>>) src(%dma_wait3A_208 : memref<128xi32, #tpu.memory_space<hbm>>) dst(%arg9 : memref<128xi32, #tpu.memory_space<vmem>>)
        tpu.yield
      }) : () -> ()
      %run_scoped3A_194 = arith.constant 1 : i32
      "tpu.region"() ({
        %run_scoped3A_200 = tpu.sem_alloc : memref<!tpu.dma_semaphore, #tpu.memory_space<semaphore_mem>>
        %dma_start3A_201 = tpu.memref_slice %arg3[%run_scoped3A_194, %mul3A_192] : memref<2x320000xi32, #tpu.memory_space<hbm>> -> memref<1x128xi32, #tpu.memory_space<hbm>>
        %dma_start3A_202 = tpu.memref_squeeze %dma_start3A_201 : memref<1x128xi32, #tpu.memory_space<hbm>> -> memref<128xi32, #tpu.memory_space<hbm>>
        %dma_start3A_203 = tpu.memref_slice %arg3[%run_scoped3A_194, %mul3A_192] : memref<2x320000xi32, #tpu.memory_space<hbm>> -> memref<1x128xi32, #tpu.memory_space<hbm>>
        %dma_start3A_204 = tpu.memref_squeeze %dma_start3A_203 : memref<1x128xi32, #tpu.memory_space<hbm>> -> memref<128xi32, #tpu.memory_space<hbm>>
        tpu.enqueue_dma source(%dma_start3A_204 : memref<128xi32, #tpu.memory_space<hbm>>) target(%arg11 : memref<128xi32, #tpu.memory_space<vmem>>) target_semaphore(%run_scoped3A_200 : memref<!tpu.dma_semaphore, #tpu.memory_space<semaphore_mem>>)
        %dma_wait3A_205 = tpu.memref_slice %arg3[%run_scoped3A_194, %mul3A_192] : memref<2x320000xi32, #tpu.memory_space<hbm>> -> memref<1x128xi32, #tpu.memory_space<hbm>>
        %dma_wait3A_206 = tpu.memref_squeeze %dma_wait3A_205 : memref<1x128xi32, #tpu.memory_space<hbm>> -> memref<128xi32, #tpu.memory_space<hbm>>
        %dma_wait3A_207 = tpu.memref_slice %arg3[%run_scoped3A_194, %mul3A_192] : memref<2x320000xi32, #tpu.memory_space<hbm>> -> memref<1x128xi32, #tpu.memory_space<hbm>>
        %dma_wait3A_208 = tpu.memref_squeeze %dma_wait3A_207 : memref<1x128xi32, #tpu.memory_space<hbm>> -> memref<128xi32, #tpu.memory_space<hbm>>
        tpu.wait_dma2 semaphore(%run_scoped3A_200 : memref<!tpu.dma_semaphore, #tpu.memory_space<semaphore_mem>>) src(%dma_wait3A_208 : memref<128xi32, #tpu.memory_space<hbm>>) dst(%arg11 : memref<128xi32, #tpu.memory_space<vmem>>)
        tpu.yield
      }) : () -> ()
      "tpu.region"() ({
        %run_scoped3A_200 = tpu.sem_alloc : memref<!tpu.dma_semaphore, #tpu.memory_space<semaphore_mem>>
        %dma_start3A_201 = tpu.memref_slice %arg4[%mul3A_192] : memref<320000xf32, #tpu.memory_space<hbm>> -> memref<128xf32, #tpu.memory_space<hbm>>
        %dma_start3A_202 = tpu.memref_slice %arg4[%mul3A_192] : memref<320000xf32, #tpu.memory_space<hbm>> -> memref<128xf32, #tpu.memory_space<hbm>>
        tpu.enqueue_dma source(%dma_start3A_202 : memref<128xf32, #tpu.memory_space<hbm>>) target(%arg13 : memref<128xf32, #tpu.memory_space<vmem>>) target_semaphore(%run_scoped3A_200 : memref<!tpu.dma_semaphore, #tpu.memory_space<semaphore_mem>>)
        %dma_wait3A_203 = tpu.memref_slice %arg4[%mul3A_192] : memref<320000xf32, #tpu.memory_space<hbm>> -> memref<128xf32, #tpu.memory_space<hbm>>
        %dma_wait3A_204 = tpu.memref_slice %arg4[%mul3A_192] : memref<320000xf32, #tpu.memory_space<hbm>> -> memref<128xf32, #tpu.memory_space<hbm>>
        tpu.wait_dma2 semaphore(%run_scoped3A_200 : memref<!tpu.dma_semaphore, #tpu.memory_space<semaphore_mem>>) src(%dma_wait3A_204 : memref<128xf32, #tpu.memory_space<hbm>>) dst(%arg13 : memref<128xf32, #tpu.memory_space<vmem>>)
        tpu.yield
      }) : () -> ()
      %dma_start3A_195 = arith.constant 0 : i32
      %dma_start3A_196 = tpu.memref_slice %arg5[%dma_start3A_195] : memref<10240xf32, #tpu.memory_space<hbm>> -> memref<10240xf32, #tpu.memory_space<hbm>>
      tpu.enqueue_indirect_dma source(%dma_start3A_196 : memref<10240xf32, #tpu.memory_space<hbm>>) target(%arg15 : memref<128xf32, #tpu.memory_space<vmem>>) offsets(%arg11 : memref<128xi32, #tpu.memory_space<vmem>>) semaphore(%arg23 : memref<!tpu.dma_semaphore, #tpu.memory_space<semaphore_mem>>)
      %dma_start3A_197 = arith.constant 0 : i32
      %dma_start3A_198 = arith.constant 0 : i32
      %dma_start3A_199 = tpu.memref_slice %arg2[%dma_start3A_197, %dma_start3A_198] : memref<10000x128xf32, #tpu.memory_space<hbm>> -> memref<10000x128xf32, #tpu.memory_space<hbm>>
      tpu.enqueue_indirect_dma source(%dma_start3A_199 : memref<10000x128xf32, #tpu.memory_space<hbm>>) target(%arg17 : memref<128x128xf32, #tpu.memory_space<vmem>>) offsets(%arg9 : memref<128xi32, #tpu.memory_space<vmem>>) semaphore(%arg21 : memref<!tpu.dma_semaphore, #tpu.memory_space<semaphore_mem>>)
    } else {
    }
    %dma_wait3A = arith.constant 0 : i32
    %dma_wait3A_38 = tpu.memref_slice %arg5[%dma_wait3A] : memref<10240xf32, #tpu.memory_space<hbm>> -> memref<10240xf32, #tpu.memory_space<hbm>>
    tpu.wait_indirect_dma semaphore(%arg22 : memref<!tpu.dma_semaphore, #tpu.memory_space<semaphore_mem>>) src(%dma_wait3A_38 : memref<10240xf32, #tpu.memory_space<hbm>>) dst(%arg14 : memref<128xf32, #tpu.memory_space<vmem>>)
    %dma_wait3A_39 = arith.constant 0 : i32
    %dma_wait3A_40 = arith.constant 0 : i32
    %dma_wait3A_41 = tpu.memref_slice %arg2[%dma_wait3A_39, %dma_wait3A_40] : memref<10000x128xf32, #tpu.memory_space<hbm>> -> memref<10000x128xf32, #tpu.memory_space<hbm>>
    tpu.wait_indirect_dma semaphore(%arg20 : memref<!tpu.dma_semaphore, #tpu.memory_space<semaphore_mem>>) src(%dma_wait3A_41 : memref<10000x128xf32, #tpu.memory_space<hbm>>) dst(%arg16 : memref<128x128xf32, #tpu.memory_space<vmem>>)
    %get3A = arith.constant 0 : index
    %get3A_42 = tpu.vector_load %arg12[%get3A] {strides = array<i32>} : memref<128xf32, #tpu.memory_space<vmem>>, vector<16xf32>,
    %get3A_43 = arith.constant 0 : index
    %get3A_44 = tpu.vector_load %arg14[%get3A_43] {strides = array<i32>} : memref<128xf32, #tpu.memory_space<vmem>>, vector<16xf32>,
    %div3A = arith.divf %get3A_42, %get3A_44 : vector<16xf32>
    %swap3A = arith.constant 0 : index
    %swap3A_45 = tpu.vector_load %arg18[%swap3A] {strides = array<i32>} : memref<128xf32, #tpu.memory_space<vmem>>, vector<16xf32>,
    tpu.vector_store %arg18[%swap3A], %div3A {strides = array<i32>} : memref<128xf32, #tpu.memory_space<vmem>>, vector<16xf32>,
    %get3A_46 = arith.constant 16 : index
    %get3A_47 = tpu.vector_load %arg12[%get3A_46] {strides = array<i32>} : memref<128xf32, #tpu.memory_space<vmem>>, vector<16xf32>,
    %get3A_48 = arith.constant 16 : index
    %get3A_49 = tpu.vector_load %arg14[%get3A_48] {strides = array<i32>} : memref<128xf32, #tpu.memory_space<vmem>>, vector<16xf32>,
    %div3A_50 = arith.divf %get3A_47, %get3A_49 : vector<16xf32>
    %swap3A_51 = arith.constant 16 : index
    %swap3A_52 = tpu.vector_load %arg18[%swap3A_51] {strides = array<i32>} : memref<128xf32, #tpu.memory_space<vmem>>, vector<16xf32>,
    tpu.vector_store %arg18[%swap3A_51], %div3A_50 {strides = array<i32>} : memref<128xf32, #tpu.memory_space<vmem>>, vector<16xf32>,
    %get3A_53 = arith.constant 32 : index
    %get3A_54 = tpu.vector_load %arg12[%get3A_53] {strides = array<i32>} : memref<128xf32, #tpu.memory_space<vmem>>, vector<16xf32>,
    %get3A_55 = arith.constant 32 : index
    %get3A_56 = tpu.vector_load %arg14[%get3A_55] {strides = array<i32>} : memref<128xf32, #tpu.memory_space<vmem>>, vector<16xf32>,
    %div3A_57 = arith.divf %get3A_54, %get3A_56 : vector<16xf32>
    %swap3A_58 = arith.constant 32 : index
    %swap3A_59 = tpu.vector_load %arg18[%swap3A_58] {strides = array<i32>} : memref<128xf32, #tpu.memory_space<vmem>>, vector<16xf32>,
    tpu.vector_store %arg18[%swap3A_58], %div3A_57 {strides = array<i32>} : memref<128xf32, #tpu.memory_space<vmem>>, vector<16xf32>,
    %get3A_60 = arith.constant 48 : index
    %get3A_61 = tpu.vector_load %arg12[%get3A_60] {strides = array<i32>} : memref<128xf32, #tpu.memory_space<vmem>>, vector<16xf32>,
    %get3A_62 = arith.constant 48 : index
    %get3A_63 = tpu.vector_load %arg14[%get3A_62] {strides = array<i32>} : memref<128xf32, #tpu.memory_space<vmem>>, vector<16xf32>,
    %div3A_64 = arith.divf %get3A_61, %get3A_63 : vector<16xf32>
    %swap3A_65 = arith.constant 48 : index
    %swap3A_66 = tpu.vector_load %arg18[%swap3A_65] {strides = array<i32>} : memref<128xf32, #tpu.memory_space<vmem>>, vector<16xf32>,
    tpu.vector_store %arg18[%swap3A_65], %div3A_64 {strides = array<i32>} : memref<128xf32, #tpu.memory_space<vmem>>, vector<16xf32>,
    %get3A_67 = arith.constant 64 : index
    %get3A_68 = tpu.vector_load %arg12[%get3A_67] {strides = array<i32>} : memref<128xf32, #tpu.memory_space<vmem>>, vector<16xf32>,
    %get3A_69 = arith.constant 64 : index
    %get3A_70 = tpu.vector_load %arg14[%get3A_69] {strides = array<i32>} : memref<128xf32, #tpu.memory_space<vmem>>, vector<16xf32>,
    %div3A_71 = arith.divf %get3A_68, %get3A_70 : vector<16xf32>
    %swap3A_72 = arith.constant 64 : index
    %swap3A_73 = tpu.vector_load %arg18[%swap3A_72] {strides = array<i32>} : memref<128xf32, #tpu.memory_space<vmem>>, vector<16xf32>,
    tpu.vector_store %arg18[%swap3A_72], %div3A_71 {strides = array<i32>} : memref<128xf32, #tpu.memory_space<vmem>>, vector<16xf32>,
    %get3A_74 = arith.constant 80 : index
    %get3A_75 = tpu.vector_load %arg12[%get3A_74] {strides = array<i32>} : memref<128xf32, #tpu.memory_space<vmem>>, vector<16xf32>,
    %get3A_76 = arith.constant 80 : index
    %get3A_77 = tpu.vector_load %arg14[%get3A_76] {strides = array<i32>} : memref<128xf32, #tpu.memory_space<vmem>>, vector<16xf32>,
    %div3A_78 = arith.divf %get3A_75, %get3A_77 : vector<16xf32>
    %swap3A_79 = arith.constant 80 : index
    %swap3A_80 = tpu.vector_load %arg18[%swap3A_79] {strides = array<i32>} : memref<128xf32, #tpu.memory_space<vmem>>, vector<16xf32>,
    tpu.vector_store %arg18[%swap3A_79], %div3A_78 {strides = array<i32>} : memref<128xf32, #tpu.memory_space<vmem>>, vector<16xf32>,
    %get3A_81 = arith.constant 96 : index
    %get3A_82 = tpu.vector_load %arg12[%get3A_81] {strides = array<i32>} : memref<128xf32, #tpu.memory_space<vmem>>, vector<16xf32>,
    %get3A_83 = arith.constant 96 : index
    %get3A_84 = tpu.vector_load %arg14[%get3A_83] {strides = array<i32>} : memref<128xf32, #tpu.memory_space<vmem>>, vector<16xf32>,
    %div3A_85 = arith.divf %get3A_82, %get3A_84 : vector<16xf32>
    %swap3A_86 = arith.constant 96 : index
    %swap3A_87 = tpu.vector_load %arg18[%swap3A_86] {strides = array<i32>} : memref<128xf32, #tpu.memory_space<vmem>>, vector<16xf32>,
    tpu.vector_store %arg18[%swap3A_86], %div3A_85 {strides = array<i32>} : memref<128xf32, #tpu.memory_space<vmem>>, vector<16xf32>,
    %get3A_88 = arith.constant 112 : index
    %get3A_89 = tpu.vector_load %arg12[%get3A_88] {strides = array<i32>} : memref<128xf32, #tpu.memory_space<vmem>>, vector<16xf32>,
    %get3A_90 = arith.constant 112 : index
    %get3A_91 = tpu.vector_load %arg14[%get3A_90] {strides = array<i32>} : memref<128xf32, #tpu.memory_space<vmem>>, vector<16xf32>,
    %div3A_92 = arith.divf %get3A_89, %get3A_91 : vector<16xf32>
    %swap3A_93 = arith.constant 112 : index
    %swap3A_94 = tpu.vector_load %arg18[%swap3A_93] {strides = array<i32>} : memref<128xf32, #tpu.memory_space<vmem>>, vector<16xf32>,
    tpu.vector_store %arg18[%swap3A_93], %div3A_92 {strides = array<i32>} : memref<128xf32, #tpu.memory_space<vmem>>, vector<16xf32>,
    %scan3A_95 = arith.constant 0 : i32
    %scan3A_96 = arith.constant 0 : i32
    %scan3A_97 = arith.constant 64 : i32
    %scan3A_98 = arith.addi %scan3A_96, %scan3A_97 : i32
    %scan3A_99 = arith.constant 1 : i32
    scf.for %scan3A_191 = %scan3A_96 to %scan3A_98 step %scan3A_99  : i32 {
      %mul3A_192 = arith.constant 2 : i32
      %mul3A_193 = arith.muli %scan3A_191, %mul3A_192 : i32
      %add3A_194 = arith.constant 0 : i32
      %add3A_195 = arith.addi %mul3A_193, %add3A_194 : i32
      %broadcast_in_dim3A_196 = vector.broadcast %add3A_195 : i32 to vector<16xi32>
      %gather3A = tpu.vector_load_idx %arg18[%broadcast_in_dim3A_196] : memref<128xf32, #tpu.memory_space<vmem>>[vector<16xi32>], vector<16xf32>,
      %get3A_197 = arith.index_cast %add3A_195 : i32 to index
      %get3A_198 = arith.constant 0 : index
      %get3A_199 = tpu.vector_load %arg16[%get3A_197, %get3A_198] {strides = array<i32>} : memref<128x128xf32, #tpu.memory_space<vmem>>, vector<16xf32>,
      %mul3A_200 = arith.mulf %get3A_199, %gather3A : vector<16xf32>
      %swap3A_201 = arith.index_cast %add3A_195 : i32 to index
      %swap3A_202 = arith.constant 0 : index
      %swap3A_203 = tpu.vector_load %arg16[%swap3A_201, %swap3A_202] {strides = array<i32>} : memref<128x128xf32, #tpu.memory_space<vmem>>, vector<16xf32>,
      tpu.vector_store %arg16[%swap3A_201, %swap3A_202], %mul3A_200 {strides = array<i32>} : memref<128x128xf32, #tpu.memory_space<vmem>>, vector<16xf32>,
      %get3A_204 = arith.index_cast %add3A_195 : i32 to index
      %get3A_205 = arith.constant 16 : index
      %get3A_206 = tpu.vector_load %arg16[%get3A_204, %get3A_205] {strides = array<i32>} : memref<128x128xf32, #tpu.memory_space<vmem>>, vector<16xf32>,
      %mul3A_207 = arith.mulf %get3A_206, %gather3A : vector<16xf32>
      %swap3A_208 = arith.index_cast %add3A_195 : i32 to index
      %swap3A_209 = arith.constant 16 : index
      %swap3A_210 = tpu.vector_load %arg16[%swap3A_208, %swap3A_209] {strides = array<i32>} : memref<128x128xf32, #tpu.memory_space<vmem>>, vector<16xf32>,
      tpu.vector_store %arg16[%swap3A_208, %swap3A_209], %mul3A_207 {strides = array<i32>} : memref<128x128xf32, #tpu.memory_space<vmem>>, vector<16xf32>,
      %get3A_211 = arith.index_cast %add3A_195 : i32 to index
      %get3A_212 = arith.constant 32 : index
      %get3A_213 = tpu.vector_load %arg16[%get3A_211, %get3A_212] {strides = array<i32>} : memref<128x128xf32, #tpu.memory_space<vmem>>, vector<16xf32>,
      %mul3A_214 = arith.mulf %get3A_213, %gather3A : vector<16xf32>
      %swap3A_215 = arith.index_cast %add3A_195 : i32 to index
      %swap3A_216 = arith.constant 32 : index
      %swap3A_217 = tpu.vector_load %arg16[%swap3A_215, %swap3A_216] {strides = array<i32>} : memref<128x128xf32, #tpu.memory_space<vmem>>, vector<16xf32>,
      tpu.vector_store %arg16[%swap3A_215, %swap3A_216], %mul3A_214 {strides = array<i32>} : memref<128x128xf32, #tpu.memory_space<vmem>>, vector<16xf32>,
      %get3A_218 = arith.index_cast %add3A_195 : i32 to index
      %get3A_219 = arith.constant 48 : index
      %get3A_220 = tpu.vector_load %arg16[%get3A_218, %get3A_219] {strides = array<i32>} : memref<128x128xf32, #tpu.memory_space<vmem>>, vector<16xf32>,
      %mul3A_221 = arith.mulf %get3A_220, %gather3A : vector<16xf32>
      %swap3A_222 = arith.index_cast %add3A_195 : i32 to index
      %swap3A_223 = arith.constant 48 : index
      %swap3A_224 = tpu.vector_load %arg16[%swap3A_222, %swap3A_223] {strides = array<i32>} : memref<128x128xf32, #tpu.memory_space<vmem>>, vector<16xf32>,
      tpu.vector_store %arg16[%swap3A_222, %swap3A_223], %mul3A_221 {strides = array<i32>} : memref<128x128xf32, #tpu.memory_space<vmem>>, vector<16xf32>,
      %get3A_225 = arith.index_cast %add3A_195 : i32 to index
      %get3A_226 = arith.constant 64 : index
      %get3A_227 = tpu.vector_load %arg16[%get3A_225, %get3A_226] {strides = array<i32>} : memref<128x128xf32, #tpu.memory_space<vmem>>, vector<16xf32>,
      %mul3A_228 = arith.mulf %get3A_227, %gather3A : vector<16xf32>
      %swap3A_229 = arith.index_cast %add3A_195 : i32 to index
      %swap3A_230 = arith.constant 64 : index
      %swap3A_231 = tpu.vector_load %arg16[%swap3A_229, %swap3A_230] {strides = array<i32>} : memref<128x128xf32, #tpu.memory_space<vmem>>, vector<16xf32>,
      tpu.vector_store %arg16[%swap3A_229, %swap3A_230], %mul3A_228 {strides = array<i32>} : memref<128x128xf32, #tpu.memory_space<vmem>>, vector<16xf32>,
      %get3A_232 = arith.index_cast %add3A_195 : i32 to index
      %get3A_233 = arith.constant 80 : index
      %get3A_234 = tpu.vector_load %arg16[%get3A_232, %get3A_233] {strides = array<i32>} : memref<128x128xf32, #tpu.memory_space<vmem>>, vector<16xf32>,
      %mul3A_235 = arith.mulf %get3A_234, %gather3A : vector<16xf32>
      %swap3A_236 = arith.index_cast %add3A_195 : i32 to index
      %swap3A_237 = arith.constant 80 : index
      %swap3A_238 = tpu.vector_load %arg16[%swap3A_236, %swap3A_237] {strides = array<i32>} : memref<128x128xf32, #tpu.memory_space<vmem>>, vector<16xf32>,
      tpu.vector_store %arg16[%swap3A_236, %swap3A_237], %mul3A_235 {strides = array<i32>} : memref<128x128xf32, #tpu.memory_space<vmem>>, vector<16xf32>,
      %get3A_239 = arith.index_cast %add3A_195 : i32 to index
      %get3A_240 = arith.constant 96 : index
      %get3A_241 = tpu.vector_load %arg16[%get3A_239, %get3A_240] {strides = array<i32>} : memref<128x128xf32, #tpu.memory_space<vmem>>, vector<16xf32>,
      %mul3A_242 = arith.mulf %get3A_241, %gather3A : vector<16xf32>
      %swap3A_243 = arith.index_cast %add3A_195 : i32 to index
      %swap3A_244 = arith.constant 96 : index
      %swap3A_245 = tpu.vector_load %arg16[%swap3A_243, %swap3A_244] {strides = array<i32>} : memref<128x128xf32, #tpu.memory_space<vmem>>, vector<16xf32>,
      tpu.vector_store %arg16[%swap3A_243, %swap3A_244], %mul3A_242 {strides = array<i32>} : memref<128x128xf32, #tpu.memory_space<vmem>>, vector<16xf32>,
      %get3A_246 = arith.index_cast %add3A_195 : i32 to index
      %get3A_247 = arith.constant 112 : index
      %get3A_248 = tpu.vector_load %arg16[%get3A_246, %get3A_247] {strides = array<i32>} : memref<128x128xf32, #tpu.memory_space<vmem>>, vector<16xf32>,
      %mul3A_249 = arith.mulf %get3A_248, %gather3A : vector<16xf32>
      %swap3A_250 = arith.index_cast %add3A_195 : i32 to index
      %swap3A_251 = arith.constant 112 : index
      %swap3A_252 = tpu.vector_load %arg16[%swap3A_250, %swap3A_251] {strides = array<i32>} : memref<128x128xf32, #tpu.memory_space<vmem>>, vector<16xf32>,
      tpu.vector_store %arg16[%swap3A_250, %swap3A_251], %mul3A_249 {strides = array<i32>} : memref<128x128xf32, #tpu.memory_space<vmem>>, vector<16xf32>,
      %mul3A_253 = arith.constant 2 : i32
      %mul3A_254 = arith.muli %scan3A_191, %mul3A_253 : i32
      %add3A_255 = arith.constant 1 : i32
      %add3A_256 = arith.addi %mul3A_254, %add3A_255 : i32
      %broadcast_in_dim3A_257 = vector.broadcast %add3A_256 : i32 to vector<16xi32>
      %gather3A_258 = tpu.vector_load_idx %arg18[%broadcast_in_dim3A_257] : memref<128xf32, #tpu.memory_space<vmem>>[vector<16xi32>], vector<16xf32>,
      %get3A_259 = arith.index_cast %add3A_256 : i32 to index
      %get3A_260 = arith.constant 0 : index
      %get3A_261 = tpu.vector_load %arg16[%get3A_259, %get3A_260] {strides = array<i32>} : memref<128x128xf32, #tpu.memory_space<vmem>>, vector<16xf32>,
      %mul3A_262 = arith.mulf %get3A_261, %gather3A_258 : vector<16xf32>
      %swap3A_263 = arith.index_cast %add3A_256 : i32 to index
      %swap3A_264 = arith.constant 0 : index
      %swap3A_265 = tpu.vector_load %arg16[%swap3A_263, %swap3A_264] {strides = array<i32>} : memref<128x128xf32, #tpu.memory_space<vmem>>, vector<16xf32>,
      tpu.vector_store %arg16[%swap3A_263, %swap3A_264], %mul3A_262 {strides = array<i32>} : memref<128x128xf32, #tpu.memory_space<vmem>>, vector<16xf32>,
      %get3A_266 = arith.index_cast %add3A_256 : i32 to index
      %get3A_267 = arith.constant 16 : index
      %get3A_268 = tpu.vector_load %arg16[%get3A_266, %get3A_267] {strides = array<i32>} : memref<128x128xf32, #tpu.memory_space<vmem>>, vector<16xf32>,
      %mul3A_269 = arith.mulf %get3A_268, %gather3A_258 : vector<16xf32>
      %swap3A_270 = arith.index_cast %add3A_256 : i32 to index
      %swap3A_271 = arith.constant 16 : index
      %swap3A_272 = tpu.vector_load %arg16[%swap3A_270, %swap3A_271] {strides = array<i32>} : memref<128x128xf32, #tpu.memory_space<vmem>>, vector<16xf32>,
      tpu.vector_store %arg16[%swap3A_270, %swap3A_271], %mul3A_269 {strides = array<i32>} : memref<128x128xf32, #tpu.memory_space<vmem>>, vector<16xf32>,
      %get3A_273 = arith.index_cast %add3A_256 : i32 to index
      %get3A_274 = arith.constant 32 : index
      %get3A_275 = tpu.vector_load %arg16[%get3A_273, %get3A_274] {strides = array<i32>} : memref<128x128xf32, #tpu.memory_space<vmem>>, vector<16xf32>,
      %mul3A_276 = arith.mulf %get3A_275, %gather3A_258 : vector<16xf32>
      %swap3A_277 = arith.index_cast %add3A_256 : i32 to index
      %swap3A_278 = arith.constant 32 : index
      %swap3A_279 = tpu.vector_load %arg16[%swap3A_277, %swap3A_278] {strides = array<i32>} : memref<128x128xf32, #tpu.memory_space<vmem>>, vector<16xf32>,
      tpu.vector_store %arg16[%swap3A_277, %swap3A_278], %mul3A_276 {strides = array<i32>} : memref<128x128xf32, #tpu.memory_space<vmem>>, vector<16xf32>,
      %get3A_280 = arith.index_cast %add3A_256 : i32 to index
      %get3A_281 = arith.constant 48 : index
      %get3A_282 = tpu.vector_load %arg16[%get3A_280, %get3A_281] {strides = array<i32>} : memref<128x128xf32, #tpu.memory_space<vmem>>, vector<16xf32>,
      %mul3A_283 = arith.mulf %get3A_282, %gather3A_258 : vector<16xf32>
      %swap3A_284 = arith.index_cast %add3A_256 : i32 to index
      %swap3A_285 = arith.constant 48 : index
      %swap3A_286 = tpu.vector_load %arg16[%swap3A_284, %swap3A_285] {strides = array<i32>} : memref<128x128xf32, #tpu.memory_space<vmem>>, vector<16xf32>,
      tpu.vector_store %arg16[%swap3A_284, %swap3A_285], %mul3A_283 {strides = array<i32>} : memref<128x128xf32, #tpu.memory_space<vmem>>, vector<16xf32>,
      %get3A_287 = arith.index_cast %add3A_256 : i32 to index
      %get3A_288 = arith.constant 64 : index
      %get3A_289 = tpu.vector_load %arg16[%get3A_287, %get3A_288] {strides = array<i32>} : memref<128x128xf32, #tpu.memory_space<vmem>>, vector<16xf32>,
      %mul3A_290 = arith.mulf %get3A_289, %gather3A_258 : vector<16xf32>
      %swap3A_291 = arith.index_cast %add3A_256 : i32 to index
      %swap3A_292 = arith.constant 64 : index
      %swap3A_293 = tpu.vector_load %arg16[%swap3A_291, %swap3A_292] {strides = array<i32>} : memref<128x128xf32, #tpu.memory_space<vmem>>, vector<16xf32>,
      tpu.vector_store %arg16[%swap3A_291, %swap3A_292], %mul3A_290 {strides = array<i32>} : memref<128x128xf32, #tpu.memory_space<vmem>>, vector<16xf32>,
      %get3A_294 = arith.index_cast %add3A_256 : i32 to index
      %get3A_295 = arith.constant 80 : index
      %get3A_296 = tpu.vector_load %arg16[%get3A_294, %get3A_295] {strides = array<i32>} : memref<128x128xf32, #tpu.memory_space<vmem>>, vector<16xf32>,
      %mul3A_297 = arith.mulf %get3A_296, %gather3A_258 : vector<16xf32>
      %swap3A_298 = arith.index_cast %add3A_256 : i32 to index
      %swap3A_299 = arith.constant 80 : index
      %swap3A_300 = tpu.vector_load %arg16[%swap3A_298, %swap3A_299] {strides = array<i32>} : memref<128x128xf32, #tpu.memory_space<vmem>>, vector<16xf32>,
      tpu.vector_store %arg16[%swap3A_298, %swap3A_299], %mul3A_297 {strides = array<i32>} : memref<128x128xf32, #tpu.memory_space<vmem>>, vector<16xf32>,
      %get3A_301 = arith.index_cast %add3A_256 : i32 to index
      %get3A_302 = arith.constant 96 : index
      %get3A_303 = tpu.vector_load %arg16[%get3A_301, %get3A_302] {strides = array<i32>} : memref<128x128xf32, #tpu.memory_space<vmem>>, vector<16xf32>,
      %mul3A_304 = arith.mulf %get3A_303, %gather3A_258 : vector<16xf32>
      %swap3A_305 = arith.index_cast %add3A_256 : i32 to index
      %swap3A_306 = arith.constant 96 : index
      %swap3A_307 = tpu.vector_load %arg16[%swap3A_305, %swap3A_306] {strides = array<i32>} : memref<128x128xf32, #tpu.memory_space<vmem>>, vector<16xf32>,
      tpu.vector_store %arg16[%swap3A_305, %swap3A_306], %mul3A_304 {strides = array<i32>} : memref<128x128xf32, #tpu.memory_space<vmem>>, vector<16xf32>,
      %get3A_308 = arith.index_cast %add3A_256 : i32 to index
      %get3A_309 = arith.constant 112 : index
      %get3A_310 = tpu.vector_load %arg16[%get3A_308, %get3A_309] {strides = array<i32>} : memref<128x128xf32, #tpu.memory_space<vmem>>, vector<16xf32>,
      %mul3A_311 = arith.mulf %get3A_310, %gather3A_258 : vector<16xf32>
      %swap3A_312 = arith.index_cast %add3A_256 : i32 to index
      %swap3A_313 = arith.constant 112 : index
      %swap3A_314 = tpu.vector_load %arg16[%swap3A_312, %swap3A_313] {strides = array<i32>} : memref<128x128xf32, #tpu.memory_space<vmem>>, vector<16xf32>,
      tpu.vector_store %arg16[%swap3A_312, %swap3A_313], %mul3A_311 {strides = array<i32>} : memref<128x128xf32, #tpu.memory_space<vmem>>, vector<16xf32>,
    }
    %scan3A_100 = arith.constant 64 : i32
    %dma_start3A_101 = arith.constant 0 : i32
    %dma_start3A_102 = arith.constant 0 : i32
    %dma_start3A_103 = tpu.memref_slice %arg19[%dma_start3A_101, %dma_start3A_102] : memref<10240x128xf32, #tpu.memory_space<vmem_shared>> -> memref<10240x128xf32, #tpu.memory_space<vmem_shared>>
    tpu.enqueue_indirect_dma source(%arg16 : memref<128x128xf32, #tpu.memory_space<vmem>>) target(%dma_start3A_103 : memref<10240x128xf32, #tpu.memory_space<vmem_shared>>) offsets(%arg10 : memref<128xi32, #tpu.memory_space<vmem>>) semaphore(%arg24 : memref<!tpu.dma_semaphore, #tpu.memory_space<semaphore_mem>>) {add = true}
    %lt3A_104 = arith.constant 2500 : i32
    %lt3A_105 = arith.cmpi slt, %add3A_35, %lt3A_104 : i32
    %convert_element_type3A_106 = arith.extui %lt3A_105 : i1 to i32
    %cond3A_107 = arith.constant 0 : i32
    %cond3A_108 = arith.cmpi ne, %convert_element_type3A_106, %cond3A_107 : i32
    scf.if %cond3A_108 {
      %add3A_191 = arith.constant 32 : i32
      %add3A_192 = arith.addi %add3A_35, %add3A_191 : i32
      %lt3A_193 = arith.constant 2500 : i32
      %lt3A_194 = arith.cmpi slt, %add3A_192, %lt3A_193 : i32
      %convert_element_type3A_195 = arith.extui %lt3A_194 : i1 to i32
      %cond3A_196 = arith.constant 0 : i32
      %cond3A_197 = arith.cmpi ne, %convert_element_type3A_195, %cond3A_196 : i32
      scf.if %cond3A_197 {
        %dma_wait3A_268 = arith.constant 0 : i32
        %dma_wait3A_269 = arith.constant 0 : i32
        %dma_wait3A_270 = tpu.memref_slice %arg19[%dma_wait3A_268, %dma_wait3A_269] : memref<10240x128xf32, #tpu.memory_space<vmem_shared>> -> memref<10240x128xf32, #tpu.memory_space<vmem_shared>>
        tpu.wait_indirect_dma semaphore(%arg24 : memref<!tpu.dma_semaphore, #tpu.memory_space<semaphore_mem>>) src(%arg16 : memref<128x128xf32, #tpu.memory_space<vmem>>) dst(%dma_wait3A_270 : memref<10240x128xf32, #tpu.memory_space<vmem_shared>>)
        %mul3A_271 = arith.constant 128 : i32
        %mul3A_272 = arith.muli %add3A_192, %mul3A_271 : i32
        %run_scoped3A_273 = arith.constant 0 : i32
        "tpu.region"() ({
          %run_scoped3A_280 = tpu.sem_alloc : memref<!tpu.dma_semaphore, #tpu.memory_space<semaphore_mem>>
          %dma_start3A_281 = tpu.memref_slice %arg3[%run_scoped3A_273, %mul3A_272] : memref<2x320000xi32, #tpu.memory_space<hbm>> -> memref<1x128xi32, #tpu.memory_space<hbm>>
          %dma_start3A_282 = tpu.memref_squeeze %dma_start3A_281 : memref<1x128xi32, #tpu.memory_space<hbm>> -> memref<128xi32, #tpu.memory_space<hbm>>
          %dma_start3A_283 = tpu.memref_slice %arg3[%run_scoped3A_273, %mul3A_272] : memref<2x320000xi32, #tpu.memory_space<hbm>> -> memref<1x128xi32, #tpu.memory_space<hbm>>
          %dma_start3A_284 = tpu.memref_squeeze %dma_start3A_283 : memref<1x128xi32, #tpu.memory_space<hbm>> -> memref<128xi32, #tpu.memory_space<hbm>>
          tpu.enqueue_dma source(%dma_start3A_284 : memref<128xi32, #tpu.memory_space<hbm>>) target(%arg8 : memref<128xi32, #tpu.memory_space<vmem>>) target_semaphore(%run_scoped3A_280 : memref<!tpu.dma_semaphore, #tpu.memory_space<semaphore_mem>>)
          %dma_wait3A_285 = tpu.memref_slice %arg3[%run_scoped3A_273, %mul3A_272] : memref<2x320000xi32, #tpu.memory_space<hbm>> -> memref<1x128xi32, #tpu.memory_space<hbm>>
          %dma_wait3A_286 = tpu.memref_squeeze %dma_wait3A_285 : memref<1x128xi32, #tpu.memory_space<hbm>> -> memref<128xi32, #tpu.memory_space<hbm>>
          %dma_wait3A_287 = tpu.memref_slice %arg3[%run_scoped3A_273, %mul3A_272] : memref<2x320000xi32, #tpu.memory_space<hbm>> -> memref<1x128xi32, #tpu.memory_space<hbm>>
          %dma_wait3A_288 = tpu.memref_squeeze %dma_wait3A_287 : memref<1x128xi32, #tpu.memory_space<hbm>> -> memref<128xi32, #tpu.memory_space<hbm>>
          tpu.wait_dma2 semaphore(%run_scoped3A_280 : memref<!tpu.dma_semaphore, #tpu.memory_space<semaphore_mem>>) src(%dma_wait3A_288 : memref<128xi32, #tpu.memory_space<hbm>>) dst(%arg8 : memref<128xi32, #tpu.memory_space<vmem>>)
          tpu.yield
        }) : () -> ()
        %run_scoped3A_274 = arith.constant 1 : i32
        "tpu.region"() ({
          %run_scoped3A_280 = tpu.sem_alloc : memref<!tpu.dma_semaphore, #tpu.memory_space<semaphore_mem>>
          %dma_start3A_281 = tpu.memref_slice %arg3[%run_scoped3A_274, %mul3A_272] : memref<2x320000xi32, #tpu.memory_space<hbm>> -> memref<1x128xi32, #tpu.memory_space<hbm>>
          %dma_start3A_282 = tpu.memref_squeeze %dma_start3A_281 : memref<1x128xi32, #tpu.memory_space<hbm>> -> memref<128xi32, #tpu.memory_space<hbm>>
          %dma_start3A_283 = tpu.memref_slice %arg3[%run_scoped3A_274, %mul3A_272] : memref<2x320000xi32, #tpu.memory_space<hbm>> -> memref<1x128xi32, #tpu.memory_space<hbm>>
          %dma_start3A_284 = tpu.memref_squeeze %dma_start3A_283 : memref<1x128xi32, #tpu.memory_space<hbm>> -> memref<128xi32, #tpu.memory_space<hbm>>
          tpu.enqueue_dma source(%dma_start3A_284 : memref<128xi32, #tpu.memory_space<hbm>>) target(%arg10 : memref<128xi32, #tpu.memory_space<vmem>>) target_semaphore(%run_scoped3A_280 : memref<!tpu.dma_semaphore, #tpu.memory_space<semaphore_mem>>)
          %dma_wait3A_285 = tpu.memref_slice %arg3[%run_scoped3A_274, %mul3A_272] : memref<2x320000xi32, #tpu.memory_space<hbm>> -> memref<1x128xi32, #tpu.memory_space<hbm>>
          %dma_wait3A_286 = tpu.memref_squeeze %dma_wait3A_285 : memref<1x128xi32, #tpu.memory_space<hbm>> -> memref<128xi32, #tpu.memory_space<hbm>>
          %dma_wait3A_287 = tpu.memref_slice %arg3[%run_scoped3A_274, %mul3A_272] : memref<2x320000xi32, #tpu.memory_space<hbm>> -> memref<1x128xi32, #tpu.memory_space<hbm>>
          %dma_wait3A_288 = tpu.memref_squeeze %dma_wait3A_287 : memref<1x128xi32, #tpu.memory_space<hbm>> -> memref<128xi32, #tpu.memory_space<hbm>>
          tpu.wait_dma2 semaphore(%run_scoped3A_280 : memref<!tpu.dma_semaphore, #tpu.memory_space<semaphore_mem>>) src(%dma_wait3A_288 : memref<128xi32, #tpu.memory_space<hbm>>) dst(%arg10 : memref<128xi32, #tpu.memory_space<vmem>>)
          tpu.yield
        }) : () -> ()
        "tpu.region"() ({
          %run_scoped3A_280 = tpu.sem_alloc : memref<!tpu.dma_semaphore, #tpu.memory_space<semaphore_mem>>
          %dma_start3A_281 = tpu.memref_slice %arg4[%mul3A_272] : memref<320000xf32, #tpu.memory_space<hbm>> -> memref<128xf32, #tpu.memory_space<hbm>>
          %dma_start3A_282 = tpu.memref_slice %arg4[%mul3A_272] : memref<320000xf32, #tpu.memory_space<hbm>> -> memref<128xf32, #tpu.memory_space<hbm>>
          tpu.enqueue_dma source(%dma_start3A_282 : memref<128xf32, #tpu.memory_space<hbm>>) target(%arg12 : memref<128xf32, #tpu.memory_space<vmem>>) target_semaphore(%run_scoped3A_280 : memref<!tpu.dma_semaphore, #tpu.memory_space<semaphore_mem>>)
          %dma_wait3A_283 = tpu.memref_slice %arg4[%mul3A_272] : memref<320000xf32, #tpu.memory_space<hbm>> -> memref<128xf32, #tpu.memory_space<hbm>>
          %dma_wait3A_284 = tpu.memref_slice %arg4[%mul3A_272] : memref<320000xf32, #tpu.memory_space<hbm>> -> memref<128xf32, #tpu.memory_space<hbm>>
          tpu.wait_dma2 semaphore(%run_scoped3A_280 : memref<!tpu.dma_semaphore, #tpu.memory_space<semaphore_mem>>) src(%dma_wait3A_284 : memref<128xf32, #tpu.memory_space<hbm>>) dst(%arg12 : memref<128xf32, #tpu.memory_space<vmem>>)
          tpu.yield
        }) : () -> ()
        %dma_start3A_275 = arith.constant 0 : i32
        %dma_start3A_276 = tpu.memref_slice %arg5[%dma_start3A_275] : memref<10240xf32, #tpu.memory_space<hbm>> -> memref<10240xf32, #tpu.memory_space<hbm>>
        tpu.enqueue_indirect_dma source(%dma_start3A_276 : memref<10240xf32, #tpu.memory_space<hbm>>) target(%arg14 : memref<128xf32, #tpu.memory_space<vmem>>) offsets(%arg10 : memref<128xi32, #tpu.memory_space<vmem>>) semaphore(%arg22 : memref<!tpu.dma_semaphore, #tpu.memory_space<semaphore_mem>>)
        %dma_start3A_277 = arith.constant 0 : i32
        %dma_start3A_278 = arith.constant 0 : i32
        %dma_start3A_279 = tpu.memref_slice %arg2[%dma_start3A_277, %dma_start3A_278] : memref<10000x128xf32, #tpu.memory_space<hbm>> -> memref<10000x128xf32, #tpu.memory_space<hbm>>
        tpu.enqueue_indirect_dma source(%dma_start3A_279 : memref<10000x128xf32, #tpu.memory_space<hbm>>) target(%arg16 : memref<128x128xf32, #tpu.memory_space<vmem>>) offsets(%arg8 : memref<128xi32, #tpu.memory_space<vmem>>) semaphore(%arg20 : memref<!tpu.dma_semaphore, #tpu.memory_space<semaphore_mem>>)
      } else {
      }
      %dma_wait3A_198 = arith.constant 0 : i32
      %dma_wait3A_199 = tpu.memref_slice %arg5[%dma_wait3A_198] : memref<10240xf32, #tpu.memory_space<hbm>> -> memref<10240xf32, #tpu.memory_space<hbm>>
      tpu.wait_indirect_dma semaphore(%arg23 : memref<!tpu.dma_semaphore, #tpu.memory_space<semaphore_mem>>) src(%dma_wait3A_199 : memref<10240xf32, #tpu.memory_space<hbm>>) dst(%arg15 : memref<128xf32, #tpu.memory_space<vmem>>)
      %dma_wait3A_200 = arith.constant 0 : i32
      %dma_wait3A_201 = arith.constant 0 : i32
      %dma_wait3A_202 = tpu.memref_slice %arg2[%dma_wait3A_200, %dma_wait3A_201] : memref<10000x128xf32, #tpu.memory_space<hbm>> -> memref<10000x128xf32, #tpu.memory_space<hbm>>
      tpu.wait_indirect_dma semaphore(%arg21 : memref<!tpu.dma_semaphore, #tpu.memory_space<semaphore_mem>>) src(%dma_wait3A_202 : memref<10000x128xf32, #tpu.memory_space<hbm>>) dst(%arg17 : memref<128x128xf32, #tpu.memory_space<vmem>>)
      %get3A_203 = arith.constant 0 : index
      %get3A_204 = tpu.vector_load %arg13[%get3A_203] {strides = array<i32>} : memref<128xf32, #tpu.memory_space<vmem>>, vector<16xf32>,
      %get3A_205 = arith.constant 0 : index
      %get3A_206 = tpu.vector_load %arg15[%get3A_205] {strides = array<i32>} : memref<128xf32, #tpu.memory_space<vmem>>, vector<16xf32>,
      %div3A_207 = arith.divf %get3A_204, %get3A_206 : vector<16xf32>
      %swap3A_208 = arith.constant 0 : index
      %swap3A_209 = tpu.vector_load %arg18[%swap3A_208] {strides = array<i32>} : memref<128xf32, #tpu.memory_space<vmem>>, vector<16xf32>,
      tpu.vector_store %arg18[%swap3A_208], %div3A_207 {strides = array<i32>} : memref<128xf32, #tpu.memory_space<vmem>>, vector<16xf32>,
      %get3A_210 = arith.constant 16 : index
      %get3A_211 = tpu.vector_load %arg13[%get3A_210] {strides = array<i32>} : memref<128xf32, #tpu.memory_space<vmem>>, vector<16xf32>,
      %get3A_212 = arith.constant 16 : index
      %get3A_213 = tpu.vector_load %arg15[%get3A_212] {strides = array<i32>} : memref<128xf32, #tpu.memory_space<vmem>>, vector<16xf32>,
      %div3A_214 = arith.divf %get3A_211, %get3A_213 : vector<16xf32>
      %swap3A_215 = arith.constant 16 : index
      %swap3A_216 = tpu.vector_load %arg18[%swap3A_215] {strides = array<i32>} : memref<128xf32, #tpu.memory_space<vmem>>, vector<16xf32>,
      tpu.vector_store %arg18[%swap3A_215], %div3A_214 {strides = array<i32>} : memref<128xf32, #tpu.memory_space<vmem>>, vector<16xf32>,
      %get3A_217 = arith.constant 32 : index
      %get3A_218 = tpu.vector_load %arg13[%get3A_217] {strides = array<i32>} : memref<128xf32, #tpu.memory_space<vmem>>, vector<16xf32>,
      %get3A_219 = arith.constant 32 : index
      %get3A_220 = tpu.vector_load %arg15[%get3A_219] {strides = array<i32>} : memref<128xf32, #tpu.memory_space<vmem>>, vector<16xf32>,
      %div3A_221 = arith.divf %get3A_218, %get3A_220 : vector<16xf32>
      %swap3A_222 = arith.constant 32 : index
      %swap3A_223 = tpu.vector_load %arg18[%swap3A_222] {strides = array<i32>} : memref<128xf32, #tpu.memory_space<vmem>>, vector<16xf32>,
      tpu.vector_store %arg18[%swap3A_222], %div3A_221 {strides = array<i32>} : memref<128xf32, #tpu.memory_space<vmem>>, vector<16xf32>,
      %get3A_224 = arith.constant 48 : index
      %get3A_225 = tpu.vector_load %arg13[%get3A_224] {strides = array<i32>} : memref<128xf32, #tpu.memory_space<vmem>>, vector<16xf32>,
      %get3A_226 = arith.constant 48 : index
      %get3A_227 = tpu.vector_load %arg15[%get3A_226] {strides = array<i32>} : memref<128xf32, #tpu.memory_space<vmem>>, vector<16xf32>,
      %div3A_228 = arith.divf %get3A_225, %get3A_227 : vector<16xf32>
      %swap3A_229 = arith.constant 48 : index
      %swap3A_230 = tpu.vector_load %arg18[%swap3A_229] {strides = array<i32>} : memref<128xf32, #tpu.memory_space<vmem>>, vector<16xf32>,
      tpu.vector_store %arg18[%swap3A_229], %div3A_228 {strides = array<i32>} : memref<128xf32, #tpu.memory_space<vmem>>, vector<16xf32>,
      %get3A_231 = arith.constant 64 : index
      %get3A_232 = tpu.vector_load %arg13[%get3A_231] {strides = array<i32>} : memref<128xf32, #tpu.memory_space<vmem>>, vector<16xf32>,
      %get3A_233 = arith.constant 64 : index
      %get3A_234 = tpu.vector_load %arg15[%get3A_233] {strides = array<i32>} : memref<128xf32, #tpu.memory_space<vmem>>, vector<16xf32>,
      %div3A_235 = arith.divf %get3A_232, %get3A_234 : vector<16xf32>
      %swap3A_236 = arith.constant 64 : index
      %swap3A_237 = tpu.vector_load %arg18[%swap3A_236] {strides = array<i32>} : memref<128xf32, #tpu.memory_space<vmem>>, vector<16xf32>,
      tpu.vector_store %arg18[%swap3A_236], %div3A_235 {strides = array<i32>} : memref<128xf32, #tpu.memory_space<vmem>>, vector<16xf32>,
      %get3A_238 = arith.constant 80 : index
      %get3A_239 = tpu.vector_load %arg13[%get3A_238] {strides = array<i32>} : memref<128xf32, #tpu.memory_space<vmem>>, vector<16xf32>,
      %get3A_240 = arith.constant 80 : index
      %get3A_241 = tpu.vector_load %arg15[%get3A_240] {strides = array<i32>} : memref<128xf32, #tpu.memory_space<vmem>>, vector<16xf32>,
      %div3A_242 = arith.divf %get3A_239, %get3A_241 : vector<16xf32>
      %swap3A_243 = arith.constant 80 : index
      %swap3A_244 = tpu.vector_load %arg18[%swap3A_243] {strides = array<i32>} : memref<128xf32, #tpu.memory_space<vmem>>, vector<16xf32>,
      tpu.vector_store %arg18[%swap3A_243], %div3A_242 {strides = array<i32>} : memref<128xf32, #tpu.memory_space<vmem>>, vector<16xf32>,
      %get3A_245 = arith.constant 96 : index
      %get3A_246 = tpu.vector_load %arg13[%get3A_245] {strides = array<i32>} : memref<128xf32, #tpu.memory_space<vmem>>, vector<16xf32>,
      %get3A_247 = arith.constant 96 : index
      %get3A_248 = tpu.vector_load %arg15[%get3A_247] {strides = array<i32>} : memref<128xf32, #tpu.memory_space<vmem>>, vector<16xf32>,
      %div3A_249 = arith.divf %get3A_246, %get3A_248 : vector<16xf32>
      %swap3A_250 = arith.constant 96 : index
      %swap3A_251 = tpu.vector_load %arg18[%swap3A_250] {strides = array<i32>} : memref<128xf32, #tpu.memory_space<vmem>>, vector<16xf32>,
      tpu.vector_store %arg18[%swap3A_250], %div3A_249 {strides = array<i32>} : memref<128xf32, #tpu.memory_space<vmem>>, vector<16xf32>,
      %get3A_252 = arith.constant 112 : index
      %get3A_253 = tpu.vector_load %arg13[%get3A_252] {strides = array<i32>} : memref<128xf32, #tpu.memory_space<vmem>>, vector<16xf32>,
      %get3A_254 = arith.constant 112 : index
      %get3A_255 = tpu.vector_load %arg15[%get3A_254] {strides = array<i32>} : memref<128xf32, #tpu.memory_space<vmem>>, vector<16xf32>,
      %div3A_256 = arith.divf %get3A_253, %get3A_255 : vector<16xf32>
      %swap3A_257 = arith.constant 112 : index
      %swap3A_258 = tpu.vector_load %arg18[%swap3A_257] {strides = array<i32>} : memref<128xf32, #tpu.memory_space<vmem>>, vector<16xf32>,
      tpu.vector_store %arg18[%swap3A_257], %div3A_256 {strides = array<i32>} : memref<128xf32, #tpu.memory_space<vmem>>, vector<16xf32>,
      %scan3A_259 = arith.constant 0 : i32
      %scan3A_260 = arith.constant 0 : i32
      %scan3A_261 = arith.constant 64 : i32
      %scan3A_262 = arith.addi %scan3A_260, %scan3A_261 : i32
      %scan3A_263 = arith.constant 1 : i32
      scf.for %scan3A_268 = %scan3A_260 to %scan3A_262 step %scan3A_263  : i32 {
        %mul3A_269 = arith.constant 2 : i32
        %mul3A_270 = arith.muli %scan3A_268, %mul3A_269 : i32
        %add3A_271 = arith.constant 0 : i32
        %add3A_272 = arith.addi %mul3A_270, %add3A_271 : i32
        %broadcast_in_dim3A_273 = vector.broadcast %add3A_272 : i32 to vector<16xi32>
        %gather3A = tpu.vector_load_idx %arg18[%broadcast_in_dim3A_273] : memref<128xf32, #tpu.memory_space<vmem>>[vector<16xi32>], vector<16xf32>,
        %get3A_274 = arith.index_cast %add3A_272 : i32 to index
        %get3A_275 = arith.constant 0 : index
        %get3A_276 = tpu.vector_load %arg17[%get3A_274, %get3A_275] {strides = array<i32>} : memref<128x128xf32, #tpu.memory_space<vmem>>, vector<16xf32>,
        %mul3A_277 = arith.mulf %get3A_276, %gather3A : vector<16xf32>
        %swap3A_278 = arith.index_cast %add3A_272 : i32 to index
        %swap3A_279 = arith.constant 0 : index
        %swap3A_280 = tpu.vector_load %arg17[%swap3A_278, %swap3A_279] {strides = array<i32>} : memref<128x128xf32, #tpu.memory_space<vmem>>, vector<16xf32>,
        tpu.vector_store %arg17[%swap3A_278, %swap3A_279], %mul3A_277 {strides = array<i32>} : memref<128x128xf32, #tpu.memory_space<vmem>>, vector<16xf32>,
        %get3A_281 = arith.index_cast %add3A_272 : i32 to index
        %get3A_282 = arith.constant 16 : index
        %get3A_283 = tpu.vector_load %arg17[%get3A_281, %get3A_282] {strides = array<i32>} : memref<128x128xf32, #tpu.memory_space<vmem>>, vector<16xf32>,
        %mul3A_284 = arith.mulf %get3A_283, %gather3A : vector<16xf32>
        %swap3A_285 = arith.index_cast %add3A_272 : i32 to index
        %swap3A_286 = arith.constant 16 : index
        %swap3A_287 = tpu.vector_load %arg17[%swap3A_285, %swap3A_286] {strides = array<i32>} : memref<128x128xf32, #tpu.memory_space<vmem>>, vector<16xf32>,
        tpu.vector_store %arg17[%swap3A_285, %swap3A_286], %mul3A_284 {strides = array<i32>} : memref<128x128xf32, #tpu.memory_space<vmem>>, vector<16xf32>,
        %get3A_288 = arith.index_cast %add3A_272 : i32 to index
        %get3A_289 = arith.constant 32 : index
        %get3A_290 = tpu.vector_load %arg17[%get3A_288, %get3A_289] {strides = array<i32>} : memref<128x128xf32, #tpu.memory_space<vmem>>, vector<16xf32>,
        %mul3A_291 = arith.mulf %get3A_290, %gather3A : vector<16xf32>
        %swap3A_292 = arith.index_cast %add3A_272 : i32 to index
        %swap3A_293 = arith.constant 32 : index
        %swap3A_294 = tpu.vector_load %arg17[%swap3A_292, %swap3A_293] {strides = array<i32>} : memref<128x128xf32, #tpu.memory_space<vmem>>, vector<16xf32>,
        tpu.vector_store %arg17[%swap3A_292, %swap3A_293], %mul3A_291 {strides = array<i32>} : memref<128x128xf32, #tpu.memory_space<vmem>>, vector<16xf32>,
        %get3A_295 = arith.index_cast %add3A_272 : i32 to index
        %get3A_296 = arith.constant 48 : index
        %get3A_297 = tpu.vector_load %arg17[%get3A_295, %get3A_296] {strides = array<i32>} : memref<128x128xf32, #tpu.memory_space<vmem>>, vector<16xf32>,
        %mul3A_298 = arith.mulf %get3A_297, %gather3A : vector<16xf32>
        %swap3A_299 = arith.index_cast %add3A_272 : i32 to index
        %swap3A_300 = arith.constant 48 : index
        %swap3A_301 = tpu.vector_load %arg17[%swap3A_299, %swap3A_300] {strides = array<i32>} : memref<128x128xf32, #tpu.memory_space<vmem>>, vector<16xf32>,
        tpu.vector_store %arg17[%swap3A_299, %swap3A_300], %mul3A_298 {strides = array<i32>} : memref<128x128xf32, #tpu.memory_space<vmem>>, vector<16xf32>,
        %get3A_302 = arith.index_cast %add3A_272 : i32 to index
        %get3A_303 = arith.constant 64 : index
        %get3A_304 = tpu.vector_load %arg17[%get3A_302, %get3A_303] {strides = array<i32>} : memref<128x128xf32, #tpu.memory_space<vmem>>, vector<16xf32>,
        %mul3A_305 = arith.mulf %get3A_304, %gather3A : vector<16xf32>
        %swap3A_306 = arith.index_cast %add3A_272 : i32 to index
        %swap3A_307 = arith.constant 64 : index
        %swap3A_308 = tpu.vector_load %arg17[%swap3A_306, %swap3A_307] {strides = array<i32>} : memref<128x128xf32, #tpu.memory_space<vmem>>, vector<16xf32>,
        tpu.vector_store %arg17[%swap3A_306, %swap3A_307], %mul3A_305 {strides = array<i32>} : memref<128x128xf32, #tpu.memory_space<vmem>>, vector<16xf32>,
        %get3A_309 = arith.index_cast %add3A_272 : i32 to index
        %get3A_310 = arith.constant 80 : index
        %get3A_311 = tpu.vector_load %arg17[%get3A_309, %get3A_310] {strides = array<i32>} : memref<128x128xf32, #tpu.memory_space<vmem>>, vector<16xf32>,
        %mul3A_312 = arith.mulf %get3A_311, %gather3A : vector<16xf32>
        %swap3A_313 = arith.index_cast %add3A_272 : i32 to index
        %swap3A_314 = arith.constant 80 : index
        %swap3A_315 = tpu.vector_load %arg17[%swap3A_313, %swap3A_314] {strides = array<i32>} : memref<128x128xf32, #tpu.memory_space<vmem>>, vector<16xf32>,
        tpu.vector_store %arg17[%swap3A_313, %swap3A_314], %mul3A_312 {strides = array<i32>} : memref<128x128xf32, #tpu.memory_space<vmem>>, vector<16xf32>,
        %get3A_316 = arith.index_cast %add3A_272 : i32 to index
        %get3A_317 = arith.constant 96 : index
        %get3A_318 = tpu.vector_load %arg17[%get3A_316, %get3A_317] {strides = array<i32>} : memref<128x128xf32, #tpu.memory_space<vmem>>, vector<16xf32>,
        %mul3A_319 = arith.mulf %get3A_318, %gather3A : vector<16xf32>
        %swap3A_320 = arith.index_cast %add3A_272 : i32 to index
        %swap3A_321 = arith.constant 96 : index
        %swap3A_322 = tpu.vector_load %arg17[%swap3A_320, %swap3A_321] {strides = array<i32>} : memref<128x128xf32, #tpu.memory_space<vmem>>, vector<16xf32>,
        tpu.vector_store %arg17[%swap3A_320, %swap3A_321], %mul3A_319 {strides = array<i32>} : memref<128x128xf32, #tpu.memory_space<vmem>>, vector<16xf32>,
        %get3A_323 = arith.index_cast %add3A_272 : i32 to index
        %get3A_324 = arith.constant 112 : index
        %get3A_325 = tpu.vector_load %arg17[%get3A_323, %get3A_324] {strides = array<i32>} : memref<128x128xf32, #tpu.memory_space<vmem>>, vector<16xf32>,
        %mul3A_326 = arith.mulf %get3A_325, %gather3A : vector<16xf32>
        %swap3A_327 = arith.index_cast %add3A_272 : i32 to index
        %swap3A_328 = arith.constant 112 : index
        %swap3A_329 = tpu.vector_load %arg17[%swap3A_327, %swap3A_328] {strides = array<i32>} : memref<128x128xf32, #tpu.memory_space<vmem>>, vector<16xf32>,
        tpu.vector_store %arg17[%swap3A_327, %swap3A_328], %mul3A_326 {strides = array<i32>} : memref<128x128xf32, #tpu.memory_space<vmem>>, vector<16xf32>,
        %mul3A_330 = arith.constant 2 : i32
        %mul3A_331 = arith.muli %scan3A_268, %mul3A_330 : i32
        %add3A_332 = arith.constant 1 : i32
        %add3A_333 = arith.addi %mul3A_331, %add3A_332 : i32
        %broadcast_in_dim3A_334 = vector.broadcast %add3A_333 : i32 to vector<16xi32>
        %gather3A_335 = tpu.vector_load_idx %arg18[%broadcast_in_dim3A_334] : memref<128xf32, #tpu.memory_space<vmem>>[vector<16xi32>], vector<16xf32>,
        %get3A_336 = arith.index_cast %add3A_333 : i32 to index
        %get3A_337 = arith.constant 0 : index
        %get3A_338 = tpu.vector_load %arg17[%get3A_336, %get3A_337] {strides = array<i32>} : memref<128x128xf32, #tpu.memory_space<vmem>>, vector<16xf32>,
        %mul3A_339 = arith.mulf %get3A_338, %gather3A_335 : vector<16xf32>
        %swap3A_340 = arith.index_cast %add3A_333 : i32 to index
        %swap3A_341 = arith.constant 0 : index
        %swap3A_342 = tpu.vector_load %arg17[%swap3A_340, %swap3A_341] {strides = array<i32>} : memref<128x128xf32, #tpu.memory_space<vmem>>, vector<16xf32>,
        tpu.vector_store %arg17[%swap3A_340, %swap3A_341], %mul3A_339 {strides = array<i32>} : memref<128x128xf32, #tpu.memory_space<vmem>>, vector<16xf32>,
        %get3A_343 = arith.index_cast %add3A_333 : i32 to index
        %get3A_344 = arith.constant 16 : index
        %get3A_345 = tpu.vector_load %arg17[%get3A_343, %get3A_344] {strides = array<i32>} : memref<128x128xf32, #tpu.memory_space<vmem>>, vector<16xf32>,
        %mul3A_346 = arith.mulf %get3A_345, %gather3A_335 : vector<16xf32>
        %swap3A_347 = arith.index_cast %add3A_333 : i32 to index
        %swap3A_348 = arith.constant 16 : index
        %swap3A_349 = tpu.vector_load %arg17[%swap3A_347, %swap3A_348] {strides = array<i32>} : memref<128x128xf32, #tpu.memory_space<vmem>>, vector<16xf32>,
        tpu.vector_store %arg17[%swap3A_347, %swap3A_348], %mul3A_346 {strides = array<i32>} : memref<128x128xf32, #tpu.memory_space<vmem>>, vector<16xf32>,
        %get3A_350 = arith.index_cast %add3A_333 : i32 to index
        %get3A_351 = arith.constant 32 : index
        %get3A_352 = tpu.vector_load %arg17[%get3A_350, %get3A_351] {strides = array<i32>} : memref<128x128xf32, #tpu.memory_space<vmem>>, vector<16xf32>,
        %mul3A_353 = arith.mulf %get3A_352, %gather3A_335 : vector<16xf32>
        %swap3A_354 = arith.index_cast %add3A_333 : i32 to index
        %swap3A_355 = arith.constant 32 : index
        %swap3A_356 = tpu.vector_load %arg17[%swap3A_354, %swap3A_355] {strides = array<i32>} : memref<128x128xf32, #tpu.memory_space<vmem>>, vector<16xf32>,
        tpu.vector_store %arg17[%swap3A_354, %swap3A_355], %mul3A_353 {strides = array<i32>} : memref<128x128xf32, #tpu.memory_space<vmem>>, vector<16xf32>,
        %get3A_357 = arith.index_cast %add3A_333 : i32 to index
        %get3A_358 = arith.constant 48 : index
        %get3A_359 = tpu.vector_load %arg17[%get3A_357, %get3A_358] {strides = array<i32>} : memref<128x128xf32, #tpu.memory_space<vmem>>, vector<16xf32>,
        %mul3A_360 = arith.mulf %get3A_359, %gather3A_335 : vector<16xf32>
        %swap3A_361 = arith.index_cast %add3A_333 : i32 to index
        %swap3A_362 = arith.constant 48 : index
        %swap3A_363 = tpu.vector_load %arg17[%swap3A_361, %swap3A_362] {strides = array<i32>} : memref<128x128xf32, #tpu.memory_space<vmem>>, vector<16xf32>,
        tpu.vector_store %arg17[%swap3A_361, %swap3A_362], %mul3A_360 {strides = array<i32>} : memref<128x128xf32, #tpu.memory_space<vmem>>, vector<16xf32>,
        %get3A_364 = arith.index_cast %add3A_333 : i32 to index
        %get3A_365 = arith.constant 64 : index
        %get3A_366 = tpu.vector_load %arg17[%get3A_364, %get3A_365] {strides = array<i32>} : memref<128x128xf32, #tpu.memory_space<vmem>>, vector<16xf32>,
        %mul3A_367 = arith.mulf %get3A_366, %gather3A_335 : vector<16xf32>
        %swap3A_368 = arith.index_cast %add3A_333 : i32 to index
        %swap3A_369 = arith.constant 64 : index
        %swap3A_370 = tpu.vector_load %arg17[%swap3A_368, %swap3A_369] {strides = array<i32>} : memref<128x128xf32, #tpu.memory_space<vmem>>, vector<16xf32>,
        tpu.vector_store %arg17[%swap3A_368, %swap3A_369], %mul3A_367 {strides = array<i32>} : memref<128x128xf32, #tpu.memory_space<vmem>>, vector<16xf32>,
        %get3A_371 = arith.index_cast %add3A_333 : i32 to index
        %get3A_372 = arith.constant 80 : index
        %get3A_373 = tpu.vector_load %arg17[%get3A_371, %get3A_372] {strides = array<i32>} : memref<128x128xf32, #tpu.memory_space<vmem>>, vector<16xf32>,
        %mul3A_374 = arith.mulf %get3A_373, %gather3A_335 : vector<16xf32>
        %swap3A_375 = arith.index_cast %add3A_333 : i32 to index
        %swap3A_376 = arith.constant 80 : index
        %swap3A_377 = tpu.vector_load %arg17[%swap3A_375, %swap3A_376] {strides = array<i32>} : memref<128x128xf32, #tpu.memory_space<vmem>>, vector<16xf32>,
        tpu.vector_store %arg17[%swap3A_375, %swap3A_376], %mul3A_374 {strides = array<i32>} : memref<128x128xf32, #tpu.memory_space<vmem>>, vector<16xf32>,
        %get3A_378 = arith.index_cast %add3A_333 : i32 to index
        %get3A_379 = arith.constant 96 : index
        %get3A_380 = tpu.vector_load %arg17[%get3A_378, %get3A_379] {strides = array<i32>} : memref<128x128xf32, #tpu.memory_space<vmem>>, vector<16xf32>,
        %mul3A_381 = arith.mulf %get3A_380, %gather3A_335 : vector<16xf32>
        %swap3A_382 = arith.index_cast %add3A_333 : i32 to index
        %swap3A_383 = arith.constant 96 : index
        %swap3A_384 = tpu.vector_load %arg17[%swap3A_382, %swap3A_383] {strides = array<i32>} : memref<128x128xf32, #tpu.memory_space<vmem>>, vector<16xf32>,
        tpu.vector_store %arg17[%swap3A_382, %swap3A_383], %mul3A_381 {strides = array<i32>} : memref<128x128xf32, #tpu.memory_space<vmem>>, vector<16xf32>,
        %get3A_385 = arith.index_cast %add3A_333 : i32 to index
        %get3A_386 = arith.constant 112 : index
        %get3A_387 = tpu.vector_load %arg17[%get3A_385, %get3A_386] {strides = array<i32>} : memref<128x128xf32, #tpu.memory_space<vmem>>, vector<16xf32>,
        %mul3A_388 = arith.mulf %get3A_387, %gather3A_335 : vector<16xf32>
        %swap3A_389 = arith.index_cast %add3A_333 : i32 to index
        %swap3A_390 = arith.constant 112 : index
        %swap3A_391 = tpu.vector_load %arg17[%swap3A_389, %swap3A_390] {strides = array<i32>} : memref<128x128xf32, #tpu.memory_space<vmem>>, vector<16xf32>,
        tpu.vector_store %arg17[%swap3A_389, %swap3A_390], %mul3A_388 {strides = array<i32>} : memref<128x128xf32, #tpu.memory_space<vmem>>, vector<16xf32>,
      }
      %scan3A_264 = arith.constant 64 : i32
      %dma_start3A_265 = arith.constant 0 : i32
      %dma_start3A_266 = arith.constant 0 : i32
      %dma_start3A_267 = tpu.memref_slice %arg19[%dma_start3A_265, %dma_start3A_266] : memref<10240x128xf32, #tpu.memory_space<vmem_shared>> -> memref<10240x128xf32, #tpu.memory_space<vmem_shared>>
      tpu.enqueue_indirect_dma source(%arg17 : memref<128x128xf32, #tpu.memory_space<vmem>>) target(%dma_start3A_267 : memref<10240x128xf32, #tpu.memory_space<vmem_shared>>) offsets(%arg11 : memref<128xi32, #tpu.memory_space<vmem>>) semaphore(%arg25 : memref<!tpu.dma_semaphore, #tpu.memory_space<semaphore_mem>>) {add = true}
    } else {
    }
    %scan3A_109 = arith.constant 0 : i32
    %scan3A_110 = arith.constant 0 : i32
    %scan3A_111 = arith.constant 39 : i32
    %scan3A_112 = arith.addi %scan3A_110, %scan3A_111 : i32
    %scan3A_113 = arith.constant 1 : i32
    scf.for %scan3A_191 = %scan3A_110 to %scan3A_112 step %scan3A_113  : i32 {
      %mul3A_192 = arith.constant 2 : i32
      %mul3A_193 = arith.muli %scan3A_191, %mul3A_192 : i32
      %add3A_194 = arith.constant 2 : i32
      %add3A_195 = arith.addi %add3A_194, %mul3A_193 : i32
      %add3A_196 = arith.constant 0 : i32
      %add3A_197 = arith.addi %add3A_195, %add3A_196 : i32
      %mul3A_198 = arith.constant 32 : i32
      %mul3A_199 = arith.muli %add3A_197, %mul3A_198 : i32
      %add3A_200 = arith.addi %add3A, %mul3A_199 : i32
      %add3A_201 = arith.constant 32 : i32
      %add3A_202 = arith.addi %add3A_200, %add3A_201 : i32
      %lt3A_203 = arith.constant 2500 : i32
      %lt3A_204 = arith.cmpi slt, %add3A_200, %lt3A_203 : i32
      %convert_element_type3A_205 = arith.extui %lt3A_204 : i1 to i32
      %cond3A_206 = arith.constant 0 : i32
      %cond3A_207 = arith.cmpi ne, %convert_element_type3A_205, %cond3A_206 : i32
      scf.if %cond3A_207 {
        %lt3A_224 = arith.constant 2500 : i32
        %lt3A_225 = arith.cmpi slt, %add3A_202, %lt3A_224 : i32
        %convert_element_type3A_226 = arith.extui %lt3A_225 : i1 to i32
        %cond3A_227 = arith.constant 0 : i32
        %cond3A_228 = arith.cmpi ne, %convert_element_type3A_226, %cond3A_227 : i32
        scf.if %cond3A_228 {
          %dma_wait3A_299 = arith.constant 0 : i32
          %dma_wait3A_300 = arith.constant 0 : i32
          %dma_wait3A_301 = tpu.memref_slice %arg19[%dma_wait3A_299, %dma_wait3A_300] : memref<10240x128xf32, #tpu.memory_space<vmem_shared>> -> memref<10240x128xf32, #tpu.memory_space<vmem_shared>>
          tpu.wait_indirect_dma semaphore(%arg25 : memref<!tpu.dma_semaphore, #tpu.memory_space<semaphore_mem>>) src(%arg17 : memref<128x128xf32, #tpu.memory_space<vmem>>) dst(%dma_wait3A_301 : memref<10240x128xf32, #tpu.memory_space<vmem_shared>>)
          %mul3A_302 = arith.constant 128 : i32
          %mul3A_303 = arith.muli %add3A_202, %mul3A_302 : i32
          %run_scoped3A_304 = arith.constant 0 : i32
          "tpu.region"() ({
            %run_scoped3A_311 = tpu.sem_alloc : memref<!tpu.dma_semaphore, #tpu.memory_space<semaphore_mem>>
            %dma_start3A_312 = tpu.memref_slice %arg3[%run_scoped3A_304, %mul3A_303] : memref<2x320000xi32, #tpu.memory_space<hbm>> -> memref<1x128xi32, #tpu.memory_space<hbm>>
            %dma_start3A_313 = tpu.memref_squeeze %dma_start3A_312 : memref<1x128xi32, #tpu.memory_space<hbm>> -> memref<128xi32, #tpu.memory_space<hbm>>
            %dma_start3A_314 = tpu.memref_slice %arg3[%run_scoped3A_304, %mul3A_303] : memref<2x320000xi32, #tpu.memory_space<hbm>> -> memref<1x128xi32, #tpu.memory_space<hbm>>
            %dma_start3A_315 = tpu.memref_squeeze %dma_start3A_314 : memref<1x128xi32, #tpu.memory_space<hbm>> -> memref<128xi32, #tpu.memory_space<hbm>>
            tpu.enqueue_dma source(%dma_start3A_315 : memref<128xi32, #tpu.memory_space<hbm>>) target(%arg9 : memref<128xi32, #tpu.memory_space<vmem>>) target_semaphore(%run_scoped3A_311 : memref<!tpu.dma_semaphore, #tpu.memory_space<semaphore_mem>>)
            %dma_wait3A_316 = tpu.memref_slice %arg3[%run_scoped3A_304, %mul3A_303] : memref<2x320000xi32, #tpu.memory_space<hbm>> -> memref<1x128xi32, #tpu.memory_space<hbm>>
            %dma_wait3A_317 = tpu.memref_squeeze %dma_wait3A_316 : memref<1x128xi32, #tpu.memory_space<hbm>> -> memref<128xi32, #tpu.memory_space<hbm>>
            %dma_wait3A_318 = tpu.memref_slice %arg3[%run_scoped3A_304, %mul3A_303] : memref<2x320000xi32, #tpu.memory_space<hbm>> -> memref<1x128xi32, #tpu.memory_space<hbm>>
            %dma_wait3A_319 = tpu.memref_squeeze %dma_wait3A_318 : memref<1x128xi32, #tpu.memory_space<hbm>> -> memref<128xi32, #tpu.memory_space<hbm>>
            tpu.wait_dma2 semaphore(%run_scoped3A_311 : memref<!tpu.dma_semaphore, #tpu.memory_space<semaphore_mem>>) src(%dma_wait3A_319 : memref<128xi32, #tpu.memory_space<hbm>>) dst(%arg9 : memref<128xi32, #tpu.memory_space<vmem>>)
            tpu.yield
          }) : () -> ()
          %run_scoped3A_305 = arith.constant 1 : i32
          "tpu.region"() ({
            %run_scoped3A_311 = tpu.sem_alloc : memref<!tpu.dma_semaphore, #tpu.memory_space<semaphore_mem>>
            %dma_start3A_312 = tpu.memref_slice %arg3[%run_scoped3A_305, %mul3A_303] : memref<2x320000xi32, #tpu.memory_space<hbm>> -> memref<1x128xi32, #tpu.memory_space<hbm>>
            %dma_start3A_313 = tpu.memref_squeeze %dma_start3A_312 : memref<1x128xi32, #tpu.memory_space<hbm>> -> memref<128xi32, #tpu.memory_space<hbm>>
            %dma_start3A_314 = tpu.memref_slice %arg3[%run_scoped3A_305, %mul3A_303] : memref<2x320000xi32, #tpu.memory_space<hbm>> -> memref<1x128xi32, #tpu.memory_space<hbm>>
            %dma_start3A_315 = tpu.memref_squeeze %dma_start3A_314 : memref<1x128xi32, #tpu.memory_space<hbm>> -> memref<128xi32, #tpu.memory_space<hbm>>
            tpu.enqueue_dma source(%dma_start3A_315 : memref<128xi32, #tpu.memory_space<hbm>>) target(%arg11 : memref<128xi32, #tpu.memory_space<vmem>>) target_semaphore(%run_scoped3A_311 : memref<!tpu.dma_semaphore, #tpu.memory_space<semaphore_mem>>)
            %dma_wait3A_316 = tpu.memref_slice %arg3[%run_scoped3A_305, %mul3A_303] : memref<2x320000xi32, #tpu.memory_space<hbm>> -> memref<1x128xi32, #tpu.memory_space<hbm>>
            %dma_wait3A_317 = tpu.memref_squeeze %dma_wait3A_316 : memref<1x128xi32, #tpu.memory_space<hbm>> -> memref<128xi32, #tpu.memory_space<hbm>>
            %dma_wait3A_318 = tpu.memref_slice %arg3[%run_scoped3A_305, %mul3A_303] : memref<2x320000xi32, #tpu.memory_space<hbm>> -> memref<1x128xi32, #tpu.memory_space<hbm>>
            %dma_wait3A_319 = tpu.memref_squeeze %dma_wait3A_318 : memref<1x128xi32, #tpu.memory_space<hbm>> -> memref<128xi32, #tpu.memory_space<hbm>>
            tpu.wait_dma2 semaphore(%run_scoped3A_311 : memref<!tpu.dma_semaphore, #tpu.memory_space<semaphore_mem>>) src(%dma_wait3A_319 : memref<128xi32, #tpu.memory_space<hbm>>) dst(%arg11 : memref<128xi32, #tpu.memory_space<vmem>>)
            tpu.yield
          }) : () -> ()
          "tpu.region"() ({
            %run_scoped3A_311 = tpu.sem_alloc : memref<!tpu.dma_semaphore, #tpu.memory_space<semaphore_mem>>
            %dma_start3A_312 = tpu.memref_slice %arg4[%mul3A_303] : memref<320000xf32, #tpu.memory_space<hbm>> -> memref<128xf32, #tpu.memory_space<hbm>>
            %dma_start3A_313 = tpu.memref_slice %arg4[%mul3A_303] : memref<320000xf32, #tpu.memory_space<hbm>> -> memref<128xf32, #tpu.memory_space<hbm>>
            tpu.enqueue_dma source(%dma_start3A_313 : memref<128xf32, #tpu.memory_space<hbm>>) target(%arg13 : memref<128xf32, #tpu.memory_space<vmem>>) target_semaphore(%run_scoped3A_311 : memref<!tpu.dma_semaphore, #tpu.memory_space<semaphore_mem>>)
            %dma_wait3A_314 = tpu.memref_slice %arg4[%mul3A_303] : memref<320000xf32, #tpu.memory_space<hbm>> -> memref<128xf32, #tpu.memory_space<hbm>>
            %dma_wait3A_315 = tpu.memref_slice %arg4[%mul3A_303] : memref<320000xf32, #tpu.memory_space<hbm>> -> memref<128xf32, #tpu.memory_space<hbm>>
            tpu.wait_dma2 semaphore(%run_scoped3A_311 : memref<!tpu.dma_semaphore, #tpu.memory_space<semaphore_mem>>) src(%dma_wait3A_315 : memref<128xf32, #tpu.memory_space<hbm>>) dst(%arg13 : memref<128xf32, #tpu.memory_space<vmem>>)
            tpu.yield
          }) : () -> ()
          %dma_start3A_306 = arith.constant 0 : i32
          %dma_start3A_307 = tpu.memref_slice %arg5[%dma_start3A_306] : memref<10240xf32, #tpu.memory_space<hbm>> -> memref<10240xf32, #tpu.memory_space<hbm>>
          tpu.enqueue_indirect_dma source(%dma_start3A_307 : memref<10240xf32, #tpu.memory_space<hbm>>) target(%arg15 : memref<128xf32, #tpu.memory_space<vmem>>) offsets(%arg11 : memref<128xi32, #tpu.memory_space<vmem>>) semaphore(%arg23 : memref<!tpu.dma_semaphore, #tpu.memory_space<semaphore_mem>>)
          %dma_start3A_308 = arith.constant 0 : i32
          %dma_start3A_309 = arith.constant 0 : i32
          %dma_start3A_310 = tpu.memref_slice %arg2[%dma_start3A_308, %dma_start3A_309] : memref<10000x128xf32, #tpu.memory_space<hbm>> -> memref<10000x128xf32, #tpu.memory_space<hbm>>
          tpu.enqueue_indirect_dma source(%dma_start3A_310 : memref<10000x128xf32, #tpu.memory_space<hbm>>) target(%arg17 : memref<128x128xf32, #tpu.memory_space<vmem>>) offsets(%arg9 : memref<128xi32, #tpu.memory_space<vmem>>) semaphore(%arg21 : memref<!tpu.dma_semaphore, #tpu.memory_space<semaphore_mem>>)
        } else {
        }
        %dma_wait3A_229 = arith.constant 0 : i32
        %dma_wait3A_230 = tpu.memref_slice %arg5[%dma_wait3A_229] : memref<10240xf32, #tpu.memory_space<hbm>> -> memref<10240xf32, #tpu.memory_space<hbm>>
        tpu.wait_indirect_dma semaphore(%arg22 : memref<!tpu.dma_semaphore, #tpu.memory_space<semaphore_mem>>) src(%dma_wait3A_230 : memref<10240xf32, #tpu.memory_space<hbm>>) dst(%arg14 : memref<128xf32, #tpu.memory_space<vmem>>)
        %dma_wait3A_231 = arith.constant 0 : i32
        %dma_wait3A_232 = arith.constant 0 : i32
        %dma_wait3A_233 = tpu.memref_slice %arg2[%dma_wait3A_231, %dma_wait3A_232] : memref<10000x128xf32, #tpu.memory_space<hbm>> -> memref<10000x128xf32, #tpu.memory_space<hbm>>
        tpu.wait_indirect_dma semaphore(%arg20 : memref<!tpu.dma_semaphore, #tpu.memory_space<semaphore_mem>>) src(%dma_wait3A_233 : memref<10000x128xf32, #tpu.memory_space<hbm>>) dst(%arg16 : memref<128x128xf32, #tpu.memory_space<vmem>>)
        %get3A_234 = arith.constant 0 : index
        %get3A_235 = tpu.vector_load %arg12[%get3A_234] {strides = array<i32>} : memref<128xf32, #tpu.memory_space<vmem>>, vector<16xf32>,
        %get3A_236 = arith.constant 0 : index
        %get3A_237 = tpu.vector_load %arg14[%get3A_236] {strides = array<i32>} : memref<128xf32, #tpu.memory_space<vmem>>, vector<16xf32>,
        %div3A_238 = arith.divf %get3A_235, %get3A_237 : vector<16xf32>
        %swap3A_239 = arith.constant 0 : index
        %swap3A_240 = tpu.vector_load %arg18[%swap3A_239] {strides = array<i32>} : memref<128xf32, #tpu.memory_space<vmem>>, vector<16xf32>,
        tpu.vector_store %arg18[%swap3A_239], %div3A_238 {strides = array<i32>} : memref<128xf32, #tpu.memory_space<vmem>>, vector<16xf32>,
        %get3A_241 = arith.constant 16 : index
        %get3A_242 = tpu.vector_load %arg12[%get3A_241] {strides = array<i32>} : memref<128xf32, #tpu.memory_space<vmem>>, vector<16xf32>,
        %get3A_243 = arith.constant 16 : index
        %get3A_244 = tpu.vector_load %arg14[%get3A_243] {strides = array<i32>} : memref<128xf32, #tpu.memory_space<vmem>>, vector<16xf32>,
        %div3A_245 = arith.divf %get3A_242, %get3A_244 : vector<16xf32>
        %swap3A_246 = arith.constant 16 : index
        %swap3A_247 = tpu.vector_load %arg18[%swap3A_246] {strides = array<i32>} : memref<128xf32, #tpu.memory_space<vmem>>, vector<16xf32>,
        tpu.vector_store %arg18[%swap3A_246], %div3A_245 {strides = array<i32>} : memref<128xf32, #tpu.memory_space<vmem>>, vector<16xf32>,
        %get3A_248 = arith.constant 32 : index
        %get3A_249 = tpu.vector_load %arg12[%get3A_248] {strides = array<i32>} : memref<128xf32, #tpu.memory_space<vmem>>, vector<16xf32>,
        %get3A_250 = arith.constant 32 : index
        %get3A_251 = tpu.vector_load %arg14[%get3A_250] {strides = array<i32>} : memref<128xf32, #tpu.memory_space<vmem>>, vector<16xf32>,
        %div3A_252 = arith.divf %get3A_249, %get3A_251 : vector<16xf32>
        %swap3A_253 = arith.constant 32 : index
        %swap3A_254 = tpu.vector_load %arg18[%swap3A_253] {strides = array<i32>} : memref<128xf32, #tpu.memory_space<vmem>>, vector<16xf32>,
        tpu.vector_store %arg18[%swap3A_253], %div3A_252 {strides = array<i32>} : memref<128xf32, #tpu.memory_space<vmem>>, vector<16xf32>,
        %get3A_255 = arith.constant 48 : index
        %get3A_256 = tpu.vector_load %arg12[%get3A_255] {strides = array<i32>} : memref<128xf32, #tpu.memory_space<vmem>>, vector<16xf32>,
        %get3A_257 = arith.constant 48 : index
        %get3A_258 = tpu.vector_load %arg14[%get3A_257] {strides = array<i32>} : memref<128xf32, #tpu.memory_space<vmem>>, vector<16xf32>,
        %div3A_259 = arith.divf %get3A_256, %get3A_258 : vector<16xf32>
        %swap3A_260 = arith.constant 48 : index
        %swap3A_261 = tpu.vector_load %arg18[%swap3A_260] {strides = array<i32>} : memref<128xf32, #tpu.memory_space<vmem>>, vector<16xf32>,
        tpu.vector_store %arg18[%swap3A_260], %div3A_259 {strides = array<i32>} : memref<128xf32, #tpu.memory_space<vmem>>, vector<16xf32>,
        %get3A_262 = arith.constant 64 : index
        %get3A_263 = tpu.vector_load %arg12[%get3A_262] {strides = array<i32>} : memref<128xf32, #tpu.memory_space<vmem>>, vector<16xf32>,
        %get3A_264 = arith.constant 64 : index
        %get3A_265 = tpu.vector_load %arg14[%get3A_264] {strides = array<i32>} : memref<128xf32, #tpu.memory_space<vmem>>, vector<16xf32>,
        %div3A_266 = arith.divf %get3A_263, %get3A_265 : vector<16xf32>
        %swap3A_267 = arith.constant 64 : index
        %swap3A_268 = tpu.vector_load %arg18[%swap3A_267] {strides = array<i32>} : memref<128xf32, #tpu.memory_space<vmem>>, vector<16xf32>,
        tpu.vector_store %arg18[%swap3A_267], %div3A_266 {strides = array<i32>} : memref<128xf32, #tpu.memory_space<vmem>>, vector<16xf32>,
        %get3A_269 = arith.constant 80 : index
        %get3A_270 = tpu.vector_load %arg12[%get3A_269] {strides = array<i32>} : memref<128xf32, #tpu.memory_space<vmem>>, vector<16xf32>,
        %get3A_271 = arith.constant 80 : index
        %get3A_272 = tpu.vector_load %arg14[%get3A_271] {strides = array<i32>} : memref<128xf32, #tpu.memory_space<vmem>>, vector<16xf32>,
        %div3A_273 = arith.divf %get3A_270, %get3A_272 : vector<16xf32>
        %swap3A_274 = arith.constant 80 : index
        %swap3A_275 = tpu.vector_load %arg18[%swap3A_274] {strides = array<i32>} : memref<128xf32, #tpu.memory_space<vmem>>, vector<16xf32>,
        tpu.vector_store %arg18[%swap3A_274], %div3A_273 {strides = array<i32>} : memref<128xf32, #tpu.memory_space<vmem>>, vector<16xf32>,
        %get3A_276 = arith.constant 96 : index
        %get3A_277 = tpu.vector_load %arg12[%get3A_276] {strides = array<i32>} : memref<128xf32, #tpu.memory_space<vmem>>, vector<16xf32>,
        %get3A_278 = arith.constant 96 : index
        %get3A_279 = tpu.vector_load %arg14[%get3A_278] {strides = array<i32>} : memref<128xf32, #tpu.memory_space<vmem>>, vector<16xf32>,
        %div3A_280 = arith.divf %get3A_277, %get3A_279 : vector<16xf32>
        %swap3A_281 = arith.constant 96 : index
        %swap3A_282 = tpu.vector_load %arg18[%swap3A_281] {strides = array<i32>} : memref<128xf32, #tpu.memory_space<vmem>>, vector<16xf32>,
        tpu.vector_store %arg18[%swap3A_281], %div3A_280 {strides = array<i32>} : memref<128xf32, #tpu.memory_space<vmem>>, vector<16xf32>,
        %get3A_283 = arith.constant 112 : index
        %get3A_284 = tpu.vector_load %arg12[%get3A_283] {strides = array<i32>} : memref<128xf32, #tpu.memory_space<vmem>>, vector<16xf32>,
        %get3A_285 = arith.constant 112 : index
        %get3A_286 = tpu.vector_load %arg14[%get3A_285] {strides = array<i32>} : memref<128xf32, #tpu.memory_space<vmem>>, vector<16xf32>,
        %div3A_287 = arith.divf %get3A_284, %get3A_286 : vector<16xf32>
        %swap3A_288 = arith.constant 112 : index
        %swap3A_289 = tpu.vector_load %arg18[%swap3A_288] {strides = array<i32>} : memref<128xf32, #tpu.memory_space<vmem>>, vector<16xf32>,
        tpu.vector_store %arg18[%swap3A_288], %div3A_287 {strides = array<i32>} : memref<128xf32, #tpu.memory_space<vmem>>, vector<16xf32>,
        %scan3A_290 = arith.constant 0 : i32
        %scan3A_291 = arith.constant 0 : i32
        %scan3A_292 = arith.constant 64 : i32
        %scan3A_293 = arith.addi %scan3A_291, %scan3A_292 : i32
        %scan3A_294 = arith.constant 1 : i32
        scf.for %scan3A_299 = %scan3A_291 to %scan3A_293 step %scan3A_294  : i32 {
          %mul3A_300 = arith.constant 2 : i32
          %mul3A_301 = arith.muli %scan3A_299, %mul3A_300 : i32
          %add3A_302 = arith.constant 0 : i32
          %add3A_303 = arith.addi %mul3A_301, %add3A_302 : i32
          %broadcast_in_dim3A_304 = vector.broadcast %add3A_303 : i32 to vector<16xi32>
          %gather3A = tpu.vector_load_idx %arg18[%broadcast_in_dim3A_304] : memref<128xf32, #tpu.memory_space<vmem>>[vector<16xi32>], vector<16xf32>,
          %get3A_305 = arith.index_cast %add3A_303 : i32 to index
          %get3A_306 = arith.constant 0 : index
          %get3A_307 = tpu.vector_load %arg16[%get3A_305, %get3A_306] {strides = array<i32>} : memref<128x128xf32, #tpu.memory_space<vmem>>, vector<16xf32>,
          %mul3A_308 = arith.mulf %get3A_307, %gather3A : vector<16xf32>
          %swap3A_309 = arith.index_cast %add3A_303 : i32 to index
          %swap3A_310 = arith.constant 0 : index
          %swap3A_311 = tpu.vector_load %arg16[%swap3A_309, %swap3A_310] {strides = array<i32>} : memref<128x128xf32, #tpu.memory_space<vmem>>, vector<16xf32>,
          tpu.vector_store %arg16[%swap3A_309, %swap3A_310], %mul3A_308 {strides = array<i32>} : memref<128x128xf32, #tpu.memory_space<vmem>>, vector<16xf32>,
          %get3A_312 = arith.index_cast %add3A_303 : i32 to index
          %get3A_313 = arith.constant 16 : index
          %get3A_314 = tpu.vector_load %arg16[%get3A_312, %get3A_313] {strides = array<i32>} : memref<128x128xf32, #tpu.memory_space<vmem>>, vector<16xf32>,
          %mul3A_315 = arith.mulf %get3A_314, %gather3A : vector<16xf32>
          %swap3A_316 = arith.index_cast %add3A_303 : i32 to index
          %swap3A_317 = arith.constant 16 : index
          %swap3A_318 = tpu.vector_load %arg16[%swap3A_316, %swap3A_317] {strides = array<i32>} : memref<128x128xf32, #tpu.memory_space<vmem>>, vector<16xf32>,
          tpu.vector_store %arg16[%swap3A_316, %swap3A_317], %mul3A_315 {strides = array<i32>} : memref<128x128xf32, #tpu.memory_space<vmem>>, vector<16xf32>,
          %get3A_319 = arith.index_cast %add3A_303 : i32 to index
          %get3A_320 = arith.constant 32 : index
          %get3A_321 = tpu.vector_load %arg16[%get3A_319, %get3A_320] {strides = array<i32>} : memref<128x128xf32, #tpu.memory_space<vmem>>, vector<16xf32>,
          %mul3A_322 = arith.mulf %get3A_321, %gather3A : vector<16xf32>
          %swap3A_323 = arith.index_cast %add3A_303 : i32 to index
          %swap3A_324 = arith.constant 32 : index
          %swap3A_325 = tpu.vector_load %arg16[%swap3A_323, %swap3A_324] {strides = array<i32>} : memref<128x128xf32, #tpu.memory_space<vmem>>, vector<16xf32>,
          tpu.vector_store %arg16[%swap3A_323, %swap3A_324], %mul3A_322 {strides = array<i32>} : memref<128x128xf32, #tpu.memory_space<vmem>>, vector<16xf32>,
          %get3A_326 = arith.index_cast %add3A_303 : i32 to index
          %get3A_327 = arith.constant 48 : index
          %get3A_328 = tpu.vector_load %arg16[%get3A_326, %get3A_327] {strides = array<i32>} : memref<128x128xf32, #tpu.memory_space<vmem>>, vector<16xf32>,
          %mul3A_329 = arith.mulf %get3A_328, %gather3A : vector<16xf32>
          %swap3A_330 = arith.index_cast %add3A_303 : i32 to index
          %swap3A_331 = arith.constant 48 : index
          %swap3A_332 = tpu.vector_load %arg16[%swap3A_330, %swap3A_331] {strides = array<i32>} : memref<128x128xf32, #tpu.memory_space<vmem>>, vector<16xf32>,
          tpu.vector_store %arg16[%swap3A_330, %swap3A_331], %mul3A_329 {strides = array<i32>} : memref<128x128xf32, #tpu.memory_space<vmem>>, vector<16xf32>,
          %get3A_333 = arith.index_cast %add3A_303 : i32 to index
          %get3A_334 = arith.constant 64 : index
          %get3A_335 = tpu.vector_load %arg16[%get3A_333, %get3A_334] {strides = array<i32>} : memref<128x128xf32, #tpu.memory_space<vmem>>, vector<16xf32>,
          %mul3A_336 = arith.mulf %get3A_335, %gather3A : vector<16xf32>
          %swap3A_337 = arith.index_cast %add3A_303 : i32 to index
          %swap3A_338 = arith.constant 64 : index
          %swap3A_339 = tpu.vector_load %arg16[%swap3A_337, %swap3A_338] {strides = array<i32>} : memref<128x128xf32, #tpu.memory_space<vmem>>, vector<16xf32>,
          tpu.vector_store %arg16[%swap3A_337, %swap3A_338], %mul3A_336 {strides = array<i32>} : memref<128x128xf32, #tpu.memory_space<vmem>>, vector<16xf32>,
          %get3A_340 = arith.index_cast %add3A_303 : i32 to index
          %get3A_341 = arith.constant 80 : index
          %get3A_342 = tpu.vector_load %arg16[%get3A_340, %get3A_341] {strides = array<i32>} : memref<128x128xf32, #tpu.memory_space<vmem>>, vector<16xf32>,
          %mul3A_343 = arith.mulf %get3A_342, %gather3A : vector<16xf32>
          %swap3A_344 = arith.index_cast %add3A_303 : i32 to index
          %swap3A_345 = arith.constant 80 : index
          %swap3A_346 = tpu.vector_load %arg16[%swap3A_344, %swap3A_345] {strides = array<i32>} : memref<128x128xf32, #tpu.memory_space<vmem>>, vector<16xf32>,
          tpu.vector_store %arg16[%swap3A_344, %swap3A_345], %mul3A_343 {strides = array<i32>} : memref<128x128xf32, #tpu.memory_space<vmem>>, vector<16xf32>,
          %get3A_347 = arith.index_cast %add3A_303 : i32 to index
          %get3A_348 = arith.constant 96 : index
          %get3A_349 = tpu.vector_load %arg16[%get3A_347, %get3A_348] {strides = array<i32>} : memref<128x128xf32, #tpu.memory_space<vmem>>, vector<16xf32>,
          %mul3A_350 = arith.mulf %get3A_349, %gather3A : vector<16xf32>
          %swap3A_351 = arith.index_cast %add3A_303 : i32 to index
          %swap3A_352 = arith.constant 96 : index
          %swap3A_353 = tpu.vector_load %arg16[%swap3A_351, %swap3A_352] {strides = array<i32>} : memref<128x128xf32, #tpu.memory_space<vmem>>, vector<16xf32>,
          tpu.vector_store %arg16[%swap3A_351, %swap3A_352], %mul3A_350 {strides = array<i32>} : memref<128x128xf32, #tpu.memory_space<vmem>>, vector<16xf32>,
          %get3A_354 = arith.index_cast %add3A_303 : i32 to index
          %get3A_355 = arith.constant 112 : index
          %get3A_356 = tpu.vector_load %arg16[%get3A_354, %get3A_355] {strides = array<i32>} : memref<128x128xf32, #tpu.memory_space<vmem>>, vector<16xf32>,
          %mul3A_357 = arith.mulf %get3A_356, %gather3A : vector<16xf32>
          %swap3A_358 = arith.index_cast %add3A_303 : i32 to index
          %swap3A_359 = arith.constant 112 : index
          %swap3A_360 = tpu.vector_load %arg16[%swap3A_358, %swap3A_359] {strides = array<i32>} : memref<128x128xf32, #tpu.memory_space<vmem>>, vector<16xf32>,
          tpu.vector_store %arg16[%swap3A_358, %swap3A_359], %mul3A_357 {strides = array<i32>} : memref<128x128xf32, #tpu.memory_space<vmem>>, vector<16xf32>,
          %mul3A_361 = arith.constant 2 : i32
          %mul3A_362 = arith.muli %scan3A_299, %mul3A_361 : i32
          %add3A_363 = arith.constant 1 : i32
          %add3A_364 = arith.addi %mul3A_362, %add3A_363 : i32
          %broadcast_in_dim3A_365 = vector.broadcast %add3A_364 : i32 to vector<16xi32>
          %gather3A_366 = tpu.vector_load_idx %arg18[%broadcast_in_dim3A_365] : memref<128xf32, #tpu.memory_space<vmem>>[vector<16xi32>], vector<16xf32>,
          %get3A_367 = arith.index_cast %add3A_364 : i32 to index
          %get3A_368 = arith.constant 0 : index
          %get3A_369 = tpu.vector_load %arg16[%get3A_367, %get3A_368] {strides = array<i32>} : memref<128x128xf32, #tpu.memory_space<vmem>>, vector<16xf32>,
          %mul3A_370 = arith.mulf %get3A_369, %gather3A_366 : vector<16xf32>
          %swap3A_371 = arith.index_cast %add3A_364 : i32 to index
          %swap3A_372 = arith.constant 0 : index
          %swap3A_373 = tpu.vector_load %arg16[%swap3A_371, %swap3A_372] {strides = array<i32>} : memref<128x128xf32, #tpu.memory_space<vmem>>, vector<16xf32>,
          tpu.vector_store %arg16[%swap3A_371, %swap3A_372], %mul3A_370 {strides = array<i32>} : memref<128x128xf32, #tpu.memory_space<vmem>>, vector<16xf32>,
          %get3A_374 = arith.index_cast %add3A_364 : i32 to index
          %get3A_375 = arith.constant 16 : index
          %get3A_376 = tpu.vector_load %arg16[%get3A_374, %get3A_375] {strides = array<i32>} : memref<128x128xf32, #tpu.memory_space<vmem>>, vector<16xf32>,
          %mul3A_377 = arith.mulf %get3A_376, %gather3A_366 : vector<16xf32>
          %swap3A_378 = arith.index_cast %add3A_364 : i32 to index
          %swap3A_379 = arith.constant 16 : index
          %swap3A_380 = tpu.vector_load %arg16[%swap3A_378, %swap3A_379] {strides = array<i32>} : memref<128x128xf32, #tpu.memory_space<vmem>>, vector<16xf32>,
          tpu.vector_store %arg16[%swap3A_378, %swap3A_379], %mul3A_377 {strides = array<i32>} : memref<128x128xf32, #tpu.memory_space<vmem>>, vector<16xf32>,
          %get3A_381 = arith.index_cast %add3A_364 : i32 to index
          %get3A_382 = arith.constant 32 : index
          %get3A_383 = tpu.vector_load %arg16[%get3A_381, %get3A_382] {strides = array<i32>} : memref<128x128xf32, #tpu.memory_space<vmem>>, vector<16xf32>,
          %mul3A_384 = arith.mulf %get3A_383, %gather3A_366 : vector<16xf32>
          %swap3A_385 = arith.index_cast %add3A_364 : i32 to index
          %swap3A_386 = arith.constant 32 : index
          %swap3A_387 = tpu.vector_load %arg16[%swap3A_385, %swap3A_386] {strides = array<i32>} : memref<128x128xf32, #tpu.memory_space<vmem>>, vector<16xf32>,
          tpu.vector_store %arg16[%swap3A_385, %swap3A_386], %mul3A_384 {strides = array<i32>} : memref<128x128xf32, #tpu.memory_space<vmem>>, vector<16xf32>,
          %get3A_388 = arith.index_cast %add3A_364 : i32 to index
          %get3A_389 = arith.constant 48 : index
          %get3A_390 = tpu.vector_load %arg16[%get3A_388, %get3A_389] {strides = array<i32>} : memref<128x128xf32, #tpu.memory_space<vmem>>, vector<16xf32>,
          %mul3A_391 = arith.mulf %get3A_390, %gather3A_366 : vector<16xf32>
          %swap3A_392 = arith.index_cast %add3A_364 : i32 to index
          %swap3A_393 = arith.constant 48 : index
          %swap3A_394 = tpu.vector_load %arg16[%swap3A_392, %swap3A_393] {strides = array<i32>} : memref<128x128xf32, #tpu.memory_space<vmem>>, vector<16xf32>,
          tpu.vector_store %arg16[%swap3A_392, %swap3A_393], %mul3A_391 {strides = array<i32>} : memref<128x128xf32, #tpu.memory_space<vmem>>, vector<16xf32>,
          %get3A_395 = arith.index_cast %add3A_364 : i32 to index
          %get3A_396 = arith.constant 64 : index
          %get3A_397 = tpu.vector_load %arg16[%get3A_395, %get3A_396] {strides = array<i32>} : memref<128x128xf32, #tpu.memory_space<vmem>>, vector<16xf32>,
          %mul3A_398 = arith.mulf %get3A_397, %gather3A_366 : vector<16xf32>
          %swap3A_399 = arith.index_cast %add3A_364 : i32 to index
          %swap3A_400 = arith.constant 64 : index
          %swap3A_401 = tpu.vector_load %arg16[%swap3A_399, %swap3A_400] {strides = array<i32>} : memref<128x128xf32, #tpu.memory_space<vmem>>, vector<16xf32>,
          tpu.vector_store %arg16[%swap3A_399, %swap3A_400], %mul3A_398 {strides = array<i32>} : memref<128x128xf32, #tpu.memory_space<vmem>>, vector<16xf32>,
          %get3A_402 = arith.index_cast %add3A_364 : i32 to index
          %get3A_403 = arith.constant 80 : index
          %get3A_404 = tpu.vector_load %arg16[%get3A_402, %get3A_403] {strides = array<i32>} : memref<128x128xf32, #tpu.memory_space<vmem>>, vector<16xf32>,
          %mul3A_405 = arith.mulf %get3A_404, %gather3A_366 : vector<16xf32>
          %swap3A_406 = arith.index_cast %add3A_364 : i32 to index
          %swap3A_407 = arith.constant 80 : index
          %swap3A_408 = tpu.vector_load %arg16[%swap3A_406, %swap3A_407] {strides = array<i32>} : memref<128x128xf32, #tpu.memory_space<vmem>>, vector<16xf32>,
          tpu.vector_store %arg16[%swap3A_406, %swap3A_407], %mul3A_405 {strides = array<i32>} : memref<128x128xf32, #tpu.memory_space<vmem>>, vector<16xf32>,
          %get3A_409 = arith.index_cast %add3A_364 : i32 to index
          %get3A_410 = arith.constant 96 : index
          %get3A_411 = tpu.vector_load %arg16[%get3A_409, %get3A_410] {strides = array<i32>} : memref<128x128xf32, #tpu.memory_space<vmem>>, vector<16xf32>,
          %mul3A_412 = arith.mulf %get3A_411, %gather3A_366 : vector<16xf32>
          %swap3A_413 = arith.index_cast %add3A_364 : i32 to index
          %swap3A_414 = arith.constant 96 : index
          %swap3A_415 = tpu.vector_load %arg16[%swap3A_413, %swap3A_414] {strides = array<i32>} : memref<128x128xf32, #tpu.memory_space<vmem>>, vector<16xf32>,
          tpu.vector_store %arg16[%swap3A_413, %swap3A_414], %mul3A_412 {strides = array<i32>} : memref<128x128xf32, #tpu.memory_space<vmem>>, vector<16xf32>,
          %get3A_416 = arith.index_cast %add3A_364 : i32 to index
          %get3A_417 = arith.constant 112 : index
          %get3A_418 = tpu.vector_load %arg16[%get3A_416, %get3A_417] {strides = array<i32>} : memref<128x128xf32, #tpu.memory_space<vmem>>, vector<16xf32>,
          %mul3A_419 = arith.mulf %get3A_418, %gather3A_366 : vector<16xf32>
          %swap3A_420 = arith.index_cast %add3A_364 : i32 to index
          %swap3A_421 = arith.constant 112 : index
          %swap3A_422 = tpu.vector_load %arg16[%swap3A_420, %swap3A_421] {strides = array<i32>} : memref<128x128xf32, #tpu.memory_space<vmem>>, vector<16xf32>,
          tpu.vector_store %arg16[%swap3A_420, %swap3A_421], %mul3A_419 {strides = array<i32>} : memref<128x128xf32, #tpu.memory_space<vmem>>, vector<16xf32>,
        }
        %scan3A_295 = arith.constant 64 : i32
        %dma_start3A_296 = arith.constant 0 : i32
        %dma_start3A_297 = arith.constant 0 : i32
        %dma_start3A_298 = tpu.memref_slice %arg19[%dma_start3A_296, %dma_start3A_297] : memref<10240x128xf32, #tpu.memory_space<vmem_shared>> -> memref<10240x128xf32, #tpu.memory_space<vmem_shared>>
        tpu.enqueue_indirect_dma source(%arg16 : memref<128x128xf32, #tpu.memory_space<vmem>>) target(%dma_start3A_298 : memref<10240x128xf32, #tpu.memory_space<vmem_shared>>) offsets(%arg10 : memref<128xi32, #tpu.memory_space<vmem>>) semaphore(%arg24 : memref<!tpu.dma_semaphore, #tpu.memory_space<semaphore_mem>>) {add = true}
      } else {
      }
      %mul3A_208 = arith.constant 2 : i32
      %mul3A_209 = arith.muli %scan3A_191, %mul3A_208 : i32
      %add3A_210 = arith.constant 2 : i32
      %add3A_211 = arith.addi %add3A_210, %mul3A_209 : i32
      %add3A_212 = arith.constant 1 : i32
      %add3A_213 = arith.addi %add3A_211, %add3A_212 : i32
      %mul3A_214 = arith.constant 32 : i32
      %mul3A_215 = arith.muli %add3A_213, %mul3A_214 : i32
      %add3A_216 = arith.addi %add3A, %mul3A_215 : i32
      %add3A_217 = arith.constant 32 : i32
      %add3A_218 = arith.addi %add3A_216, %add3A_217 : i32
      %lt3A_219 = arith.constant 2500 : i32
      %lt3A_220 = arith.cmpi slt, %add3A_216, %lt3A_219 : i32
      %convert_element_type3A_221 = arith.extui %lt3A_220 : i1 to i32
      %cond3A_222 = arith.constant 0 : i32
      %cond3A_223 = arith.cmpi ne, %convert_element_type3A_221, %cond3A_222 : i32
      scf.if %cond3A_223 {
        %lt3A_224 = arith.constant 2500 : i32
        %lt3A_225 = arith.cmpi slt, %add3A_218, %lt3A_224 : i32
        %convert_element_type3A_226 = arith.extui %lt3A_225 : i1 to i32
        %cond3A_227 = arith.constant 0 : i32
        %cond3A_228 = arith.cmpi ne, %convert_element_type3A_226, %cond3A_227 : i32
        scf.if %cond3A_228 {
          %dma_wait3A_299 = arith.constant 0 : i32
          %dma_wait3A_300 = arith.constant 0 : i32
          %dma_wait3A_301 = tpu.memref_slice %arg19[%dma_wait3A_299, %dma_wait3A_300] : memref<10240x128xf32, #tpu.memory_space<vmem_shared>> -> memref<10240x128xf32, #tpu.memory_space<vmem_shared>>
          tpu.wait_indirect_dma semaphore(%arg24 : memref<!tpu.dma_semaphore, #tpu.memory_space<semaphore_mem>>) src(%arg16 : memref<128x128xf32, #tpu.memory_space<vmem>>) dst(%dma_wait3A_301 : memref<10240x128xf32, #tpu.memory_space<vmem_shared>>)
          %mul3A_302 = arith.constant 128 : i32
          %mul3A_303 = arith.muli %add3A_218, %mul3A_302 : i32
          %run_scoped3A_304 = arith.constant 0 : i32
          "tpu.region"() ({
            %run_scoped3A_311 = tpu.sem_alloc : memref<!tpu.dma_semaphore, #tpu.memory_space<semaphore_mem>>
            %dma_start3A_312 = tpu.memref_slice %arg3[%run_scoped3A_304, %mul3A_303] : memref<2x320000xi32, #tpu.memory_space<hbm>> -> memref<1x128xi32, #tpu.memory_space<hbm>>
            %dma_start3A_313 = tpu.memref_squeeze %dma_start3A_312 : memref<1x128xi32, #tpu.memory_space<hbm>> -> memref<128xi32, #tpu.memory_space<hbm>>
            %dma_start3A_314 = tpu.memref_slice %arg3[%run_scoped3A_304, %mul3A_303] : memref<2x320000xi32, #tpu.memory_space<hbm>> -> memref<1x128xi32, #tpu.memory_space<hbm>>
            %dma_start3A_315 = tpu.memref_squeeze %dma_start3A_314 : memref<1x128xi32, #tpu.memory_space<hbm>> -> memref<128xi32, #tpu.memory_space<hbm>>
            tpu.enqueue_dma source(%dma_start3A_315 : memref<128xi32, #tpu.memory_space<hbm>>) target(%arg8 : memref<128xi32, #tpu.memory_space<vmem>>) target_semaphore(%run_scoped3A_311 : memref<!tpu.dma_semaphore, #tpu.memory_space<semaphore_mem>>)
            %dma_wait3A_316 = tpu.memref_slice %arg3[%run_scoped3A_304, %mul3A_303] : memref<2x320000xi32, #tpu.memory_space<hbm>> -> memref<1x128xi32, #tpu.memory_space<hbm>>
            %dma_wait3A_317 = tpu.memref_squeeze %dma_wait3A_316 : memref<1x128xi32, #tpu.memory_space<hbm>> -> memref<128xi32, #tpu.memory_space<hbm>>
            %dma_wait3A_318 = tpu.memref_slice %arg3[%run_scoped3A_304, %mul3A_303] : memref<2x320000xi32, #tpu.memory_space<hbm>> -> memref<1x128xi32, #tpu.memory_space<hbm>>
            %dma_wait3A_319 = tpu.memref_squeeze %dma_wait3A_318 : memref<1x128xi32, #tpu.memory_space<hbm>> -> memref<128xi32, #tpu.memory_space<hbm>>
            tpu.wait_dma2 semaphore(%run_scoped3A_311 : memref<!tpu.dma_semaphore, #tpu.memory_space<semaphore_mem>>) src(%dma_wait3A_319 : memref<128xi32, #tpu.memory_space<hbm>>) dst(%arg8 : memref<128xi32, #tpu.memory_space<vmem>>)
            tpu.yield
          }) : () -> ()
          %run_scoped3A_305 = arith.constant 1 : i32
          "tpu.region"() ({
            %run_scoped3A_311 = tpu.sem_alloc : memref<!tpu.dma_semaphore, #tpu.memory_space<semaphore_mem>>
            %dma_start3A_312 = tpu.memref_slice %arg3[%run_scoped3A_305, %mul3A_303] : memref<2x320000xi32, #tpu.memory_space<hbm>> -> memref<1x128xi32, #tpu.memory_space<hbm>>
            %dma_start3A_313 = tpu.memref_squeeze %dma_start3A_312 : memref<1x128xi32, #tpu.memory_space<hbm>> -> memref<128xi32, #tpu.memory_space<hbm>>
            %dma_start3A_314 = tpu.memref_slice %arg3[%run_scoped3A_305, %mul3A_303] : memref<2x320000xi32, #tpu.memory_space<hbm>> -> memref<1x128xi32, #tpu.memory_space<hbm>>
            %dma_start3A_315 = tpu.memref_squeeze %dma_start3A_314 : memref<1x128xi32, #tpu.memory_space<hbm>> -> memref<128xi32, #tpu.memory_space<hbm>>
            tpu.enqueue_dma source(%dma_start3A_315 : memref<128xi32, #tpu.memory_space<hbm>>) target(%arg10 : memref<128xi32, #tpu.memory_space<vmem>>) target_semaphore(%run_scoped3A_311 : memref<!tpu.dma_semaphore, #tpu.memory_space<semaphore_mem>>)
            %dma_wait3A_316 = tpu.memref_slice %arg3[%run_scoped3A_305, %mul3A_303] : memref<2x320000xi32, #tpu.memory_space<hbm>> -> memref<1x128xi32, #tpu.memory_space<hbm>>
            %dma_wait3A_317 = tpu.memref_squeeze %dma_wait3A_316 : memref<1x128xi32, #tpu.memory_space<hbm>> -> memref<128xi32, #tpu.memory_space<hbm>>
            %dma_wait3A_318 = tpu.memref_slice %arg3[%run_scoped3A_305, %mul3A_303] : memref<2x320000xi32, #tpu.memory_space<hbm>> -> memref<1x128xi32, #tpu.memory_space<hbm>>
            %dma_wait3A_319 = tpu.memref_squeeze %dma_wait3A_318 : memref<1x128xi32, #tpu.memory_space<hbm>> -> memref<128xi32, #tpu.memory_space<hbm>>
            tpu.wait_dma2 semaphore(%run_scoped3A_311 : memref<!tpu.dma_semaphore, #tpu.memory_space<semaphore_mem>>) src(%dma_wait3A_319 : memref<128xi32, #tpu.memory_space<hbm>>) dst(%arg10 : memref<128xi32, #tpu.memory_space<vmem>>)
            tpu.yield
          }) : () -> ()
          "tpu.region"() ({
            %run_scoped3A_311 = tpu.sem_alloc : memref<!tpu.dma_semaphore, #tpu.memory_space<semaphore_mem>>
            %dma_start3A_312 = tpu.memref_slice %arg4[%mul3A_303] : memref<320000xf32, #tpu.memory_space<hbm>> -> memref<128xf32, #tpu.memory_space<hbm>>
            %dma_start3A_313 = tpu.memref_slice %arg4[%mul3A_303] : memref<320000xf32, #tpu.memory_space<hbm>> -> memref<128xf32, #tpu.memory_space<hbm>>
            tpu.enqueue_dma source(%dma_start3A_313 : memref<128xf32, #tpu.memory_space<hbm>>) target(%arg12 : memref<128xf32, #tpu.memory_space<vmem>>) target_semaphore(%run_scoped3A_311 : memref<!tpu.dma_semaphore, #tpu.memory_space<semaphore_mem>>)
            %dma_wait3A_314 = tpu.memref_slice %arg4[%mul3A_303] : memref<320000xf32, #tpu.memory_space<hbm>> -> memref<128xf32, #tpu.memory_space<hbm>>
            %dma_wait3A_315 = tpu.memref_slice %arg4[%mul3A_303] : memref<320000xf32, #tpu.memory_space<hbm>> -> memref<128xf32, #tpu.memory_space<hbm>>
            tpu.wait_dma2 semaphore(%run_scoped3A_311 : memref<!tpu.dma_semaphore, #tpu.memory_space<semaphore_mem>>) src(%dma_wait3A_315 : memref<128xf32, #tpu.memory_space<hbm>>) dst(%arg12 : memref<128xf32, #tpu.memory_space<vmem>>)
            tpu.yield
          }) : () -> ()
          %dma_start3A_306 = arith.constant 0 : i32
          %dma_start3A_307 = tpu.memref_slice %arg5[%dma_start3A_306] : memref<10240xf32, #tpu.memory_space<hbm>> -> memref<10240xf32, #tpu.memory_space<hbm>>
          tpu.enqueue_indirect_dma source(%dma_start3A_307 : memref<10240xf32, #tpu.memory_space<hbm>>) target(%arg14 : memref<128xf32, #tpu.memory_space<vmem>>) offsets(%arg10 : memref<128xi32, #tpu.memory_space<vmem>>) semaphore(%arg22 : memref<!tpu.dma_semaphore, #tpu.memory_space<semaphore_mem>>)
          %dma_start3A_308 = arith.constant 0 : i32
          %dma_start3A_309 = arith.constant 0 : i32
          %dma_start3A_310 = tpu.memref_slice %arg2[%dma_start3A_308, %dma_start3A_309] : memref<10000x128xf32, #tpu.memory_space<hbm>> -> memref<10000x128xf32, #tpu.memory_space<hbm>>
          tpu.enqueue_indirect_dma source(%dma_start3A_310 : memref<10000x128xf32, #tpu.memory_space<hbm>>) target(%arg16 : memref<128x128xf32, #tpu.memory_space<vmem>>) offsets(%arg8 : memref<128xi32, #tpu.memory_space<vmem>>) semaphore(%arg20 : memref<!tpu.dma_semaphore, #tpu.memory_space<semaphore_mem>>)
        } else {
        }
        %dma_wait3A_229 = arith.constant 0 : i32
        %dma_wait3A_230 = tpu.memref_slice %arg5[%dma_wait3A_229] : memref<10240xf32, #tpu.memory_space<hbm>> -> memref<10240xf32, #tpu.memory_space<hbm>>
        tpu.wait_indirect_dma semaphore(%arg23 : memref<!tpu.dma_semaphore, #tpu.memory_space<semaphore_mem>>) src(%dma_wait3A_230 : memref<10240xf32, #tpu.memory_space<hbm>>) dst(%arg15 : memref<128xf32, #tpu.memory_space<vmem>>)
        %dma_wait3A_231 = arith.constant 0 : i32
        %dma_wait3A_232 = arith.constant 0 : i32
        %dma_wait3A_233 = tpu.memref_slice %arg2[%dma_wait3A_231, %dma_wait3A_232] : memref<10000x128xf32, #tpu.memory_space<hbm>> -> memref<10000x128xf32, #tpu.memory_space<hbm>>
        tpu.wait_indirect_dma semaphore(%arg21 : memref<!tpu.dma_semaphore, #tpu.memory_space<semaphore_mem>>) src(%dma_wait3A_233 : memref<10000x128xf32, #tpu.memory_space<hbm>>) dst(%arg17 : memref<128x128xf32, #tpu.memory_space<vmem>>)
        %get3A_234 = arith.constant 0 : index
        %get3A_235 = tpu.vector_load %arg13[%get3A_234] {strides = array<i32>} : memref<128xf32, #tpu.memory_space<vmem>>, vector<16xf32>,
        %get3A_236 = arith.constant 0 : index
        %get3A_237 = tpu.vector_load %arg15[%get3A_236] {strides = array<i32>} : memref<128xf32, #tpu.memory_space<vmem>>, vector<16xf32>,
        %div3A_238 = arith.divf %get3A_235, %get3A_237 : vector<16xf32>
        %swap3A_239 = arith.constant 0 : index
        %swap3A_240 = tpu.vector_load %arg18[%swap3A_239] {strides = array<i32>} : memref<128xf32, #tpu.memory_space<vmem>>, vector<16xf32>,
        tpu.vector_store %arg18[%swap3A_239], %div3A_238 {strides = array<i32>} : memref<128xf32, #tpu.memory_space<vmem>>, vector<16xf32>,
        %get3A_241 = arith.constant 16 : index
        %get3A_242 = tpu.vector_load %arg13[%get3A_241] {strides = array<i32>} : memref<128xf32, #tpu.memory_space<vmem>>, vector<16xf32>,
        %get3A_243 = arith.constant 16 : index
        %get3A_244 = tpu.vector_load %arg15[%get3A_243] {strides = array<i32>} : memref<128xf32, #tpu.memory_space<vmem>>, vector<16xf32>,
        %div3A_245 = arith.divf %get3A_242, %get3A_244 : vector<16xf32>
        %swap3A_246 = arith.constant 16 : index
        %swap3A_247 = tpu.vector_load %arg18[%swap3A_246] {strides = array<i32>} : memref<128xf32, #tpu.memory_space<vmem>>, vector<16xf32>,
        tpu.vector_store %arg18[%swap3A_246], %div3A_245 {strides = array<i32>} : memref<128xf32, #tpu.memory_space<vmem>>, vector<16xf32>,
        %get3A_248 = arith.constant 32 : index
        %get3A_249 = tpu.vector_load %arg13[%get3A_248] {strides = array<i32>} : memref<128xf32, #tpu.memory_space<vmem>>, vector<16xf32>,
        %get3A_250 = arith.constant 32 : index
        %get3A_251 = tpu.vector_load %arg15[%get3A_250] {strides = array<i32>} : memref<128xf32, #tpu.memory_space<vmem>>, vector<16xf32>,
        %div3A_252 = arith.divf %get3A_249, %get3A_251 : vector<16xf32>
        %swap3A_253 = arith.constant 32 : index
        %swap3A_254 = tpu.vector_load %arg18[%swap3A_253] {strides = array<i32>} : memref<128xf32, #tpu.memory_space<vmem>>, vector<16xf32>,
        tpu.vector_store %arg18[%swap3A_253], %div3A_252 {strides = array<i32>} : memref<128xf32, #tpu.memory_space<vmem>>, vector<16xf32>,
        %get3A_255 = arith.constant 48 : index
        %get3A_256 = tpu.vector_load %arg13[%get3A_255] {strides = array<i32>} : memref<128xf32, #tpu.memory_space<vmem>>, vector<16xf32>,
        %get3A_257 = arith.constant 48 : index
        %get3A_258 = tpu.vector_load %arg15[%get3A_257] {strides = array<i32>} : memref<128xf32, #tpu.memory_space<vmem>>, vector<16xf32>,
        %div3A_259 = arith.divf %get3A_256, %get3A_258 : vector<16xf32>
        %swap3A_260 = arith.constant 48 : index
        %swap3A_261 = tpu.vector_load %arg18[%swap3A_260] {strides = array<i32>} : memref<128xf32, #tpu.memory_space<vmem>>, vector<16xf32>,
        tpu.vector_store %arg18[%swap3A_260], %div3A_259 {strides = array<i32>} : memref<128xf32, #tpu.memory_space<vmem>>, vector<16xf32>,
        %get3A_262 = arith.constant 64 : index
        %get3A_263 = tpu.vector_load %arg13[%get3A_262] {strides = array<i32>} : memref<128xf32, #tpu.memory_space<vmem>>, vector<16xf32>,
        %get3A_264 = arith.constant 64 : index
        %get3A_265 = tpu.vector_load %arg15[%get3A_264] {strides = array<i32>} : memref<128xf32, #tpu.memory_space<vmem>>, vector<16xf32>,
        %div3A_266 = arith.divf %get3A_263, %get3A_265 : vector<16xf32>
        %swap3A_267 = arith.constant 64 : index
        %swap3A_268 = tpu.vector_load %arg18[%swap3A_267] {strides = array<i32>} : memref<128xf32, #tpu.memory_space<vmem>>, vector<16xf32>,
        tpu.vector_store %arg18[%swap3A_267], %div3A_266 {strides = array<i32>} : memref<128xf32, #tpu.memory_space<vmem>>, vector<16xf32>,
        %get3A_269 = arith.constant 80 : index
        %get3A_270 = tpu.vector_load %arg13[%get3A_269] {strides = array<i32>} : memref<128xf32, #tpu.memory_space<vmem>>, vector<16xf32>,
        %get3A_271 = arith.constant 80 : index
        %get3A_272 = tpu.vector_load %arg15[%get3A_271] {strides = array<i32>} : memref<128xf32, #tpu.memory_space<vmem>>, vector<16xf32>,
        %div3A_273 = arith.divf %get3A_270, %get3A_272 : vector<16xf32>
        %swap3A_274 = arith.constant 80 : index
        %swap3A_275 = tpu.vector_load %arg18[%swap3A_274] {strides = array<i32>} : memref<128xf32, #tpu.memory_space<vmem>>, vector<16xf32>,
        tpu.vector_store %arg18[%swap3A_274], %div3A_273 {strides = array<i32>} : memref<128xf32, #tpu.memory_space<vmem>>, vector<16xf32>,
        %get3A_276 = arith.constant 96 : index
        %get3A_277 = tpu.vector_load %arg13[%get3A_276] {strides = array<i32>} : memref<128xf32, #tpu.memory_space<vmem>>, vector<16xf32>,
        %get3A_278 = arith.constant 96 : index
        %get3A_279 = tpu.vector_load %arg15[%get3A_278] {strides = array<i32>} : memref<128xf32, #tpu.memory_space<vmem>>, vector<16xf32>,
        %div3A_280 = arith.divf %get3A_277, %get3A_279 : vector<16xf32>
        %swap3A_281 = arith.constant 96 : index
        %swap3A_282 = tpu.vector_load %arg18[%swap3A_281] {strides = array<i32>} : memref<128xf32, #tpu.memory_space<vmem>>, vector<16xf32>,
        tpu.vector_store %arg18[%swap3A_281], %div3A_280 {strides = array<i32>} : memref<128xf32, #tpu.memory_space<vmem>>, vector<16xf32>,
        %get3A_283 = arith.constant 112 : index
        %get3A_284 = tpu.vector_load %arg13[%get3A_283] {strides = array<i32>} : memref<128xf32, #tpu.memory_space<vmem>>, vector<16xf32>,
        %get3A_285 = arith.constant 112 : index
        %get3A_286 = tpu.vector_load %arg15[%get3A_285] {strides = array<i32>} : memref<128xf32, #tpu.memory_space<vmem>>, vector<16xf32>,
        %div3A_287 = arith.divf %get3A_284, %get3A_286 : vector<16xf32>
        %swap3A_288 = arith.constant 112 : index
        %swap3A_289 = tpu.vector_load %arg18[%swap3A_288] {strides = array<i32>} : memref<128xf32, #tpu.memory_space<vmem>>, vector<16xf32>,
        tpu.vector_store %arg18[%swap3A_288], %div3A_287 {strides = array<i32>} : memref<128xf32, #tpu.memory_space<vmem>>, vector<16xf32>,
        %scan3A_290 = arith.constant 0 : i32
        %scan3A_291 = arith.constant 0 : i32
        %scan3A_292 = arith.constant 64 : i32
        %scan3A_293 = arith.addi %scan3A_291, %scan3A_292 : i32
        %scan3A_294 = arith.constant 1 : i32
        scf.for %scan3A_299 = %scan3A_291 to %scan3A_293 step %scan3A_294  : i32 {
          %mul3A_300 = arith.constant 2 : i32
          %mul3A_301 = arith.muli %scan3A_299, %mul3A_300 : i32
          %add3A_302 = arith.constant 0 : i32
          %add3A_303 = arith.addi %mul3A_301, %add3A_302 : i32
          %broadcast_in_dim3A_304 = vector.broadcast %add3A_303 : i32 to vector<16xi32>
          %gather3A = tpu.vector_load_idx %arg18[%broadcast_in_dim3A_304] : memref<128xf32, #tpu.memory_space<vmem>>[vector<16xi32>], vector<16xf32>,
          %get3A_305 = arith.index_cast %add3A_303 : i32 to index
          %get3A_306 = arith.constant 0 : index
          %get3A_307 = tpu.vector_load %arg17[%get3A_305, %get3A_306] {strides = array<i32>} : memref<128x128xf32, #tpu.memory_space<vmem>>, vector<16xf32>,
          %mul3A_308 = arith.mulf %get3A_307, %gather3A : vector<16xf32>
          %swap3A_309 = arith.index_cast %add3A_303 : i32 to index
          %swap3A_310 = arith.constant 0 : index
          %swap3A_311 = tpu.vector_load %arg17[%swap3A_309, %swap3A_310] {strides = array<i32>} : memref<128x128xf32, #tpu.memory_space<vmem>>, vector<16xf32>,
          tpu.vector_store %arg17[%swap3A_309, %swap3A_310], %mul3A_308 {strides = array<i32>} : memref<128x128xf32, #tpu.memory_space<vmem>>, vector<16xf32>,
          %get3A_312 = arith.index_cast %add3A_303 : i32 to index
          %get3A_313 = arith.constant 16 : index
          %get3A_314 = tpu.vector_load %arg17[%get3A_312, %get3A_313] {strides = array<i32>} : memref<128x128xf32, #tpu.memory_space<vmem>>, vector<16xf32>,
          %mul3A_315 = arith.mulf %get3A_314, %gather3A : vector<16xf32>
          %swap3A_316 = arith.index_cast %add3A_303 : i32 to index
          %swap3A_317 = arith.constant 16 : index
          %swap3A_318 = tpu.vector_load %arg17[%swap3A_316, %swap3A_317] {strides = array<i32>} : memref<128x128xf32, #tpu.memory_space<vmem>>, vector<16xf32>,
          tpu.vector_store %arg17[%swap3A_316, %swap3A_317], %mul3A_315 {strides = array<i32>} : memref<128x128xf32, #tpu.memory_space<vmem>>, vector<16xf32>,
          %get3A_319 = arith.index_cast %add3A_303 : i32 to index
          %get3A_320 = arith.constant 32 : index
          %get3A_321 = tpu.vector_load %arg17[%get3A_319, %get3A_320] {strides = array<i32>} : memref<128x128xf32, #tpu.memory_space<vmem>>, vector<16xf32>,
          %mul3A_322 = arith.mulf %get3A_321, %gather3A : vector<16xf32>
          %swap3A_323 = arith.index_cast %add3A_303 : i32 to index
          %swap3A_324 = arith.constant 32 : index
          %swap3A_325 = tpu.vector_load %arg17[%swap3A_323, %swap3A_324] {strides = array<i32>} : memref<128x128xf32, #tpu.memory_space<vmem>>, vector<16xf32>,
          tpu.vector_store %arg17[%swap3A_323, %swap3A_324], %mul3A_322 {strides = array<i32>} : memref<128x128xf32, #tpu.memory_space<vmem>>, vector<16xf32>,
          %get3A_326 = arith.index_cast %add3A_303 : i32 to index
          %get3A_327 = arith.constant 48 : index
          %get3A_328 = tpu.vector_load %arg17[%get3A_326, %get3A_327] {strides = array<i32>} : memref<128x128xf32, #tpu.memory_space<vmem>>, vector<16xf32>,
          %mul3A_329 = arith.mulf %get3A_328, %gather3A : vector<16xf32>
          %swap3A_330 = arith.index_cast %add3A_303 : i32 to index
          %swap3A_331 = arith.constant 48 : index
          %swap3A_332 = tpu.vector_load %arg17[%swap3A_330, %swap3A_331] {strides = array<i32>} : memref<128x128xf32, #tpu.memory_space<vmem>>, vector<16xf32>,
          tpu.vector_store %arg17[%swap3A_330, %swap3A_331], %mul3A_329 {strides = array<i32>} : memref<128x128xf32, #tpu.memory_space<vmem>>, vector<16xf32>,
          %get3A_333 = arith.index_cast %add3A_303 : i32 to index
          %get3A_334 = arith.constant 64 : index
          %get3A_335 = tpu.vector_load %arg17[%get3A_333, %get3A_334] {strides = array<i32>} : memref<128x128xf32, #tpu.memory_space<vmem>>, vector<16xf32>,
          %mul3A_336 = arith.mulf %get3A_335, %gather3A : vector<16xf32>
          %swap3A_337 = arith.index_cast %add3A_303 : i32 to index
          %swap3A_338 = arith.constant 64 : index
          %swap3A_339 = tpu.vector_load %arg17[%swap3A_337, %swap3A_338] {strides = array<i32>} : memref<128x128xf32, #tpu.memory_space<vmem>>, vector<16xf32>,
          tpu.vector_store %arg17[%swap3A_337, %swap3A_338], %mul3A_336 {strides = array<i32>} : memref<128x128xf32, #tpu.memory_space<vmem>>, vector<16xf32>,
          %get3A_340 = arith.index_cast %add3A_303 : i32 to index
          %get3A_341 = arith.constant 80 : index
          %get3A_342 = tpu.vector_load %arg17[%get3A_340, %get3A_341] {strides = array<i32>} : memref<128x128xf32, #tpu.memory_space<vmem>>, vector<16xf32>,
          %mul3A_343 = arith.mulf %get3A_342, %gather3A : vector<16xf32>
          %swap3A_344 = arith.index_cast %add3A_303 : i32 to index
          %swap3A_345 = arith.constant 80 : index
          %swap3A_346 = tpu.vector_load %arg17[%swap3A_344, %swap3A_345] {strides = array<i32>} : memref<128x128xf32, #tpu.memory_space<vmem>>, vector<16xf32>,
          tpu.vector_store %arg17[%swap3A_344, %swap3A_345], %mul3A_343 {strides = array<i32>} : memref<128x128xf32, #tpu.memory_space<vmem>>, vector<16xf32>,
          %get3A_347 = arith.index_cast %add3A_303 : i32 to index
          %get3A_348 = arith.constant 96 : index
          %get3A_349 = tpu.vector_load %arg17[%get3A_347, %get3A_348] {strides = array<i32>} : memref<128x128xf32, #tpu.memory_space<vmem>>, vector<16xf32>,
          %mul3A_350 = arith.mulf %get3A_349, %gather3A : vector<16xf32>
          %swap3A_351 = arith.index_cast %add3A_303 : i32 to index
          %swap3A_352 = arith.constant 96 : index
          %swap3A_353 = tpu.vector_load %arg17[%swap3A_351, %swap3A_352] {strides = array<i32>} : memref<128x128xf32, #tpu.memory_space<vmem>>, vector<16xf32>,
          tpu.vector_store %arg17[%swap3A_351, %swap3A_352], %mul3A_350 {strides = array<i32>} : memref<128x128xf32, #tpu.memory_space<vmem>>, vector<16xf32>,
          %get3A_354 = arith.index_cast %add3A_303 : i32 to index
          %get3A_355 = arith.constant 112 : index
          %get3A_356 = tpu.vector_load %arg17[%get3A_354, %get3A_355] {strides = array<i32>} : memref<128x128xf32, #tpu.memory_space<vmem>>, vector<16xf32>,
          %mul3A_357 = arith.mulf %get3A_356, %gather3A : vector<16xf32>
          %swap3A_358 = arith.index_cast %add3A_303 : i32 to index
          %swap3A_359 = arith.constant 112 : index
          %swap3A_360 = tpu.vector_load %arg17[%swap3A_358, %swap3A_359] {strides = array<i32>} : memref<128x128xf32, #tpu.memory_space<vmem>>, vector<16xf32>,
          tpu.vector_store %arg17[%swap3A_358, %swap3A_359], %mul3A_357 {strides = array<i32>} : memref<128x128xf32, #tpu.memory_space<vmem>>, vector<16xf32>,
          %mul3A_361 = arith.constant 2 : i32
          %mul3A_362 = arith.muli %scan3A_299, %mul3A_361 : i32
          %add3A_363 = arith.constant 1 : i32
          %add3A_364 = arith.addi %mul3A_362, %add3A_363 : i32
          %broadcast_in_dim3A_365 = vector.broadcast %add3A_364 : i32 to vector<16xi32>
          %gather3A_366 = tpu.vector_load_idx %arg18[%broadcast_in_dim3A_365] : memref<128xf32, #tpu.memory_space<vmem>>[vector<16xi32>], vector<16xf32>,
          %get3A_367 = arith.index_cast %add3A_364 : i32 to index
          %get3A_368 = arith.constant 0 : index
          %get3A_369 = tpu.vector_load %arg17[%get3A_367, %get3A_368] {strides = array<i32>} : memref<128x128xf32, #tpu.memory_space<vmem>>, vector<16xf32>,
          %mul3A_370 = arith.mulf %get3A_369, %gather3A_366 : vector<16xf32>
          %swap3A_371 = arith.index_cast %add3A_364 : i32 to index
          %swap3A_372 = arith.constant 0 : index
          %swap3A_373 = tpu.vector_load %arg17[%swap3A_371, %swap3A_372] {strides = array<i32>} : memref<128x128xf32, #tpu.memory_space<vmem>>, vector<16xf32>,
          tpu.vector_store %arg17[%swap3A_371, %swap3A_372], %mul3A_370 {strides = array<i32>} : memref<128x128xf32, #tpu.memory_space<vmem>>, vector<16xf32>,
          %get3A_374 = arith.index_cast %add3A_364 : i32 to index
          %get3A_375 = arith.constant 16 : index
          %get3A_376 = tpu.vector_load %arg17[%get3A_374, %get3A_375] {strides = array<i32>} : memref<128x128xf32, #tpu.memory_space<vmem>>, vector<16xf32>,
          %mul3A_377 = arith.mulf %get3A_376, %gather3A_366 : vector<16xf32>
          %swap3A_378 = arith.index_cast %add3A_364 : i32 to index
          %swap3A_379 = arith.constant 16 : index
          %swap3A_380 = tpu.vector_load %arg17[%swap3A_378, %swap3A_379] {strides = array<i32>} : memref<128x128xf32, #tpu.memory_space<vmem>>, vector<16xf32>,
          tpu.vector_store %arg17[%swap3A_378, %swap3A_379], %mul3A_377 {strides = array<i32>} : memref<128x128xf32, #tpu.memory_space<vmem>>, vector<16xf32>,
          %get3A_381 = arith.index_cast %add3A_364 : i32 to index
          %get3A_382 = arith.constant 32 : index
          %get3A_383 = tpu.vector_load %arg17[%get3A_381, %get3A_382] {strides = array<i32>} : memref<128x128xf32, #tpu.memory_space<vmem>>, vector<16xf32>,
          %mul3A_384 = arith.mulf %get3A_383, %gather3A_366 : vector<16xf32>
          %swap3A_385 = arith.index_cast %add3A_364 : i32 to index
          %swap3A_386 = arith.constant 32 : index
          %swap3A_387 = tpu.vector_load %arg17[%swap3A_385, %swap3A_386] {strides = array<i32>} : memref<128x128xf32, #tpu.memory_space<vmem>>, vector<16xf32>,
          tpu.vector_store %arg17[%swap3A_385, %swap3A_386], %mul3A_384 {strides = array<i32>} : memref<128x128xf32, #tpu.memory_space<vmem>>, vector<16xf32>,
          %get3A_388 = arith.index_cast %add3A_364 : i32 to index
          %get3A_389 = arith.constant 48 : index
          %get3A_390 = tpu.vector_load %arg17[%get3A_388, %get3A_389] {strides = array<i32>} : memref<128x128xf32, #tpu.memory_space<vmem>>, vector<16xf32>,
          %mul3A_391 = arith.mulf %get3A_390, %gather3A_366 : vector<16xf32>
          %swap3A_392 = arith.index_cast %add3A_364 : i32 to index
          %swap3A_393 = arith.constant 48 : index
          %swap3A_394 = tpu.vector_load %arg17[%swap3A_392, %swap3A_393] {strides = array<i32>} : memref<128x128xf32, #tpu.memory_space<vmem>>, vector<16xf32>,
          tpu.vector_store %arg17[%swap3A_392, %swap3A_393], %mul3A_391 {strides = array<i32>} : memref<128x128xf32, #tpu.memory_space<vmem>>, vector<16xf32>,
          %get3A_395 = arith.index_cast %add3A_364 : i32 to index
          %get3A_396 = arith.constant 64 : index
          %get3A_397 = tpu.vector_load %arg17[%get3A_395, %get3A_396] {strides = array<i32>} : memref<128x128xf32, #tpu.memory_space<vmem>>, vector<16xf32>,
          %mul3A_398 = arith.mulf %get3A_397, %gather3A_366 : vector<16xf32>
          %swap3A_399 = arith.index_cast %add3A_364 : i32 to index
          %swap3A_400 = arith.constant 64 : index
          %swap3A_401 = tpu.vector_load %arg17[%swap3A_399, %swap3A_400] {strides = array<i32>} : memref<128x128xf32, #tpu.memory_space<vmem>>, vector<16xf32>,
          tpu.vector_store %arg17[%swap3A_399, %swap3A_400], %mul3A_398 {strides = array<i32>} : memref<128x128xf32, #tpu.memory_space<vmem>>, vector<16xf32>,
          %get3A_402 = arith.index_cast %add3A_364 : i32 to index
          %get3A_403 = arith.constant 80 : index
          %get3A_404 = tpu.vector_load %arg17[%get3A_402, %get3A_403] {strides = array<i32>} : memref<128x128xf32, #tpu.memory_space<vmem>>, vector<16xf32>,
          %mul3A_405 = arith.mulf %get3A_404, %gather3A_366 : vector<16xf32>
          %swap3A_406 = arith.index_cast %add3A_364 : i32 to index
          %swap3A_407 = arith.constant 80 : index
          %swap3A_408 = tpu.vector_load %arg17[%swap3A_406, %swap3A_407] {strides = array<i32>} : memref<128x128xf32, #tpu.memory_space<vmem>>, vector<16xf32>,
          tpu.vector_store %arg17[%swap3A_406, %swap3A_407], %mul3A_405 {strides = array<i32>} : memref<128x128xf32, #tpu.memory_space<vmem>>, vector<16xf32>,
          %get3A_409 = arith.index_cast %add3A_364 : i32 to index
          %get3A_410 = arith.constant 96 : index
          %get3A_411 = tpu.vector_load %arg17[%get3A_409, %get3A_410] {strides = array<i32>} : memref<128x128xf32, #tpu.memory_space<vmem>>, vector<16xf32>,
          %mul3A_412 = arith.mulf %get3A_411, %gather3A_366 : vector<16xf32>
          %swap3A_413 = arith.index_cast %add3A_364 : i32 to index
          %swap3A_414 = arith.constant 96 : index
          %swap3A_415 = tpu.vector_load %arg17[%swap3A_413, %swap3A_414] {strides = array<i32>} : memref<128x128xf32, #tpu.memory_space<vmem>>, vector<16xf32>,
          tpu.vector_store %arg17[%swap3A_413, %swap3A_414], %mul3A_412 {strides = array<i32>} : memref<128x128xf32, #tpu.memory_space<vmem>>, vector<16xf32>,
          %get3A_416 = arith.index_cast %add3A_364 : i32 to index
          %get3A_417 = arith.constant 112 : index
          %get3A_418 = tpu.vector_load %arg17[%get3A_416, %get3A_417] {strides = array<i32>} : memref<128x128xf32, #tpu.memory_space<vmem>>, vector<16xf32>,
          %mul3A_419 = arith.mulf %get3A_418, %gather3A_366 : vector<16xf32>
          %swap3A_420 = arith.index_cast %add3A_364 : i32 to index
          %swap3A_421 = arith.constant 112 : index
          %swap3A_422 = tpu.vector_load %arg17[%swap3A_420, %swap3A_421] {strides = array<i32>} : memref<128x128xf32, #tpu.memory_space<vmem>>, vector<16xf32>,
          tpu.vector_store %arg17[%swap3A_420, %swap3A_421], %mul3A_419 {strides = array<i32>} : memref<128x128xf32, #tpu.memory_space<vmem>>, vector<16xf32>,
        }
        %scan3A_295 = arith.constant 64 : i32
        %dma_start3A_296 = arith.constant 0 : i32
        %dma_start3A_297 = arith.constant 0 : i32
        %dma_start3A_298 = tpu.memref_slice %arg19[%dma_start3A_296, %dma_start3A_297] : memref<10240x128xf32, #tpu.memory_space<vmem_shared>> -> memref<10240x128xf32, #tpu.memory_space<vmem_shared>>
        tpu.enqueue_indirect_dma source(%arg17 : memref<128x128xf32, #tpu.memory_space<vmem>>) target(%dma_start3A_298 : memref<10240x128xf32, #tpu.memory_space<vmem_shared>>) offsets(%arg11 : memref<128xi32, #tpu.memory_space<vmem>>) semaphore(%arg25 : memref<!tpu.dma_semaphore, #tpu.memory_space<semaphore_mem>>) {add = true}
      } else {
      }
    }
    %scan3A_114 = arith.constant 39 : i32
    %dma_wait3A_115 = arith.constant 0 : i32
    %dma_wait3A_116 = arith.constant 0 : i32
    %dma_wait3A_117 = tpu.memref_slice %arg19[%dma_wait3A_115, %dma_wait3A_116] : memref<10240x128xf32, #tpu.memory_space<vmem_shared>> -> memref<10240x128xf32, #tpu.memory_space<vmem_shared>>
    tpu.wait_indirect_dma semaphore(%arg24 : memref<!tpu.dma_semaphore, #tpu.memory_space<semaphore_mem>>) src(%arg16 : memref<128x128xf32, #tpu.memory_space<vmem>>) dst(%dma_wait3A_117 : memref<10240x128xf32, #tpu.memory_space<vmem_shared>>)
    %dma_wait3A_118 = arith.constant 0 : i32
    %dma_wait3A_119 = arith.constant 0 : i32
    %dma_wait3A_120 = tpu.memref_slice %arg19[%dma_wait3A_118, %dma_wait3A_119] : memref<10240x128xf32, #tpu.memory_space<vmem_shared>> -> memref<10240x128xf32, #tpu.memory_space<vmem_shared>>
    tpu.wait_indirect_dma semaphore(%arg25 : memref<!tpu.dma_semaphore, #tpu.memory_space<semaphore_mem>>) src(%arg17 : memref<128x128xf32, #tpu.memory_space<vmem>>) dst(%dma_wait3A_120 : memref<10240x128xf32, #tpu.memory_space<vmem_shared>>)
    %barrier3A_121 = arith.constant 0 : index
    tpu.barrier barrier_id(%barrier3A_121)
    %mul3A_122 = arith.constant 640 : i32
    %mul3A_123 = arith.muli %arg1, %mul3A_122 : i32
    %add3A_124 = arith.constant 0 : i32
    %add3A_125 = arith.addi %mul3A_123, %add3A_124 : i32
    "tpu.region"() ({
      %run_scoped3A_191 = tpu.sem_alloc : memref<!tpu.dma_semaphore, #tpu.memory_space<semaphore_mem>>
      %dma_start3A_192 = arith.constant 0 : i32
      %dma_start3A_193 = tpu.memref_slice %arg19[%add3A_125, %dma_start3A_192] : memref<10240x128xf32, #tpu.memory_space<vmem_shared>> -> memref<128x128xf32, #tpu.memory_space<vmem_shared>>
      %dma_start3A_194 = arith.constant 0 : i32
      %dma_start3A_195 = tpu.memref_slice %arg19[%add3A_125, %dma_start3A_194] : memref<10240x128xf32, #tpu.memory_space<vmem_shared>> -> memref<128x128xf32, #tpu.memory_space<vmem_shared>>
      tpu.enqueue_dma source(%dma_start3A_195 : memref<128x128xf32, #tpu.memory_space<vmem_shared>>) target(%arg16 : memref<128x128xf32, #tpu.memory_space<vmem>>) target_semaphore(%run_scoped3A_191 : memref<!tpu.dma_semaphore, #tpu.memory_space<semaphore_mem>>)
      %dma_wait3A_196 = arith.constant 0 : i32
      %dma_wait3A_197 = tpu.memref_slice %arg19[%add3A_125, %dma_wait3A_196] : memref<10240x128xf32, #tpu.memory_space<vmem_shared>> -> memref<128x128xf32, #tpu.memory_space<vmem_shared>>
      %dma_wait3A_198 = arith.constant 0 : i32
      %dma_wait3A_199 = tpu.memref_slice %arg19[%add3A_125, %dma_wait3A_198] : memref<10240x128xf32, #tpu.memory_space<vmem_shared>> -> memref<128x128xf32, #tpu.memory_space<vmem_shared>>
      tpu.wait_dma2 semaphore(%run_scoped3A_191 : memref<!tpu.dma_semaphore, #tpu.memory_space<semaphore_mem>>) src(%dma_wait3A_199 : memref<128x128xf32, #tpu.memory_space<vmem_shared>>) dst(%arg16 : memref<128x128xf32, #tpu.memory_space<vmem>>)
      tpu.yield
    }) : () -> ()
    %eq3A = arith.constant 0 : i32
    %eq3A_126 = arith.cmpi eq, %arg0, %eq3A : i32
    %convert_element_type3A_127 = arith.extui %eq3A_126 : i1 to i32
    %cond3A_128 = arith.constant 0 : i32
    %cond3A_129 = arith.cmpi ne, %convert_element_type3A_127, %cond3A_128 : i32
    scf.if %cond3A_129 {
      "tpu.region"() ({
        %run_scoped3A_191 = tpu.sem_alloc : memref<!tpu.dma_semaphore, #tpu.memory_space<semaphore_mem>>
        %dma_start3A_192 = arith.constant 0 : i32
        %dma_start3A_193 = tpu.memref_slice %arg6[%add3A_125, %dma_start3A_192] : memref<10240x128xf32, #tpu.memory_space<hbm>> -> memref<128x128xf32, #tpu.memory_space<hbm>>
        %dma_start3A_194 = arith.constant 0 : i32
        %dma_start3A_195 = tpu.memref_slice %arg6[%add3A_125, %dma_start3A_194] : memref<10240x128xf32, #tpu.memory_space<hbm>> -> memref<128x128xf32, #tpu.memory_space<hbm>>
        tpu.enqueue_dma source(%arg16 : memref<128x128xf32, #tpu.memory_space<vmem>>) target(%dma_start3A_195 : memref<128x128xf32, #tpu.memory_space<hbm>>) target_semaphore(%run_scoped3A_191 : memref<!tpu.dma_semaphore, #tpu.memory_space<semaphore_mem>>)
        %dma_wait3A_196 = arith.constant 0 : i32
        %dma_wait3A_197 = tpu.memref_slice %arg6[%add3A_125, %dma_wait3A_196] : memref<10240x128xf32, #tpu.memory_space<hbm>> -> memref<128x128xf32, #tpu.memory_space<hbm>>
        %dma_wait3A_198 = arith.constant 0 : i32
        %dma_wait3A_199 = tpu.memref_slice %arg6[%add3A_125, %dma_wait3A_198] : memref<10240x128xf32, #tpu.memory_space<hbm>> -> memref<128x128xf32, #tpu.memory_space<hbm>>
        tpu.wait_dma2 semaphore(%run_scoped3A_191 : memref<!tpu.dma_semaphore, #tpu.memory_space<semaphore_mem>>) src(%arg16 : memref<128x128xf32, #tpu.memory_space<vmem>>) dst(%dma_wait3A_199 : memref<128x128xf32, #tpu.memory_space<hbm>>)
        tpu.yield
      }) : () -> ()
    } else {
    }
    %eq3A_130 = arith.constant 1 : i32
    %eq3A_131 = arith.cmpi eq, %arg0, %eq3A_130 : i32
    %convert_element_type3A_132 = arith.extui %eq3A_131 : i1 to i32
    %cond3A_133 = arith.constant 0 : i32
    %cond3A_134 = arith.cmpi ne, %convert_element_type3A_132, %cond3A_133 : i32
    scf.if %cond3A_134 {
      "tpu.region"() ({
        %run_scoped3A_191 = tpu.sem_alloc : memref<!tpu.dma_semaphore, #tpu.memory_space<semaphore_mem>>
        %dma_start3A_192 = arith.constant 0 : i32
        %dma_start3A_193 = tpu.memref_slice %arg7[%add3A_125, %dma_start3A_192] : memref<10240x128xf32, #tpu.memory_space<hbm>> -> memref<128x128xf32, #tpu.memory_space<hbm>>
        %dma_start3A_194 = arith.constant 0 : i32
        %dma_start3A_195 = tpu.memref_slice %arg7[%add3A_125, %dma_start3A_194] : memref<10240x128xf32, #tpu.memory_space<hbm>> -> memref<128x128xf32, #tpu.memory_space<hbm>>
        tpu.enqueue_dma source(%arg16 : memref<128x128xf32, #tpu.memory_space<vmem>>) target(%dma_start3A_195 : memref<128x128xf32, #tpu.memory_space<hbm>>) target_semaphore(%run_scoped3A_191 : memref<!tpu.dma_semaphore, #tpu.memory_space<semaphore_mem>>)
        %dma_wait3A_196 = arith.constant 0 : i32
        %dma_wait3A_197 = tpu.memref_slice %arg7[%add3A_125, %dma_wait3A_196] : memref<10240x128xf32, #tpu.memory_space<hbm>> -> memref<128x128xf32, #tpu.memory_space<hbm>>
        %dma_wait3A_198 = arith.constant 0 : i32
        %dma_wait3A_199 = tpu.memref_slice %arg7[%add3A_125, %dma_wait3A_198] : memref<10240x128xf32, #tpu.memory_space<hbm>> -> memref<128x128xf32, #tpu.memory_space<hbm>>
        tpu.wait_dma2 semaphore(%run_scoped3A_191 : memref<!tpu.dma_semaphore, #tpu.memory_space<semaphore_mem>>) src(%arg16 : memref<128x128xf32, #tpu.memory_space<vmem>>) dst(%dma_wait3A_199 : memref<128x128xf32, #tpu.memory_space<hbm>>)
        tpu.yield
      }) : () -> ()
    } else {
    }
    %mul3A_135 = arith.constant 640 : i32
    %mul3A_136 = arith.muli %arg1, %mul3A_135 : i32
    %add3A_137 = arith.constant 128 : i32
    %add3A_138 = arith.addi %mul3A_136, %add3A_137 : i32
    "tpu.region"() ({
      %run_scoped3A_191 = tpu.sem_alloc : memref<!tpu.dma_semaphore, #tpu.memory_space<semaphore_mem>>
      %dma_start3A_192 = arith.constant 0 : i32
      %dma_start3A_193 = tpu.memref_slice %arg19[%add3A_138, %dma_start3A_192] : memref<10240x128xf32, #tpu.memory_space<vmem_shared>> -> memref<128x128xf32, #tpu.memory_space<vmem_shared>>
      %dma_start3A_194 = arith.constant 0 : i32
      %dma_start3A_195 = tpu.memref_slice %arg19[%add3A_138, %dma_start3A_194] : memref<10240x128xf32, #tpu.memory_space<vmem_shared>> -> memref<128x128xf32, #tpu.memory_space<vmem_shared>>
      tpu.enqueue_dma source(%dma_start3A_195 : memref<128x128xf32, #tpu.memory_space<vmem_shared>>) target(%arg16 : memref<128x128xf32, #tpu.memory_space<vmem>>) target_semaphore(%run_scoped3A_191 : memref<!tpu.dma_semaphore, #tpu.memory_space<semaphore_mem>>)
      %dma_wait3A_196 = arith.constant 0 : i32
      %dma_wait3A_197 = tpu.memref_slice %arg19[%add3A_138, %dma_wait3A_196] : memref<10240x128xf32, #tpu.memory_space<vmem_shared>> -> memref<128x128xf32, #tpu.memory_space<vmem_shared>>
      %dma_wait3A_198 = arith.constant 0 : i32
      %dma_wait3A_199 = tpu.memref_slice %arg19[%add3A_138, %dma_wait3A_198] : memref<10240x128xf32, #tpu.memory_space<vmem_shared>> -> memref<128x128xf32, #tpu.memory_space<vmem_shared>>
      tpu.wait_dma2 semaphore(%run_scoped3A_191 : memref<!tpu.dma_semaphore, #tpu.memory_space<semaphore_mem>>) src(%dma_wait3A_199 : memref<128x128xf32, #tpu.memory_space<vmem_shared>>) dst(%arg16 : memref<128x128xf32, #tpu.memory_space<vmem>>)
      tpu.yield
    }) : () -> ()
    %eq3A_139 = arith.constant 0 : i32
    %eq3A_140 = arith.cmpi eq, %arg0, %eq3A_139 : i32
    %convert_element_type3A_141 = arith.extui %eq3A_140 : i1 to i32
    %cond3A_142 = arith.constant 0 : i32
    %cond3A_143 = arith.cmpi ne, %convert_element_type3A_141, %cond3A_142 : i32
    scf.if %cond3A_143 {
      "tpu.region"() ({
        %run_scoped3A_191 = tpu.sem_alloc : memref<!tpu.dma_semaphore, #tpu.memory_space<semaphore_mem>>
        %dma_start3A_192 = arith.constant 0 : i32
        %dma_start3A_193 = tpu.memref_slice %arg6[%add3A_138, %dma_start3A_192] : memref<10240x128xf32, #tpu.memory_space<hbm>> -> memref<128x128xf32, #tpu.memory_space<hbm>>
        %dma_start3A_194 = arith.constant 0 : i32
        %dma_start3A_195 = tpu.memref_slice %arg6[%add3A_138, %dma_start3A_194] : memref<10240x128xf32, #tpu.memory_space<hbm>> -> memref<128x128xf32, #tpu.memory_space<hbm>>
        tpu.enqueue_dma source(%arg16 : memref<128x128xf32, #tpu.memory_space<vmem>>) target(%dma_start3A_195 : memref<128x128xf32, #tpu.memory_space<hbm>>) target_semaphore(%run_scoped3A_191 : memref<!tpu.dma_semaphore, #tpu.memory_space<semaphore_mem>>)
        %dma_wait3A_196 = arith.constant 0 : i32
        %dma_wait3A_197 = tpu.memref_slice %arg6[%add3A_138, %dma_wait3A_196] : memref<10240x128xf32, #tpu.memory_space<hbm>> -> memref<128x128xf32, #tpu.memory_space<hbm>>
        %dma_wait3A_198 = arith.constant 0 : i32
        %dma_wait3A_199 = tpu.memref_slice %arg6[%add3A_138, %dma_wait3A_198] : memref<10240x128xf32, #tpu.memory_space<hbm>> -> memref<128x128xf32, #tpu.memory_space<hbm>>
        tpu.wait_dma2 semaphore(%run_scoped3A_191 : memref<!tpu.dma_semaphore, #tpu.memory_space<semaphore_mem>>) src(%arg16 : memref<128x128xf32, #tpu.memory_space<vmem>>) dst(%dma_wait3A_199 : memref<128x128xf32, #tpu.memory_space<hbm>>)
        tpu.yield
      }) : () -> ()
    } else {
    }
    %eq3A_144 = arith.constant 1 : i32
    %eq3A_145 = arith.cmpi eq, %arg0, %eq3A_144 : i32
    %convert_element_type3A_146 = arith.extui %eq3A_145 : i1 to i32
    %cond3A_147 = arith.constant 0 : i32
    %cond3A_148 = arith.cmpi ne, %convert_element_type3A_146, %cond3A_147 : i32
    scf.if %cond3A_148 {
      "tpu.region"() ({
        %run_scoped3A_191 = tpu.sem_alloc : memref<!tpu.dma_semaphore, #tpu.memory_space<semaphore_mem>>
        %dma_start3A_192 = arith.constant 0 : i32
        %dma_start3A_193 = tpu.memref_slice %arg7[%add3A_138, %dma_start3A_192] : memref<10240x128xf32, #tpu.memory_space<hbm>> -> memref<128x128xf32, #tpu.memory_space<hbm>>
        %dma_start3A_194 = arith.constant 0 : i32
        %dma_start3A_195 = tpu.memref_slice %arg7[%add3A_138, %dma_start3A_194] : memref<10240x128xf32, #tpu.memory_space<hbm>> -> memref<128x128xf32, #tpu.memory_space<hbm>>
        tpu.enqueue_dma source(%arg16 : memref<128x128xf32, #tpu.memory_space<vmem>>) target(%dma_start3A_195 : memref<128x128xf32, #tpu.memory_space<hbm>>) target_semaphore(%run_scoped3A_191 : memref<!tpu.dma_semaphore, #tpu.memory_space<semaphore_mem>>)
        %dma_wait3A_196 = arith.constant 0 : i32
        %dma_wait3A_197 = tpu.memref_slice %arg7[%add3A_138, %dma_wait3A_196] : memref<10240x128xf32, #tpu.memory_space<hbm>> -> memref<128x128xf32, #tpu.memory_space<hbm>>
        %dma_wait3A_198 = arith.constant 0 : i32
        %dma_wait3A_199 = tpu.memref_slice %arg7[%add3A_138, %dma_wait3A_198] : memref<10240x128xf32, #tpu.memory_space<hbm>> -> memref<128x128xf32, #tpu.memory_space<hbm>>
        tpu.wait_dma2 semaphore(%run_scoped3A_191 : memref<!tpu.dma_semaphore, #tpu.memory_space<semaphore_mem>>) src(%arg16 : memref<128x128xf32, #tpu.memory_space<vmem>>) dst(%dma_wait3A_199 : memref<128x128xf32, #tpu.memory_space<hbm>>)
        tpu.yield
      }) : () -> ()
    } else {
    }
    %mul3A_149 = arith.constant 640 : i32
    %mul3A_150 = arith.muli %arg1, %mul3A_149 : i32
    %add3A_151 = arith.constant 256 : i32
    %add3A_152 = arith.addi %mul3A_150, %add3A_151 : i32
    "tpu.region"() ({
      %run_scoped3A_191 = tpu.sem_alloc : memref<!tpu.dma_semaphore, #tpu.memory_space<semaphore_mem>>
      %dma_start3A_192 = arith.constant 0 : i32
      %dma_start3A_193 = tpu.memref_slice %arg19[%add3A_152, %dma_start3A_192] : memref<10240x128xf32, #tpu.memory_space<vmem_shared>> -> memref<128x128xf32, #tpu.memory_space<vmem_shared>>
      %dma_start3A_194 = arith.constant 0 : i32
      %dma_start3A_195 = tpu.memref_slice %arg19[%add3A_152, %dma_start3A_194] : memref<10240x128xf32, #tpu.memory_space<vmem_shared>> -> memref<128x128xf32, #tpu.memory_space<vmem_shared>>
      tpu.enqueue_dma source(%dma_start3A_195 : memref<128x128xf32, #tpu.memory_space<vmem_shared>>) target(%arg16 : memref<128x128xf32, #tpu.memory_space<vmem>>) target_semaphore(%run_scoped3A_191 : memref<!tpu.dma_semaphore, #tpu.memory_space<semaphore_mem>>)
      %dma_wait3A_196 = arith.constant 0 : i32
      %dma_wait3A_197 = tpu.memref_slice %arg19[%add3A_152, %dma_wait3A_196] : memref<10240x128xf32, #tpu.memory_space<vmem_shared>> -> memref<128x128xf32, #tpu.memory_space<vmem_shared>>
      %dma_wait3A_198 = arith.constant 0 : i32
      %dma_wait3A_199 = tpu.memref_slice %arg19[%add3A_152, %dma_wait3A_198] : memref<10240x128xf32, #tpu.memory_space<vmem_shared>> -> memref<128x128xf32, #tpu.memory_space<vmem_shared>>
      tpu.wait_dma2 semaphore(%run_scoped3A_191 : memref<!tpu.dma_semaphore, #tpu.memory_space<semaphore_mem>>) src(%dma_wait3A_199 : memref<128x128xf32, #tpu.memory_space<vmem_shared>>) dst(%arg16 : memref<128x128xf32, #tpu.memory_space<vmem>>)
      tpu.yield
    }) : () -> ()
    %eq3A_153 = arith.constant 0 : i32
    %eq3A_154 = arith.cmpi eq, %arg0, %eq3A_153 : i32
    %convert_element_type3A_155 = arith.extui %eq3A_154 : i1 to i32
    %cond3A_156 = arith.constant 0 : i32
    %cond3A_157 = arith.cmpi ne, %convert_element_type3A_155, %cond3A_156 : i32
    scf.if %cond3A_157 {
      "tpu.region"() ({
        %run_scoped3A_191 = tpu.sem_alloc : memref<!tpu.dma_semaphore, #tpu.memory_space<semaphore_mem>>
        %dma_start3A_192 = arith.constant 0 : i32
        %dma_start3A_193 = tpu.memref_slice %arg6[%add3A_152, %dma_start3A_192] : memref<10240x128xf32, #tpu.memory_space<hbm>> -> memref<128x128xf32, #tpu.memory_space<hbm>>
        %dma_start3A_194 = arith.constant 0 : i32
        %dma_start3A_195 = tpu.memref_slice %arg6[%add3A_152, %dma_start3A_194] : memref<10240x128xf32, #tpu.memory_space<hbm>> -> memref<128x128xf32, #tpu.memory_space<hbm>>
        tpu.enqueue_dma source(%arg16 : memref<128x128xf32, #tpu.memory_space<vmem>>) target(%dma_start3A_195 : memref<128x128xf32, #tpu.memory_space<hbm>>) target_semaphore(%run_scoped3A_191 : memref<!tpu.dma_semaphore, #tpu.memory_space<semaphore_mem>>)
        %dma_wait3A_196 = arith.constant 0 : i32
        %dma_wait3A_197 = tpu.memref_slice %arg6[%add3A_152, %dma_wait3A_196] : memref<10240x128xf32, #tpu.memory_space<hbm>> -> memref<128x128xf32, #tpu.memory_space<hbm>>
        %dma_wait3A_198 = arith.constant 0 : i32
        %dma_wait3A_199 = tpu.memref_slice %arg6[%add3A_152, %dma_wait3A_198] : memref<10240x128xf32, #tpu.memory_space<hbm>> -> memref<128x128xf32, #tpu.memory_space<hbm>>
        tpu.wait_dma2 semaphore(%run_scoped3A_191 : memref<!tpu.dma_semaphore, #tpu.memory_space<semaphore_mem>>) src(%arg16 : memref<128x128xf32, #tpu.memory_space<vmem>>) dst(%dma_wait3A_199 : memref<128x128xf32, #tpu.memory_space<hbm>>)
        tpu.yield
      }) : () -> ()
    } else {
    }
    %eq3A_158 = arith.constant 1 : i32
    %eq3A_159 = arith.cmpi eq, %arg0, %eq3A_158 : i32
    %convert_element_type3A_160 = arith.extui %eq3A_159 : i1 to i32
    %cond3A_161 = arith.constant 0 : i32
    %cond3A_162 = arith.cmpi ne, %convert_element_type3A_160, %cond3A_161 : i32
    scf.if %cond3A_162 {
      "tpu.region"() ({
        %run_scoped3A_191 = tpu.sem_alloc : memref<!tpu.dma_semaphore, #tpu.memory_space<semaphore_mem>>
        %dma_start3A_192 = arith.constant 0 : i32
        %dma_start3A_193 = tpu.memref_slice %arg7[%add3A_152, %dma_start3A_192] : memref<10240x128xf32, #tpu.memory_space<hbm>> -> memref<128x128xf32, #tpu.memory_space<hbm>>
        %dma_start3A_194 = arith.constant 0 : i32
        %dma_start3A_195 = tpu.memref_slice %arg7[%add3A_152, %dma_start3A_194] : memref<10240x128xf32, #tpu.memory_space<hbm>> -> memref<128x128xf32, #tpu.memory_space<hbm>>
        tpu.enqueue_dma source(%arg16 : memref<128x128xf32, #tpu.memory_space<vmem>>) target(%dma_start3A_195 : memref<128x128xf32, #tpu.memory_space<hbm>>) target_semaphore(%run_scoped3A_191 : memref<!tpu.dma_semaphore, #tpu.memory_space<semaphore_mem>>)
        %dma_wait3A_196 = arith.constant 0 : i32
        %dma_wait3A_197 = tpu.memref_slice %arg7[%add3A_152, %dma_wait3A_196] : memref<10240x128xf32, #tpu.memory_space<hbm>> -> memref<128x128xf32, #tpu.memory_space<hbm>>
        %dma_wait3A_198 = arith.constant 0 : i32
        %dma_wait3A_199 = tpu.memref_slice %arg7[%add3A_152, %dma_wait3A_198] : memref<10240x128xf32, #tpu.memory_space<hbm>> -> memref<128x128xf32, #tpu.memory_space<hbm>>
        tpu.wait_dma2 semaphore(%run_scoped3A_191 : memref<!tpu.dma_semaphore, #tpu.memory_space<semaphore_mem>>) src(%arg16 : memref<128x128xf32, #tpu.memory_space<vmem>>) dst(%dma_wait3A_199 : memref<128x128xf32, #tpu.memory_space<hbm>>)
        tpu.yield
      }) : () -> ()
    } else {
    }
    %mul3A_163 = arith.constant 640 : i32
    %mul3A_164 = arith.muli %arg1, %mul3A_163 : i32
    %add3A_165 = arith.constant 384 : i32
    %add3A_166 = arith.addi %mul3A_164, %add3A_165 : i32
    "tpu.region"() ({
      %run_scoped3A_191 = tpu.sem_alloc : memref<!tpu.dma_semaphore, #tpu.memory_space<semaphore_mem>>
      %dma_start3A_192 = arith.constant 0 : i32
      %dma_start3A_193 = tpu.memref_slice %arg19[%add3A_166, %dma_start3A_192] : memref<10240x128xf32, #tpu.memory_space<vmem_shared>> -> memref<128x128xf32, #tpu.memory_space<vmem_shared>>
      %dma_start3A_194 = arith.constant 0 : i32
      %dma_start3A_195 = tpu.memref_slice %arg19[%add3A_166, %dma_start3A_194] : memref<10240x128xf32, #tpu.memory_space<vmem_shared>> -> memref<128x128xf32, #tpu.memory_space<vmem_shared>>
      tpu.enqueue_dma source(%dma_start3A_195 : memref<128x128xf32, #tpu.memory_space<vmem_shared>>) target(%arg16 : memref<128x128xf32, #tpu.memory_space<vmem>>) target_semaphore(%run_scoped3A_191 : memref<!tpu.dma_semaphore, #tpu.memory_space<semaphore_mem>>)
      %dma_wait3A_196 = arith.constant 0 : i32
      %dma_wait3A_197 = tpu.memref_slice %arg19[%add3A_166, %dma_wait3A_196] : memref<10240x128xf32, #tpu.memory_space<vmem_shared>> -> memref<128x128xf32, #tpu.memory_space<vmem_shared>>
      %dma_wait3A_198 = arith.constant 0 : i32
      %dma_wait3A_199 = tpu.memref_slice %arg19[%add3A_166, %dma_wait3A_198] : memref<10240x128xf32, #tpu.memory_space<vmem_shared>> -> memref<128x128xf32, #tpu.memory_space<vmem_shared>>
      tpu.wait_dma2 semaphore(%run_scoped3A_191 : memref<!tpu.dma_semaphore, #tpu.memory_space<semaphore_mem>>) src(%dma_wait3A_199 : memref<128x128xf32, #tpu.memory_space<vmem_shared>>) dst(%arg16 : memref<128x128xf32, #tpu.memory_space<vmem>>)
      tpu.yield
    }) : () -> ()
    %eq3A_167 = arith.constant 0 : i32
    %eq3A_168 = arith.cmpi eq, %arg0, %eq3A_167 : i32
    %convert_element_type3A_169 = arith.extui %eq3A_168 : i1 to i32
    %cond3A_170 = arith.constant 0 : i32
    %cond3A_171 = arith.cmpi ne, %convert_element_type3A_169, %cond3A_170 : i32
    scf.if %cond3A_171 {
      "tpu.region"() ({
        %run_scoped3A_191 = tpu.sem_alloc : memref<!tpu.dma_semaphore, #tpu.memory_space<semaphore_mem>>
        %dma_start3A_192 = arith.constant 0 : i32
        %dma_start3A_193 = tpu.memref_slice %arg6[%add3A_166, %dma_start3A_192] : memref<10240x128xf32, #tpu.memory_space<hbm>> -> memref<128x128xf32, #tpu.memory_space<hbm>>
        %dma_start3A_194 = arith.constant 0 : i32
        %dma_start3A_195 = tpu.memref_slice %arg6[%add3A_166, %dma_start3A_194] : memref<10240x128xf32, #tpu.memory_space<hbm>> -> memref<128x128xf32, #tpu.memory_space<hbm>>
        tpu.enqueue_dma source(%arg16 : memref<128x128xf32, #tpu.memory_space<vmem>>) target(%dma_start3A_195 : memref<128x128xf32, #tpu.memory_space<hbm>>) target_semaphore(%run_scoped3A_191 : memref<!tpu.dma_semaphore, #tpu.memory_space<semaphore_mem>>)
        %dma_wait3A_196 = arith.constant 0 : i32
        %dma_wait3A_197 = tpu.memref_slice %arg6[%add3A_166, %dma_wait3A_196] : memref<10240x128xf32, #tpu.memory_space<hbm>> -> memref<128x128xf32, #tpu.memory_space<hbm>>
        %dma_wait3A_198 = arith.constant 0 : i32
        %dma_wait3A_199 = tpu.memref_slice %arg6[%add3A_166, %dma_wait3A_198] : memref<10240x128xf32, #tpu.memory_space<hbm>> -> memref<128x128xf32, #tpu.memory_space<hbm>>
        tpu.wait_dma2 semaphore(%run_scoped3A_191 : memref<!tpu.dma_semaphore, #tpu.memory_space<semaphore_mem>>) src(%arg16 : memref<128x128xf32, #tpu.memory_space<vmem>>) dst(%dma_wait3A_199 : memref<128x128xf32, #tpu.memory_space<hbm>>)
        tpu.yield
      }) : () -> ()
    } else {
    }
    %eq3A_172 = arith.constant 1 : i32
    %eq3A_173 = arith.cmpi eq, %arg0, %eq3A_172 : i32
    %convert_element_type3A_174 = arith.extui %eq3A_173 : i1 to i32
    %cond3A_175 = arith.constant 0 : i32
    %cond3A_176 = arith.cmpi ne, %convert_element_type3A_174, %cond3A_175 : i32
    scf.if %cond3A_176 {
      "tpu.region"() ({
        %run_scoped3A_191 = tpu.sem_alloc : memref<!tpu.dma_semaphore, #tpu.memory_space<semaphore_mem>>
        %dma_start3A_192 = arith.constant 0 : i32
        %dma_start3A_193 = tpu.memref_slice %arg7[%add3A_166, %dma_start3A_192] : memref<10240x128xf32, #tpu.memory_space<hbm>> -> memref<128x128xf32, #tpu.memory_space<hbm>>
        %dma_start3A_194 = arith.constant 0 : i32
        %dma_start3A_195 = tpu.memref_slice %arg7[%add3A_166, %dma_start3A_194] : memref<10240x128xf32, #tpu.memory_space<hbm>> -> memref<128x128xf32, #tpu.memory_space<hbm>>
        tpu.enqueue_dma source(%arg16 : memref<128x128xf32, #tpu.memory_space<vmem>>) target(%dma_start3A_195 : memref<128x128xf32, #tpu.memory_space<hbm>>) target_semaphore(%run_scoped3A_191 : memref<!tpu.dma_semaphore, #tpu.memory_space<semaphore_mem>>)
        %dma_wait3A_196 = arith.constant 0 : i32
        %dma_wait3A_197 = tpu.memref_slice %arg7[%add3A_166, %dma_wait3A_196] : memref<10240x128xf32, #tpu.memory_space<hbm>> -> memref<128x128xf32, #tpu.memory_space<hbm>>
        %dma_wait3A_198 = arith.constant 0 : i32
        %dma_wait3A_199 = tpu.memref_slice %arg7[%add3A_166, %dma_wait3A_198] : memref<10240x128xf32, #tpu.memory_space<hbm>> -> memref<128x128xf32, #tpu.memory_space<hbm>>
        tpu.wait_dma2 semaphore(%run_scoped3A_191 : memref<!tpu.dma_semaphore, #tpu.memory_space<semaphore_mem>>) src(%arg16 : memref<128x128xf32, #tpu.memory_space<vmem>>) dst(%dma_wait3A_199 : memref<128x128xf32, #tpu.memory_space<hbm>>)
        tpu.yield
      }) : () -> ()
    } else {
    }
    %mul3A_177 = arith.constant 640 : i32
    %mul3A_178 = arith.muli %arg1, %mul3A_177 : i32
    %add3A_179 = arith.constant 512 : i32
    %add3A_180 = arith.addi %mul3A_178, %add3A_179 : i32
    "tpu.region"() ({
      %run_scoped3A_191 = tpu.sem_alloc : memref<!tpu.dma_semaphore, #tpu.memory_space<semaphore_mem>>
      %dma_start3A_192 = arith.constant 0 : i32
      %dma_start3A_193 = tpu.memref_slice %arg19[%add3A_180, %dma_start3A_192] : memref<10240x128xf32, #tpu.memory_space<vmem_shared>> -> memref<128x128xf32, #tpu.memory_space<vmem_shared>>
      %dma_start3A_194 = arith.constant 0 : i32
      %dma_start3A_195 = tpu.memref_slice %arg19[%add3A_180, %dma_start3A_194] : memref<10240x128xf32, #tpu.memory_space<vmem_shared>> -> memref<128x128xf32, #tpu.memory_space<vmem_shared>>
      tpu.enqueue_dma source(%dma_start3A_195 : memref<128x128xf32, #tpu.memory_space<vmem_shared>>) target(%arg16 : memref<128x128xf32, #tpu.memory_space<vmem>>) target_semaphore(%run_scoped3A_191 : memref<!tpu.dma_semaphore, #tpu.memory_space<semaphore_mem>>)
      %dma_wait3A_196 = arith.constant 0 : i32
      %dma_wait3A_197 = tpu.memref_slice %arg19[%add3A_180, %dma_wait3A_196] : memref<10240x128xf32, #tpu.memory_space<vmem_shared>> -> memref<128x128xf32, #tpu.memory_space<vmem_shared>>
      %dma_wait3A_198 = arith.constant 0 : i32
      %dma_wait3A_199 = tpu.memref_slice %arg19[%add3A_180, %dma_wait3A_198] : memref<10240x128xf32, #tpu.memory_space<vmem_shared>> -> memref<128x128xf32, #tpu.memory_space<vmem_shared>>
      tpu.wait_dma2 semaphore(%run_scoped3A_191 : memref<!tpu.dma_semaphore, #tpu.memory_space<semaphore_mem>>) src(%dma_wait3A_199 : memref<128x128xf32, #tpu.memory_space<vmem_shared>>) dst(%arg16 : memref<128x128xf32, #tpu.memory_space<vmem>>)
      tpu.yield
    }) : () -> ()
    %eq3A_181 = arith.constant 0 : i32
    %eq3A_182 = arith.cmpi eq, %arg0, %eq3A_181 : i32
    %convert_element_type3A_183 = arith.extui %eq3A_182 : i1 to i32
    %cond3A_184 = arith.constant 0 : i32
    %cond3A_185 = arith.cmpi ne, %convert_element_type3A_183, %cond3A_184 : i32
    scf.if %cond3A_185 {
      "tpu.region"() ({
        %run_scoped3A_191 = tpu.sem_alloc : memref<!tpu.dma_semaphore, #tpu.memory_space<semaphore_mem>>
        %dma_start3A_192 = arith.constant 0 : i32
        %dma_start3A_193 = tpu.memref_slice %arg6[%add3A_180, %dma_start3A_192] : memref<10240x128xf32, #tpu.memory_space<hbm>> -> memref<128x128xf32, #tpu.memory_space<hbm>>
        %dma_start3A_194 = arith.constant 0 : i32
        %dma_start3A_195 = tpu.memref_slice %arg6[%add3A_180, %dma_start3A_194] : memref<10240x128xf32, #tpu.memory_space<hbm>> -> memref<128x128xf32, #tpu.memory_space<hbm>>
        tpu.enqueue_dma source(%arg16 : memref<128x128xf32, #tpu.memory_space<vmem>>) target(%dma_start3A_195 : memref<128x128xf32, #tpu.memory_space<hbm>>) target_semaphore(%run_scoped3A_191 : memref<!tpu.dma_semaphore, #tpu.memory_space<semaphore_mem>>)
        %dma_wait3A_196 = arith.constant 0 : i32
        %dma_wait3A_197 = tpu.memref_slice %arg6[%add3A_180, %dma_wait3A_196] : memref<10240x128xf32, #tpu.memory_space<hbm>> -> memref<128x128xf32, #tpu.memory_space<hbm>>
        %dma_wait3A_198 = arith.constant 0 : i32
        %dma_wait3A_199 = tpu.memref_slice %arg6[%add3A_180, %dma_wait3A_198] : memref<10240x128xf32, #tpu.memory_space<hbm>> -> memref<128x128xf32, #tpu.memory_space<hbm>>
        tpu.wait_dma2 semaphore(%run_scoped3A_191 : memref<!tpu.dma_semaphore, #tpu.memory_space<semaphore_mem>>) src(%arg16 : memref<128x128xf32, #tpu.memory_space<vmem>>) dst(%dma_wait3A_199 : memref<128x128xf32, #tpu.memory_space<hbm>>)
        tpu.yield
      }) : () -> ()
    } else {
    }
    %eq3A_186 = arith.constant 1 : i32
    %eq3A_187 = arith.cmpi eq, %arg0, %eq3A_186 : i32
    %convert_element_type3A_188 = arith.extui %eq3A_187 : i1 to i32
    %cond3A_189 = arith.constant 0 : i32
    %cond3A_190 = arith.cmpi ne, %convert_element_type3A_188, %cond3A_189 : i32
    scf.if %cond3A_190 {
      "tpu.region"() ({
        %run_scoped3A_191 = tpu.sem_alloc : memref<!tpu.dma_semaphore, #tpu.memory_space<semaphore_mem>>
        %dma_start3A_192 = arith.constant 0 : i32
        %dma_start3A_193 = tpu.memref_slice %arg7[%add3A_180, %dma_start3A_192] : memref<10240x128xf32, #tpu.memory_space<hbm>> -> memref<128x128xf32, #tpu.memory_space<hbm>>
        %dma_start3A_194 = arith.constant 0 : i32
        %dma_start3A_195 = tpu.memref_slice %arg7[%add3A_180, %dma_start3A_194] : memref<10240x128xf32, #tpu.memory_space<hbm>> -> memref<128x128xf32, #tpu.memory_space<hbm>>
        tpu.enqueue_dma source(%arg16 : memref<128x128xf32, #tpu.memory_space<vmem>>) target(%dma_start3A_195 : memref<128x128xf32, #tpu.memory_space<hbm>>) target_semaphore(%run_scoped3A_191 : memref<!tpu.dma_semaphore, #tpu.memory_space<semaphore_mem>>)
        %dma_wait3A_196 = arith.constant 0 : i32
        %dma_wait3A_197 = tpu.memref_slice %arg7[%add3A_180, %dma_wait3A_196] : memref<10240x128xf32, #tpu.memory_space<hbm>> -> memref<128x128xf32, #tpu.memory_space<hbm>>
        %dma_wait3A_198 = arith.constant 0 : i32
        %dma_wait3A_199 = tpu.memref_slice %arg7[%add3A_180, %dma_wait3A_198] : memref<10240x128xf32, #tpu.memory_space<hbm>> -> memref<128x128xf32, #tpu.memory_space<hbm>>
        tpu.wait_dma2 semaphore(%run_scoped3A_191 : memref<!tpu.dma_semaphore, #tpu.memory_space<semaphore_mem>>) src(%arg16 : memref<128x128xf32, #tpu.memory_space<vmem>>) dst(%dma_wait3A_199 : memref<128x128xf32, #tpu.memory_space<hbm>>)
        tpu.yield
      }) : () -> ()
    } else {
    }
    return
  }
}

module attributes {stable_mosaic.version = 14 : i64} {
  func.func @_gram_body3(%arg0: i32, %arg1: i32, %arg2: memref<1000x128xbf16, #tpu.memory_space<vmem>>, %arg3: memref<2048x128xbf16, #tpu.memory_space<vmem>>, %arg4: memref<16x1000x128xf32, #tpu.memory_space<vmem>>) attributes {dimension_semantics = [#tpu.dimension_semantics<arbitrary>, #tpu.dimension_semantics<arbitrary>], iteration_bounds = array<i64: 10, 5>, scalar_prefetch = 0 : i64, scratch_operands = 0 : i64, tpu.core_type = #tpu.core_type<tc>, window_params = [{transform_indices = @transform_0, window_bounds = array<i64: 1000, 128>}, {transform_indices = @transform_1, window_bounds = array<i64: 2048, 128>}, {transform_indices = @transform_2, window_bounds = array<i64: 16, 1000, 128>}]} {
    %get3A = arith.constant 0 : index
    %get3A_0 = arith.constant 0 : index
    %get3A_1 = vector.load %arg2[%get3A, %get3A_0] : memref<1000x128xbf16, #tpu.memory_space<vmem>>, vector<1000x128xbf16>
    %get3A_2 = arith.constant 0 : index
    %get3A_3 = arith.constant 0 : index
    %get3A_4 = vector.load %arg3[%get3A_2, %get3A_3] : memref<2048x128xbf16, #tpu.memory_space<vmem>>, vector<128x128xbf16>
    %dot_general3A = arith.constant dense<0.000000e+00> : vector<1000x128xf32>
    %dot_general3A_5 = tpu.matmul %get3A_1, %get3A_4, %dot_general3A {dimension_numbers = #tpu.dot_dimension_numbers<[1], [1], [0], [0], [0, 0, 1, 0], [], []>, transpose_lhs_hint = false} : vector<1000x128xbf16>, vector<128x128xbf16>, vector<1000x128xf32> -> vector<1000x128xf32>
    %swap3A = arith.constant 0 : index
    %swap3A_6 = arith.constant 0 : index
    %swap3A_7 = arith.constant 0 : index
    %swap3A_8 = vector.load %arg4[%swap3A, %swap3A_6, %swap3A_7] : memref<16x1000x128xf32, #tpu.memory_space<vmem>>, vector<1x1000x128xf32>
    %swap3A_9 = vector.shape_cast %swap3A_8 : vector<1x1000x128xf32> to vector<1000x128xf32>
    %swap3A_10 = vector.shape_cast %dot_general3A_5 : vector<1000x128xf32> to vector<1x1000x128xf32>
    tpu.vector_store %arg4[%swap3A, %swap3A_6, %swap3A_7], %swap3A_10 {strides = array<i32>} : memref<16x1000x128xf32, #tpu.memory_space<vmem>>, vector<1x1000x128xf32>,
    %get3A_11 = arith.constant 0 : index
    %get3A_12 = arith.constant 0 : index
    %get3A_13 = vector.load %arg2[%get3A_11, %get3A_12] : memref<1000x128xbf16, #tpu.memory_space<vmem>>, vector<1000x128xbf16>
    %get3A_14 = arith.constant 128 : index
    %get3A_15 = arith.constant 0 : index
    %get3A_16 = vector.load %arg3[%get3A_14, %get3A_15] : memref<2048x128xbf16, #tpu.memory_space<vmem>>, vector<128x128xbf16>
    %dot_general3A_17 = arith.constant dense<0.000000e+00> : vector<1000x128xf32>
    %dot_general3A_18 = tpu.matmul %get3A_13, %get3A_16, %dot_general3A_17 {dimension_numbers = #tpu.dot_dimension_numbers<[1], [1], [0], [0], [0, 0, 1, 0], [], []>, transpose_lhs_hint = false} : vector<1000x128xbf16>, vector<128x128xbf16>, vector<1000x128xf32> -> vector<1000x128xf32>
    %swap3A_19 = arith.constant 1 : index
    %swap3A_20 = arith.constant 0 : index
    %swap3A_21 = arith.constant 0 : index
    %swap3A_22 = vector.load %arg4[%swap3A_19, %swap3A_20, %swap3A_21] : memref<16x1000x128xf32, #tpu.memory_space<vmem>>, vector<1x1000x128xf32>
    %swap3A_23 = vector.shape_cast %swap3A_22 : vector<1x1000x128xf32> to vector<1000x128xf32>
    %swap3A_24 = vector.shape_cast %dot_general3A_18 : vector<1000x128xf32> to vector<1x1000x128xf32>
    tpu.vector_store %arg4[%swap3A_19, %swap3A_20, %swap3A_21], %swap3A_24 {strides = array<i32>} : memref<16x1000x128xf32, #tpu.memory_space<vmem>>, vector<1x1000x128xf32>,
    %get3A_25 = arith.constant 0 : index
    %get3A_26 = arith.constant 0 : index
    %get3A_27 = vector.load %arg2[%get3A_25, %get3A_26] : memref<1000x128xbf16, #tpu.memory_space<vmem>>, vector<1000x128xbf16>
    %get3A_28 = arith.constant 256 : index
    %get3A_29 = arith.constant 0 : index
    %get3A_30 = vector.load %arg3[%get3A_28, %get3A_29] : memref<2048x128xbf16, #tpu.memory_space<vmem>>, vector<128x128xbf16>
    %dot_general3A_31 = arith.constant dense<0.000000e+00> : vector<1000x128xf32>
    %dot_general3A_32 = tpu.matmul %get3A_27, %get3A_30, %dot_general3A_31 {dimension_numbers = #tpu.dot_dimension_numbers<[1], [1], [0], [0], [0, 0, 1, 0], [], []>, transpose_lhs_hint = false} : vector<1000x128xbf16>, vector<128x128xbf16>, vector<1000x128xf32> -> vector<1000x128xf32>
    %swap3A_33 = arith.constant 2 : index
    %swap3A_34 = arith.constant 0 : index
    %swap3A_35 = arith.constant 0 : index
    %swap3A_36 = vector.load %arg4[%swap3A_33, %swap3A_34, %swap3A_35] : memref<16x1000x128xf32, #tpu.memory_space<vmem>>, vector<1x1000x128xf32>
    %swap3A_37 = vector.shape_cast %swap3A_36 : vector<1x1000x128xf32> to vector<1000x128xf32>
    %swap3A_38 = vector.shape_cast %dot_general3A_32 : vector<1000x128xf32> to vector<1x1000x128xf32>
    tpu.vector_store %arg4[%swap3A_33, %swap3A_34, %swap3A_35], %swap3A_38 {strides = array<i32>} : memref<16x1000x128xf32, #tpu.memory_space<vmem>>, vector<1x1000x128xf32>,
    %get3A_39 = arith.constant 0 : index
    %get3A_40 = arith.constant 0 : index
    %get3A_41 = vector.load %arg2[%get3A_39, %get3A_40] : memref<1000x128xbf16, #tpu.memory_space<vmem>>, vector<1000x128xbf16>
    %get3A_42 = arith.constant 384 : index
    %get3A_43 = arith.constant 0 : index
    %get3A_44 = vector.load %arg3[%get3A_42, %get3A_43] : memref<2048x128xbf16, #tpu.memory_space<vmem>>, vector<128x128xbf16>
    %dot_general3A_45 = arith.constant dense<0.000000e+00> : vector<1000x128xf32>
    %dot_general3A_46 = tpu.matmul %get3A_41, %get3A_44, %dot_general3A_45 {dimension_numbers = #tpu.dot_dimension_numbers<[1], [1], [0], [0], [0, 0, 1, 0], [], []>, transpose_lhs_hint = false} : vector<1000x128xbf16>, vector<128x128xbf16>, vector<1000x128xf32> -> vector<1000x128xf32>
    %swap3A_47 = arith.constant 3 : index
    %swap3A_48 = arith.constant 0 : index
    %swap3A_49 = arith.constant 0 : index
    %swap3A_50 = vector.load %arg4[%swap3A_47, %swap3A_48, %swap3A_49] : memref<16x1000x128xf32, #tpu.memory_space<vmem>>, vector<1x1000x128xf32>
    %swap3A_51 = vector.shape_cast %swap3A_50 : vector<1x1000x128xf32> to vector<1000x128xf32>
    %swap3A_52 = vector.shape_cast %dot_general3A_46 : vector<1000x128xf32> to vector<1x1000x128xf32>
    tpu.vector_store %arg4[%swap3A_47, %swap3A_48, %swap3A_49], %swap3A_52 {strides = array<i32>} : memref<16x1000x128xf32, #tpu.memory_space<vmem>>, vector<1x1000x128xf32>,
    %get3A_53 = arith.constant 0 : index
    %get3A_54 = arith.constant 0 : index
    %get3A_55 = vector.load %arg2[%get3A_53, %get3A_54] : memref<1000x128xbf16, #tpu.memory_space<vmem>>, vector<1000x128xbf16>
    %get3A_56 = arith.constant 512 : index
    %get3A_57 = arith.constant 0 : index
    %get3A_58 = vector.load %arg3[%get3A_56, %get3A_57] : memref<2048x128xbf16, #tpu.memory_space<vmem>>, vector<128x128xbf16>
    %dot_general3A_59 = arith.constant dense<0.000000e+00> : vector<1000x128xf32>
    %dot_general3A_60 = tpu.matmul %get3A_55, %get3A_58, %dot_general3A_59 {dimension_numbers = #tpu.dot_dimension_numbers<[1], [1], [0], [0], [0, 0, 1, 0], [], []>, transpose_lhs_hint = false} : vector<1000x128xbf16>, vector<128x128xbf16>, vector<1000x128xf32> -> vector<1000x128xf32>
    %swap3A_61 = arith.constant 4 : index
    %swap3A_62 = arith.constant 0 : index
    %swap3A_63 = arith.constant 0 : index
    %swap3A_64 = vector.load %arg4[%swap3A_61, %swap3A_62, %swap3A_63] : memref<16x1000x128xf32, #tpu.memory_space<vmem>>, vector<1x1000x128xf32>
    %swap3A_65 = vector.shape_cast %swap3A_64 : vector<1x1000x128xf32> to vector<1000x128xf32>
    %swap3A_66 = vector.shape_cast %dot_general3A_60 : vector<1000x128xf32> to vector<1x1000x128xf32>
    tpu.vector_store %arg4[%swap3A_61, %swap3A_62, %swap3A_63], %swap3A_66 {strides = array<i32>} : memref<16x1000x128xf32, #tpu.memory_space<vmem>>, vector<1x1000x128xf32>,
    %get3A_67 = arith.constant 0 : index
    %get3A_68 = arith.constant 0 : index
    %get3A_69 = vector.load %arg2[%get3A_67, %get3A_68] : memref<1000x128xbf16, #tpu.memory_space<vmem>>, vector<1000x128xbf16>
    %get3A_70 = arith.constant 640 : index
    %get3A_71 = arith.constant 0 : index
    %get3A_72 = vector.load %arg3[%get3A_70, %get3A_71] : memref<2048x128xbf16, #tpu.memory_space<vmem>>, vector<128x128xbf16>
    %dot_general3A_73 = arith.constant dense<0.000000e+00> : vector<1000x128xf32>
    %dot_general3A_74 = tpu.matmul %get3A_69, %get3A_72, %dot_general3A_73 {dimension_numbers = #tpu.dot_dimension_numbers<[1], [1], [0], [0], [0, 0, 1, 0], [], []>, transpose_lhs_hint = false} : vector<1000x128xbf16>, vector<128x128xbf16>, vector<1000x128xf32> -> vector<1000x128xf32>
    %swap3A_75 = arith.constant 5 : index
    %swap3A_76 = arith.constant 0 : index
    %swap3A_77 = arith.constant 0 : index
    %swap3A_78 = vector.load %arg4[%swap3A_75, %swap3A_76, %swap3A_77] : memref<16x1000x128xf32, #tpu.memory_space<vmem>>, vector<1x1000x128xf32>
    %swap3A_79 = vector.shape_cast %swap3A_78 : vector<1x1000x128xf32> to vector<1000x128xf32>
    %swap3A_80 = vector.shape_cast %dot_general3A_74 : vector<1000x128xf32> to vector<1x1000x128xf32>
    tpu.vector_store %arg4[%swap3A_75, %swap3A_76, %swap3A_77], %swap3A_80 {strides = array<i32>} : memref<16x1000x128xf32, #tpu.memory_space<vmem>>, vector<1x1000x128xf32>,
    %get3A_81 = arith.constant 0 : index
    %get3A_82 = arith.constant 0 : index
    %get3A_83 = vector.load %arg2[%get3A_81, %get3A_82] : memref<1000x128xbf16, #tpu.memory_space<vmem>>, vector<1000x128xbf16>
    %get3A_84 = arith.constant 768 : index
    %get3A_85 = arith.constant 0 : index
    %get3A_86 = vector.load %arg3[%get3A_84, %get3A_85] : memref<2048x128xbf16, #tpu.memory_space<vmem>>, vector<128x128xbf16>
    %dot_general3A_87 = arith.constant dense<0.000000e+00> : vector<1000x128xf32>
    %dot_general3A_88 = tpu.matmul %get3A_83, %get3A_86, %dot_general3A_87 {dimension_numbers = #tpu.dot_dimension_numbers<[1], [1], [0], [0], [0, 0, 1, 0], [], []>, transpose_lhs_hint = false} : vector<1000x128xbf16>, vector<128x128xbf16>, vector<1000x128xf32> -> vector<1000x128xf32>
    %swap3A_89 = arith.constant 6 : index
    %swap3A_90 = arith.constant 0 : index
    %swap3A_91 = arith.constant 0 : index
    %swap3A_92 = vector.load %arg4[%swap3A_89, %swap3A_90, %swap3A_91] : memref<16x1000x128xf32, #tpu.memory_space<vmem>>, vector<1x1000x128xf32>
    %swap3A_93 = vector.shape_cast %swap3A_92 : vector<1x1000x128xf32> to vector<1000x128xf32>
    %swap3A_94 = vector.shape_cast %dot_general3A_88 : vector<1000x128xf32> to vector<1x1000x128xf32>
    tpu.vector_store %arg4[%swap3A_89, %swap3A_90, %swap3A_91], %swap3A_94 {strides = array<i32>} : memref<16x1000x128xf32, #tpu.memory_space<vmem>>, vector<1x1000x128xf32>,
    %get3A_95 = arith.constant 0 : index
    %get3A_96 = arith.constant 0 : index
    %get3A_97 = vector.load %arg2[%get3A_95, %get3A_96] : memref<1000x128xbf16, #tpu.memory_space<vmem>>, vector<1000x128xbf16>
    %get3A_98 = arith.constant 896 : index
    %get3A_99 = arith.constant 0 : index
    %get3A_100 = vector.load %arg3[%get3A_98, %get3A_99] : memref<2048x128xbf16, #tpu.memory_space<vmem>>, vector<128x128xbf16>
    %dot_general3A_101 = arith.constant dense<0.000000e+00> : vector<1000x128xf32>
    %dot_general3A_102 = tpu.matmul %get3A_97, %get3A_100, %dot_general3A_101 {dimension_numbers = #tpu.dot_dimension_numbers<[1], [1], [0], [0], [0, 0, 1, 0], [], []>, transpose_lhs_hint = false} : vector<1000x128xbf16>, vector<128x128xbf16>, vector<1000x128xf32> -> vector<1000x128xf32>
    %swap3A_103 = arith.constant 7 : index
    %swap3A_104 = arith.constant 0 : index
    %swap3A_105 = arith.constant 0 : index
    %swap3A_106 = vector.load %arg4[%swap3A_103, %swap3A_104, %swap3A_105] : memref<16x1000x128xf32, #tpu.memory_space<vmem>>, vector<1x1000x128xf32>
    %swap3A_107 = vector.shape_cast %swap3A_106 : vector<1x1000x128xf32> to vector<1000x128xf32>
    %swap3A_108 = vector.shape_cast %dot_general3A_102 : vector<1000x128xf32> to vector<1x1000x128xf32>
    tpu.vector_store %arg4[%swap3A_103, %swap3A_104, %swap3A_105], %swap3A_108 {strides = array<i32>} : memref<16x1000x128xf32, #tpu.memory_space<vmem>>, vector<1x1000x128xf32>,
    %get3A_109 = arith.constant 0 : index
    %get3A_110 = arith.constant 0 : index
    %get3A_111 = vector.load %arg2[%get3A_109, %get3A_110] : memref<1000x128xbf16, #tpu.memory_space<vmem>>, vector<1000x128xbf16>
    %get3A_112 = arith.constant 1024 : index
    %get3A_113 = arith.constant 0 : index
    %get3A_114 = vector.load %arg3[%get3A_112, %get3A_113] : memref<2048x128xbf16, #tpu.memory_space<vmem>>, vector<128x128xbf16>
    %dot_general3A_115 = arith.constant dense<0.000000e+00> : vector<1000x128xf32>
    %dot_general3A_116 = tpu.matmul %get3A_111, %get3A_114, %dot_general3A_115 {dimension_numbers = #tpu.dot_dimension_numbers<[1], [1], [0], [0], [0, 0, 1, 0], [], []>, transpose_lhs_hint = false} : vector<1000x128xbf16>, vector<128x128xbf16>, vector<1000x128xf32> -> vector<1000x128xf32>
    %swap3A_117 = arith.constant 8 : index
    %swap3A_118 = arith.constant 0 : index
    %swap3A_119 = arith.constant 0 : index
    %swap3A_120 = vector.load %arg4[%swap3A_117, %swap3A_118, %swap3A_119] : memref<16x1000x128xf32, #tpu.memory_space<vmem>>, vector<1x1000x128xf32>
    %swap3A_121 = vector.shape_cast %swap3A_120 : vector<1x1000x128xf32> to vector<1000x128xf32>
    %swap3A_122 = vector.shape_cast %dot_general3A_116 : vector<1000x128xf32> to vector<1x1000x128xf32>
    tpu.vector_store %arg4[%swap3A_117, %swap3A_118, %swap3A_119], %swap3A_122 {strides = array<i32>} : memref<16x1000x128xf32, #tpu.memory_space<vmem>>, vector<1x1000x128xf32>,
    %get3A_123 = arith.constant 0 : index
    %get3A_124 = arith.constant 0 : index
    %get3A_125 = vector.load %arg2[%get3A_123, %get3A_124] : memref<1000x128xbf16, #tpu.memory_space<vmem>>, vector<1000x128xbf16>
    %get3A_126 = arith.constant 1152 : index
    %get3A_127 = arith.constant 0 : index
    %get3A_128 = vector.load %arg3[%get3A_126, %get3A_127] : memref<2048x128xbf16, #tpu.memory_space<vmem>>, vector<128x128xbf16>
    %dot_general3A_129 = arith.constant dense<0.000000e+00> : vector<1000x128xf32>
    %dot_general3A_130 = tpu.matmul %get3A_125, %get3A_128, %dot_general3A_129 {dimension_numbers = #tpu.dot_dimension_numbers<[1], [1], [0], [0], [0, 0, 1, 0], [], []>, transpose_lhs_hint = false} : vector<1000x128xbf16>, vector<128x128xbf16>, vector<1000x128xf32> -> vector<1000x128xf32>
    %swap3A_131 = arith.constant 9 : index
    %swap3A_132 = arith.constant 0 : index
    %swap3A_133 = arith.constant 0 : index
    %swap3A_134 = vector.load %arg4[%swap3A_131, %swap3A_132, %swap3A_133] : memref<16x1000x128xf32, #tpu.memory_space<vmem>>, vector<1x1000x128xf32>
    %swap3A_135 = vector.shape_cast %swap3A_134 : vector<1x1000x128xf32> to vector<1000x128xf32>
    %swap3A_136 = vector.shape_cast %dot_general3A_130 : vector<1000x128xf32> to vector<1x1000x128xf32>
    tpu.vector_store %arg4[%swap3A_131, %swap3A_132, %swap3A_133], %swap3A_136 {strides = array<i32>} : memref<16x1000x128xf32, #tpu.memory_space<vmem>>, vector<1x1000x128xf32>,
    %get3A_137 = arith.constant 0 : index
    %get3A_138 = arith.constant 0 : index
    %get3A_139 = vector.load %arg2[%get3A_137, %get3A_138] : memref<1000x128xbf16, #tpu.memory_space<vmem>>, vector<1000x128xbf16>
    %get3A_140 = arith.constant 1280 : index
    %get3A_141 = arith.constant 0 : index
    %get3A_142 = vector.load %arg3[%get3A_140, %get3A_141] : memref<2048x128xbf16, #tpu.memory_space<vmem>>, vector<128x128xbf16>
    %dot_general3A_143 = arith.constant dense<0.000000e+00> : vector<1000x128xf32>
    %dot_general3A_144 = tpu.matmul %get3A_139, %get3A_142, %dot_general3A_143 {dimension_numbers = #tpu.dot_dimension_numbers<[1], [1], [0], [0], [0, 0, 1, 0], [], []>, transpose_lhs_hint = false} : vector<1000x128xbf16>, vector<128x128xbf16>, vector<1000x128xf32> -> vector<1000x128xf32>
    %swap3A_145 = arith.constant 10 : index
    %swap3A_146 = arith.constant 0 : index
    %swap3A_147 = arith.constant 0 : index
    %swap3A_148 = vector.load %arg4[%swap3A_145, %swap3A_146, %swap3A_147] : memref<16x1000x128xf32, #tpu.memory_space<vmem>>, vector<1x1000x128xf32>
    %swap3A_149 = vector.shape_cast %swap3A_148 : vector<1x1000x128xf32> to vector<1000x128xf32>
    %swap3A_150 = vector.shape_cast %dot_general3A_144 : vector<1000x128xf32> to vector<1x1000x128xf32>
    tpu.vector_store %arg4[%swap3A_145, %swap3A_146, %swap3A_147], %swap3A_150 {strides = array<i32>} : memref<16x1000x128xf32, #tpu.memory_space<vmem>>, vector<1x1000x128xf32>,
    %get3A_151 = arith.constant 0 : index
    %get3A_152 = arith.constant 0 : index
    %get3A_153 = vector.load %arg2[%get3A_151, %get3A_152] : memref<1000x128xbf16, #tpu.memory_space<vmem>>, vector<1000x128xbf16>
    %get3A_154 = arith.constant 1408 : index
    %get3A_155 = arith.constant 0 : index
    %get3A_156 = vector.load %arg3[%get3A_154, %get3A_155] : memref<2048x128xbf16, #tpu.memory_space<vmem>>, vector<128x128xbf16>
    %dot_general3A_157 = arith.constant dense<0.000000e+00> : vector<1000x128xf32>
    %dot_general3A_158 = tpu.matmul %get3A_153, %get3A_156, %dot_general3A_157 {dimension_numbers = #tpu.dot_dimension_numbers<[1], [1], [0], [0], [0, 0, 1, 0], [], []>, transpose_lhs_hint = false} : vector<1000x128xbf16>, vector<128x128xbf16>, vector<1000x128xf32> -> vector<1000x128xf32>
    %swap3A_159 = arith.constant 11 : index
    %swap3A_160 = arith.constant 0 : index
    %swap3A_161 = arith.constant 0 : index
    %swap3A_162 = vector.load %arg4[%swap3A_159, %swap3A_160, %swap3A_161] : memref<16x1000x128xf32, #tpu.memory_space<vmem>>, vector<1x1000x128xf32>
    %swap3A_163 = vector.shape_cast %swap3A_162 : vector<1x1000x128xf32> to vector<1000x128xf32>
    %swap3A_164 = vector.shape_cast %dot_general3A_158 : vector<1000x128xf32> to vector<1x1000x128xf32>
    tpu.vector_store %arg4[%swap3A_159, %swap3A_160, %swap3A_161], %swap3A_164 {strides = array<i32>} : memref<16x1000x128xf32, #tpu.memory_space<vmem>>, vector<1x1000x128xf32>,
    %get3A_165 = arith.constant 0 : index
    %get3A_166 = arith.constant 0 : index
    %get3A_167 = vector.load %arg2[%get3A_165, %get3A_166] : memref<1000x128xbf16, #tpu.memory_space<vmem>>, vector<1000x128xbf16>
    %get3A_168 = arith.constant 1536 : index
    %get3A_169 = arith.constant 0 : index
    %get3A_170 = vector.load %arg3[%get3A_168, %get3A_169] : memref<2048x128xbf16, #tpu.memory_space<vmem>>, vector<128x128xbf16>
    %dot_general3A_171 = arith.constant dense<0.000000e+00> : vector<1000x128xf32>
    %dot_general3A_172 = tpu.matmul %get3A_167, %get3A_170, %dot_general3A_171 {dimension_numbers = #tpu.dot_dimension_numbers<[1], [1], [0], [0], [0, 0, 1, 0], [], []>, transpose_lhs_hint = false} : vector<1000x128xbf16>, vector<128x128xbf16>, vector<1000x128xf32> -> vector<1000x128xf32>
    %swap3A_173 = arith.constant 12 : index
    %swap3A_174 = arith.constant 0 : index
    %swap3A_175 = arith.constant 0 : index
    %swap3A_176 = vector.load %arg4[%swap3A_173, %swap3A_174, %swap3A_175] : memref<16x1000x128xf32, #tpu.memory_space<vmem>>, vector<1x1000x128xf32>
    %swap3A_177 = vector.shape_cast %swap3A_176 : vector<1x1000x128xf32> to vector<1000x128xf32>
    %swap3A_178 = vector.shape_cast %dot_general3A_172 : vector<1000x128xf32> to vector<1x1000x128xf32>
    tpu.vector_store %arg4[%swap3A_173, %swap3A_174, %swap3A_175], %swap3A_178 {strides = array<i32>} : memref<16x1000x128xf32, #tpu.memory_space<vmem>>, vector<1x1000x128xf32>,
    %get3A_179 = arith.constant 0 : index
    %get3A_180 = arith.constant 0 : index
    %get3A_181 = vector.load %arg2[%get3A_179, %get3A_180] : memref<1000x128xbf16, #tpu.memory_space<vmem>>, vector<1000x128xbf16>
    %get3A_182 = arith.constant 1664 : index
    %get3A_183 = arith.constant 0 : index
    %get3A_184 = vector.load %arg3[%get3A_182, %get3A_183] : memref<2048x128xbf16, #tpu.memory_space<vmem>>, vector<128x128xbf16>
    %dot_general3A_185 = arith.constant dense<0.000000e+00> : vector<1000x128xf32>
    %dot_general3A_186 = tpu.matmul %get3A_181, %get3A_184, %dot_general3A_185 {dimension_numbers = #tpu.dot_dimension_numbers<[1], [1], [0], [0], [0, 0, 1, 0], [], []>, transpose_lhs_hint = false} : vector<1000x128xbf16>, vector<128x128xbf16>, vector<1000x128xf32> -> vector<1000x128xf32>
    %swap3A_187 = arith.constant 13 : index
    %swap3A_188 = arith.constant 0 : index
    %swap3A_189 = arith.constant 0 : index
    %swap3A_190 = vector.load %arg4[%swap3A_187, %swap3A_188, %swap3A_189] : memref<16x1000x128xf32, #tpu.memory_space<vmem>>, vector<1x1000x128xf32>
    %swap3A_191 = vector.shape_cast %swap3A_190 : vector<1x1000x128xf32> to vector<1000x128xf32>
    %swap3A_192 = vector.shape_cast %dot_general3A_186 : vector<1000x128xf32> to vector<1x1000x128xf32>
    tpu.vector_store %arg4[%swap3A_187, %swap3A_188, %swap3A_189], %swap3A_192 {strides = array<i32>} : memref<16x1000x128xf32, #tpu.memory_space<vmem>>, vector<1x1000x128xf32>,
    %get3A_193 = arith.constant 0 : index
    %get3A_194 = arith.constant 0 : index
    %get3A_195 = vector.load %arg2[%get3A_193, %get3A_194] : memref<1000x128xbf16, #tpu.memory_space<vmem>>, vector<1000x128xbf16>
    %get3A_196 = arith.constant 1792 : index
    %get3A_197 = arith.constant 0 : index
    %get3A_198 = vector.load %arg3[%get3A_196, %get3A_197] : memref<2048x128xbf16, #tpu.memory_space<vmem>>, vector<128x128xbf16>
    %dot_general3A_199 = arith.constant dense<0.000000e+00> : vector<1000x128xf32>
    %dot_general3A_200 = tpu.matmul %get3A_195, %get3A_198, %dot_general3A_199 {dimension_numbers = #tpu.dot_dimension_numbers<[1], [1], [0], [0], [0, 0, 1, 0], [], []>, transpose_lhs_hint = false} : vector<1000x128xbf16>, vector<128x128xbf16>, vector<1000x128xf32> -> vector<1000x128xf32>
    %swap3A_201 = arith.constant 14 : index
    %swap3A_202 = arith.constant 0 : index
    %swap3A_203 = arith.constant 0 : index
    %swap3A_204 = vector.load %arg4[%swap3A_201, %swap3A_202, %swap3A_203] : memref<16x1000x128xf32, #tpu.memory_space<vmem>>, vector<1x1000x128xf32>
    %swap3A_205 = vector.shape_cast %swap3A_204 : vector<1x1000x128xf32> to vector<1000x128xf32>
    %swap3A_206 = vector.shape_cast %dot_general3A_200 : vector<1000x128xf32> to vector<1x1000x128xf32>
    tpu.vector_store %arg4[%swap3A_201, %swap3A_202, %swap3A_203], %swap3A_206 {strides = array<i32>} : memref<16x1000x128xf32, #tpu.memory_space<vmem>>, vector<1x1000x128xf32>,
    %get3A_207 = arith.constant 0 : index
    %get3A_208 = arith.constant 0 : index
    %get3A_209 = vector.load %arg2[%get3A_207, %get3A_208] : memref<1000x128xbf16, #tpu.memory_space<vmem>>, vector<1000x128xbf16>
    %get3A_210 = arith.constant 1920 : index
    %get3A_211 = arith.constant 0 : index
    %get3A_212 = vector.load %arg3[%get3A_210, %get3A_211] : memref<2048x128xbf16, #tpu.memory_space<vmem>>, vector<128x128xbf16>
    %dot_general3A_213 = arith.constant dense<0.000000e+00> : vector<1000x128xf32>
    %dot_general3A_214 = tpu.matmul %get3A_209, %get3A_212, %dot_general3A_213 {dimension_numbers = #tpu.dot_dimension_numbers<[1], [1], [0], [0], [0, 0, 1, 0], [], []>, transpose_lhs_hint = false} : vector<1000x128xbf16>, vector<128x128xbf16>, vector<1000x128xf32> -> vector<1000x128xf32>
    %swap3A_215 = arith.constant 15 : index
    %swap3A_216 = arith.constant 0 : index
    %swap3A_217 = arith.constant 0 : index
    %swap3A_218 = vector.load %arg4[%swap3A_215, %swap3A_216, %swap3A_217] : memref<16x1000x128xf32, #tpu.memory_space<vmem>>, vector<1x1000x128xf32>
    %swap3A_219 = vector.shape_cast %swap3A_218 : vector<1x1000x128xf32> to vector<1000x128xf32>
    %swap3A_220 = vector.shape_cast %dot_general3A_214 : vector<1000x128xf32> to vector<1x1000x128xf32>
    tpu.vector_store %arg4[%swap3A_215, %swap3A_216, %swap3A_217], %swap3A_220 {strides = array<i32>} : memref<16x1000x128xf32, #tpu.memory_space<vmem>>, vector<1x1000x128xf32>,
    return
  }
  func.func @transform_0(%arg0: i32, %arg1: i32) -> (i32, i32) {
    %c0_i32 = arith.constant 0 : i32
    %c0_i32_0 = arith.constant 0 : i32
    return %arg0, %c0_i32 : i32, i32
  }
  func.func @transform_1(%arg0: i32, %arg1: i32) -> (i32, i32) {
    %c0_i32 = arith.constant 0 : i32
    %c0_i32_0 = arith.constant 0 : i32
    return %arg1, %c0_i32 : i32, i32
  }
  func.func @transform_2(%arg0: i32, %arg1: i32) -> (i32, i32, i32) {
    %c0_i32 = arith.constant 0 : i32
    %c0_i32_0 = arith.constant 0 : i32
    return %arg1, %arg0, %c0_i32 : i32, i32, i32
  }
}

module attributes {stable_mosaic.version = 14 : i64} {
  func.func @_sum_s_body(%arg0: memref<10240xf32, #tpu.memory_space<vmem>>, %arg1: memref<10240xf32, #tpu.memory_space<vmem>>, %arg2: memref<10240xf32, #tpu.memory_space<vmem>>) attributes {dimension_semantics = [], scalar_prefetch = 0 : i64, scratch_operands = 0 : i64, tpu.core_type = #tpu.core_type<tc>} {
    %get3A = arith.constant 0 : index
    %get3A_0 = vector.load %arg0[%get3A] : memref<10240xf32, #tpu.memory_space<vmem>>, vector<10240xf32>
    %get3A_1 = arith.constant 0 : index
    %get3A_2 = vector.load %arg1[%get3A_1] : memref<10240xf32, #tpu.memory_space<vmem>>, vector<10240xf32>
    %add3A = arith.addf %get3A_0, %get3A_2 : vector<10240xf32>
    %swap3A = arith.constant 0 : index
    %swap3A_3 = vector.load %arg2[%swap3A] : memref<10240xf32, #tpu.memory_space<vmem>>, vector<10240xf32>
    tpu.vector_store %arg2[%swap3A], %add3A {strides = array<i32>} : memref<10240xf32, #tpu.memory_space<vmem>>, vector<10240xf32>,
    return
  }
}

module attributes {stable_mosaic.version = 14 : i64} {
  func.func @_add_body(%arg0: i32, %arg1: memref<2000x128xf32, #tpu.memory_space<vmem>>, %arg2: memref<2000x128xf32, #tpu.memory_space<vmem>>, %arg3: memref<2000x128xf32, #tpu.memory_space<vmem>>) attributes {dimension_semantics = [#tpu.dimension_semantics<arbitrary>], iteration_bounds = array<i64: 5>, scalar_prefetch = 0 : i64, scratch_operands = 0 : i64, tpu.core_type = #tpu.core_type<tc>, window_params = [{transform_indices = @transform_0, window_bounds = array<i64: 2000, 128>}, {transform_indices = @transform_1, window_bounds = array<i64: 2000, 128>}, {transform_indices = @transform_2, window_bounds = array<i64: 2000, 128>}]} {
    %get3A = arith.constant 0 : index
    %get3A_0 = arith.constant 0 : index
    %get3A_1 = vector.load %arg1[%get3A, %get3A_0] : memref<2000x128xf32, #tpu.memory_space<vmem>>, vector<2000x128xf32>
    %get3A_2 = arith.constant 0 : index
    %get3A_3 = arith.constant 0 : index
    %get3A_4 = vector.load %arg2[%get3A_2, %get3A_3] : memref<2000x128xf32, #tpu.memory_space<vmem>>, vector<2000x128xf32>
    %add3A = arith.addf %get3A_1, %get3A_4 : vector<2000x128xf32>
    %swap3A = arith.constant 0 : index
    %swap3A_5 = arith.constant 0 : index
    %swap3A_6 = vector.load %arg3[%swap3A, %swap3A_5] : memref<2000x128xf32, #tpu.memory_space<vmem>>, vector<2000x128xf32>
    tpu.vector_store %arg3[%swap3A, %swap3A_5], %add3A {strides = array<i32>} : memref<2000x128xf32, #tpu.memory_space<vmem>>, vector<2000x128xf32>,
    return
  }
  func.func @transform_0(%arg0: i32) -> (i32, i32) {
    %c0_i32 = arith.constant 0 : i32
    %c0_i32_0 = arith.constant 0 : i32
    return %arg0, %c0_i32 : i32, i32
  }
  func.func @transform_1(%arg0: i32) -> (i32, i32) {
    %c0_i32 = arith.constant 0 : i32
    %c0_i32_0 = arith.constant 0 : i32
    return %arg0, %c0_i32 : i32, i32
  }
  func.func @transform_2(%arg0: i32) -> (i32, i32) {
    %c0_i32 = arith.constant 0 : i32
    %c0_i32_0 = arith.constant 0 : i32
    return %arg0, %c0_i32 : i32, i32
  }
}

module attributes {stable_mosaic.version = 14 : i64} {
  func.func @_prep_body(%arg0: i32, %arg1: memref<1x1xf32, #tpu.memory_space<vmem>>, %arg2: memref<1000x128xf32, #tpu.memory_space<vmem>>, %arg3: memref<128x128xf32, #tpu.memory_space<vmem>>, %arg4: memref<1000x128xf32, #tpu.memory_space<vmem>>, %arg5: memref<1000x128xbf16, #tpu.memory_space<vmem>>) attributes {dimension_semantics = [#tpu.dimension_semantics<arbitrary>], iteration_bounds = array<i64: 10>, scalar_prefetch = 0 : i64, scratch_operands = 0 : i64, tpu.core_type = #tpu.core_type<tc>, window_params = [{pipeline_mode = #tpu.pipeline_mode<synchronous>, transform_indices = @transform_0, window_bounds = array<i64: 1, 1>}, {transform_indices = @transform_1, window_bounds = array<i64: 1000, 128>}, {pipeline_mode = #tpu.pipeline_mode<synchronous>, transform_indices = @transform_2, window_bounds = array<i64: 128, 128>}, {transform_indices = @transform_3, window_bounds = array<i64: 1000, 128>}, {transform_indices = @transform_4, window_bounds = array<i64: 1000, 128>}]} {
    %get3A = arith.constant 0 : index
    %get3A_0 = arith.constant 0 : index
    %get3A_1 = vector.load %arg2[%get3A, %get3A_0] : memref<1000x128xf32, #tpu.memory_space<vmem>>, vector<1000x128xf32>
    %get3A_2 = arith.constant 0 : index
    %get3A_3 = arith.constant 0 : index
    %get3A_4 = vector.load %arg3[%get3A_2, %get3A_3] : memref<128x128xf32, #tpu.memory_space<vmem>>, vector<128x128xf32>
    %dot_general3A = arith.constant dense<0.000000e+00> : vector<1000x128xf32>
    %dot_general3A_5 = tpu.matmul %get3A_1, %get3A_4, %dot_general3A {dimension_numbers = #tpu.dot_dimension_numbers<[1], [1], [0], [0], [0, 0, 1, 0], [], []>, transpose_lhs_hint = false} : vector<1000x128xf32>, vector<128x128xf32>, vector<1000x128xf32> -> vector<1000x128xf32>
    %swap3A = arith.constant 0 : index
    %swap3A_6 = arith.constant 0 : index
    %swap3A_7 = vector.load %arg4[%swap3A, %swap3A_6] : memref<1000x128xf32, #tpu.memory_space<vmem>>, vector<1000x128xf32>
    tpu.vector_store %arg4[%swap3A, %swap3A_6], %dot_general3A_5 {strides = array<i32>} : memref<1000x128xf32, #tpu.memory_space<vmem>>, vector<1000x128xf32>,
    %mul3A = arith.mulf %dot_general3A_5, %dot_general3A_5 : vector<1000x128xf32>
    %reduce_sum3A = arith.constant dense<0.000000e+00> : vector<1000xf32>
    %reduce_sum3A_8 = vector.multi_reduction <add>, %mul3A, %reduce_sum3A [1] : vector<1000x128xf32> to vector<1000xf32>
    %broadcast_in_dim3A = vector.shape_cast %reduce_sum3A_8 : vector<1000xf32> to vector<1000x1xf32>
    %sqrt3A = math.sqrt %broadcast_in_dim3A : vector<1000x1xf32>
    %get3A_9 = arith.constant 0 : index
    %get3A_10 = arith.constant 0 : index
    %get3A_11 = vector.load %arg1[%get3A_9, %get3A_10] : memref<1x1xf32, #tpu.memory_space<vmem>>, vector<1x1xf32>
    %get3A_12 = vector.extract %get3A_11[0, 0] : f32 from vector<1x1xf32>
    %sqrt3A_13 = math.sqrt %get3A_12 : f32
    %max3A = arith.constant 9.99999997E-7 : f32
    %max3A_14 = vector.broadcast %max3A : f32 to vector<1000x1xf32>
    %max3A_15 = arith.maximumf %sqrt3A, %max3A_14 : vector<1000x1xf32>
    %div3A = vector.broadcast %sqrt3A_13 : f32 to vector<1000x1xf32>
    %div3A_16 = arith.divf %div3A, %max3A_15 : vector<1000x1xf32>
    %mul3A_17 = vector.broadcast %div3A_16 : vector<1000x1xf32> to vector<1000x128xf32>
    %mul3A_18 = arith.mulf %dot_general3A_5, %mul3A_17 : vector<1000x128xf32>
    %convert_element_type3A = arith.truncf %mul3A_18 : vector<1000x128xf32> to vector<1000x128xbf16>
    %swap3A_19 = arith.constant 0 : index
    %swap3A_20 = arith.constant 0 : index
    %swap3A_21 = vector.load %arg5[%swap3A_19, %swap3A_20] : memref<1000x128xbf16, #tpu.memory_space<vmem>>, vector<1000x128xbf16>
    tpu.vector_store %arg5[%swap3A_19, %swap3A_20], %convert_element_type3A {strides = array<i32>} : memref<1000x128xbf16, #tpu.memory_space<vmem>>, vector<1000x128xbf16>,
    return
  }
  func.func @transform_0(%arg0: i32) -> (i32, i32) {
    %c0_i32 = arith.constant 0 : i32
    %c0_i32_0 = arith.constant 0 : i32
    %c0_i32_1 = arith.constant 0 : i32
    return %c0_i32, %c0_i32_0 : i32, i32
  }
  func.func @transform_1(%arg0: i32) -> (i32, i32) {
    %c0_i32 = arith.constant 0 : i32
    %c0_i32_0 = arith.constant 0 : i32
    return %arg0, %c0_i32 : i32, i32
  }
  func.func @transform_2(%arg0: i32) -> (i32, i32) {
    %c0_i32 = arith.constant 0 : i32
    %c0_i32_0 = arith.constant 0 : i32
    %c0_i32_1 = arith.constant 0 : i32
    return %c0_i32, %c0_i32_0 : i32, i32
  }
  func.func @transform_3(%arg0: i32) -> (i32, i32) {
    %c0_i32 = arith.constant 0 : i32
    %c0_i32_0 = arith.constant 0 : i32
    return %arg0, %c0_i32 : i32, i32
  }
  func.func @transform_4(%arg0: i32) -> (i32, i32) {
    %c0_i32 = arith.constant 0 : i32
    %c0_i32_0 = arith.constant 0 : i32
    return %arg0, %c0_i32 : i32, i32
  }
}

</mosaic_0001>

<sc_bundles>
// kernel: kernel.11.cloned.1.call-start
scs
__scs_entry_jumppad:
0x0: {  	(pc) =	sbr.rel $0x88, $3  }
0x1: {  	(tag) =	ssettag $0x0;
	lr =	simm.s32 $0x1  }
0x2: {  	[smem:$0x3F9D] =	sst lr;
	_ =	strace $0xD0000000  }
0x3: {  	_ = 	snop  }
0x4: {  	_ = 	snop  }
0x5: {  	_ = 	snop  }
0x6: {  	_ = 	snop  }
0x7: {  	_ = 	snop  }
__scs_overlays_trampoline_lowered:
0x8: {  	[smem:$0x3FAC] =	sst s0  }
0x9: {  	[smem:$0x3FAD] =	sst s1  }
0xa: {  	[smem:$0x3FAE] =	sst s2  }
0xb: {  	[smem:$0x3FAF] =	sst s3  }
0xc: {  	[smem:$0x3FB0] =	sst s4  }
0xd: {  	[smem:$0x3FB1] =	sst s5  }
0xe: {  	[smem:$0x3FB2] =	sst s6  }
0xf: {  	[smem:$0x3FB3] =	sst s7  }
0x10: {  	[smem:$0x3FB4] =	sst s8  }
0x11: {  	[smem:$0x3FB5] =	sst s9;
	s0 =	simm.s32 @!p0 $0x0  }
0x12: {  	s1 =	sld [smem:$0x3F9B];
	s0 =	simm.s32 @p0 $0x1  }
0x13: {  	[smem:$0x3FB6] =	sst s0;
	s0 =	simm.s32 @!p1 $0x0  }
0x14: {  	s2 =	sld [smem:$0x3F9A];
	s0 =	simm.s32 @p1 $0x1  }
0x15: {  	[smem:$0x3FB7] =	sst s0;
	s0 =	simm.s32 @!p2 $0x0  }
0x16: {  	s3 =	sld [smem:$0x3FDB];
	s0 =	simm.s32 @p2 $0x1  }
0x17: {  	s4 =	simm.s32 $0x1BF5;
	[smem:$0x3FB9] =	sst s0  }
0x18: {  	s0 =	sld [smem:$0x3F9C];
	_ =	swait.ge [sflag:s4], $0x0  }
0x19: {  	s7 =	sld [smem:$0x3F9D]  }
0x1a: {  	s8 =	sadd.s32 $0xFFFFE003, lr  }
0x1b: {  	s9 =	sadd.s32 $0xFFFFFEF7, lr;
	s5 =	simm.s32 $0xFFFFFFFF;
	p2 =	slt.u32 s8, $0xFFFFF086  }
0x1c: {  	p1 =	slt.u32 s9, $0xF7A;
	s5 =	simm.s32 @!p2 $0x0  }
0x1d: {  	s5 =	simm.s32 @p1 $0x1;
	p0 =	seq.s32 s7, s2  }
0x1e: {  	s7 =	smul.u32 @!p0 $0xF7A, s2;
	p2 =	seq.s32 @!p0 s5, $0x0  }
0x1f: {  	s9 =	smul.u32 $0xF7A, s1;
	s8 =	simm.s32 @!p0 $0x1BF5;
	p2 =	por !p2, p0  }
0x20: {  	[sflag:s8] =	ssyncset.s32 @!p0 $0xFFFFF086;
	s6 =	sadd.s32 @!p0 s3, s7;
	s7 =	simm.s32 @!p0 $0x108  }
0x21: {  	s3 =	sadd.s32 s3, s9;
	s6 =	sadd.s32 @!p0 $0x88, s6;
	s7 =	simm.s32 @p2 $0x1082  }
0x22: {  	[simem:s7], [sflag:s8] =	dma.local @!p0 [hbm:s6], $0xF7A  }
0x23: {  	s9 =	sor.u32 $0xD0000000, s2;
	s6 =	simm.s32 $0x108;
	_ =	swait.ge @!p0 [sflag:s8], $0x0  }
0x24: {  	s3 =	sadd.s32 $0x88, s3;
	s6 =	simm.s32 @!p1 $0x1082;
	[sflag:s4] =	ssyncset.s32 $0xFFFFF086  }
0x25: {  	[simem:s6], [sflag:s4] =	dma.local [hbm:s3], $0xF7A  }
0x26: {  	[smem:$0x3F9D] =	sst s1;
	(tag) =	ssettag s2;
	_ =	strace s9  }
0x27: {  	s1 =	sld [smem:$0x3FAD]  }
0x28: {  	s2 =	sld [smem:$0x3FAE]  }
0x29: {  	s4 =	sld [smem:$0x3FB0]  }
0x2a: {  	p0 =	seq.s32 s5, $0x0;
	s5 =	sld [smem:$0x3FB1]  }
0x2b: {  	s6 =	sld [smem:$0x3FB2]  }
0x2c: {  	s7 =	sld [smem:$0x3FB3]  }
0x2d: {  	s3 =	simm.s32 $0x108;
	s8 =	sld [smem:$0x3FB4]  }
0x2e: {  	s3 =	simm.s32 @!p0 $0x1082;
	s9 =	sld [smem:$0x3FB5]  }
0x2f: {  	lr =	sadd.s32 s0, s3;
	s0 =	sld [smem:$0x3FAC]  }
0x30: {  	s3 =	sld [smem:$0x3FAF]  }
0x31: {  	[smem:$0x3FB8] =	sst s10  }
0x32: {  	s10 =	sld [smem:$0x3FB6];
	_ =	sdelay $0x3  }
0x33: {  	p0 =	seq.s32 s10, $0x1;
	s10 =	sld [smem:$0x3FB8];
	_ =	sdelay $0x3  }
0x34: {  	[smem:$0x3FB8] =	sst s10  }
0x35: {  	s10 =	sld [smem:$0x3FB7];
	_ =	sdelay $0x3  }
0x36: {  	p1 =	seq.s32 s10, $0x1;
	s10 =	sld [smem:$0x3FB8];
	_ =	sdelay $0x3  }
0x37: {  	[smem:$0x3FB8] =	sst s10  }
0x38: {  	s10 =	sld [smem:$0x3FB9]  }
0x39: {  	_ = 	snop;
	(pc) =	sbr.ind lr, $3  }
0x3a: {  	_ = 	snop  }
0x3b: {  	_ = 	snop  }
0x3c: {  	p2 =	seq.s32 s10, $0x1;
	s10 =	sld [smem:$0x3FB8]  }
0x3d: {  	_ =	shalt  }
0x3e: {  	_ =	shalt  }
0x3f: {  	_ =	shalt  }
0x40: {  	_ =	shalt  }
0x41: {  	_ =	shalt  }
0x42: {  	_ =	shalt  }
0x43: {  	_ =	shalt  }
0x44: {  	_ =	shalt  }
0x45: {  	_ =	shalt  }
0x46: {  	_ =	shalt  }
0x47: {  	_ =	shalt  }
0x48: {  	_ =	shalt  }
0x49: {  	_ =	shalt  }
0x4a: {  	_ =	shalt  }
0x4b: {  	_ =	shalt  }
0x4c: {  	_ =	shalt  }
0x4d: {  	_ =	shalt  }
0x4e: {  	_ =	shalt  }
0x4f: {  	_ =	shalt  }
0x50: {  	_ =	shalt  }
0x51: {  	_ =	shalt  }
0x52: {  	_ =	shalt  }
0x53: {  	_ =	shalt  }
0x54: {  	_ =	shalt  }
0x55: {  	_ =	shalt  }
0x56: {  	_ =	shalt  }
0x57: {  	_ =	shalt  }
0x58: {  	_ =	shalt  }
0x59: {  	_ =	shalt  }
0x5a: {  	_ =	shalt  }
0x5b: {  	_ =	shalt  }
0x5c: {  	_ =	shalt  }
0x5d: {  	_ =	shalt  }
0x5e: {  	_ =	shalt  }
0x5f: {  	_ =	shalt  }
0x60: {  	_ =	shalt  }
0x61: {  	_ =	shalt  }
0x62: {  	_ =	shalt  }
0x63: {  	_ =	shalt  }
0x64: {  	_ =	shalt  }
0x65: {  	_ =	shalt  }
0x66: {  	_ =	shalt  }
0x67: {  	_ =	shalt  }
0x68: {  	_ =	shalt  }
0x69: {  	_ =	shalt  }
0x6a: {  	_ =	shalt  }
0x6b: {  	_ =	shalt  }
0x6c: {  	_ =	shalt  }
0x6d: {  	_ =	shalt  }
0x6e: {  	_ =	shalt  }
0x6f: {  	_ =	shalt  }
0x70: {  	_ =	shalt  }
0x71: {  	_ =	shalt  }
0x72: {  	_ =	shalt  }
0x73: {  	_ =	shalt  }
0x74: {  	_ =	shalt  }
0x75: {  	_ =	shalt  }
0x76: {  	_ =	shalt  }
0x77: {  	_ =	shalt  }
0x78: {  	_ =	shalt  }
0x79: {  	_ =	shalt  }
0x7a: {  	_ =	shalt  }
0x7b: {  	_ =	shalt  }
0x7c: {  	_ =	shalt  }
0x7d: {  	_ =	shalt  }
0x7e: {  	_ =	shalt  }
0x7f: {  	_ =	shalt  }
0x80: {  	_ =	shalt  }
0x81: {  	_ =	shalt  }
0x82: {  	_ =	shalt  }
0x83: {  	_ =	shalt  }
0x84: {  	_ =	shalt  }
0x85: {  	_ =	shalt  }
0x86: {  	_ =	shalt  }
0x87: {  	_ =	shalt  }
.Lfunc_end0:
.L_simem_size_0:
called_computation.1_lowered:
.L_overlay_start_0:
0x88: {  	s2 =	sld [smem:$0x3FD9]  }
0x89: {  	s3 =	sld [smem:$0x3FFE];
	_ =	sdelay $0x1  }
0x8a: {  	s1 =	srdreg.scid  }
0x8b: {  	s0 =	sand.u32 $0x1, s1  }
0x8c: {  	s17 =	sshll.u32 s0, $0xA;
	s2 =	sadd.s32 s3, s2  }
0x8d: {  	s2 =	sadd.s32 s2, s17  }
0x8e: {  	[smem:$0x3FC4] =	sst s2  }
0x8f: {  	_ = 	snop  }
0x90: {  	s2 =	sld [smem:$0x3FC8]  }
0x91: {  	s18 =	sld [smem:$0x3FD0];
	(tm) =	ssettm $0x1  }
0x92: {  	s4 =	sld [smem:$0x3FFB];
	_ =	sdelay $0x3  }
0x93: {  	_ =	strace s4  }
0x94: {  	s4 =	sld [smem:$0x3FFC];
	_ =	sdelay $0x3  }
0x95: {  	_ =	strace s4  }
0x96: {  	s4 =	sld [smem:$0x3FFD];
	_ =	sdelay $0x3  }
0x97: {  	_ =	strace s4  }
0x98: {  	_ =	strace $0x8FFFFFFF  }
0x99: {  	s19 =	sld [smem:$0x3FDB];
	_ =	sdelay $0x1  }
0x9a: {  	s5 =	simm.s32 $_scs_section_size  }
0x9b: {  	s6 =	simm.s32 $_size__tile_overlayer_lowered;
	s7 =	simm.s32 $_tile_overlayer_lowered  }
0x9c: {  	s22 =	simm.s32 $0x1BFF;
	s21 =	sshll.u32 s7, $0x1;
	s4 =	sadd.s32 s5, s19  }
0x9d: {  	s8 =	simm.s32 $0x0;
	s20 =	sshll.u32 s6, $0x1;
	s6 =	sadd.s32 s21, s4  }
0x9e: {  	[timem:s8], [sflag:s22] =	dma.local [hbm:s6], s20  }
0x9f: {  	_ =	swait.ge [sflag:s22], s20  }
0xa0: {  	s5 =	ssub.s32 $0x0, s20;
	[sflag:s22] =	ssyncset.done $0x0  }
0xa1: {  	[sflag:s22] =	ssyncadd.s32 s5;
	_ =	sdelay $0x1  }
0xa2: {  	s23 =	simm.s32 $0x1B8B  }
0xa3: {  	_ =	swait.ge [sflag:s23], $0x1  }
0xa4: {  	[sflag:s23] =	ssyncset.done $0x0  }
0xa5: {  	s25 =	simm.s32 $0x1B8E;
	s24 =	sld [smem:$0x3FFE];
	[sflag:s23] =	ssyncadd.s32 $0xFFFFFFFF  }
0xa6: {  	s26 =	simm.s32 $execute0_lowered;
	[smem:$0x3FD2] =	sst s25  }
0xa7: {  	s6 =	sshll.u32 s26, $0x1;
	_ =	strace $0x80000049;
	[dreg:$0x1] =	wrdreg $0xFFFFFFFF  }
0xa8: {  	s28 =	simm.s32 $_size_execute0_lowered;
	s4 =	sadd.s32 s4, s6;
	[dreg:$0x0] =	wrdreg $0x0  }
0xa9: {  	s6 =	sshll.u32 s28, $0x1;
	[dreg:$0x2] =	wrdreg s4  }
0xaa: {  	[dreg:$0x3] =	wrdreg s6  }
0xab: {  	[dreg:$0x4] =	wrdreg $0xC0  }
0xac: {  	_ =	task [dreg:s8], $0x5FFFF  }
0xad: {  	[dreg:$0x1] =	wrdreg $0xFFFFFFFF  }
0xae: {  	[dreg:$0x0] =	wrdreg $0x60  }
0xaf: {  	[dreg:$0x2] =	wrdreg s18  }
0xb0: {  	[dreg:$0x3] =	wrdreg s2  }
0xb1: {  	[dreg:$0x4] =	wrdreg s24  }
0xb2: {  	[dreg:$0x5] =	wrdreg $0x84800  }
0xb3: {  	[dreg:$0x6] =	wrdreg $0x9  }
0xb4: {  	_ =	task.clear_ibuf [dreg:s8], $0x7FFFF;
	_ =	strace $0x90000049  }
0xb5: {  	s29 =	simm.s32 $0x9;
	_ =	strace $0x8000004B  }
0xb6: {  	_ =	swait.ge [sflag:s29], $0x1  }
0xb7: {  	[sflag:s29] =	ssyncadd.s32 $0xFFFFFFFF  }
0xb8: {  	_ =	strace $0x9000004B  }
0xb9: {  	_ =	sfence  }
0xba: {  	s30 =	sld [smem:$0x0];
	_ =	sdelay $0x2  }
0xbb: {  	s31 =	sshll.u32 s1, $0xD;
	s1 =	sshrl.u32 s1, $0x2  }
0xbc: {  	s3 =	sand.u32 $0x4000, s31;
	s1 =	sadd.s32 s1, s30  }
0xbd: {  	s0 =	sor.u32 s3, s0;
	s1 =	sshll.u32 s1, $0x11  }
0xbe: {  	s0 =	sor.u32 s1, s0  }
0xbf: {  	s0 =	sadd.s32 $0x8F2B, s0  }
0xc0: {  	[sflag:s0] =	ssyncadd.remote.s32 $0x1  }
0xc1: {  	_ =	sfence.sel $0xFFFF  }
0xc2: {  	[dreg:$0x0] =	wrdreg $0xFFFFFFFF;
	(pc) =	sbr.abs _section_cstart, $3  }
0xc3: {  	[dreg:$0x1] =	wrdreg $0xFFFFFFFF  }
0xc4: {  	_ =	task.clear_ibuf [dreg:s8], $0x2FFFF;
	_ =	strace $0x9FFFFFFF  }
0xc5: {  	(tm) =	ssettm $0x7FFFFFFF  }
tec
execute0_lowered:
.L_overlay_start_1:
0x0: {  	(tag) =	ssettag $0x1  }
0x1: {  	s1 =	rddreg [dreg:$0x0]  }
0x2: {  	s2 =	rddreg [dreg:$0x1]  }
0x3: {  	s0 =	rddreg [dreg:$0x2]  }
0x4: {  	s3 =	rddreg [dreg:$0x3]  }
0x5: {  	s5 =	simm.s32 $0x0;
	s4 =	srdreg.scid;
	s19 =	stileid.u32  }
0x6: {  	[smem:$0x7FF] =	sst s5;
	s4 =	sand.u32 $0x1, s4;
	s9 =	smul.u32 $0x50000, s19  }
0x7: {  	s6 =	sadd.s32 $0xC37E00, s0;
	s7 =	sadd.s32 $0x2200, s0;
	s12 =	smul.u32 $0x280, s19  }
0x8: {  	_ =	strace $0x8000004A;
	s8 =	ssub.s32 $0x2, s4;
	s18 =	sshll.u32 s4, $0x4  }
0x9: {  	p0 =	seq.s32 s4, $0x0;
	s4 =	simm.s32 $0x2800;
	s10 =	sshrl.u32 s8, $0x1  }
0xa: {  	s9 =	sshrl.u32 s9, $0x2;
	s14 =	sor.u32 s19, s18;
	s20 =	sadd.s32 $0x80, s12  }
0xb: {  	s15 =	sadd.s32 $0x100, s12;
	s16 =	sadd.s32 $0x180, s12;
	s17 =	sadd.s32 $0x200, s12  }
0xc: {  	s12 =	sadd.s32 $0x10, s2;
	s4 =	simm.s32 @!p0 $0x2A800;
	s8 =	ssub.s32 s8, s10  }
0xd: {  	s29 =	sadd.s32 s9, s3;
	s21 =	sshll.u32 s20, $0x7;
	s22 =	sshll.u32 s15, $0x7  }
0xe: {  	s11 =	sshll.u32 s16, $0x7;
	s13 =	sshll.u32 s17, $0x7;
	s18 =	sshll.u32 s14, $0x5  }
0xf: {  	s28 =	sshll.u32 s14, $0x4;
	s0 =	sadd.s32 s4, s0;
	s10 =	sadd.s32 s21, s3  }
0x10: {  	s9 =	sshll.u32 s20, $0x4;
	s23 =	sadd.s32 s11, s3;
	[dreg:$0x5] =	wrdreg s10  }
0x11: {  	s15 =	sshll.u32 s15, $0x4;
	s24 =	sadd.s32 s13, s3;
	[dreg:$0x7] =	wrdreg s23  }
0x12: {  	s16 =	sshll.u32 s16, $0x4;
	s25 =	sadd.s32 s2, s18;
	[dreg:$0x8] =	wrdreg s24  }
0x13: {  	s17 =	sshll.u32 s17, $0x4;
	s26 =	sadd.s32 s18, s12;
	[dreg:$0x9] =	wrdreg s25  }
0x14: {  	s30 =	sor.u32 $0x60, s14;
	s31 =	sadd.s32 s6, s28;
	[dreg:$0xa] =	wrdreg s26  }
0x15: {  	s11 =	smul.u32 $0x2800, s19;
	s13 =	sadd.s32 s0, s9;
	[dreg:$0xb] =	wrdreg s31  }
0x16: {  	s19 =	sadd.s32 s0, s15;
	s20 =	sadd.s32 s0, s16;
	[dreg:$0xd] =	wrdreg s13  }
0x17: {  	s16 =	simm.s32 $0x80;
	s18 =	simm.s32 $0x180;
	[dreg:$0xe] =	wrdreg s19  }
0x18: {  	s15 =	simm.s32 $0x1;
	s10 =	sadd.s32 s22, s3;
	[dreg:$0xf] =	wrdreg s20  }
0x19: {  	s31 =	smax.u32 s8, $0x1;
	s19 =	simm.s32 $0x4400;
	[dreg:$0x6] =	wrdreg s10  }
0x1a: {  	s20 =	simm.s32 $0x3;
	s4 =	sadd.s32 s0, s11;
	[dreg:$0x17] =	wrdreg s31  }
0x1b: {  	s10 =	sor.u32 $0x20, s14;
	s0 =	sadd.s32 s0, s17;
	[dreg:$0xc] =	wrdreg s4  }
0x1c: {  	s17 =	simm.s32 $0x5;
	[dreg:$0x10] =	wrdreg s0;
	s21 =	sshll.u32 s10, $0x5  }
0x1d: {  	s22 =	sshll.u32 s10, $0x4;
	s4 =	simm.s32 $0x7;
	s23 =	sadd.s32 s2, s21  }
0x1e: {  	s0 =	sadd.s32 s21, s12;
	s24 =	sadd.s32 s6, s22;
	s21 =	simm.s32 $0x8400  }
0x1f: {  	s22 =	simm.s32 $0x4;
	[dreg:$0x11] =	wrdreg s23;
	s23 =	sor.u32 $0x40, s14  }
.Ltmp0:
0x20: {  	[dreg:$0x12] =	wrdreg s0;
	s25 =	sshll.u32 s23, $0x5;
	(pc) =	sbr.rel .LBB2_1-.Ltmp0, $4  }
0x21: {  	[dreg:$0x13] =	wrdreg s24;
	s14 =	simm.s32 $0x100;
	s26 =	sadd.s32 s2, s25  }
0x22: {  	s28 =	sshll.u32 s23, $0x4;
	s0 =	sadd.s32 s25, s12;
	[dreg:$0x14] =	wrdreg s26  }
0x23: {  	s24 =	simm.s32 $0x2;
	[dreg:$0x15] =	wrdreg s0;
	s0 =	sadd.s32 s6, s28  }
0x24: {  	v0 =	vimm.f32 $0.0e+00;
	s26 =	simm.s32 $0x0;
	[dreg:$0x16] =	wrdreg s0;
	s0 =	simm.s32 $0x400  }
.LBB2_17:
0x25: {  	_ =	swait.ge [sflag:s17], $0x4000  }
0x26: {  	[sflag:s17] =	ssyncset.done $0x0  }
0x27: {  	s8 =	simm.s32 $0x6;
	[sflag:s17] =	ssyncadd.s32 $0xFFFFC000  }
0x28: {  	_ =	swait.ge [sflag:s8], $0x4000  }
0x29: {  	[sflag:s8] =	ssyncset.done $0x0  }
0x2a: {  	[sflag:s8] =	ssyncadd.s32 $0xFFFFC000  }
0x2b: {  	[bflag:$0x0] =	sbarrier.arrive $0xFFFF  }
0x2c: {  	[tilespmem:s0], [sflag:$0x7] =	stream.linear.gather [spmem:s13], $0x4000, $0x38;
	[tilespmem:$0x1C480] =	vst v63  }
0x2d: {  	_ =	swait.ge [sflag:s4], $0x4000  }
0x2e: {  	[sflag:s4] =	ssyncset.done $0x0  }
0x2f: {  	s25 =	rddreg [dreg:$0xc];
	[sflag:s4] =	ssyncadd.s32 $0xFFFFC000  }
0x30: {  	[hbm4b:s25+s5] =	stream.linear.scatter [tilespmem:s0], [sflag:$0x7], $0x4000, $0x38;
	[tilespmem:$0x1C480] =	vst v63  }
0x31: {  	_ =	swait.ge [sflag:s4], $0x4000  }
0x32: {  	[sflag:s4] =	ssyncset.done $0x0  }
0x33: {  	s28 =	rddreg [dreg:$0x5];
	[sflag:s4] =	ssyncadd.s32 $0xFFFFC000  }
0x34: {  	[tilespmem:s0], [sflag:$0x7] =	stream.linear.gather [spmem:s28], $0x4000, $0x38;
	[tilespmem:$0x1C480] =	vst v63  }
0x35: {  	_ =	swait.ge [sflag:s4], $0x4000  }
0x36: {  	[sflag:s4] =	ssyncset.done $0x0  }
0x37: {  	s31 =	rddreg [dreg:$0xd];
	[sflag:s4] =	ssyncadd.s32 $0xFFFFC000  }
0x38: {  	[hbm4b:s31+s5] =	stream.linear.scatter [tilespmem:s0], [sflag:$0x7], $0x4000, $0x38;
	[tilespmem:$0x1C480] =	vst v63  }
0x39: {  	_ =	swait.ge [sflag:s4], $0x4000  }
0x3a: {  	[sflag:s4] =	ssyncset.done $0x0  }
0x3b: {  	s9 =	rddreg [dreg:$0x6];
	[sflag:s4] =	ssyncadd.s32 $0xFFFFC000  }
0x3c: {  	[tilespmem:s0], [sflag:$0x7] =	stream.linear.gather [spmem:s9], $0x4000, $0x38;
	[tilespmem:$0x1C480] =	vst v63  }
0x3d: {  	_ =	swait.ge [sflag:s4], $0x4000  }
0x3e: {  	[sflag:s4] =	ssyncset.done $0x0  }
0x3f: {  	s10 =	rddreg [dreg:$0xe];
	[sflag:s4] =	ssyncadd.s32 $0xFFFFC000  }
0x40: {  	[hbm4b:s10+s5] =	stream.linear.scatter [tilespmem:s0], [sflag:$0x7], $0x4000, $0x38;
	[tilespmem:$0x1C480] =	vst v63  }
0x41: {  	_ =	swait.ge [sflag:s4], $0x4000  }
0x42: {  	[sflag:s4] =	ssyncset.done $0x0  }
0x43: {  	s11 =	rddreg [dreg:$0x7];
	[sflag:s4] =	ssyncadd.s32 $0xFFFFC000  }
0x44: {  	[tilespmem:s0], [sflag:$0x7] =	stream.linear.gather [spmem:s11], $0x4000, $0x38;
	[tilespmem:$0x1C480] =	vst v63  }
0x45: {  	_ =	swait.ge [sflag:s4], $0x4000  }
0x46: {  	[sflag:s4] =	ssyncset.done $0x0  }
0x47: {  	s29 =	smov.u32 s13;
	s13 =	rddreg [dreg:$0xf];
	[sflag:s4] =	ssyncadd.s32 $0xFFFFC000  }
0x48: {  	[hbm4b:s13+s5] =	stream.linear.scatter [tilespmem:s0], [sflag:$0x7], $0x4000, $0x38;
	[tilespmem:$0x1C480] =	vst v63  }
0x49: {  	_ =	swait.ge [sflag:s4], $0x4000  }
0x4a: {  	[sflag:s4] =	ssyncset.done $0x0  }
0x4b: {  	s25 =	rddreg [dreg:$0x8];
	[sflag:s4] =	ssyncadd.s32 $0xFFFFC000  }
0x4c: {  	[tilespmem:s0], [sflag:$0x7] =	stream.linear.gather [spmem:s25], $0x4000, $0x38;
	[tilespmem:$0x1C480] =	vst v63  }
0x4d: {  	_ =	swait.ge [sflag:s4], $0x4000  }
0x4e: {  	[sflag:s4] =	ssyncset.done $0x0  }
0x4f: {  	s28 =	rddreg [dreg:$0x10];
	[sflag:s4] =	ssyncadd.s32 $0xFFFFC000  }
0x50: {  	[hbm4b:s28+s5] =	stream.linear.scatter [tilespmem:s0], [sflag:$0x7], $0x4000, $0x38;
	[tilespmem:$0x1C480] =	vst v63  }
0x51: {  	_ =	swait.ge [sflag:s4], $0x4000  }
0x52: {  	s26 =	sadd.s32 $0x1, s26;
	s31 =	rddreg [dreg:$0x17]  }
0x53: {  	p0 =	sne.s32 s26, s31  }
.Ltmp1:
0x54: {  	_ = 	snop;
	(pc) =	sbr.rel @!p0 .LBB2_18-.Ltmp1, $3  }
0x55: {  	_ =	sdelay $0x1  }
0x56: {  	[sflag:s4] =	ssyncset.done $0x0  }
0x57: {  	[sflag:s4] =	ssyncadd.s32 $0xFFFFC000  }
.LBB2_1:
0x58: {  	s8 =	sand.u32 $0xFE00, s5  }
0x59: {  	s9 =	sand.u32 $0x70, s5;
	s25 =	sshrl.u32 s8, $0x2  }
0x5a: {  	s8 =	simm.s32 $0x40;
	s25 =	sor.u32 s9, s25;
	s9 =	simm.s32 $0x0  }
.LBB2_2:
0x5b: {  	p0 =	sne.s32 s8, $0xFFC0  }
0x5c: {  	[tilespmem:s25+$0x400] =	vst v0;
	s9 =	sadd.s32 $0x10, s9;
	s25 =	smov.u32 s8;
	s8 =	sadd.s32 $0x40, s8  }
.Ltmp2:
0x5d: {  	(pc) =	sbr.rel @p0 .LBB2_2-.Ltmp2, $4  }
0x5e: {  	_ = 	snop  }
0x5f: {  	s25 =	sand.u32 $0xFE00, s25  }
0x60: {  	s28 =	sand.u32 $0x70, s9;
	s25 =	sshrl.u32 s25, $0x2  }
0x61: {  	s25 =	sor.u32 s28, s25  }
0x62: {  	[tilespmem:s25+$0x400] =	vst v0  }
0x63: {  	[spmem:s29] =	stream.linear.scatter [tilespmem:s0], [sflag:$0x7], $0x4000, $0x38;
	[tilespmem:$0x1C480] =	vst v63  }
0x64: {  	_ =	swait.ge [sflag:s4], $0x4000  }
0x65: {  	[sflag:s4] =	ssyncset.done $0x0  }
0x66: {  	s8 =	rddreg [dreg:$0x5];
	[sflag:s4] =	ssyncadd.s32 $0xFFFFC000  }
0x67: {  	[spmem:s8] =	stream.linear.scatter [tilespmem:s0], [sflag:$0x7], $0x4000, $0x38;
	[tilespmem:$0x1C480] =	vst v63  }
0x68: {  	_ =	swait.ge [sflag:s4], $0x4000  }
0x69: {  	[sflag:s4] =	ssyncset.done $0x0  }
0x6a: {  	s9 =	rddreg [dreg:$0x6];
	[sflag:s4] =	ssyncadd.s32 $0xFFFFC000  }
0x6b: {  	[spmem:s9] =	stream.linear.scatter [tilespmem:s0], [sflag:$0x7], $0x4000, $0x38;
	[tilespmem:$0x1C480] =	vst v63  }
0x6c: {  	_ =	swait.ge [sflag:s4], $0x4000  }
0x6d: {  	[sflag:s4] =	ssyncset.done $0x0  }
0x6e: {  	s10 =	rddreg [dreg:$0x7];
	[sflag:s4] =	ssyncadd.s32 $0xFFFFC000  }
0x6f: {  	[spmem:s10] =	stream.linear.scatter [tilespmem:s0], [sflag:$0x7], $0x4000, $0x38;
	[tilespmem:$0x1C480] =	vst v63  }
0x70: {  	_ =	swait.ge [sflag:s4], $0x4000  }
0x71: {  	[sflag:s4] =	ssyncset.done $0x0  }
0x72: {  	s11 =	rddreg [dreg:$0x8];
	[sflag:s4] =	ssyncadd.s32 $0xFFFFC000  }
0x73: {  	[spmem:s11] =	stream.linear.scatter [tilespmem:s0], [sflag:$0x7], $0x4000, $0x38;
	[tilespmem:$0x1C480] =	vst v63  }
0x74: {  	_ =	swait.ge [sflag:s4], $0x4000  }
0x75: {  	[sflag:s4] =	ssyncset.done $0x0  }
0x76: {  	[sflag:s4] =	ssyncadd.s32 $0xFFFFC000  }
0x77: {  	[bflag:$0x0] =	sbarrier.arrive $0xFFFF  }
0x78: {  	s8 =	simm.s32 $0x0;
	s9 =	rddreg [dreg:$0x9]  }
0x79: {  	[tilespmem:s8], [sflag:$0x7] =	stream.linear.gather [hbm4b:s9+s8], $0x80, $0x38;
	[tilespmem:$0x1C480] =	vst v63  }
0x7a: {  	_ =	swait.ge [sflag:s4], $0x80  }
0x7b: {  	[sflag:s4] =	ssyncset.done $0x0  }
0x7c: {  	s25 =	rddreg [dreg:$0xa];
	[sflag:s4] =	ssyncadd.s32 $0xFFFFFF80  }
0x7d: {  	[tilespmem:s14], [sflag:$0x7] =	stream.linear.gather [hbm4b:s25+s8], $0x80, $0x38;
	[tilespmem:$0x1C480] =	vst v63  }
0x7e: {  	_ =	swait.ge [sflag:s4], $0x80  }
0x7f: {  	[sflag:s4] =	ssyncset.done $0x0  }
0x80: {  	s10 =	simm.s32 $0x200;
	s31 =	rddreg [dreg:$0xb];
	[sflag:s4] =	ssyncadd.s32 $0xFFFFFF80  }
0x81: {  	[tilespmem:s10], [sflag:$0x7] =	stream.linear.gather [hbm4b:s31+s8], $0x80, $0x38;
	[tilespmem:$0x1C480] =	vst v63  }
0x82: {  	_ =	swait.ge [sflag:s4], $0x80  }
0x83: {  	[sflag:s4] =	ssyncset.done $0x0  }
0x84: {  	s11 =	simm.s32 $0x300;
	[sflag:s4] =	ssyncadd.s32 $0xFFFFFF80  }
0x85: {  	[tilespmem:s11], [sflag:$0x3] =	stream.indirect.gather [hbm4b:s7+s16], $0x1, s14, s16, $0xb8;
	[tilespmem:$0x1C480] =	vst v63  }
0x86: {  	_ = 	snop  }
0x87: {  	[tilespmem:s0], [sflag:$0x1] =	stream.indirect.gather [hbm4b:s1+s16], $0x80, s8, s16, $0xb8;
	[tilespmem:$0x1C480] =	vst v63  }
0x88: {  	s25 =	rddreg [dreg:$0x11]  }
0x89: {  	[tilespmem:s16], [sflag:$0x7] =	stream.linear.gather [hbm4b:s25+s8], $0x80, $0x38;
	[tilespmem:$0x1C480] =	vst v63  }
0x8a: {  	_ =	swait.ge [sflag:s4], $0x80  }
0x8b: {  	[sflag:s4] =	ssyncset.done $0x0  }
0x8c: {  	s31 =	rddreg [dreg:$0x12];
	[sflag:s4] =	ssyncadd.s32 $0xFFFFFF80  }
0x8d: {  	[tilespmem:s18], [sflag:$0x7] =	stream.linear.gather [hbm4b:s31+s8], $0x80, $0x38;
	[tilespmem:$0x1C480] =	vst v63  }
0x8e: {  	_ =	swait.ge [sflag:s4], $0x80  }
0x8f: {  	[sflag:s4] =	ssyncset.done $0x0  }
0x90: {  	s11 =	simm.s32 $0x280;
	s10 =	rddreg [dreg:$0x13];
	[sflag:s4] =	ssyncadd.s32 $0xFFFFFF80  }
0x91: {  	[tilespmem:s11], [sflag:$0x7] =	stream.linear.gather [hbm4b:s10+s8], $0x80, $0x38;
	[tilespmem:$0x1C480] =	vst v63  }
0x92: {  	_ =	swait.ge [sflag:s4], $0x80  }
0x93: {  	[sflag:s4] =	ssyncset.done $0x0  }
0x94: {  	s25 =	simm.s32 $0x380;
	[sflag:s4] =	ssyncadd.s32 $0xFFFFFF80  }
0x95: {  	[tilespmem:s25], [sflag:$0x4] =	stream.indirect.gather [hbm4b:s7+s16], $0x1, s18, s16, $0xb8;
	[tilespmem:$0x1C480] =	vst v63  }
0x96: {  	_ = 	snop  }
0x97: {  	[tilespmem:s19], [sflag:$0x2] =	stream.indirect.gather [hbm4b:s1+s16], $0x80, s16, s16, $0xb8;
	[tilespmem:$0x1C480] =	vst v63  }
0x98: {  	_ =	swait.ge [sflag:s20], $0x80  }
0x99: {  	[sflag:s20] =	ssyncset.done $0x0  }
0x9a: {  	[sflag:s20] =	ssyncadd.s32 $0xFFFFFF80  }
0x9b: {  	_ =	swait.ge [sflag:s15], $0x4000  }
0x9c: {  	[sflag:s15] =	ssyncset.done $0x0  }
0x9d: {  	[sflag:s15] =	ssyncadd.s32 $0xFFFFC000  }
0x9e: {  	v1 =	vld [tilespmem:$0x300]  }
0x9f: {  	v2 =	vld [tilespmem:$0x310]  }
0xa0: {  	v3 =	vld [tilespmem:$0x320]  }
0xa1: {  	v4 =	vld [tilespmem:$0x330]  }
0xa2: {  	v5 =	vld [tilespmem:$0x340]  }
0xa3: {  	(erf) = vrcp.f32 v1;
	v1 =	vld [tilespmem:$0x350]  }
0xa4: {  	(erf) = vrcp.f32 v2;
	v2 =	vld [tilespmem:$0x360]  }
0xa5: {  	(erf) = vrcp.f32 v3;
	v3 =	vld [tilespmem:$0x370]  }
0xa6: {  	(erf) = vrcp.f32 v4  }
0xa7: {  	(erf) = vrcp.f32 v5  }
0xa8: {  	v4 =	vld [tilespmem:$0x200];
	(erf) = vrcp.f32 v1  }
0xa9: {  	v1 =	vld [tilespmem:$0x210];
	(erf) = vrcp.f32 v2  }
0xaa: {  	v2 =	vld [tilespmem:$0x220];
	(erf) = vrcp.f32 v3  }
0xab: {  	v3 =	vld [tilespmem:$0x230]  }
0xac: {  	v6 =	vld [tilespmem:$0x240];
	v5 =	vpop (erf)  }
0xad: {  	v7 =	vpop (erf);
	v4 =	vmul.f32 v5, v4;
	v5 =	vld [tilespmem:$0x250]  }
0xae: {  	v8 =	vpop (erf);
	v1 =	vmul.f32 v7, v1;
	v7 =	vld [tilespmem:$0x260]  }
0xaf: {  	v9 =	vpop (erf);
	[tilespmem:$0x8400] =	vst v4;
	v2 =	vmul.f32 v8, v2;
	v4 =	vld [tilespmem:$0x270]  }
0xb0: {  	v61 =	vpop (erf);
	[tilespmem:$0x8410] =	vst v1;
	v1 =	vmul.f32 v9, v3  }
0xb1: {  	v3 =	vpop (erf);
	[tilespmem:$0x8420] =	vst v2;
	v2 =	vmul.f32 v61, v6  }
0xb2: {  	v6 =	vpop (erf);
	[tilespmem:$0x8430] =	vst v1;
	v1 =	vmul.f32 v3, v5  }
0xb3: {  	v5 =	vmov s8;
	[tilespmem:$0x8440] =	vst v2;
	v2 =	vmul.f32 v6, v7;
	v3 =	vpop (erf)  }
0xb4: {  	[tilespmem:$0x8450] =	vst v1;
	v1 =	vmul.f32 v3, v4;
	v3 =	vand.u32 $0xFFFFFFFE, v5  }
0xb5: {  	[tilespmem:$0x8460] =	vst v2;
	v2 =	vbroadcast v3, $0x0;
	_ =	sdelay $0x3  }
0xb6: {  	s28 =	simm.s32 $0x480;
	[tilespmem:$0x8470] =	vst v1  }
0xb7: {  	v5 =	vld [tilespmem:s28+$0xFFFFFFF0]  }
0xb8: {  	v6 =	vld.idx.msk [tilespmem:v2+s21+$0x0], $0xffff  }
0xb9: {  	v7 =	vld [tilespmem:s28+$0xFFFFFF80]  }
0xba: {  	v62 =	vld [tilespmem:s28+$0xFFFFFFA0]  }
0xbb: {  	v4 =	vld [tilespmem:s28+$0xFFFFFFB0]  }
0xbc: {  	v3 =	vld [tilespmem:s28+$0xFFFFFFD0]  }
0xbd: {  	v10 =	vld [tilespmem:s28+$0xFFFFFF90];
	v5 =	vmul.f32 v5, v6  }
0xbe: {  	v63 =	vld [tilespmem:s28+$0xFFFFFFE0];
	v7 =	vmul.f32 v7, v6  }
0xbf: {  	v11 =	vld [tilespmem:s28+$0xFFFFFFC0];
	v8 =	vmul.f32 v62, v6;
	[tilespmem:s28+$0xFFFFFFF0] =	vst v5  }
0xc0: {  	v4 =	vmul.f32 v4, v6;
	[tilespmem:s28+$0xFFFFFF80] =	vst v7  }
0xc1: {  	s31 =	simm.s32 $0x1;
	v3 =	vmul.f32 v3, v6;
	[tilespmem:s28+$0xFFFFFFA0] =	vst v8  }
0xc2: {  	v5 =	vmul.f32 v10, v6;
	[tilespmem:s28+$0xFFFFFFB0] =	vst v4;
	v7 =	vmov s31  }
0xc3: {  	v1 =	vld [tilespmem:s28+$0x0];
	v4 =	vmul.f32 v63, v6;
	[tilespmem:s28+$0xFFFFFFD0] =	vst v3  }
0xc4: {  	v2 =	vld [tilespmem:s28+$0x10];
	v3 =	vmul.f32 v11, v6;
	[tilespmem:s28+$0xFFFFFF90] =	vst v5  }
0xc5: {  	[tilespmem:s28+$0xFFFFFFE0] =	vst v4;
	v5 =	vld [tilespmem:s28+$0x30]  }
0xc6: {  	[tilespmem:s28+$0xFFFFFFC0] =	vst v3;
	v4 =	vld [tilespmem:s28+$0x70]  }
0xc7: {  	s13 =	smov.u32 s29;
	s29 =	simm.s32 $0x2;
	s25 =	simm.s32 $0x480;
	v3 =	vld.idx.msk [tilespmem:v7+s21+$0x0], $0xffff  }
.LBB2_4:
0xc8: {  	p0 =	sne.s32 s29, $0x7E  }
0xc9: {  	v6 =	vld [tilespmem:s28+$0x20];
	s25 =	sadd.s32 $0x100, s25;
	s8 =	smov.u32 s29;
	s29 =	sadd.s32 $0x2, s29  }
0xca: {  	v7 =	vld [tilespmem:s28+$0x40]  }
0xcb: {  	v8 =	vld [tilespmem:s28+$0x50]  }
0xcc: {  	v9 =	vld [tilespmem:s28+$0x60];
	_ =	sdelay $0x1  }
0xcd: {  	v1 =	vmul.f32 v1, v3;
	v2 =	vmul.f32 v2, v3  }
0xce: {  	v5 =	vmul.f32 v5, v3;
	v6 =	vmul.f32 v6, v3  }
0xcf: {  	v10 =	vmov s8;
	v7 =	vmul.f32 v7, v3;
	[tilespmem:s28+$0x0] =	vst v1;
	v8 =	vmul.f32 v8, v3  }
0xd0: {  	v10 =	vand.u32 $0xFFFFFFFE, v10;
	v1 =	vld [tilespmem:s25+$0x0];
	[tilespmem:s28+$0x30] =	vst v5;
	v5 =	vmul.f32 v9, v3;
	v3 =	vmul.f32 v4, v3  }
0xd1: {  	v4 =	vbroadcast v10, $0x0;
	[tilespmem:s28+$0x10] =	vst v2  }
0xd2: {  	[tilespmem:s28+$0x70] =	vst v3  }
0xd3: {  	v3 =	vld [tilespmem:s25+$0xFFFFFFD0];
	[tilespmem:s28+$0x20] =	vst v6  }
0xd4: {  	v6 =	vld [tilespmem:s25+$0xFFFFFFB0];
	[tilespmem:s28+$0x60] =	vst v5  }
0xd5: {  	v5 =	vld [tilespmem:s25+$0xFFFFFFE0];
	[tilespmem:s28+$0x40] =	vst v7  }
0xd6: {  	v7 =	vld [tilespmem:s25+$0xFFFFFFF0];
	[tilespmem:s28+$0x50] =	vst v8;
	s28 =	smov.u32 s25  }
0xd7: {  	v4 =	vld.idx.msk [tilespmem:v4+s21+$0x0], $0xffff  }
0xd8: {  	v8 =	vld [tilespmem:s25+$0xFFFFFF80]  }
0xd9: {  	v9 =	vld [tilespmem:s25+$0xFFFFFFA0]  }
0xda: {  	v10 =	vld [tilespmem:s25+$0xFFFFFF90]  }
0xdb: {  	v11 =	vld [tilespmem:s25+$0xFFFFFFC0]  }
0xdc: {  	v2 =	vld [tilespmem:s25+$0x10]  }
0xdd: {  	v7 =	vmul.f32 v7, v4;
	v8 =	vmul.f32 v8, v4  }
0xde: {  	v5 =	vmul.f32 v5, v4;
	v9 =	vmul.f32 v9, v4  }
0xdf: {  	v6 =	vmul.f32 v6, v4;
	v10 =	vmul.f32 v10, v4;
	[tilespmem:s25+$0xFFFFFFF0] =	vst v7  }
0xe0: {  	v3 =	vmul.f32 v3, v4;
	[tilespmem:s25+$0xFFFFFF80] =	vst v8;
	v7 =	vmul.f32 v11, v4  }
0xe1: {  	s8 =	sadd.s32 $0x1, s8;
	[tilespmem:s25+$0xFFFFFFA0] =	vst v9  }
0xe2: {  	[tilespmem:s25+$0xFFFFFFB0] =	vst v6;
	v6 =	vmov s8  }
.Ltmp3:
0xe3: {  	[tilespmem:s25+$0xFFFFFFD0] =	vst v3;
	(pc) =	sbr.rel @p0 .LBB2_4-.Ltmp3, $4  }
0xe4: {  	[tilespmem:s25+$0xFFFFFF90] =	vst v10  }
0xe5: {  	[tilespmem:s25+$0xFFFFFFE0] =	vst v5;
	v5 =	vld [tilespmem:s25+$0x30]  }
0xe6: {  	[tilespmem:s25+$0xFFFFFFC0] =	vst v7;
	v4 =	vld [tilespmem:s25+$0x70]  }
0xe7: {  	v3 =	vld.idx.msk [tilespmem:v6+s21+$0x0], $0xffff  }
0xe8: {  	_ =	sdelay $0x2  }
0xe9: {  	v6 =	vld [tilespmem:s28+$0x20]  }
0xea: {  	v7 =	vld [tilespmem:s28+$0x60];
	v1 =	vmul.f32 v1, v3  }
0xeb: {  	v8 =	vld [tilespmem:s28+$0x40];
	v5 =	vmul.f32 v5, v3  }
0xec: {  	v9 =	vld [tilespmem:s28+$0x50];
	v2 =	vmul.f32 v2, v3;
	[tilespmem:s28+$0x0] =	vst v1  }
0xed: {  	[tilespmem:s28+$0x30] =	vst v5;
	v1 =	vmul.f32 v4, v3  }
0xee: {  	v4 =	vmul.f32 v6, v3;
	[tilespmem:s28+$0x10] =	vst v2  }
0xef: {  	v2 =	vmul.f32 v7, v3;
	[tilespmem:s28+$0x70] =	vst v1  }
0xf0: {  	v1 =	vmul.f32 v8, v3;
	[tilespmem:s28+$0x20] =	vst v4  }
0xf1: {  	v3 =	vmul.f32 v9, v3;
	[tilespmem:s28+$0x60] =	vst v2  }
0xf2: {  	[tilespmem:s28+$0x40] =	vst v1  }
0xf3: {  	[tilespmem:s28+$0x50] =	vst v3  }
0xf4: {  	[spmem:s3] =	stream.indirect.scatter.add.f32 [tilespmem:s0], [sflag:$0x5], $0x80, s14, s16, $0xb8;
	[tilespmem:$0x1C480] =	vst v63  }
0xf5: {  	_ =	swait.ge [sflag:s17], $0x4000  }
0xf6: {  	[sflag:s17] =	ssyncset.done $0x0  }
0xf7: {  	s8 =	simm.s32 $0x0;
	s9 =	rddreg [dreg:$0x14];
	[sflag:s17] =	ssyncadd.s32 $0xFFFFC000  }
0xf8: {  	[tilespmem:s8], [sflag:$0x7] =	stream.linear.gather [hbm4b:s9+s8], $0x80, $0x38;
	[tilespmem:$0x1C480] =	vst v63  }
0xf9: {  	_ =	swait.ge [sflag:s4], $0x80  }
0xfa: {  	[sflag:s4] =	ssyncset.done $0x0  }
0xfb: {  	s10 =	rddreg [dreg:$0x15];
	[sflag:s4] =	ssyncadd.s32 $0xFFFFFF80  }
0xfc: {  	[tilespmem:s14], [sflag:$0x7] =	stream.linear.gather [hbm4b:s10+s8], $0x80, $0x38;
	[tilespmem:$0x1C480] =	vst v63  }
0xfd: {  	_ =	swait.ge [sflag:s4], $0x80  }
0xfe: {  	[sflag:s4] =	ssyncset.done $0x0  }
0xff: {  	s10 =	simm.s32 $0x200;
	s11 =	rddreg [dreg:$0x16];
	[sflag:s4] =	ssyncadd.s32 $0xFFFFFF80  }
0x100: {  	[tilespmem:s10], [sflag:$0x7] =	stream.linear.gather [hbm4b:s11+s8], $0x80, $0x38;
	[tilespmem:$0x1C480] =	vst v63  }
0x101: {  	_ =	swait.ge [sflag:s4], $0x80  }
0x102: {  	[sflag:s4] =	ssyncset.done $0x0  }
0x103: {  	s25 =	simm.s32 $0x300;
	[sflag:s4] =	ssyncadd.s32 $0xFFFFFF80  }
0x104: {  	[tilespmem:s25], [sflag:$0x3] =	stream.indirect.gather [hbm4b:s7+s16], $0x1, s14, s16, $0xb8;
	[tilespmem:$0x1C480] =	vst v63  }
0x105: {  	_ = 	snop  }
0x106: {  	[tilespmem:s0], [sflag:$0x1] =	stream.indirect.gather [hbm4b:s1+s16], $0x80, s8, s16, $0xb8;
	[tilespmem:$0x1C480] =	vst v63  }
0x107: {  	_ =	swait.ge [sflag:s22], $0x80  }
0x108: {  	[sflag:s22] =	ssyncset.done $0x0  }
0x109: {  	[sflag:s22] =	ssyncadd.s32 $0xFFFFFF80  }
0x10a: {  	_ =	swait.ge [sflag:s24], $0x4000  }
0x10b: {  	[sflag:s24] =	ssyncset.done $0x0  }
0x10c: {  	[sflag:s24] =	ssyncadd.s32 $0xFFFFC000  }
0x10d: {  	v1 =	vld [tilespmem:$0x380]  }
0x10e: {  	v2 =	vld [tilespmem:$0x390]  }
0x10f: {  	v3 =	vld [tilespmem:$0x3A0]  }
0x110: {  	v4 =	vld [tilespmem:$0x3B0]  }
0x111: {  	v5 =	vld [tilespmem:$0x3C0]  }
0x112: {  	(erf) = vrcp.f32 v1;
	v1 =	vld [tilespmem:$0x3D0]  }
0x113: {  	(erf) = vrcp.f32 v2;
	v2 =	vld [tilespmem:$0x3E0]  }
0x114: {  	(erf) = vrcp.f32 v3;
	v3 =	vld [tilespmem:$0x3F0]  }
0x115: {  	(erf) = vrcp.f32 v4  }
0x116: {  	(erf) = vrcp.f32 v5  }
0x117: {  	v4 =	vld [tilespmem:$0x280];
	(erf) = vrcp.f32 v1  }
0x118: {  	v1 =	vld [tilespmem:$0x290];
	(erf) = vrcp.f32 v2  }
0x119: {  	v2 =	vld [tilespmem:$0x2A0];
	(erf) = vrcp.f32 v3  }
0x11a: {  	v3 =	vld [tilespmem:$0x2B0]  }
0x11b: {  	v6 =	vld [tilespmem:$0x2C0];
	v5 =	vpop (erf)  }
0x11c: {  	v7 =	vpop (erf);
	v4 =	vmul.f32 v5, v4;
	v5 =	vld [tilespmem:$0x2D0]  }
0x11d: {  	v59 =	vpop (erf);
	v1 =	vmul.f32 v7, v1;
	v7 =	vld [tilespmem:$0x2E0]  }
0x11e: {  	v60 =	vpop (erf);
	[tilespmem:$0x8400] =	vst v4;
	v2 =	vmul.f32 v59, v2;
	v4 =	vld [tilespmem:$0x2F0]  }
0x11f: {  	v61 =	vpop (erf);
	[tilespmem:$0x8410] =	vst v1;
	v1 =	vmul.f32 v60, v3  }
0x120: {  	v3 =	vpop (erf);
	[tilespmem:$0x8420] =	vst v2;
	v2 =	vmul.f32 v61, v6  }
0x121: {  	v6 =	vpop (erf);
	[tilespmem:$0x8430] =	vst v1;
	v1 =	vmul.f32 v3, v5  }
0x122: {  	v5 =	vmov s8;
	[tilespmem:$0x8440] =	vst v2;
	v2 =	vmul.f32 v6, v7;
	v3 =	vpop (erf)  }
0x123: {  	[tilespmem:$0x8450] =	vst v1;
	v1 =	vmul.f32 v3, v4;
	v3 =	vand.u32 $0xFFFFFFFE, v5  }
0x124: {  	[tilespmem:$0x8460] =	vst v2;
	v2 =	vbroadcast v3, $0x0;
	_ =	sdelay $0x3  }
0x125: {  	s28 =	simm.s32 $0x4480;
	[tilespmem:$0x8470] =	vst v1  }
0x126: {  	v5 =	vld [tilespmem:s28+$0xFFFFFFF0]  }
0x127: {  	v6 =	vld.idx.msk [tilespmem:v2+s21+$0x0], $0xffff  }
0x128: {  	v7 =	vld [tilespmem:s28+$0xFFFFFF80]  }
0x129: {  	v62 =	vld [tilespmem:s28+$0xFFFFFFA0]  }
0x12a: {  	v4 =	vld [tilespmem:s28+$0xFFFFFFB0]  }
0x12b: {  	v3 =	vld [tilespmem:s28+$0xFFFFFFD0]  }
0x12c: {  	v10 =	vld [tilespmem:s28+$0xFFFFFF90];
	v5 =	vmul.f32 v5, v6  }
0x12d: {  	v63 =	vld [tilespmem:s28+$0xFFFFFFE0];
	v7 =	vmul.f32 v7, v6  }
0x12e: {  	v11 =	vld [tilespmem:s28+$0xFFFFFFC0];
	v8 =	vmul.f32 v62, v6;
	[tilespmem:s28+$0xFFFFFFF0] =	vst v5  }
0x12f: {  	v4 =	vmul.f32 v4, v6;
	[tilespmem:s28+$0xFFFFFF80] =	vst v7  }
0x130: {  	s31 =	simm.s32 $0x1;
	v3 =	vmul.f32 v3, v6;
	[tilespmem:s28+$0xFFFFFFA0] =	vst v8  }
0x131: {  	v5 =	vmul.f32 v10, v6;
	[tilespmem:s28+$0xFFFFFFB0] =	vst v4;
	v7 =	vmov s31  }
0x132: {  	v1 =	vld [tilespmem:s28+$0x0];
	v4 =	vmul.f32 v63, v6;
	[tilespmem:s28+$0xFFFFFFD0] =	vst v3  }
0x133: {  	v2 =	vld [tilespmem:s28+$0x10];
	v3 =	vmul.f32 v11, v6;
	[tilespmem:s28+$0xFFFFFF90] =	vst v5  }
0x134: {  	[tilespmem:s28+$0xFFFFFFE0] =	vst v4;
	v5 =	vld [tilespmem:s28+$0x30]  }
0x135: {  	[tilespmem:s28+$0xFFFFFFC0] =	vst v3;
	v4 =	vld [tilespmem:s28+$0x70]  }
0x136: {  	s29 =	simm.s32 $0x2;
	s25 =	simm.s32 $0x4480;
	v3 =	vld.idx.msk [tilespmem:v7+s21+$0x0], $0xffff  }
.LBB2_6:
0x137: {  	p0 =	sne.s32 s29, $0x7E  }
0x138: {  	v6 =	vld [tilespmem:s28+$0x20];
	s25 =	sadd.s32 $0x100, s25;
	s8 =	smov.u32 s29;
	s29 =	sadd.s32 $0x2, s29  }
0x139: {  	v7 =	vld [tilespmem:s28+$0x40]  }
0x13a: {  	v8 =	vld [tilespmem:s28+$0x50]  }
0x13b: {  	v9 =	vld [tilespmem:s28+$0x60];
	_ =	sdelay $0x1  }
0x13c: {  	v1 =	vmul.f32 v1, v3;
	v2 =	vmul.f32 v2, v3  }
0x13d: {  	v5 =	vmul.f32 v5, v3;
	v6 =	vmul.f32 v6, v3  }
0x13e: {  	v10 =	vmov s8;
	v7 =	vmul.f32 v7, v3;
	[tilespmem:s28+$0x0] =	vst v1;
	v8 =	vmul.f32 v8, v3  }
0x13f: {  	v10 =	vand.u32 $0xFFFFFFFE, v10;
	v1 =	vld [tilespmem:s25+$0x0];
	[tilespmem:s28+$0x30] =	vst v5;
	v5 =	vmul.f32 v9, v3;
	v3 =	vmul.f32 v4, v3  }
0x140: {  	v4 =	vbroadcast v10, $0x0;
	[tilespmem:s28+$0x10] =	vst v2  }
0x141: {  	[tilespmem:s28+$0x70] =	vst v3  }
0x142: {  	v3 =	vld [tilespmem:s25+$0xFFFFFFD0];
	[tilespmem:s28+$0x20] =	vst v6  }
0x143: {  	v6 =	vld [tilespmem:s25+$0xFFFFFFB0];
	[tilespmem:s28+$0x60] =	vst v5  }
0x144: {  	v5 =	vld [tilespmem:s25+$0xFFFFFFE0];
	[tilespmem:s28+$0x40] =	vst v7  }
0x145: {  	v7 =	vld [tilespmem:s25+$0xFFFFFFF0];
	[tilespmem:s28+$0x50] =	vst v8;
	s28 =	smov.u32 s25  }
0x146: {  	v4 =	vld.idx.msk [tilespmem:v4+s21+$0x0], $0xffff  }
0x147: {  	v8 =	vld [tilespmem:s25+$0xFFFFFF80]  }
0x148: {  	v9 =	vld [tilespmem:s25+$0xFFFFFFA0]  }
0x149: {  	v10 =	vld [tilespmem:s25+$0xFFFFFF90]  }
0x14a: {  	v11 =	vld [tilespmem:s25+$0xFFFFFFC0]  }
0x14b: {  	v2 =	vld [tilespmem:s25+$0x10]  }
0x14c: {  	v7 =	vmul.f32 v7, v4;
	v8 =	vmul.f32 v8, v4  }
0x14d: {  	v5 =	vmul.f32 v5, v4;
	v9 =	vmul.f32 v9, v4  }
0x14e: {  	v6 =	vmul.f32 v6, v4;
	v10 =	vmul.f32 v10, v4;
	[tilespmem:s25+$0xFFFFFFF0] =	vst v7  }
0x14f: {  	v3 =	vmul.f32 v3, v4;
	[tilespmem:s25+$0xFFFFFF80] =	vst v8;
	v7 =	vmul.f32 v11, v4  }
0x150: {  	s8 =	sadd.s32 $0x1, s8;
	[tilespmem:s25+$0xFFFFFFA0] =	vst v9  }
0x151: {  	[tilespmem:s25+$0xFFFFFFB0] =	vst v6;
	v6 =	vmov s8  }
.Ltmp4:
0x152: {  	[tilespmem:s25+$0xFFFFFFD0] =	vst v3;
	(pc) =	sbr.rel @p0 .LBB2_6-.Ltmp4, $4  }
0x153: {  	[tilespmem:s25+$0xFFFFFF90] =	vst v10  }
0x154: {  	[tilespmem:s25+$0xFFFFFFE0] =	vst v5;
	v5 =	vld [tilespmem:s25+$0x30]  }
0x155: {  	[tilespmem:s25+$0xFFFFFFC0] =	vst v7;
	v4 =	vld [tilespmem:s25+$0x70]  }
0x156: {  	v3 =	vld.idx.msk [tilespmem:v6+s21+$0x0], $0xffff  }
0x157: {  	_ =	sdelay $0x1  }
0x158: {  	v6 =	vld [tilespmem:s28+$0x20];
	_ =	sdelay $0x1  }
0x159: {  	v7 =	vld [tilespmem:s28+$0x60];
	v1 =	vmul.f32 v1, v3  }
0x15a: {  	v8 =	vld [tilespmem:s28+$0x40];
	v5 =	vmul.f32 v5, v3  }
0x15b: {  	v9 =	vld [tilespmem:s28+$0x50];
	v2 =	vmul.f32 v2, v3;
	[tilespmem:s28+$0x0] =	vst v1  }
0x15c: {  	v63 =	vmul.f32 v6, v3;
	[tilespmem:s28+$0x30] =	vst v5  }
0x15d: {  	v1 =	vmul.f32 v4, v3;
	[tilespmem:s28+$0x10] =	vst v2  }
0x15e: {  	v2 =	vmul.f32 v7, v3;
	[tilespmem:s28+$0x20] =	vst v63  }
.Ltmp5:
0x15f: {  	[tilespmem:s28+$0x70] =	vst v1;
	v1 =	vmul.f32 v8, v3;
	(pc) =	sbr.rel .LBB2_8-.Ltmp5, $4  }
0x160: {  	v3 =	vmul.f32 v9, v3;
	[tilespmem:s28+$0x60] =	vst v2  }
0x161: {  	[tilespmem:s28+$0x40] =	vst v1  }
0x162: {  	[tilespmem:s28+$0x50] =	vst v3;
	s28 =	simm.s32 $0x0  }
0x163: {  	[spmem:s3] =	stream.indirect.scatter.add.f32 [tilespmem:s19], [sflag:$0x6], $0x80, s18, s16, $0xb8;
	[tilespmem:$0x1C480] =	vst v63  }
.LBB2_16:
0x164: {  	s28 =	sadd.s32 $0x1, s28  }
0x165: {  	p0 =	sne.s32 s28, $0x27  }
.Ltmp6:
0x166: {  	_ = 	snop;
	(pc) =	sbr.rel @!p0 .LBB2_17-.Ltmp6, $1  }
0x167: {  	_ =	sdelay $0x3  }
.LBB2_8:
0x168: {  	s29 =	sshll.u32 s28, $0x6  }
0x169: {  	s8 =	sadd.s32 s23, s29  }
0x16a: {  	p0 =	sgt.u32 s8, $0x9C3  }
.Ltmp7:
0x16b: {  	_ = 	snop;
	(pc) =	sbr.rel @p0 .LBB2_12-.Ltmp7, $1  }
0x16c: {  	_ =	sdelay $0x3  }
0x16d: {  	s8 =	sor.u32 $0x20, s8  }
0x16e: {  	p0 =	sgt.u32 s8, $0x9C3  }
0x16f: {  	s9 =	simm.s32 @!p0 $0x6  }
0x170: {  	_ =	swait.ge @!p0 [sflag:s9], $0x4000  }
0x171: {  	[sflag:s9] =	ssyncset.done @!p0 $0x0  }
0x172: {  	[sflag:s9] =	ssyncadd.s32 @!p0 $0xFFFFC000;
	s9 =	sshll.u32 @!p0 s8, $0x5  }
0x173: {  	s31 =	simm.s32 @!p0 $0x0;
	s10 =	simm.s32 @!p0 $0x80;
	s25 =	sadd.s32 @!p0 s2, s9  }
0x174: {  	[tilespmem:s10], [sflag:$0x7] =	stream.linear.gather @!p0 [hbm4b:s25+s31], $0x80, $0x38;
	[tilespmem:$0x1C480] =	vst v63  }
0x175: {  	s25 =	simm.s32 @!p0 $0x7  }
0x176: {  	_ =	swait.ge @!p0 [sflag:s25], $0x80  }
0x177: {  	[sflag:s25] =	ssyncset.done @!p0 $0x0  }
0x178: {  	s11 =	simm.s32 @!p0 $0x180;
	s9 =	sadd.s32 @!p0 s9, s12;
	[sflag:s25] =	ssyncadd.s32 @!p0 $0xFFFFFF80  }
0x179: {  	[tilespmem:s11], [sflag:$0x7] =	stream.linear.gather @!p0 [hbm4b:s9+s31], $0x80, $0x38;
	[tilespmem:$0x1C480] =	vst v63  }
0x17a: {  	_ =	swait.ge @!p0 [sflag:s25], $0x80  }
0x17b: {  	s8 =	sshll.u32 @!p0 s8, $0x4;
	[sflag:s25] =	ssyncset.done @!p0 $0x0  }
0x17c: {  	s8 =	sadd.s32 @!p0 s6, s8;
	s9 =	simm.s32 @!p0 $0x280;
	[sflag:s25] =	ssyncadd.s32 @!p0 $0xFFFFFF80  }
0x17d: {  	[tilespmem:s9], [sflag:$0x7] =	stream.linear.gather @!p0 [hbm4b:s8+s31], $0x80, $0x38;
	[tilespmem:$0x1C480] =	vst v63  }
0x17e: {  	_ =	swait.ge @!p0 [sflag:s25], $0x80  }
0x17f: {  	[sflag:s25] =	ssyncset.done @!p0 $0x0  }
0x180: {  	s8 =	simm.s32 @!p0 $0x380;
	[sflag:s25] =	ssyncadd.s32 @!p0 $0xFFFFFF80  }
0x181: {  	[tilespmem:s8], [sflag:$0x4] =	stream.indirect.gather @!p0 [hbm4b:s7+s10], $0x1, s11, s10, $0xb8;
	[tilespmem:$0x1C480] =	vst v63  }
0x182: {  	s8 =	simm.s32 @!p0 $0x4400  }
0x183: {  	[tilespmem:s8], [sflag:$0x2] =	stream.indirect.gather @!p0 [hbm4b:s1+s10], $0x80, s10, s10, $0xb8;
	[tilespmem:$0x1C480] =	vst v63  }
0x184: {  	_ =	swait.ge [sflag:s20], $0x80  }
0x185: {  	[sflag:s20] =	ssyncset.done $0x0  }
0x186: {  	[sflag:s20] =	ssyncadd.s32 $0xFFFFFF80  }
0x187: {  	_ =	swait.ge [sflag:s15], $0x4000  }
0x188: {  	[sflag:s15] =	ssyncset.done $0x0  }
0x189: {  	[sflag:s15] =	ssyncadd.s32 $0xFFFFC000  }
0x18a: {  	v1 =	vld [tilespmem:$0x300]  }
0x18b: {  	v2 =	vld [tilespmem:$0x310]  }
0x18c: {  	v3 =	vld [tilespmem:$0x320]  }
0x18d: {  	v4 =	vld [tilespmem:$0x330]  }
0x18e: {  	v5 =	vld [tilespmem:$0x340]  }
0x18f: {  	(erf) = vrcp.f32 v1;
	v1 =	vld [tilespmem:$0x350]  }
0x190: {  	(erf) = vrcp.f32 v2;
	v2 =	vld [tilespmem:$0x360]  }
0x191: {  	(erf) = vrcp.f32 v3;
	v3 =	vld [tilespmem:$0x370]  }
0x192: {  	(erf) = vrcp.f32 v4  }
0x193: {  	(erf) = vrcp.f32 v5  }
0x194: {  	v4 =	vld [tilespmem:$0x200];
	(erf) = vrcp.f32 v1  }
0x195: {  	v1 =	vld [tilespmem:$0x210];
	(erf) = vrcp.f32 v2  }
0x196: {  	v2 =	vld [tilespmem:$0x220];
	(erf) = vrcp.f32 v3  }
0x197: {  	v3 =	vld [tilespmem:$0x230]  }
0x198: {  	v6 =	vld [tilespmem:$0x240];
	v5 =	vpop (erf)  }
0x199: {  	v7 =	vpop (erf);
	v4 =	vmul.f32 v5, v4;
	v5 =	vld [tilespmem:$0x250]  }
0x19a: {  	v8 =	vpop (erf);
	v1 =	vmul.f32 v7, v1;
	v7 =	vld [tilespmem:$0x260]  }
0x19b: {  	v9 =	vpop (erf);
	[tilespmem:$0x8400] =	vst v4;
	v2 =	vmul.f32 v8, v2;
	v4 =	vld [tilespmem:$0x270]  }
0x19c: {  	v61 =	vpop (erf);
	[tilespmem:$0x8410] =	vst v1;
	v1 =	vmul.f32 v9, v3  }
0x19d: {  	v3 =	vpop (erf);
	[tilespmem:$0x8420] =	vst v2;
	v2 =	vmul.f32 v61, v6  }
0x19e: {  	s11 =	simm.s32 $0x0;
	v6 =	vpop (erf);
	[tilespmem:$0x8430] =	vst v1;
	v1 =	vmul.f32 v3, v5  }
0x19f: {  	v5 =	vmov s11;
	[tilespmem:$0x8440] =	vst v2;
	v2 =	vmul.f32 v6, v7;
	v3 =	vpop (erf)  }
0x1a0: {  	[tilespmem:$0x8450] =	vst v1;
	v1 =	vmul.f32 v3, v4;
	v3 =	vand.u32 $0xFFFFFFFE, v5  }
0x1a1: {  	[tilespmem:$0x8460] =	vst v2;
	v2 =	vbroadcast v3, $0x0;
	_ =	sdelay $0x3  }
0x1a2: {  	s31 =	simm.s32 $0x480;
	[tilespmem:$0x8470] =	vst v1  }
0x1a3: {  	v5 =	vld [tilespmem:s31+$0xFFFFFFF0]  }
0x1a4: {  	v6 =	vld.idx.msk [tilespmem:v2+s21+$0x0], $0xffff  }
0x1a5: {  	v7 =	vld [tilespmem:s31+$0xFFFFFF80]  }
0x1a6: {  	v62 =	vld [tilespmem:s31+$0xFFFFFFA0]  }
0x1a7: {  	v4 =	vld [tilespmem:s31+$0xFFFFFFB0]  }
0x1a8: {  	v3 =	vld [tilespmem:s31+$0xFFFFFFD0]  }
0x1a9: {  	v10 =	vld [tilespmem:s31+$0xFFFFFF90];
	v5 =	vmul.f32 v5, v6  }
0x1aa: {  	v63 =	vld [tilespmem:s31+$0xFFFFFFE0];
	v7 =	vmul.f32 v7, v6  }
0x1ab: {  	v11 =	vld [tilespmem:s31+$0xFFFFFFC0];
	v8 =	vmul.f32 v62, v6;
	[tilespmem:s31+$0xFFFFFFF0] =	vst v5  }
0x1ac: {  	v4 =	vmul.f32 v4, v6;
	[tilespmem:s31+$0xFFFFFF80] =	vst v7  }
0x1ad: {  	s25 =	simm.s32 $0x1;
	v3 =	vmul.f32 v3, v6;
	[tilespmem:s31+$0xFFFFFFA0] =	vst v8  }
0x1ae: {  	v5 =	vmul.f32 v10, v6;
	[tilespmem:s31+$0xFFFFFFB0] =	vst v4;
	v7 =	vmov s25  }
0x1af: {  	v1 =	vld [tilespmem:s31+$0x0];
	v4 =	vmul.f32 v63, v6;
	[tilespmem:s31+$0xFFFFFFD0] =	vst v3  }
0x1b0: {  	v2 =	vld [tilespmem:s31+$0x10];
	v3 =	vmul.f32 v11, v6;
	[tilespmem:s31+$0xFFFFFF90] =	vst v5  }
0x1b1: {  	[tilespmem:s31+$0xFFFFFFE0] =	vst v4;
	v5 =	vld [tilespmem:s31+$0x30]  }
0x1b2: {  	[tilespmem:s31+$0xFFFFFFC0] =	vst v3;
	v4 =	vld [tilespmem:s31+$0x70]  }
0x1b3: {  	s8 =	simm.s32 $0x480;
	s25 =	simm.s32 $0x2;
	v3 =	vld.idx.msk [tilespmem:v7+s21+$0x0], $0xffff  }
.LBB2_10:
0x1b4: {  	p0 =	sne.s32 s25, $0x7E  }
0x1b5: {  	v6 =	vld [tilespmem:s31+$0x20];
	s8 =	sadd.s32 $0x100, s8;
	s9 =	smov.u32 s25;
	s25 =	sadd.s32 $0x2, s25  }
0x1b6: {  	v7 =	vld [tilespmem:s31+$0x40]  }
0x1b7: {  	v8 =	vld [tilespmem:s31+$0x50]  }
0x1b8: {  	v9 =	vld [tilespmem:s31+$0x60];
	_ =	sdelay $0x1  }
0x1b9: {  	v1 =	vmul.f32 v1, v3;
	v2 =	vmul.f32 v2, v3  }
0x1ba: {  	v5 =	vmul.f32 v5, v3;
	v6 =	vmul.f32 v6, v3  }
0x1bb: {  	v10 =	vmov s9;
	v7 =	vmul.f32 v7, v3;
	[tilespmem:s31+$0x0] =	vst v1;
	v8 =	vmul.f32 v8, v3  }
0x1bc: {  	v10 =	vand.u32 $0xFFFFFFFE, v10;
	v1 =	vld [tilespmem:s8+$0x0];
	[tilespmem:s31+$0x30] =	vst v5;
	v5 =	vmul.f32 v9, v3;
	v3 =	vmul.f32 v4, v3  }
0x1bd: {  	v4 =	vbroadcast v10, $0x0;
	[tilespmem:s31+$0x10] =	vst v2  }
0x1be: {  	[tilespmem:s31+$0x70] =	vst v3  }
0x1bf: {  	v3 =	vld [tilespmem:s8+$0xFFFFFFD0];
	[tilespmem:s31+$0x20] =	vst v6  }
0x1c0: {  	v6 =	vld [tilespmem:s8+$0xFFFFFFB0];
	[tilespmem:s31+$0x60] =	vst v5  }
0x1c1: {  	v5 =	vld [tilespmem:s8+$0xFFFFFFE0];
	[tilespmem:s31+$0x40] =	vst v7  }
0x1c2: {  	v7 =	vld [tilespmem:s8+$0xFFFFFFF0];
	[tilespmem:s31+$0x50] =	vst v8;
	s31 =	smov.u32 s8  }
0x1c3: {  	v4 =	vld.idx.msk [tilespmem:v4+s21+$0x0], $0xffff  }
0x1c4: {  	v8 =	vld [tilespmem:s8+$0xFFFFFF80]  }
0x1c5: {  	v9 =	vld [tilespmem:s8+$0xFFFFFFA0]  }
0x1c6: {  	v10 =	vld [tilespmem:s8+$0xFFFFFF90]  }
0x1c7: {  	v11 =	vld [tilespmem:s8+$0xFFFFFFC0]  }
0x1c8: {  	v2 =	vld [tilespmem:s8+$0x10]  }
0x1c9: {  	v7 =	vmul.f32 v7, v4;
	v8 =	vmul.f32 v8, v4  }
0x1ca: {  	v5 =	vmul.f32 v5, v4;
	v9 =	vmul.f32 v9, v4  }
0x1cb: {  	v6 =	vmul.f32 v6, v4;
	v10 =	vmul.f32 v10, v4;
	[tilespmem:s8+$0xFFFFFFF0] =	vst v7  }
0x1cc: {  	v3 =	vmul.f32 v3, v4;
	[tilespmem:s8+$0xFFFFFF80] =	vst v8;
	v7 =	vmul.f32 v11, v4  }
0x1cd: {  	s9 =	sadd.s32 $0x1, s9;
	[tilespmem:s8+$0xFFFFFFA0] =	vst v9  }
0x1ce: {  	[tilespmem:s8+$0xFFFFFFB0] =	vst v6;
	v6 =	vmov s9  }
.Ltmp8:
0x1cf: {  	[tilespmem:s8+$0xFFFFFFD0] =	vst v3;
	(pc) =	sbr.rel @p0 .LBB2_10-.Ltmp8, $4  }
0x1d0: {  	[tilespmem:s8+$0xFFFFFF90] =	vst v10  }
0x1d1: {  	[tilespmem:s8+$0xFFFFFFE0] =	vst v5;
	v5 =	vld [tilespmem:s8+$0x30]  }
0x1d2: {  	[tilespmem:s8+$0xFFFFFFC0] =	vst v7;
	v4 =	vld [tilespmem:s8+$0x70]  }
0x1d3: {  	v3 =	vld.idx.msk [tilespmem:v6+s21+$0x0], $0xffff  }
0x1d4: {  	_ =	sdelay $0x1  }
0x1d5: {  	v6 =	vld [tilespmem:s31+$0x20];
	_ =	sdelay $0x1  }
0x1d6: {  	v7 =	vld [tilespmem:s31+$0x60];
	v1 =	vmul.f32 v1, v3  }
0x1d7: {  	v8 =	vld [tilespmem:s31+$0x40];
	v5 =	vmul.f32 v5, v3  }
0x1d8: {  	v9 =	vld [tilespmem:s31+$0x50];
	v2 =	vmul.f32 v2, v3;
	[tilespmem:s31+$0x0] =	vst v1  }
0x1d9: {  	v63 =	vmul.f32 v6, v3;
	[tilespmem:s31+$0x30] =	vst v5  }
0x1da: {  	v1 =	vmul.f32 v4, v3;
	[tilespmem:s31+$0x10] =	vst v2  }
0x1db: {  	v2 =	vmul.f32 v7, v3;
	[tilespmem:s31+$0x20] =	vst v63  }
0x1dc: {  	[tilespmem:s31+$0x70] =	vst v1;
	v1 =	vmul.f32 v8, v3  }
0x1dd: {  	v3 =	vmul.f32 v9, v3;
	[tilespmem:s31+$0x60] =	vst v2  }
0x1de: {  	[tilespmem:s31+$0x40] =	vst v1  }
0x1df: {  	[tilespmem:s31+$0x50] =	vst v3  }
0x1e0: {  	[spmem:s3] =	stream.indirect.scatter.add.f32 [tilespmem:s0], [sflag:$0x5], $0x80, s14, s16, $0xb8;
	[tilespmem:$0x1C480] =	vst v63  }
.LBB2_12:
0x1e1: {  	s8 =	sadd.s32 s30, s29  }
0x1e2: {  	p0 =	sgt.u32 s8, $0x9C3  }
.Ltmp9:
0x1e3: {  	_ = 	snop;
	(pc) =	sbr.rel @p0 .LBB2_16-.Ltmp9, $1  }
0x1e4: {  	_ =	sdelay $0x3  }
0x1e5: {  	p0 =	sgt.u32 s8, $0x9A3  }
0x1e6: {  	s9 =	simm.s32 @!p0 $0x5  }
0x1e7: {  	s8 =	sadd.s32 $0x20, s8;
	_ =	swait.ge @!p0 [sflag:s9], $0x4000  }
0x1e8: {  	s10 =	sshll.u32 @!p0 s8, $0x5;
	[sflag:s9] =	ssyncset.done @!p0 $0x0  }
0x1e9: {  	s11 =	simm.s32 @!p0 $0x0;
	[sflag:s9] =	ssyncadd.s32 @!p0 $0xFFFFC000;
	s9 =	sadd.s32 @!p0 s2, s10  }
0x1ea: {  	[tilespmem:s11], [sflag:$0x7] =	stream.linear.gather @!p0 [hbm4b:s9+s11], $0x80, $0x38;
	[tilespmem:$0x1C480] =	vst v63  }
0x1eb: {  	s9 =	simm.s32 @!p0 $0x7  }
0x1ec: {  	_ =	swait.ge @!p0 [sflag:s9], $0x80  }
0x1ed: {  	[sflag:s9] =	ssyncset.done @!p0 $0x0  }
0x1ee: {  	s25 =	simm.s32 @!p0 $0x100;
	s10 =	sadd.s32 @!p0 s10, s12;
	[sflag:s9] =	ssyncadd.s32 @!p0 $0xFFFFFF80  }
0x1ef: {  	[tilespmem:s25], [sflag:$0x7] =	stream.linear.gather @!p0 [hbm4b:s10+s11], $0x80, $0x38;
	[tilespmem:$0x1C480] =	vst v63  }
0x1f0: {  	_ =	swait.ge @!p0 [sflag:s9], $0x80  }
0x1f1: {  	s8 =	sshll.u32 @!p0 s8, $0x4;
	[sflag:s9] =	ssyncset.done @!p0 $0x0  }
0x1f2: {  	s8 =	sadd.s32 @!p0 s6, s8;
	s10 =	simm.s32 @!p0 $0x200;
	[sflag:s9] =	ssyncadd.s32 @!p0 $0xFFFFFF80  }
0x1f3: {  	[tilespmem:s10], [sflag:$0x7] =	stream.linear.gather @!p0 [hbm4b:s8+s11], $0x80, $0x38;
	[tilespmem:$0x1C480] =	vst v63  }
0x1f4: {  	_ =	swait.ge @!p0 [sflag:s9], $0x80  }
0x1f5: {  	[sflag:s9] =	ssyncset.done @!p0 $0x0  }
0x1f6: {  	s8 =	simm.s32 @!p0 $0x80;
	[sflag:s9] =	ssyncadd.s32 @!p0 $0xFFFFFF80;
	s9 =	simm.s32 @!p0 $0x300  }
0x1f7: {  	[tilespmem:s9], [sflag:$0x3] =	stream.indirect.gather @!p0 [hbm4b:s7+s8], $0x1, s25, s8, $0xb8;
	[tilespmem:$0x1C480] =	vst v63  }
0x1f8: {  	s9 =	simm.s32 @!p0 $0x400  }
0x1f9: {  	[tilespmem:s9], [sflag:$0x1] =	stream.indirect.gather @!p0 [hbm4b:s1+s8], $0x80, s11, s8, $0xb8;
	[tilespmem:$0x1C480] =	vst v63  }
0x1fa: {  	_ =	swait.ge [sflag:s22], $0x80  }
0x1fb: {  	[sflag:s22] =	ssyncset.done $0x0  }
0x1fc: {  	[sflag:s22] =	ssyncadd.s32 $0xFFFFFF80  }
0x1fd: {  	_ =	swait.ge [sflag:s24], $0x4000  }
0x1fe: {  	[sflag:s24] =	ssyncset.done $0x0  }
0x1ff: {  	[sflag:s24] =	ssyncadd.s32 $0xFFFFC000  }
0x200: {  	v1 =	vld [tilespmem:$0x380]  }
0x201: {  	v2 =	vld [tilespmem:$0x390]  }
0x202: {  	v3 =	vld [tilespmem:$0x3A0]  }
0x203: {  	v4 =	vld [tilespmem:$0x3B0]  }
0x204: {  	v5 =	vld [tilespmem:$0x3C0]  }
0x205: {  	(erf) = vrcp.f32 v1;
	v1 =	vld [tilespmem:$0x3D0]  }
0x206: {  	(erf) = vrcp.f32 v2;
	v2 =	vld [tilespmem:$0x3E0]  }
0x207: {  	(erf) = vrcp.f32 v3;
	v3 =	vld [tilespmem:$0x3F0]  }
0x208: {  	(erf) = vrcp.f32 v4  }
0x209: {  	(erf) = vrcp.f32 v5  }
0x20a: {  	v4 =	vld [tilespmem:$0x280];
	(erf) = vrcp.f32 v1  }
0x20b: {  	v1 =	vld [tilespmem:$0x290];
	(erf) = vrcp.f32 v2  }
0x20c: {  	v2 =	vld [tilespmem:$0x2A0];
	(erf) = vrcp.f32 v3  }
0x20d: {  	v3 =	vld [tilespmem:$0x2B0]  }
0x20e: {  	v6 =	vld [tilespmem:$0x2C0];
	v5 =	vpop (erf)  }
0x20f: {  	v7 =	vpop (erf);
	v4 =	vmul.f32 v5, v4;
	v5 =	vld [tilespmem:$0x2D0]  }
0x210: {  	v8 =	vpop (erf);
	v1 =	vmul.f32 v7, v1;
	v7 =	vld [tilespmem:$0x2E0]  }
0x211: {  	v9 =	vpop (erf);
	[tilespmem:$0x8400] =	vst v4;
	v2 =	vmul.f32 v8, v2;
	v4 =	vld [tilespmem:$0x2F0]  }
0x212: {  	v61 =	vpop (erf);
	[tilespmem:$0x8410] =	vst v1;
	v1 =	vmul.f32 v9, v3  }
0x213: {  	v3 =	vpop (erf);
	[tilespmem:$0x8420] =	vst v2;
	v2 =	vmul.f32 v61, v6  }
0x214: {  	s25 =	simm.s32 $0x0;
	v6 =	vpop (erf);
	[tilespmem:$0x8430] =	vst v1;
	v1 =	vmul.f32 v3, v5  }
0x215: {  	v5 =	vmov s25;
	[tilespmem:$0x8440] =	vst v2;
	v2 =	vmul.f32 v6, v7;
	v3 =	vpop (erf)  }
0x216: {  	[tilespmem:$0x8450] =	vst v1;
	v1 =	vmul.f32 v3, v4;
	v3 =	vand.u32 $0xFFFFFFFE, v5  }
0x217: {  	[tilespmem:$0x8460] =	vst v2;
	v2 =	vbroadcast v3, $0x0;
	_ =	sdelay $0x3  }
0x218: {  	s29 =	simm.s32 $0x4480;
	[tilespmem:$0x8470] =	vst v1  }
0x219: {  	v5 =	vld [tilespmem:s29+$0xFFFFFFF0]  }
0x21a: {  	v6 =	vld.idx.msk [tilespmem:v2+s21+$0x0], $0xffff  }
0x21b: {  	v7 =	vld [tilespmem:s29+$0xFFFFFF80]  }
0x21c: {  	v62 =	vld [tilespmem:s29+$0xFFFFFFA0]  }
0x21d: {  	v4 =	vld [tilespmem:s29+$0xFFFFFFB0]  }
0x21e: {  	v3 =	vld [tilespmem:s29+$0xFFFFFFD0]  }
0x21f: {  	v10 =	vld [tilespmem:s29+$0xFFFFFF90];
	v5 =	vmul.f32 v5, v6  }
0x220: {  	v63 =	vld [tilespmem:s29+$0xFFFFFFE0];
	v7 =	vmul.f32 v7, v6  }
0x221: {  	v11 =	vld [tilespmem:s29+$0xFFFFFFC0];
	v8 =	vmul.f32 v62, v6;
	[tilespmem:s29+$0xFFFFFFF0] =	vst v5  }
0x222: {  	v4 =	vmul.f32 v4, v6;
	[tilespmem:s29+$0xFFFFFF80] =	vst v7  }
0x223: {  	s31 =	simm.s32 $0x1;
	v3 =	vmul.f32 v3, v6;
	[tilespmem:s29+$0xFFFFFFA0] =	vst v8  }
0x224: {  	v5 =	vmul.f32 v10, v6;
	[tilespmem:s29+$0xFFFFFFB0] =	vst v4;
	v7 =	vmov s31  }
0x225: {  	v1 =	vld [tilespmem:s29+$0x0];
	v4 =	vmul.f32 v63, v6;
	[tilespmem:s29+$0xFFFFFFD0] =	vst v3  }
0x226: {  	v2 =	vld [tilespmem:s29+$0x10];
	v3 =	vmul.f32 v11, v6;
	[tilespmem:s29+$0xFFFFFF90] =	vst v5  }
0x227: {  	[tilespmem:s29+$0xFFFFFFE0] =	vst v4;
	v5 =	vld [tilespmem:s29+$0x30]  }
0x228: {  	[tilespmem:s29+$0xFFFFFFC0] =	vst v3;
	v4 =	vld [tilespmem:s29+$0x70]  }
0x229: {  	s8 =	simm.s32 $0x4480;
	s25 =	simm.s32 $0x2;
	v3 =	vld.idx.msk [tilespmem:v7+s21+$0x0], $0xffff  }
.LBB2_14:
0x22a: {  	p0 =	sne.s32 s25, $0x7E  }
0x22b: {  	v6 =	vld [tilespmem:s29+$0x20];
	s8 =	sadd.s32 $0x100, s8;
	s9 =	smov.u32 s25;
	s25 =	sadd.s32 $0x2, s25  }
0x22c: {  	v7 =	vld [tilespmem:s29+$0x40]  }
0x22d: {  	v8 =	vld [tilespmem:s29+$0x50]  }
0x22e: {  	v9 =	vld [tilespmem:s29+$0x60];
	_ =	sdelay $0x1  }
0x22f: {  	v1 =	vmul.f32 v1, v3;
	v2 =	vmul.f32 v2, v3  }
0x230: {  	v5 =	vmul.f32 v5, v3;
	v6 =	vmul.f32 v6, v3  }
0x231: {  	v10 =	vmov s9;
	v7 =	vmul.f32 v7, v3;
	[tilespmem:s29+$0x0] =	vst v1;
	v8 =	vmul.f32 v8, v3  }
0x232: {  	v10 =	vand.u32 $0xFFFFFFFE, v10;
	v1 =	vld [tilespmem:s8+$0x0];
	[tilespmem:s29+$0x30] =	vst v5;
	v5 =	vmul.f32 v9, v3;
	v3 =	vmul.f32 v4, v3  }
0x233: {  	v4 =	vbroadcast v10, $0x0;
	[tilespmem:s29+$0x10] =	vst v2  }
0x234: {  	[tilespmem:s29+$0x70] =	vst v3  }
0x235: {  	v3 =	vld [tilespmem:s8+$0xFFFFFFD0];
	[tilespmem:s29+$0x20] =	vst v6  }
0x236: {  	v6 =	vld [tilespmem:s8+$0xFFFFFFB0];
	[tilespmem:s29+$0x60] =	vst v5  }
0x237: {  	v5 =	vld [tilespmem:s8+$0xFFFFFFE0];
	[tilespmem:s29+$0x40] =	vst v7  }
0x238: {  	v7 =	vld [tilespmem:s8+$0xFFFFFFF0];
	[tilespmem:s29+$0x50] =	vst v8;
	s29 =	smov.u32 s8  }
0x239: {  	v4 =	vld.idx.msk [tilespmem:v4+s21+$0x0], $0xffff  }
0x23a: {  	v8 =	vld [tilespmem:s8+$0xFFFFFF80]  }
0x23b: {  	v9 =	vld [tilespmem:s8+$0xFFFFFFA0]  }
0x23c: {  	v10 =	vld [tilespmem:s8+$0xFFFFFF90]  }
0x23d: {  	v11 =	vld [tilespmem:s8+$0xFFFFFFC0]  }
0x23e: {  	v2 =	vld [tilespmem:s8+$0x10]  }
0x23f: {  	v7 =	vmul.f32 v7, v4;
	v8 =	vmul.f32 v8, v4  }
0x240: {  	v5 =	vmul.f32 v5, v4;
	v9 =	vmul.f32 v9, v4  }
0x241: {  	v6 =	vmul.f32 v6, v4;
	v10 =	vmul.f32 v10, v4;
	[tilespmem:s8+$0xFFFFFFF0] =	vst v7  }
0x242: {  	v3 =	vmul.f32 v3, v4;
	[tilespmem:s8+$0xFFFFFF80] =	vst v8;
	v7 =	vmul.f32 v11, v4  }
0x243: {  	s9 =	sadd.s32 $0x1, s9;
	[tilespmem:s8+$0xFFFFFFA0] =	vst v9  }
0x244: {  	[tilespmem:s8+$0xFFFFFFB0] =	vst v6;
	v6 =	vmov s9  }
.Ltmp10:
0x245: {  	[tilespmem:s8+$0xFFFFFFD0] =	vst v3;
	(pc) =	sbr.rel @p0 .LBB2_14-.Ltmp10, $4  }
0x246: {  	[tilespmem:s8+$0xFFFFFF90] =	vst v10  }
0x247: {  	[tilespmem:s8+$0xFFFFFFE0] =	vst v5;
	v5 =	vld [tilespmem:s8+$0x30]  }
0x248: {  	[tilespmem:s8+$0xFFFFFFC0] =	vst v7;
	v4 =	vld [tilespmem:s8+$0x70]  }
0x249: {  	v3 =	vld.idx.msk [tilespmem:v6+s21+$0x0], $0xffff  }
0x24a: {  	_ =	sdelay $0x1  }
0x24b: {  	v6 =	vld [tilespmem:s29+$0x20];
	_ =	sdelay $0x1  }
0x24c: {  	v7 =	vld [tilespmem:s29+$0x60];
	v1 =	vmul.f32 v1, v3  }
0x24d: {  	v8 =	vld [tilespmem:s29+$0x40];
	v5 =	vmul.f32 v5, v3  }
0x24e: {  	v9 =	vld [tilespmem:s29+$0x50];
	v2 =	vmul.f32 v2, v3;
	[tilespmem:s29+$0x0] =	vst v1  }
0x24f: {  	v63 =	vmul.f32 v6, v3;
	[tilespmem:s29+$0x30] =	vst v5  }
0x250: {  	v1 =	vmul.f32 v4, v3;
	[tilespmem:s29+$0x10] =	vst v2  }
0x251: {  	v2 =	vmul.f32 v7, v3;
	[tilespmem:s29+$0x20] =	vst v63  }
.Ltmp11:
0x252: {  	[tilespmem:s29+$0x70] =	vst v1;
	v1 =	vmul.f32 v8, v3;
	(pc) =	sbr.rel .LBB2_16-.Ltmp11, $4  }
0x253: {  	v3 =	vmul.f32 v9, v3;
	[tilespmem:s29+$0x60] =	vst v2  }
0x254: {  	[tilespmem:s29+$0x40] =	vst v1  }
0x255: {  	[tilespmem:s29+$0x50] =	vst v3  }
0x256: {  	[spmem:s3] =	stream.indirect.scatter.add.f32 [tilespmem:s19], [sflag:$0x6], $0x80, s18, s16, $0xb8;
	[tilespmem:$0x1C480] =	vst v63  }
.LBB2_18:
0x257: {  	_ =	sfence.sel $0x180000  }
0x258: {  	[bflag:$0x0] =	sbarrier.arrive $0xFFFF  }
0x259: {  	_ =	strace $0x9000004A  }
0x25a: {  	s0 =	stileid.u32;
	[bflag:$0x2] =	sbarrier.arrive $0xFFFF  }
0x25b: {  	p0 =	sne.s32 s0, $0x0;
	s0 =	rddreg [dreg:$0x4]  }
0x25c: {  	s0 =	sadd.s32 @!p0 $0x100000, s0  }
0x25d: {  	[sflag:s0] =	ssyncadd.tile.s32 @!p0 $0x1;
	_ =	shalt  }
.Lfunc_end2:
_tile_overlayer_lowered:
.L_overlay_start_2:
0x25e: {  	(tag) =	ssettag $0x2  }
0x25f: {  	s0 =	rddreg [dreg:$0x0];
	s2 =	stileid.u32  }
0x260: {  	s1 =	rddreg [dreg:$0x1];
	p0 =	sne.s32 s2, $0x0  }
0x261: {  	s3 =	rddreg [dreg:$0x2];
	[bflag:$0x3] =	sbarrier.arrive $0xFFFF;
	s2 =	simm.s32 @!p0 $0x1C07  }
0x262: {  	[timem:s3], [sflag:s2] =	dma.local @!p0 [hbm:s0], s1  }
0x263: {  	s0 =	simm.s32 @!p0 $0x7  }
0x264: {  	_ =	swait.ge @!p0 [sflag:s0], s1  }
0x265: {  	s1 =	ssub.s32 @!p0 $0x0, s1;
	[sflag:s0] =	ssyncset.done @!p0 $0x0  }
0x266: {  	[sflag:s0] =	ssyncadd.s32 @!p0 s1  }
0x267: {  	[bflag:$0x3] =	sbarrier.arrive $0xFFFF  }
0x268: {  	_ =	shalt  }

// kernel: kernel.8.cloned.1.call-start
scs
__scs_entry_jumppad:
0x0: {  	(pc) =	sbr.rel $0x88, $3  }
0x1: {  	(tag) =	ssettag $0x0;
	lr =	simm.s32 $0x1  }
0x2: {  	[smem:$0x3F9D] =	sst lr;
	_ =	strace $0xD0000000  }
0x3: {  	_ = 	snop  }
0x4: {  	_ = 	snop  }
0x5: {  	_ = 	snop  }
0x6: {  	_ = 	snop  }
0x7: {  	_ = 	snop  }
__scs_overlays_trampoline_lowered:
0x8: {  	[smem:$0x3FAC] =	sst s0  }
0x9: {  	[smem:$0x3FAD] =	sst s1  }
0xa: {  	[smem:$0x3FAE] =	sst s2  }
0xb: {  	[smem:$0x3FAF] =	sst s3  }
0xc: {  	[smem:$0x3FB0] =	sst s4  }
0xd: {  	[smem:$0x3FB1] =	sst s5  }
0xe: {  	[smem:$0x3FB2] =	sst s6  }
0xf: {  	[smem:$0x3FB3] =	sst s7  }
0x10: {  	[smem:$0x3FB4] =	sst s8  }
0x11: {  	[smem:$0x3FB5] =	sst s9;
	s0 =	simm.s32 @!p0 $0x0  }
0x12: {  	s1 =	sld [smem:$0x3F9B];
	s0 =	simm.s32 @p0 $0x1  }
0x13: {  	[smem:$0x3FB6] =	sst s0;
	s0 =	simm.s32 @!p1 $0x0  }
0x14: {  	s2 =	sld [smem:$0x3F9A];
	s0 =	simm.s32 @p1 $0x1  }
0x15: {  	[smem:$0x3FB7] =	sst s0;
	s0 =	simm.s32 @!p2 $0x0  }
0x16: {  	s3 =	sld [smem:$0x3FDB];
	s0 =	simm.s32 @p2 $0x1  }
0x17: {  	s4 =	simm.s32 $0x1BF5;
	[smem:$0x3FB9] =	sst s0  }
0x18: {  	s0 =	sld [smem:$0x3F9C];
	_ =	swait.ge [sflag:s4], $0x0  }
0x19: {  	s7 =	sld [smem:$0x3F9D]  }
0x1a: {  	s8 =	sadd.s32 $0xFFFFE003, lr  }
0x1b: {  	s9 =	sadd.s32 $0xFFFFFEF7, lr;
	s5 =	simm.s32 $0xFFFFFFFF;
	p2 =	slt.u32 s8, $0xFFFFF086  }
0x1c: {  	p1 =	slt.u32 s9, $0xF7A;
	s5 =	simm.s32 @!p2 $0x0  }
0x1d: {  	s5 =	simm.s32 @p1 $0x1;
	p0 =	seq.s32 s7, s2  }
0x1e: {  	s7 =	smul.u32 @!p0 $0xF7A, s2;
	p2 =	seq.s32 @!p0 s5, $0x0  }
0x1f: {  	s9 =	smul.u32 $0xF7A, s1;
	s8 =	simm.s32 @!p0 $0x1BF5;
	p2 =	por !p2, p0  }
0x20: {  	[sflag:s8] =	ssyncset.s32 @!p0 $0xFFFFF086;
	s6 =	sadd.s32 @!p0 s3, s7;
	s7 =	simm.s32 @!p0 $0x108  }
0x21: {  	s3 =	sadd.s32 s3, s9;
	s6 =	sadd.s32 @!p0 $0x88, s6;
	s7 =	simm.s32 @p2 $0x1082  }
0x22: {  	[simem:s7], [sflag:s8] =	dma.local @!p0 [hbm:s6], $0xF7A  }
0x23: {  	s9 =	sor.u32 $0xD0000000, s2;
	s6 =	simm.s32 $0x108;
	_ =	swait.ge @!p0 [sflag:s8], $0x0  }
0x24: {  	s3 =	sadd.s32 $0x88, s3;
	s6 =	simm.s32 @!p1 $0x1082;
	[sflag:s4] =	ssyncset.s32 $0xFFFFF086  }
0x25: {  	[simem:s6], [sflag:s4] =	dma.local [hbm:s3], $0xF7A  }
0x26: {  	[smem:$0x3F9D] =	sst s1;
	(tag) =	ssettag s2;
	_ =	strace s9  }
0x27: {  	s1 =	sld [smem:$0x3FAD]  }
0x28: {  	s2 =	sld [smem:$0x3FAE]  }
0x29: {  	s4 =	sld [smem:$0x3FB0]  }
0x2a: {  	p0 =	seq.s32 s5, $0x0;
	s5 =	sld [smem:$0x3FB1]  }
0x2b: {  	s6 =	sld [smem:$0x3FB2]  }
0x2c: {  	s7 =	sld [smem:$0x3FB3]  }
0x2d: {  	s3 =	simm.s32 $0x108;
	s8 =	sld [smem:$0x3FB4]  }
0x2e: {  	s3 =	simm.s32 @!p0 $0x1082;
	s9 =	sld [smem:$0x3FB5]  }
0x2f: {  	lr =	sadd.s32 s0, s3;
	s0 =	sld [smem:$0x3FAC]  }
0x30: {  	s3 =	sld [smem:$0x3FAF]  }
0x31: {  	[smem:$0x3FB8] =	sst s10  }
0x32: {  	s10 =	sld [smem:$0x3FB6];
	_ =	sdelay $0x3  }
0x33: {  	p0 =	seq.s32 s10, $0x1;
	s10 =	sld [smem:$0x3FB8];
	_ =	sdelay $0x3  }
0x34: {  	[smem:$0x3FB8] =	sst s10  }
0x35: {  	s10 =	sld [smem:$0x3FB7];
	_ =	sdelay $0x3  }
0x36: {  	p1 =	seq.s32 s10, $0x1;
	s10 =	sld [smem:$0x3FB8];
	_ =	sdelay $0x3  }
0x37: {  	[smem:$0x3FB8] =	sst s10  }
0x38: {  	s10 =	sld [smem:$0x3FB9]  }
0x39: {  	_ = 	snop;
	(pc) =	sbr.ind lr, $3  }
0x3a: {  	_ = 	snop  }
0x3b: {  	_ = 	snop  }
0x3c: {  	p2 =	seq.s32 s10, $0x1;
	s10 =	sld [smem:$0x3FB8]  }
0x3d: {  	_ =	shalt  }
0x3e: {  	_ =	shalt  }
0x3f: {  	_ =	shalt  }
0x40: {  	_ =	shalt  }
0x41: {  	_ =	shalt  }
0x42: {  	_ =	shalt  }
0x43: {  	_ =	shalt  }
0x44: {  	_ =	shalt  }
0x45: {  	_ =	shalt  }
0x46: {  	_ =	shalt  }
0x47: {  	_ =	shalt  }
0x48: {  	_ =	shalt  }
0x49: {  	_ =	shalt  }
0x4a: {  	_ =	shalt  }
0x4b: {  	_ =	shalt  }
0x4c: {  	_ =	shalt  }
0x4d: {  	_ =	shalt  }
0x4e: {  	_ =	shalt  }
0x4f: {  	_ =	shalt  }
0x50: {  	_ =	shalt  }
0x51: {  	_ =	shalt  }
0x52: {  	_ =	shalt  }
0x53: {  	_ =	shalt  }
0x54: {  	_ =	shalt  }
0x55: {  	_ =	shalt  }
0x56: {  	_ =	shalt  }
0x57: {  	_ =	shalt  }
0x58: {  	_ =	shalt  }
0x59: {  	_ =	shalt  }
0x5a: {  	_ =	shalt  }
0x5b: {  	_ =	shalt  }
0x5c: {  	_ =	shalt  }
0x5d: {  	_ =	shalt  }
0x5e: {  	_ =	shalt  }
0x5f: {  	_ =	shalt  }
0x60: {  	_ =	shalt  }
0x61: {  	_ =	shalt  }
0x62: {  	_ =	shalt  }
0x63: {  	_ =	shalt  }
0x64: {  	_ =	shalt  }
0x65: {  	_ =	shalt  }
0x66: {  	_ =	shalt  }
0x67: {  	_ =	shalt  }
0x68: {  	_ =	shalt  }
0x69: {  	_ =	shalt  }
0x6a: {  	_ =	shalt  }
0x6b: {  	_ =	shalt  }
0x6c: {  	_ =	shalt  }
0x6d: {  	_ =	shalt  }
0x6e: {  	_ =	shalt  }
0x6f: {  	_ =	shalt  }
0x70: {  	_ =	shalt  }
0x71: {  	_ =	shalt  }
0x72: {  	_ =	shalt  }
0x73: {  	_ =	shalt  }
0x74: {  	_ =	shalt  }
0x75: {  	_ =	shalt  }
0x76: {  	_ =	shalt  }
0x77: {  	_ =	shalt  }
0x78: {  	_ =	shalt  }
0x79: {  	_ =	shalt  }
0x7a: {  	_ =	shalt  }
0x7b: {  	_ =	shalt  }
0x7c: {  	_ =	shalt  }
0x7d: {  	_ =	shalt  }
0x7e: {  	_ =	shalt  }
0x7f: {  	_ =	shalt  }
0x80: {  	_ =	shalt  }
0x81: {  	_ =	shalt  }
0x82: {  	_ =	shalt  }
0x83: {  	_ =	shalt  }
0x84: {  	_ =	shalt  }
0x85: {  	_ =	shalt  }
0x86: {  	_ =	shalt  }
0x87: {  	_ =	shalt  }
.Lfunc_end0:
.L_simem_size_0:
called_computation_lowered:
.L_overlay_start_0:
0x88: {  	s2 =	sld [smem:$0x3FD9]  }
0x89: {  	s3 =	sld [smem:$0x3FFE];
	_ =	sdelay $0x1  }
0x8a: {  	s1 =	srdreg.scid  }
0x8b: {  	s0 =	sand.u32 $0x1, s1  }
0x8c: {  	s17 =	sshll.u32 s0, $0xA;
	s2 =	sadd.s32 s3, s2  }
0x8d: {  	s2 =	sadd.s32 s2, s17  }
0x8e: {  	[smem:$0x3FC4] =	sst s2  }
0x8f: {  	_ = 	snop  }
0x90: {  	s2 =	sld [smem:$0x3FC8];
	(tm) =	ssettm $0x1  }
0x91: {  	s18 =	sld [smem:$0x3FFB];
	_ =	sdelay $0x3  }
0x92: {  	_ =	strace s18  }
0x93: {  	s3 =	sld [smem:$0x3FFC];
	_ =	sdelay $0x3  }
0x94: {  	_ =	strace s3  }
0x95: {  	s3 =	sld [smem:$0x3FFD];
	_ =	sdelay $0x3  }
0x96: {  	_ =	strace s3  }
0x97: {  	_ =	strace $0x8FFFFFFF  }
0x98: {  	s19 =	sld [smem:$0x3FDB];
	_ =	sdelay $0x1  }
0x99: {  	s4 =	simm.s32 $_scs_section_size  }
0x9a: {  	s5 =	simm.s32 $_size__tile_overlayer_lowered;
	s6 =	simm.s32 $_tile_overlayer_lowered  }
0x9b: {  	s22 =	simm.s32 $0x1BFF;
	s21 =	sshll.u32 s6, $0x1;
	s3 =	sadd.s32 s4, s19  }
0x9c: {  	s7 =	simm.s32 $0x0;
	s20 =	sshll.u32 s5, $0x1;
	s5 =	sadd.s32 s21, s3  }
0x9d: {  	[timem:s7], [sflag:s22] =	dma.local [hbm:s5], s20  }
0x9e: {  	_ =	swait.ge [sflag:s22], s20  }
0x9f: {  	s4 =	ssub.s32 $0x0, s20;
	[sflag:s22] =	ssyncset.done $0x0  }
0xa0: {  	[sflag:s22] =	ssyncadd.s32 s4;
	_ =	sdelay $0x1  }
0xa1: {  	s23 =	simm.s32 $0x1B8B  }
0xa2: {  	_ =	swait.ge [sflag:s23], $0x1  }
0xa3: {  	[sflag:s23] =	ssyncset.done $0x0  }
0xa4: {  	s25 =	simm.s32 $0x1B8E;
	s24 =	sld [smem:$0x3FFE];
	[sflag:s23] =	ssyncadd.s32 $0xFFFFFFFF  }
0xa5: {  	s26 =	simm.s32 $execute0_lowered;
	[smem:$0x3FD2] =	sst s25  }
0xa6: {  	s5 =	sshll.u32 s26, $0x1;
	_ =	strace $0x80000046;
	[dreg:$0x1] =	wrdreg $0xFFFFFFFF  }
0xa7: {  	s28 =	simm.s32 $_size_execute0_lowered;
	s3 =	sadd.s32 s3, s5;
	[dreg:$0x0] =	wrdreg $0x0  }
0xa8: {  	s5 =	sshll.u32 s28, $0x1;
	[dreg:$0x2] =	wrdreg s3  }
0xa9: {  	[dreg:$0x3] =	wrdreg s5  }
0xaa: {  	[dreg:$0x4] =	wrdreg $0xC0  }
0xab: {  	_ =	task [dreg:s7], $0x5FFFF  }
0xac: {  	[dreg:$0x1] =	wrdreg $0xFFFFFFFF  }
0xad: {  	[dreg:$0x0] =	wrdreg $0x60  }
0xae: {  	[dreg:$0x2] =	wrdreg s24  }
0xaf: {  	[dreg:$0x3] =	wrdreg s2  }
0xb0: {  	[dreg:$0x4] =	wrdreg $0x86000  }
0xb1: {  	[dreg:$0x5] =	wrdreg $0x9  }
0xb2: {  	_ =	task.clear_ibuf [dreg:s7], $0x6FFFF;
	_ =	strace $0x90000046  }
0xb3: {  	s29 =	simm.s32 $0x9;
	_ =	strace $0x80000048  }
0xb4: {  	_ =	swait.ge [sflag:s29], $0x1  }
0xb5: {  	[sflag:s29] =	ssyncadd.s32 $0xFFFFFFFF  }
0xb6: {  	_ =	strace $0x90000048  }
0xb7: {  	_ =	sfence  }
0xb8: {  	s30 =	sld [smem:$0x0];
	_ =	sdelay $0x2  }
0xb9: {  	s31 =	sshll.u32 s1, $0xD;
	s1 =	sshrl.u32 s1, $0x2  }
0xba: {  	s3 =	sand.u32 $0x4000, s31;
	s1 =	sadd.s32 s1, s30  }
0xbb: {  	s0 =	sor.u32 s3, s0;
	s1 =	sshll.u32 s1, $0x11  }
0xbc: {  	s0 =	sor.u32 s1, s0  }
0xbd: {  	s0 =	sadd.s32 $0x8F2B, s0  }
0xbe: {  	[sflag:s0] =	ssyncadd.remote.s32 $0x1  }
0xbf: {  	_ =	sfence.sel $0xFFFF  }
0xc0: {  	[dreg:$0x0] =	wrdreg $0xFFFFFFFF;
	(pc) =	sbr.abs _section_cstart, $3  }
0xc1: {  	[dreg:$0x1] =	wrdreg $0xFFFFFFFF  }
0xc2: {  	_ =	task.clear_ibuf [dreg:s7], $0x2FFFF;
	_ =	strace $0x9FFFFFFF  }
0xc3: {  	(tm) =	ssettm $0x7FFFFFFF  }
tec
execute0_lowered:
.L_overlay_start_1:
0x0: {  	(tag) =	ssettag $0x1  }
0x1: {  	s9 =	rddreg [dreg:$0x0]  }
0x2: {  	s10 =	rddreg [dreg:$0x1]  }
0x3: {  	s1 =	rddreg [dreg:$0x2];
	s2 =	simm.s32 $0x0  }
0x4: {  	s3 =	srdreg.scid;
	s15 =	simm.s32 $0xC37800;
	s17 =	simm.s32 $0x200  }
0x5: {  	s18 =	simm.s32 $0x300;
	s19 =	simm.s32 $0x4;
	s20 =	simm.s32 $0x180  }
0x6: {  	s21 =	simm.s32 $0x280;
	s22 =	simm.s32 $0x4300;
	s23 =	simm.s32 $0x1  }
0x7: {  	s24 =	simm.s32 $0x8300;
	s25 =	simm.s32 $0x2;
	s26 =	simm.s32 $0x0  }
0x8: {  	[smem:$0x7FF] =	sst s2;
	s4 =	sadd.s32 $0x2200, s9;
	s11 =	sand.u32 $0x1, s3  }
0x9: {  	s3 =	stileid.u32;
	_ =	strace $0x80000047;
	s5 =	sshll.u32 s11, $0x8  }
0xa: {  	s6 =	sshll.u32 s11, $0x4;
	s7 =	ssub.s32 $0x2, s11;
	s8 =	smul.u32 $0x280, s3  }
0xb: {  	p0 =	seq.s32 s11, $0x1;
	s30 =	sshll.u32 s3, $0x4;
	s11 =	sshll.u32 s11, $0x9  }
0xc: {  	s31 =	sshll.u32 s3, $0x5;
	s12 =	sor.u32 s3, s6;
	s13 =	sadd.s32 s5, s9  }
0xd: {  	s29 =	sshrl.u32 s7, $0x1;
	s15 =	simm.s32 @!p0 $0xC37200;
	s11 =	sadd.s32 s11, s10  }
0xe: {  	v0 =	vlaneseq.u32;
	s6 =	sshll.u32 s12, $0x5;
	s14 =	ssub.s32 s7, s29;
	s5 =	sadd.s32 s8, s1  }
.Ltmp0:
0xf: {  	v0 =	vmul.u32 $0x80, v0;
	s16 =	sshrl.u32 s8, $0x3;
	s9 =	sadd.s32 s15, s9;
	(pc) =	sbr.rel .LBB2_1-.Ltmp0, $4  }
0x10: {  	s13 =	sadd.s32 s30, s13;
	s11 =	sadd.s32 s31, s11;
	s12 =	sor.u32 $0x20, s12  }
0x11: {  	v1 =	vimm.f32 $0.0e+00;
	v2 =	vor.u32 $0x800, v0;
	s15 =	simm.s32 $0x100;
	s6 =	sadd.s32 s10, s6;
	s8 =	smax.u32 s14, $0x1  }
0x12: {  	v3 =	vor.u32 $0x1000, v0;
	v4 =	vor.u32 $0x1800, v0;
	v5 =	vor.u32 $0x2000, v0;
	s9 =	sadd.s32 s9, s16;
	s10 =	sadd.s32 $0xC37E00, s13;
	s13 =	simm.s32 $0x8380  }
0x13: {  	v6 =	vor.u32 $0x2800, v0;
	v7 =	vor.u32 $0x3000, v0;
	v8 =	vor.u32 $0x3800, v0;
	s14 =	simm.s32 $0x3;
	s16 =	simm.s32 $0x80;
	s7 =	sadd.s32 $0x10, s6  }
.LBB2_10:
0x14: {  	[bflag:$0x0] =	sbarrier.arrive $0xFFFF  }
0x15: {  	[tilespmem:s13], [sflag:$0x3] =	stream.linear.gather [spmem:s5], $0x280, $0x38;
	[tilespmem:$0x8880] =	vst v63  }
0x16: {  	s26 =	sadd.s32 $0x1, s26;
	_ =	swait.ge [sflag:s14], $0x280  }
0x17: {  	p0 =	sne.s32 s26, s8;
	[sflag:s14] =	ssyncset.done $0x0  }
.Ltmp1:
0x18: {  	[sflag:s14] =	ssyncadd.s32 $0xFFFFFD80;
	(pc) =	sbr.rel @!p0 .LBB2_11-.Ltmp1, $4  }
0x19: {  	[hbm4b:s9+s2] =	stream.linear.scatter [tilespmem:s13], [sflag:$0x3], $0x280, $0x38;
	[tilespmem:$0x8880] =	vst v63  }
0x1a: {  	_ =	swait.ge [sflag:s14], $0x280  }
0x1b: {  	[sflag:s14] =	ssyncset.done $0x0  }
0x1c: {  	[sflag:s14] =	ssyncadd.s32 $0xFFFFFD80  }
.LBB2_1:
0x1d: {  	[tilespmem:$0x8380] =	vst v1  }
0x1e: {  	[tilespmem:$0x8390] =	vst v1  }
0x1f: {  	[tilespmem:$0x83A0] =	vst v1  }
0x20: {  	[tilespmem:$0x83B0] =	vst v1  }
0x21: {  	[tilespmem:$0x83C0] =	vst v1  }
0x22: {  	[tilespmem:$0x83D0] =	vst v1  }
0x23: {  	[tilespmem:$0x83E0] =	vst v1  }
0x24: {  	[tilespmem:$0x83F0] =	vst v1  }
0x25: {  	[tilespmem:$0x8400] =	vst v1  }
0x26: {  	[tilespmem:$0x8410] =	vst v1  }
0x27: {  	[tilespmem:$0x8420] =	vst v1  }
0x28: {  	[tilespmem:$0x8430] =	vst v1  }
0x29: {  	[tilespmem:$0x8440] =	vst v1  }
0x2a: {  	[tilespmem:$0x8450] =	vst v1  }
0x2b: {  	[tilespmem:$0x8460] =	vst v1  }
0x2c: {  	[tilespmem:$0x8470] =	vst v1  }
0x2d: {  	[tilespmem:$0x8480] =	vst v1  }
0x2e: {  	[tilespmem:$0x8490] =	vst v1  }
0x2f: {  	[tilespmem:$0x84A0] =	vst v1  }
0x30: {  	[tilespmem:$0x84B0] =	vst v1  }
0x31: {  	[tilespmem:$0x84C0] =	vst v1  }
0x32: {  	[tilespmem:$0x84D0] =	vst v1  }
0x33: {  	[tilespmem:$0x84E0] =	vst v1  }
0x34: {  	[tilespmem:$0x84F0] =	vst v1  }
0x35: {  	[tilespmem:$0x8500] =	vst v1  }
0x36: {  	[tilespmem:$0x8510] =	vst v1  }
0x37: {  	[tilespmem:$0x8520] =	vst v1  }
0x38: {  	[tilespmem:$0x8530] =	vst v1  }
0x39: {  	[tilespmem:$0x8540] =	vst v1  }
0x3a: {  	[tilespmem:$0x8550] =	vst v1  }
0x3b: {  	[tilespmem:$0x8560] =	vst v1  }
0x3c: {  	[tilespmem:$0x8570] =	vst v1  }
0x3d: {  	[tilespmem:$0x8580] =	vst v1  }
0x3e: {  	[tilespmem:$0x8590] =	vst v1  }
0x3f: {  	[tilespmem:$0x85A0] =	vst v1  }
0x40: {  	[tilespmem:$0x85B0] =	vst v1  }
0x41: {  	[tilespmem:$0x85C0] =	vst v1  }
0x42: {  	[tilespmem:$0x85D0] =	vst v1  }
0x43: {  	[tilespmem:$0x85E0] =	vst v1  }
0x44: {  	[tilespmem:$0x85F0] =	vst v1  }
0x45: {  	[spmem:s5] =	stream.linear.scatter [tilespmem:s13], [sflag:$0x3], $0x280, $0x38;
	[tilespmem:$0x8880] =	vst v63  }
0x46: {  	_ =	swait.ge [sflag:s14], $0x280  }
0x47: {  	[sflag:s14] =	ssyncset.done $0x0  }
0x48: {  	[sflag:s14] =	ssyncadd.s32 $0xFFFFFD80  }
0x49: {  	[bflag:$0x0] =	sbarrier.arrive $0xFFFF  }
0x4a: {  	[tilespmem:s2], [sflag:$0x3] =	stream.linear.gather [hbm4b:s6+s2], $0x80, $0x38;
	[tilespmem:$0x8880] =	vst v63  }
0x4b: {  	_ =	swait.ge [sflag:s14], $0x80  }
0x4c: {  	[sflag:s14] =	ssyncset.done $0x0  }
0x4d: {  	[sflag:s14] =	ssyncadd.s32 $0xFFFFFF80  }
0x4e: {  	[tilespmem:s15], [sflag:$0x3] =	stream.linear.gather [hbm4b:s7+s2], $0x80, $0x38;
	[tilespmem:$0x8880] =	vst v63  }
0x4f: {  	_ =	swait.ge [sflag:s14], $0x80  }
0x50: {  	[sflag:s14] =	ssyncset.done $0x0  }
0x51: {  	[sflag:s14] =	ssyncadd.s32 $0xFFFFFF80  }
0x52: {  	v9 =	vld [tilespmem:$0x100]  }
0x53: {  	v10 =	vld [tilespmem:$0x0]  }
0x54: {  	v11 =	vld [tilespmem:$0x110]  }
0x55: {  	v12 =	vld [tilespmem:$0x10]  }
0x56: {  	v13 =	vld [tilespmem:$0x120]  }
0x57: {  	v14 =	vld [tilespmem:$0x20]  }
0x58: {  	v15 =	vld [tilespmem:$0x130]  }
0x59: {  	v16 =	vld [tilespmem:$0x30]  }
0x5a: {  	v17 =	vld [tilespmem:$0x140]  }
0x5b: {  	v18 =	vld [tilespmem:$0x40]  }
0x5c: {  	v19 =	vld [tilespmem:$0x150];
	v9 =	vshrl.u32 v9, $0x7  }
0x5d: {  	v20 =	vld [tilespmem:$0x160];
	v11 =	vshrl.u32 v11, $0x7;
	v9 =	vmul.u32 $0x2710, v9  }
0x5e: {  	v21 =	vld [tilespmem:$0x170];
	v13 =	vshrl.u32 v13, $0x7;
	v11 =	vmul.u32 $0x2710, v11  }
0x5f: {  	v57 =	vld [tilespmem:$0x50];
	v56 =	vshrl.u32 v15, $0x7;
	v9 =	vadd.s32 v10, v9;
	v10 =	vmul.u32 $0x2710, v13  }
0x60: {  	v59 =	vld [tilespmem:$0x60];
	v58 =	vshrl.u32 v17, $0x7;
	[tilespmem:$0x200] =	vst v9;
	v9 =	vadd.s32 v12, v11;
	v11 =	vmul.u32 $0x2710, v56  }
0x61: {  	v61 =	vld [tilespmem:$0x70];
	v60 =	vshrl.u32 v19, $0x7;
	[tilespmem:$0x210] =	vst v9;
	v9 =	vadd.s32 v14, v10;
	v10 =	vmul.u32 $0x2710, v58  }
0x62: {  	v62 =	vshrl.u32 v20, $0x7;
	[tilespmem:$0x220] =	vst v9;
	v9 =	vadd.s32 v16, v11;
	v11 =	vmul.u32 $0x2710, v60  }
0x63: {  	v63 =	vshrl.u32 v21, $0x7;
	[tilespmem:$0x230] =	vst v9;
	v9 =	vadd.s32 v18, v10;
	v10 =	vmul.u32 $0x2710, v62  }
.Ltmp2:
0x64: {  	[tilespmem:$0x240] =	vst v9;
	v9 =	vadd.s32 v57, v11;
	v11 =	vmul.u32 $0x2710, v63;
	(pc) =	sbr.rel .LBB2_2-.Ltmp2, $4  }
0x65: {  	[tilespmem:$0x250] =	vst v9;
	v9 =	vadd.s32 v59, v10  }
0x66: {  	[tilespmem:$0x260] =	vst v9;
	v9 =	vadd.s32 v61, v11  }
0x67: {  	s28 =	smov.u32 s12;
	s29 =	smov.u32 s10;
	s30 =	simm.s32 $0x0;
	[tilespmem:$0x270] =	vst v9  }
0x68: {  	[tilespmem:s18], [sflag:$0x1] =	stream.indirect.gather [hbm4b:s4+s16], $0x80, s17, s16, $0xb8;
	[tilespmem:$0x8880] =	vst v63  }
.LBB2_6:
0x69: {  	s0 =	sadd.s32 s30, s11  }
0x6a: {  	s31 =	sadd.s32 $0x800, s0  }
0x6b: {  	[tilespmem:s2], [sflag:$0x4] =	stream.linear.gather [hbm4b:s31+s2], $0x80, $0x38;
	[tilespmem:$0x8880] =	vst v63  }
0x6c: {  	_ =	swait.ge [sflag:s19], $0x80  }
0x6d: {  	[sflag:s19] =	ssyncset.done $0x0  }
0x6e: {  	s0 =	sadd.s32 $0x810, s0;
	[sflag:s19] =	ssyncadd.s32 $0xFFFFFF80  }
0x6f: {  	[tilespmem:s15], [sflag:$0x4] =	stream.linear.gather [hbm4b:s0+s2], $0x80, $0x38;
	[tilespmem:$0x8880] =	vst v63  }
0x70: {  	_ =	swait.ge [sflag:s19], $0x80  }
0x71: {  	[sflag:s19] =	ssyncset.done $0x0  }
0x72: {  	[sflag:s19] =	ssyncadd.s32 $0xFFFFFF80  }
0x73: {  	v9 =	vld [tilespmem:$0x100]  }
0x74: {  	v10 =	vld [tilespmem:$0x0]  }
0x75: {  	v11 =	vld [tilespmem:$0x110]  }
0x76: {  	v12 =	vld [tilespmem:$0x10]  }
0x77: {  	v13 =	vld [tilespmem:$0x120]  }
0x78: {  	v14 =	vld [tilespmem:$0x20]  }
0x79: {  	v15 =	vld [tilespmem:$0x130]  }
0x7a: {  	v16 =	vld [tilespmem:$0x30]  }
0x7b: {  	v17 =	vld [tilespmem:$0x140]  }
0x7c: {  	v18 =	vld [tilespmem:$0x40]  }
0x7d: {  	v19 =	vld [tilespmem:$0x150];
	v9 =	vshrl.u32 v9, $0x7  }
0x7e: {  	v20 =	vld [tilespmem:$0x160];
	v11 =	vshrl.u32 v11, $0x7;
	v9 =	vmul.u32 $0x2710, v9  }
0x7f: {  	v21 =	vld [tilespmem:$0x170];
	v13 =	vshrl.u32 v13, $0x7;
	v11 =	vmul.u32 $0x2710, v11  }
0x80: {  	v57 =	vld [tilespmem:$0x50];
	v56 =	vshrl.u32 v15, $0x7;
	v9 =	vadd.s32 v10, v9;
	v10 =	vmul.u32 $0x2710, v13  }
0x81: {  	v59 =	vld [tilespmem:$0x60];
	v58 =	vshrl.u32 v17, $0x7;
	[tilespmem:$0x200] =	vst v9;
	v9 =	vadd.s32 v12, v11;
	v11 =	vmul.u32 $0x2710, v56  }
0x82: {  	v61 =	vld [tilespmem:$0x70];
	v60 =	vshrl.u32 v19, $0x7;
	[tilespmem:$0x210] =	vst v9;
	v9 =	vadd.s32 v14, v10;
	v10 =	vmul.u32 $0x2710, v58  }
0x83: {  	v62 =	vshrl.u32 v20, $0x7;
	[tilespmem:$0x220] =	vst v9;
	v9 =	vadd.s32 v16, v11;
	v11 =	vmul.u32 $0x2710, v60  }
0x84: {  	v63 =	vshrl.u32 v21, $0x7;
	[tilespmem:$0x230] =	vst v9;
	v9 =	vadd.s32 v18, v10;
	v10 =	vmul.u32 $0x2710, v62  }
0x85: {  	[tilespmem:$0x240] =	vst v9;
	v9 =	vadd.s32 v57, v11;
	v11 =	vmul.u32 $0x2710, v63  }
0x86: {  	[tilespmem:$0x250] =	vst v9;
	v9 =	vadd.s32 v59, v10  }
0x87: {  	[tilespmem:$0x260] =	vst v9;
	v9 =	vadd.s32 v61, v11  }
0x88: {  	[tilespmem:$0x270] =	vst v9  }
0x89: {  	[tilespmem:s18], [sflag:$0x1] =	stream.indirect.gather [hbm4b:s4+s16], $0x80, s17, s16, $0xb8;
	[tilespmem:$0x8880] =	vst v63  }
.LBB2_8:
0x8a: {  	_ =	swait.ge [sflag:s25], $0x4000  }
0x8b: {  	[sflag:s25] =	ssyncset.done $0x0  }
0x8c: {  	[sflag:s25] =	ssyncadd.s32 $0xFFFFC000  }
0x8d: {  	v9 =	vld [tilespmem:$0x180];
	_ =	sdelay $0x4  }
0x8e: {  	v9 =	vand.u32 $0x7F, v9  }
0x8f: {  	v9 =	vor.u32 v0, v9;
	_ =	sdelay $0x4  }
0x90: {  	v9 =	vld.idx.msk [tilespmem:v9+s22+$0x0], $0xffff;
	_ =	sdelay $0x4  }
0x91: {  	v9 =	vmul.f32 $1.442695020e+00, v9;
	_ =	sdelay $0x1  }
0x92: {  	(erf) = vpow2.f32 v9;
	v9 =	vld [tilespmem:$0x190];
	_ =	sdelay $0x4  }
0x93: {  	v9 =	vand.u32 $0x7F, v9  }
0x94: {  	v9 =	vor.u32 v2, v9;
	_ =	sdelay $0x2  }
0x95: {  	v10 =	vpop (erf)  }
0x96: {  	[tilespmem:$0x8300] =	vst v10  }
0x97: {  	v9 =	vld.idx.msk [tilespmem:v9+s22+$0x0], $0xffff;
	_ =	sdelay $0x4  }
0x98: {  	v9 =	vmul.f32 $1.442695020e+00, v9;
	_ =	sdelay $0x1  }
0x99: {  	(erf) = vpow2.f32 v9;
	v9 =	vld [tilespmem:$0x1A0];
	_ =	sdelay $0x4  }
0x9a: {  	v9 =	vand.u32 $0x7F, v9  }
0x9b: {  	v9 =	vor.u32 v3, v9;
	_ =	sdelay $0x2  }
0x9c: {  	v10 =	vpop (erf)  }
0x9d: {  	[tilespmem:$0x8310] =	vst v10  }
0x9e: {  	v9 =	vld.idx.msk [tilespmem:v9+s22+$0x0], $0xffff;
	_ =	sdelay $0x4  }
0x9f: {  	v9 =	vmul.f32 $1.442695020e+00, v9;
	_ =	sdelay $0x1  }
0xa0: {  	(erf) = vpow2.f32 v9;
	v9 =	vld [tilespmem:$0x1B0];
	_ =	sdelay $0x4  }
0xa1: {  	v9 =	vand.u32 $0x7F, v9  }
0xa2: {  	v9 =	vor.u32 v4, v9;
	_ =	sdelay $0x2  }
0xa3: {  	v10 =	vpop (erf)  }
0xa4: {  	[tilespmem:$0x8320] =	vst v10  }
0xa5: {  	v9 =	vld.idx.msk [tilespmem:v9+s22+$0x0], $0xffff;
	_ =	sdelay $0x4  }
0xa6: {  	v9 =	vmul.f32 $1.442695020e+00, v9;
	_ =	sdelay $0x1  }
0xa7: {  	(erf) = vpow2.f32 v9;
	v9 =	vld [tilespmem:$0x1C0];
	_ =	sdelay $0x4  }
0xa8: {  	v9 =	vand.u32 $0x7F, v9  }
0xa9: {  	v9 =	vor.u32 v5, v9;
	_ =	sdelay $0x2  }
0xaa: {  	v10 =	vpop (erf)  }
0xab: {  	[tilespmem:$0x8330] =	vst v10  }
0xac: {  	v9 =	vld.idx.msk [tilespmem:v9+s22+$0x0], $0xffff;
	_ =	sdelay $0x4  }
0xad: {  	v9 =	vmul.f32 $1.442695020e+00, v9;
	_ =	sdelay $0x1  }
0xae: {  	(erf) = vpow2.f32 v9;
	v9 =	vld [tilespmem:$0x1D0];
	_ =	sdelay $0x4  }
0xaf: {  	v9 =	vand.u32 $0x7F, v9  }
0xb0: {  	v9 =	vor.u32 v6, v9;
	_ =	sdelay $0x2  }
0xb1: {  	v10 =	vpop (erf)  }
0xb2: {  	[tilespmem:$0x8340] =	vst v10  }
0xb3: {  	v9 =	vld.idx.msk [tilespmem:v9+s22+$0x0], $0xffff;
	_ =	sdelay $0x4  }
0xb4: {  	v9 =	vmul.f32 $1.442695020e+00, v9;
	_ =	sdelay $0x1  }
0xb5: {  	(erf) = vpow2.f32 v9;
	v9 =	vld [tilespmem:$0x1E0];
	_ =	sdelay $0x4  }
0xb6: {  	v9 =	vand.u32 $0x7F, v9  }
0xb7: {  	v9 =	vor.u32 v7, v9;
	_ =	sdelay $0x2  }
0xb8: {  	v10 =	vpop (erf)  }
0xb9: {  	[tilespmem:$0x8350] =	vst v10  }
0xba: {  	v9 =	vld.idx.msk [tilespmem:v9+s22+$0x0], $0xffff;
	_ =	sdelay $0x4  }
0xbb: {  	v9 =	vmul.f32 $1.442695020e+00, v9;
	_ =	sdelay $0x1  }
0xbc: {  	(erf) = vpow2.f32 v9;
	v9 =	vld [tilespmem:$0x1F0];
	_ =	sdelay $0x4  }
0xbd: {  	v9 =	vand.u32 $0x7F, v9  }
0xbe: {  	v9 =	vor.u32 v8, v9;
	_ =	sdelay $0x2  }
0xbf: {  	v10 =	vpop (erf)  }
0xc0: {  	[tilespmem:$0x8360] =	vst v10  }
0xc1: {  	v9 =	vld.idx.msk [tilespmem:v9+s22+$0x0], $0xffff;
	_ =	sdelay $0x4  }
0xc2: {  	v9 =	vmul.f32 $1.442695020e+00, v9;
	_ =	sdelay $0x1  }
0xc3: {  	(erf) = vpow2.f32 v9;
	_ =	sdelay $0x8  }
0xc4: {  	v9 =	vpop (erf)  }
0xc5: {  	s0 =	sadd.s32 $0x200, s29;
	[tilespmem:$0x8370] =	vst v9  }
0xc6: {  	[hbm4b:s0+s2] =	stream.linear.scatter [tilespmem:s24], [sflag:$0x4], $0x80, $0x38;
	[tilespmem:$0x8880] =	vst v63  }
0xc7: {  	_ =	swait.ge [sflag:s19], $0x80  }
0xc8: {  	[sflag:s19] =	ssyncset.done $0x0  }
0xc9: {  	[sflag:s19] =	ssyncadd.s32 $0xFFFFFF80  }
0xca: {  	[spmem:s1] =	stream.indirect.scatter.add.f32 [tilespmem:s24], [sflag:$0x3], $0x1, s20, s16, $0xb8;
	[tilespmem:$0x8880] =	vst v63  }
0xcb: {  	_ =	swait.ge [sflag:s14], $0x80  }
0xcc: {  	[sflag:s14] =	ssyncset.done $0x0  }
0xcd: {  	[sflag:s14] =	ssyncadd.s32 $0xFFFFFF80  }
.LBB2_9:
0xce: {  	s30 =	sadd.s32 $0x800, s30  }
0xcf: {  	p0 =	sne.s32 s30, $0x14000  }
.Ltmp3:
0xd0: {  	_ = 	snop;
	(pc) =	sbr.rel @!p0 .LBB2_10-.Ltmp3, $2  }
0xd1: {  	_ =	sdelay $0x2  }
0xd2: {  	s29 =	sadd.s32 $0x400, s29;
	s28 =	sadd.s32 $0x40, s28  }
.LBB2_2:
0xd3: {  	p0 =	sgt.u32 s28, $0x9C3  }
.Ltmp4:
0xd4: {  	_ = 	snop;
	(pc) =	sbr.rel @p0 .LBB2_4-.Ltmp4, $1  }
0xd5: {  	_ =	sdelay $0x3  }
0xd6: {  	s31 =	sadd.s32 s30, s11  }
0xd7: {  	s0 =	sadd.s32 $0x400, s31  }
0xd8: {  	[tilespmem:s16], [sflag:$0x4] =	stream.linear.gather [hbm4b:s0+s2], $0x80, $0x38;
	[tilespmem:$0x8880] =	vst v63  }
0xd9: {  	_ =	swait.ge [sflag:s19], $0x80  }
0xda: {  	[sflag:s19] =	ssyncset.done $0x0  }
0xdb: {  	s31 =	sadd.s32 $0x410, s31;
	[sflag:s19] =	ssyncadd.s32 $0xFFFFFF80  }
0xdc: {  	[tilespmem:s20], [sflag:$0x4] =	stream.linear.gather [hbm4b:s31+s2], $0x80, $0x38;
	[tilespmem:$0x8880] =	vst v63  }
0xdd: {  	_ =	swait.ge [sflag:s19], $0x80  }
0xde: {  	[sflag:s19] =	ssyncset.done $0x0  }
0xdf: {  	[sflag:s19] =	ssyncadd.s32 $0xFFFFFF80  }
0xe0: {  	v9 =	vld [tilespmem:$0x180]  }
0xe1: {  	v10 =	vld [tilespmem:$0x80]  }
0xe2: {  	v11 =	vld [tilespmem:$0x190]  }
0xe3: {  	v12 =	vld [tilespmem:$0x90]  }
0xe4: {  	v13 =	vld [tilespmem:$0x1A0]  }
0xe5: {  	v14 =	vld [tilespmem:$0xA0]  }
0xe6: {  	v15 =	vld [tilespmem:$0x1B0]  }
0xe7: {  	v16 =	vld [tilespmem:$0xB0]  }
0xe8: {  	v17 =	vld [tilespmem:$0x1C0]  }
0xe9: {  	v18 =	vld [tilespmem:$0xC0]  }
0xea: {  	v19 =	vld [tilespmem:$0x1D0];
	v9 =	vshrl.u32 v9, $0x7  }
0xeb: {  	v20 =	vld [tilespmem:$0x1E0];
	v11 =	vshrl.u32 v11, $0x7;
	v9 =	vmul.u32 $0x2710, v9  }
0xec: {  	v21 =	vld [tilespmem:$0x1F0];
	v13 =	vshrl.u32 v13, $0x7;
	v11 =	vmul.u32 $0x2710, v11  }
0xed: {  	v57 =	vld [tilespmem:$0xD0];
	v56 =	vshrl.u32 v15, $0x7;
	v9 =	vadd.s32 v10, v9;
	v10 =	vmul.u32 $0x2710, v13  }
0xee: {  	v59 =	vld [tilespmem:$0xE0];
	v58 =	vshrl.u32 v17, $0x7;
	[tilespmem:$0x280] =	vst v9;
	v9 =	vadd.s32 v12, v11;
	v11 =	vmul.u32 $0x2710, v56  }
0xef: {  	v61 =	vld [tilespmem:$0xF0];
	v60 =	vshrl.u32 v19, $0x7;
	[tilespmem:$0x290] =	vst v9;
	v9 =	vadd.s32 v14, v10;
	v10 =	vmul.u32 $0x2710, v58  }
0xf0: {  	v62 =	vshrl.u32 v20, $0x7;
	[tilespmem:$0x2A0] =	vst v9;
	v9 =	vadd.s32 v16, v11;
	v11 =	vmul.u32 $0x2710, v60  }
0xf1: {  	v63 =	vshrl.u32 v21, $0x7;
	[tilespmem:$0x2B0] =	vst v9;
	v9 =	vadd.s32 v18, v10;
	v10 =	vmul.u32 $0x2710, v62  }
0xf2: {  	[tilespmem:$0x2C0] =	vst v9;
	v9 =	vadd.s32 v57, v11;
	v11 =	vmul.u32 $0x2710, v63  }
0xf3: {  	[tilespmem:$0x2D0] =	vst v9;
	v9 =	vadd.s32 v59, v10  }
0xf4: {  	[tilespmem:$0x2E0] =	vst v9;
	v9 =	vadd.s32 v61, v11  }
0xf5: {  	[tilespmem:$0x2F0] =	vst v9  }
0xf6: {  	[tilespmem:s22], [sflag:$0x2] =	stream.indirect.gather [hbm4b:s4+s16], $0x80, s21, s16, $0xb8;
	[tilespmem:$0x8880] =	vst v63  }
.LBB2_4:
0xf7: {  	s0 =	sadd.s32 $0xFFFFFFE0, s28  }
0xf8: {  	p1 =	sgt.u32 s0, $0x9C3  }
.Ltmp5:
0xf9: {  	_ = 	snop;
	(pc) =	sbr.rel @p1 .LBB2_9-.Ltmp5, $1  }
0xfa: {  	_ =	sdelay $0x3  }
0xfb: {  	_ =	swait.ge [sflag:s23], $0x4000  }
0xfc: {  	[sflag:s23] =	ssyncset.done $0x0  }
0xfd: {  	[sflag:s23] =	ssyncadd.s32 $0xFFFFC000  }
0xfe: {  	v9 =	vld [tilespmem:$0x100];
	_ =	sdelay $0x4  }
0xff: {  	v9 =	vand.u32 $0x7F, v9  }
0x100: {  	v9 =	vor.u32 v0, v9;
	_ =	sdelay $0x4  }
0x101: {  	v9 =	vld.idx.msk [tilespmem:v9+s18+$0x0], $0xffff;
	_ =	sdelay $0x4  }
0x102: {  	v9 =	vmul.f32 $1.442695020e+00, v9;
	_ =	sdelay $0x1  }
0x103: {  	(erf) = vpow2.f32 v9;
	v9 =	vld [tilespmem:$0x110];
	_ =	sdelay $0x4  }
0x104: {  	v9 =	vand.u32 $0x7F, v9  }
0x105: {  	v9 =	vor.u32 v2, v9;
	_ =	sdelay $0x2  }
0x106: {  	v10 =	vpop (erf)  }
0x107: {  	[tilespmem:$0x8300] =	vst v10  }
0x108: {  	v9 =	vld.idx.msk [tilespmem:v9+s18+$0x0], $0xffff;
	_ =	sdelay $0x4  }
0x109: {  	v9 =	vmul.f32 $1.442695020e+00, v9;
	_ =	sdelay $0x1  }
0x10a: {  	(erf) = vpow2.f32 v9;
	v9 =	vld [tilespmem:$0x120];
	_ =	sdelay $0x4  }
0x10b: {  	v9 =	vand.u32 $0x7F, v9  }
0x10c: {  	v9 =	vor.u32 v3, v9;
	_ =	sdelay $0x2  }
0x10d: {  	v10 =	vpop (erf)  }
0x10e: {  	[tilespmem:$0x8310] =	vst v10  }
0x10f: {  	v9 =	vld.idx.msk [tilespmem:v9+s18+$0x0], $0xffff;
	_ =	sdelay $0x4  }
0x110: {  	v9 =	vmul.f32 $1.442695020e+00, v9;
	_ =	sdelay $0x1  }
0x111: {  	(erf) = vpow2.f32 v9;
	v9 =	vld [tilespmem:$0x130];
	_ =	sdelay $0x4  }
0x112: {  	v9 =	vand.u32 $0x7F, v9  }
0x113: {  	v9 =	vor.u32 v4, v9;
	_ =	sdelay $0x2  }
0x114: {  	v10 =	vpop (erf)  }
0x115: {  	[tilespmem:$0x8320] =	vst v10  }
0x116: {  	v9 =	vld.idx.msk [tilespmem:v9+s18+$0x0], $0xffff;
	_ =	sdelay $0x4  }
0x117: {  	v9 =	vmul.f32 $1.442695020e+00, v9;
	_ =	sdelay $0x1  }
0x118: {  	(erf) = vpow2.f32 v9;
	v9 =	vld [tilespmem:$0x140];
	_ =	sdelay $0x4  }
0x119: {  	v9 =	vand.u32 $0x7F, v9  }
0x11a: {  	v9 =	vor.u32 v5, v9;
	_ =	sdelay $0x2  }
0x11b: {  	v10 =	vpop (erf)  }
0x11c: {  	[tilespmem:$0x8330] =	vst v10  }
0x11d: {  	v9 =	vld.idx.msk [tilespmem:v9+s18+$0x0], $0xffff;
	_ =	sdelay $0x4  }
0x11e: {  	v9 =	vmul.f32 $1.442695020e+00, v9;
	_ =	sdelay $0x1  }
0x11f: {  	(erf) = vpow2.f32 v9;
	v9 =	vld [tilespmem:$0x150];
	_ =	sdelay $0x4  }
0x120: {  	v9 =	vand.u32 $0x7F, v9  }
0x121: {  	v9 =	vor.u32 v6, v9;
	_ =	sdelay $0x2  }
0x122: {  	v10 =	vpop (erf)  }
0x123: {  	[tilespmem:$0x8340] =	vst v10  }
0x124: {  	v9 =	vld.idx.msk [tilespmem:v9+s18+$0x0], $0xffff;
	_ =	sdelay $0x4  }
0x125: {  	v9 =	vmul.f32 $1.442695020e+00, v9;
	_ =	sdelay $0x1  }
0x126: {  	(erf) = vpow2.f32 v9;
	v9 =	vld [tilespmem:$0x160];
	_ =	sdelay $0x4  }
0x127: {  	v9 =	vand.u32 $0x7F, v9  }
0x128: {  	v9 =	vor.u32 v7, v9;
	_ =	sdelay $0x2  }
0x129: {  	v10 =	vpop (erf)  }
0x12a: {  	[tilespmem:$0x8350] =	vst v10  }
0x12b: {  	v9 =	vld.idx.msk [tilespmem:v9+s18+$0x0], $0xffff;
	_ =	sdelay $0x4  }
0x12c: {  	v9 =	vmul.f32 $1.442695020e+00, v9;
	_ =	sdelay $0x1  }
0x12d: {  	(erf) = vpow2.f32 v9;
	v9 =	vld [tilespmem:$0x170];
	_ =	sdelay $0x4  }
0x12e: {  	v9 =	vand.u32 $0x7F, v9  }
0x12f: {  	v9 =	vor.u32 v8, v9;
	_ =	sdelay $0x2  }
0x130: {  	v10 =	vpop (erf)  }
0x131: {  	[tilespmem:$0x8360] =	vst v10  }
0x132: {  	v9 =	vld.idx.msk [tilespmem:v9+s18+$0x0], $0xffff;
	_ =	sdelay $0x4  }
0x133: {  	v9 =	vmul.f32 $1.442695020e+00, v9;
	_ =	sdelay $0x1  }
0x134: {  	(erf) = vpow2.f32 v9;
	_ =	sdelay $0x8  }
0x135: {  	v9 =	vpop (erf)  }
0x136: {  	[tilespmem:$0x8370] =	vst v9  }
0x137: {  	[hbm4b:s29+s2] =	stream.linear.scatter [tilespmem:s24], [sflag:$0x4], $0x80, $0x38;
	[tilespmem:$0x8880] =	vst v63  }
0x138: {  	_ =	swait.ge [sflag:s19], $0x80  }
0x139: {  	p1 =	sgt.u32 s28, $0x9A3;
	[sflag:s19] =	ssyncset.done $0x0  }
.Ltmp6:
0x13a: {  	[sflag:s19] =	ssyncadd.s32 $0xFFFFFF80;
	(pc) =	sbr.rel @!p1 .LBB2_6-.Ltmp6, $4  }
0x13b: {  	[spmem:s1] =	stream.indirect.scatter.add.f32 [tilespmem:s24], [sflag:$0x4], $0x1, s15, s16, $0xb8;
	[tilespmem:$0x8880] =	vst v63  }
0x13c: {  	_ =	swait.ge [sflag:s19], $0x80  }
0x13d: {  	[sflag:s19] =	ssyncset.done $0x0  }
0x13e: {  	[sflag:s19] =	ssyncadd.s32 $0xFFFFFF80  }
.Ltmp7:
0x13f: {  	(pc) =	sbr.rel @p0 .LBB2_9-.Ltmp7, $4  }
.Ltmp8:
0x140: {  	(pc) =	sbr.rel @!p0 .LBB2_8-.Ltmp8, $4  }
0x141: {  	_ = 	snop  }
0x142: {  	_ = 	snop  }
0x143: {  	_ = 	snop  }
0x144: {  	_ = 	snop  }
.LBB2_11:
0x145: {  	_ =	sfence.sel $0x180000  }
0x146: {  	[bflag:$0x0] =	sbarrier.arrive $0xFFFF  }
0x147: {  	_ =	strace $0x90000047  }
0x148: {  	[bflag:$0x2] =	sbarrier.arrive $0xFFFF  }
0x149: {  	p0 =	sne.s32 s3, $0x0;
	s0 =	rddreg [dreg:$0x3]  }
0x14a: {  	s0 =	sadd.s32 @!p0 $0x100000, s0  }
0x14b: {  	[sflag:s0] =	ssyncadd.tile.s32 @!p0 $0x1;
	_ =	shalt  }
.Lfunc_end2:
_tile_overlayer_lowered:
.L_overlay_start_2:
0x14c: {  	(tag) =	ssettag $0x2  }
0x14d: {  	s0 =	rddreg [dreg:$0x0];
	s2 =	stileid.u32  }
0x14e: {  	s1 =	rddreg [dreg:$0x1];
	p0 =	sne.s32 s2, $0x0  }
0x14f: {  	s3 =	rddreg [dreg:$0x2];
	[bflag:$0x3] =	sbarrier.arrive $0xFFFF;
	s2 =	simm.s32 @!p0 $0x1C03  }
0x150: {  	[timem:s3], [sflag:s2] =	dma.local @!p0 [hbm:s0], s1  }
0x151: {  	s0 =	simm.s32 @!p0 $0x3  }
0x152: {  	_ =	swait.ge @!p0 [sflag:s0], s1  }
0x153: {  	s1 =	ssub.s32 @!p0 $0x0, s1;
	[sflag:s0] =	ssyncset.done @!p0 $0x0  }
0x154: {  	[sflag:s0] =	ssyncadd.s32 @!p0 s1  }
0x155: {  	[bflag:$0x3] =	sbarrier.arrive $0xFFFF  }
0x156: {  	_ =	shalt  }

</sc_bundles>
